<compile_context>
chip_gen: v7x
topology: tpu7x:2x2x1
jax: 0.10.2.dev20260603
libtpu: 0.0.44.dev20260713+nightly
codegen_flags: <defaults>
</compile_context>

<pallas_src>
import functools

import jax
import jax.numpy as jnp
from jax import lax
from jax.experimental import pallas as pl
from jax.experimental.pallas import tpu as pltpu
from jax.experimental.pallas import tpu_sc as plsc

N = 10000
E = 320000
D = 128
HOH = 128
OH = 32
TW = 64
NSUB = 16
CHUNK = 400
GROUPS = CHUNK // 16
NCHUNK = (E // NSUB) // CHUNK
NPAIR = NCHUNK // 2
ROWS_PER_TILE = N // NSUB
NORM_BLK = 125
EPS = 1e-16


def _proj_kernel(x_ref, pos_ref, w_ref, b_ref, wp_ref, bp_ref, o_ref, p_ref):
    r = jnp.dot(x_ref[:], w_ref[:], preferred_element_type=jnp.float32) + b_ref[:]
    p = pos_ref[:]
    wp = wp_ref[:]
    P = (p[:, 0:1] * wp[0:1, :] + p[:, 1:2] * wp[1:2, :]
         + p[:, 2:3] * wp[2:3, :])
    for q in range(4):
        bq = r[:, q * TW:q * TW + OH]
        vq = r[:, q * TW + OH:(q + 1) * TW]
        Pq = P[:, q * OH:(q + 1) * OH]
        bpq = bp_ref[0:1, q * OH:(q + 1) * OH]
        Bq = jnp.exp(bpq - bq - Pq)
        o_ref[q] = jnp.concatenate([Bq, Bq * (vq + bpq - Pq)], axis=1)
        p_ref[q] = Pq


def _mlp_kernel(c_ref, p1_ref, pb1_ref, p2_ref, pb2_ref, o_ref):
    h = pb1_ref[:]
    for q in range(4):
        h = h + jnp.dot(c_ref[q], p1_ref[q], preferred_element_type=jnp.float32)
    h = jnp.maximum(h, 0.0)
    o_ref[:, :] = jnp.dot(h, p2_ref[:], preferred_element_type=jnp.float32) + pb2_ref[:]


def _edge_kernel(t4_hbm, pt_hbm, src_hbm, dst_hbm, zeros_hbm, out_hbm,
                 rows_v, obuf_v, pbuf_v, igath_v, idst_v, acc_sh,
                 gsem0, gsem1, ssem0, ssem1):
    cid = lax.axis_index("c")
    sid = lax.axis_index("s")
    ebase = sid * (E // NSUB)

    for p in range(2):
        q = cid * 2 + p
        pltpu.sync_copy(zeros_hbm, acc_sh.at[pl.ds(sid * ROWS_PER_TILE, ROWS_PER_TILE)])
        plsc.subcore_barrier()

        qbase = q * N
        gsems = (gsem0, gsem1)
        ssems = (ssem0, ssem1)

        def load_src(t, s):
            base = ebase + t * CHUNK
            pltpu.sync_copy(src_hbm.at[pl.ds(base, CHUNK)], igath_v.at[s])

            def off_body(j, c):
                igath_v[s, pl.ds(j * 16, 16)] = igath_v[s, pl.ds(j * 16, 16)] + qbase
                return c
            lax.fori_loop(0, GROUPS, off_body, 0, unroll=True)
            pltpu.async_copy(t4_hbm.at[igath_v.at[s]], rows_v.at[s], gsems[s])

        def load_dst(t, s):
            base = ebase + t * CHUNK
            pltpu.sync_copy(dst_hbm.at[pl.ds(base, CHUNK)], idst_v.at[s])

        def gwait(s):
            pltpu.make_async_copy(t4_hbm.at[igath_v.at[s]], rows_v.at[s],
                                  gsems[s]).wait()

        def scat_start(s):
            pltpu.async_copy(rows_v.at[s], acc_sh.at[idst_v.at[s]], ssems[s],
                             add=True)

        def scat_wait(s):
            pltpu.make_async_copy(rows_v.at[s], acc_sh.at[idst_v.at[s]],
                                  ssems[s]).wait()

        load_src(0, 0)
        load_dst(0, 0)

        def pair_body(i, carry):
            a = 2 * i
            b = 2 * i + 1

            @pl.when(i > 0)
            def _():
                scat_wait(1)
            load_src(b, 1)
            load_dst(b, 1)
            gwait(0)

            @pl.when(i > 0)
            def _():
                load_dst(a, 0)
            scat_start(0)
            scat_wait(0)

            @pl.when(i < NPAIR - 1)
            def _():
                load_src(a + 2, 0)
            gwait(1)
            scat_start(1)
            return carry
        lax.fori_loop(0, NPAIR, pair_body, 0)

        scat_wait(1)

        plsc.subcore_barrier()

        def norm_body(k, carry):
            row0 = sid * ROWS_PER_TILE + k * NORM_BLK
            pltpu.sync_copy(acc_sh.at[pl.ds(row0, NORM_BLK)],
                            rows_v.at[0, pl.ds(0, NORM_BLK)])
            pltpu.sync_copy(pt_hbm.at[pl.ds((q * N + row0) * OH, NORM_BLK * OH)],
                            pbuf_v)

            def row_body(i, c):
                for cv in range(2):
                    s1 = rows_v[0, i, pl.ds(cv * 16, 16)]
                    s2 = rows_v[0, i, pl.ds(OH + cv * 16, 16)]
                    pv = pbuf_v[pl.ds(i * OH + cv * 16, 16)]
                    obuf_v[pl.ds(i * OH + cv * 16, 16)] = (
                        (s2 + pv * s1) / (s1 + EPS))
                return c
            lax.fori_loop(0, NORM_BLK, row_body, 0)
            pltpu.sync_copy(obuf_v,
                            out_hbm.at[pl.ds((q * N + row0) * OH, NORM_BLK * OH)])
            return carry
        lax.fori_loop(0, ROWS_PER_TILE // NORM_BLK, norm_body, 0)


def kernel(x, pos, edge_index, Wv, bv, Ws, bs, Wd, bd, Wp, bp, P1, pb1, P2, pb2):
    Wscat = jnp.transpose(Ws, (1, 0, 2)).reshape(D, HOH)
    bscat = bs.reshape(HOH)
    Wvcat = jnp.transpose(Wv, (1, 0, 2)).reshape(D, HOH)
    bvcat = bv.reshape(HOH)
    Wpcat = jnp.transpose(Wp, (1, 0, 2)).reshape(3, HOH)
    bpcat = bp.reshape(HOH)

    Wbig = jnp.concatenate(
        sum(([Wscat[:, h * OH:(h + 1) * OH], Wvcat[:, h * OH:(h + 1) * OH]]
             for h in range(4)), []), axis=1)
    bbig = jnp.concatenate(
        sum(([bscat[h * OH:(h + 1) * OH], bvcat[h * OH:(h + 1) * OH]]
             for h in range(4)), []))[None, :]

    BN = 400
    T, Pt = pl.pallas_call(
        _proj_kernel,
        grid=(N // BN,),
        in_specs=[pl.BlockSpec((BN, D), lambda i: (i, 0)),
                  pl.BlockSpec((BN, 3), lambda i: (i, 0)),
                  pl.BlockSpec((D, 2 * D), lambda i: (0, 0)),
                  pl.BlockSpec((1, 2 * D), lambda i: (0, 0)),
                  pl.BlockSpec((3, HOH), lambda i: (0, 0)),
                  pl.BlockSpec((1, HOH), lambda i: (0, 0))],
        out_specs=[pl.BlockSpec((4, BN, TW), lambda i: (0, i, 0)),
                   pl.BlockSpec((4, BN, OH), lambda i: (0, i, 0))],
        out_shape=[jax.ShapeDtypeStruct((4, N, TW), jnp.float32),
                   jax.ShapeDtypeStruct((4, N, OH), jnp.float32)],
    )(x, pos, Wbig, bbig, Wpcat, bpcat[None, :])
    T4 = T.reshape(4 * N, TW)
    PtF = Pt.reshape(4 * N * OH)

    src = edge_index[0]
    dst = edge_index[1]
    zeros = jnp.zeros((ROWS_PER_TILE, TW), jnp.float32)

    mesh = plsc.VectorSubcoreMesh(core_axis_name="c", subcore_axis_name="s")
    edge_fn = functools.partial(
        pl.kernel,
        mesh=mesh,
        compiler_params=pltpu.CompilerParams(needs_layout_passes=False,
                                             use_tc_tiling_on_sc=False),
        out_type=jax.ShapeDtypeStruct((4 * N * OH,), jnp.float32),
        scratch_types=[
            pltpu.VMEM((2, CHUNK, TW), jnp.float32),
            pltpu.VMEM((NORM_BLK * OH,), jnp.float32),
            pltpu.VMEM((NORM_BLK * OH,), jnp.float32),
            pltpu.VMEM((2, CHUNK), jnp.int32),
            pltpu.VMEM((2, CHUNK), jnp.int32),
            pltpu.VMEM_SHARED((N, TW), jnp.float32),
            pltpu.SemaphoreType.DMA,
            pltpu.SemaphoreType.DMA,
            pltpu.SemaphoreType.DMA,
            pltpu.SemaphoreType.DMA,
        ],
    )(_edge_kernel)
    cat4 = edge_fn(T4, PtF, src, dst, zeros).reshape(4, N, OH)

    out = pl.pallas_call(
        _mlp_kernel,
        grid=(N // BN,),
        in_specs=[pl.BlockSpec((4, BN, OH), lambda i: (0, i, 0)),
                  pl.BlockSpec((4, OH, D), lambda i: (0, 0, 0)),
                  pl.BlockSpec((1, D), lambda i: (0, 0)),
                  pl.BlockSpec((D, D), lambda i: (0, 0)),
                  pl.BlockSpec((1, D), lambda i: (0, 0))],
        out_specs=pl.BlockSpec((BN, D), lambda i: (i, 0)),
        out_shape=jax.ShapeDtypeStruct((N, D), jnp.float32),
    )(cat4, P1.reshape(4, OH, D), pb1[None, :], P2, pb2[None, :])
    return out

# --- scband reference (transcript-rebuilt; emitter-appended) ---
"""Pipeline reference for scband-multi-head-point-transformer-86827058856422 (READ-ONLY COPY).

The authoritative reference and input builder live on the scoring server;
editing this copy changes nothing except your own understanding.
"""

import jax, jax.numpy as jnp
import numpy as np

N = 10000
E = 320000
D = 128
H = 4
OH = 32  # out_channels // heads (concat=True)
OUT = 128

def setup_inputs(seed: int = 0) -> dict:
    key = jax.random.key(seed)
    ks = jax.random.split(key, 20)
    x = jax.random.normal(ks[0], (N, D), dtype=jnp.float32)
    pos = jax.random.normal(ks[1], (N, 3), dtype=jnp.float32)
    edge_index = jax.random.randint(ks[2], (2, E), 0, N, dtype=jnp.int32)
    s_in = 1.0 / np.sqrt(D)
    s_pos = 1.0 / np.sqrt(3.0)
    s_out = 1.0 / np.sqrt(OUT)
    # per-head PointTransformerConv params (stacked over heads):
    # lin (value), lin_src (alpha_j), lin_dst (alpha_i), pos_nn: Linear(3, OH)
    Wv = jax.random.normal(ks[3], (H, D, OH), dtype=jnp.float32) * s_in
    bv = jnp.zeros((H, OH), dtype=jnp.float32)
    Ws = jax.random.normal(ks[4], (H, D, OH), dtype=jnp.float32) * s_in
    bs = jnp.zeros((H, OH), dtype=jnp.float32)
    Wd = jax.random.normal(ks[5], (H, D, OH), dtype=jnp.float32) * s_in
    bd = jnp.zeros((H, OH), dtype=jnp.float32)
    Wp = jax.random.normal(ks[6], (H, 3, OH), dtype=jnp.float32) * s_pos
    bp = jnp.zeros((H, OH), dtype=jnp.float32)
    # projection: Linear(H*OH, OUT) -> ReLU -> Linear(OUT, OUT)
    P1 = jax.random.normal(ks[7], (H * OH, OUT), dtype=jnp.float32) * s_out
    pb1 = jnp.zeros((OUT,), dtype=jnp.float32)
    P2 = jax.random.normal(ks[8], (OUT, OUT), dtype=jnp.float32) * s_out
    pb2 = jnp.zeros((OUT,), dtype=jnp.float32)
    return {"x": x, "pos": pos, "edge_index": edge_index,
            "Wv": Wv, "bv": bv, "Ws": Ws, "bs": bs, "Wd": Wd, "bd": bd,
            "Wp": Wp, "bp": bp, "P1": P1, "pb1": pb1, "P2": P2, "pb2": pb2}

def _point_transformer_head(x, pos, src, dst, Wv, bv, Ws, bs, Wd, bd, Wp, bp):
    n = x.shape[0]
    xv = x @ Wv + bv          # value transform lin(x)
    a_src = x @ Ws + bs       # alpha_j
    a_dst = x @ Wd + bd       # alpha_i
    rel = pos[dst] - pos[src]                 # [E, 3]
    delta = rel @ Wp + bp                      # pos_nn(pos_i - pos_j), [E, OH]
    alpha = a_dst[dst] - a_src[src] + delta    # [E, OH], vector attention
    # per-destination-node, channel-wise softmax over incoming edges
    m = jax.ops.segment_max(alpha, dst, num_segments=n)
    m = jnp.where(jnp.isfinite(m), m, 0.0)
    num = jnp.exp(alpha - m[dst])
    den = jax.ops.segment_sum(num, dst, num_segments=n)
    attn = num / (den[dst] + 1e-16)
    msg = attn * (xv[src] + delta)             # alpha * (x_j + delta)
    return jax.ops.segment_sum(msg, dst, num_segments=n)  # [N, OH]

def reference(x, pos, edge_index, Wv, bv, Ws, bs, Wd, bd, Wp, bp, P1, pb1, P2, pb2):
    src = edge_index[0]
    dst = edge_index[1]
    heads = []
    for h in range(Wv.shape[0]):
        heads.append(_point_transformer_head(x, pos, src, dst,
                                             Wv[h], bv[h], Ws[h], bs[h],
                                             Wd[h], bd[h], Wp[h], bp[h]))
    cat = jnp.concatenate(heads, axis=-1)      # [N, H*OH]
    hid = jax.nn.relu(cat @ P1 + pb1)
    out = hid @ P2 + pb2
    return out

if __name__ == "__main__":
    import jax
    _d = setup_inputs()
    print(jax.jit(kernel)(*tuple(_d.values())))

</pallas_src>

<mosaic_0001>
#map = affine_map<(d0, d1) -> (0, 0)>
#map1 = affine_map<(d0, d1) -> (0)>
module attributes {stable_mosaic.version = 14 : i64} {
  func.func @_edge_kernel(%arg0: i32, %arg1: i32, %arg2: memref<40000x64xf32, #tpu.memory_space<hbm>>, %arg3: memref<1280000xf32, #tpu.memory_space<hbm>>, %arg4: memref<320000xi32, #tpu.memory_space<hbm>>, %arg5: memref<320000xi32, #tpu.memory_space<hbm>>, %arg6: memref<625x64xf32, #tpu.memory_space<hbm>>, %arg7: memref<1280000xf32, #tpu.memory_space<hbm>>, %arg8: memref<2x400x64xf32, #tpu.memory_space<vmem>>, %arg9: memref<4000xf32, #tpu.memory_space<vmem>>, %arg10: memref<4000xf32, #tpu.memory_space<vmem>>, %arg11: memref<2x400xi32, #tpu.memory_space<vmem>>, %arg12: memref<2x400xi32, #tpu.memory_space<vmem>>, %arg13: memref<10000x64xf32, #tpu.memory_space<vmem_shared>>, %arg14: memref<!tpu.dma_semaphore, #tpu.memory_space<semaphore_mem>>, %arg15: memref<!tpu.dma_semaphore, #tpu.memory_space<semaphore_mem>>, %arg16: memref<!tpu.dma_semaphore, #tpu.memory_space<semaphore_mem>>, %arg17: memref<!tpu.dma_semaphore, #tpu.memory_space<semaphore_mem>>) attributes {dimension_semantics = [#tpu.dimension_semantics<core_parallel>, #tpu.dimension_semantics<subcore_parallel>], iteration_bounds = array<i64: 2, 16>, scalar_prefetch = 0 : i64, scratch_operands = 10 : i64, tpu.core_type = #tpu.core_type<sc_vector_subcore>, window_params = [{transform_indices = #map}, {transform_indices = #map1}, {transform_indices = #map1}, {transform_indices = #map1}, {transform_indices = #map}, {transform_indices = #map1}]} {
    %mul3A = arith.constant 20000 : i32
    %mul3A_0 = arith.muli %arg1, %mul3A : i32
    %mul3A_1 = arith.constant 2 : i32
    %mul3A_2 = arith.muli %arg0, %mul3A_1 : i32
    %add3A = arith.constant 0 : i32
    %add3A_3 = arith.addi %mul3A_2, %add3A : i32
    %mul3A_4 = arith.constant 625 : i32
    %mul3A_5 = arith.muli %arg1, %mul3A_4 : i32
    "tpu.region"() ({
      %run_scoped3A_851 = tpu.sem_alloc : memref<!tpu.dma_semaphore, #tpu.memory_space<semaphore_mem>>
      %dma_start3A_852 = arith.constant 0 : i32
      %dma_start3A_853 = tpu.memref_slice %arg13[%mul3A_5, %dma_start3A_852] : memref<10000x64xf32, #tpu.memory_space<vmem_shared>> -> memref<625x64xf32, #tpu.memory_space<vmem_shared>>
      tpu.enqueue_dma source(%arg6 : memref<625x64xf32, #tpu.memory_space<hbm>>) target(%dma_start3A_853 : memref<625x64xf32, #tpu.memory_space<vmem_shared>>) target_semaphore(%run_scoped3A_851 : memref<!tpu.dma_semaphore, #tpu.memory_space<semaphore_mem>>)
      %dma_wait3A_854 = arith.constant 0 : i32
      %dma_wait3A_855 = tpu.memref_slice %arg13[%mul3A_5, %dma_wait3A_854] : memref<10000x64xf32, #tpu.memory_space<vmem_shared>> -> memref<625x64xf32, #tpu.memory_space<vmem_shared>>
      tpu.wait_dma2 semaphore(%run_scoped3A_851 : memref<!tpu.dma_semaphore, #tpu.memory_space<semaphore_mem>>) src(%arg6 : memref<625x64xf32, #tpu.memory_space<hbm>>) dst(%dma_wait3A_855 : memref<625x64xf32, #tpu.memory_space<vmem_shared>>)
      tpu.yield
    }) : () -> ()
    %barrier3A = arith.constant 0 : index
    tpu.barrier barrier_id(%barrier3A)
    %mul3A_6 = arith.constant 10000 : i32
    %mul3A_7 = arith.muli %add3A_3, %mul3A_6 : i32
    %add3A_8 = arith.constant 0 : i32
    %add3A_9 = arith.addi %mul3A_0, %add3A_8 : i32
    %run_scoped3A = arith.constant 0 : i32
    "tpu.region"() ({
      %run_scoped3A_851 = tpu.sem_alloc : memref<!tpu.dma_semaphore, #tpu.memory_space<semaphore_mem>>
      %dma_start3A_852 = arith.constant 0 : i32
      %dma_start3A_853 = tpu.memref_slice %arg11[%run_scoped3A, %dma_start3A_852] : memref<2x400xi32, #tpu.memory_space<vmem>> -> memref<1x400xi32, #tpu.memory_space<vmem>>
      %dma_start3A_854 = tpu.memref_squeeze %dma_start3A_853 : memref<1x400xi32, #tpu.memory_space<vmem>> -> memref<400xi32, #tpu.memory_space<vmem>>
      %dma_start3A_855 = tpu.memref_slice %arg4[%add3A_9] : memref<320000xi32, #tpu.memory_space<hbm>> -> memref<400xi32, #tpu.memory_space<hbm>>
      %dma_start3A_856 = arith.constant 0 : i32
      %dma_start3A_857 = tpu.memref_slice %arg11[%run_scoped3A, %dma_start3A_856] : memref<2x400xi32, #tpu.memory_space<vmem>> -> memref<1x400xi32, #tpu.memory_space<vmem>>
      %dma_start3A_858 = tpu.memref_squeeze %dma_start3A_857 : memref<1x400xi32, #tpu.memory_space<vmem>> -> memref<400xi32, #tpu.memory_space<vmem>>
      %dma_start3A_859 = tpu.memref_slice %arg4[%add3A_9] : memref<320000xi32, #tpu.memory_space<hbm>> -> memref<400xi32, #tpu.memory_space<hbm>>
      tpu.enqueue_dma source(%dma_start3A_859 : memref<400xi32, #tpu.memory_space<hbm>>) target(%dma_start3A_858 : memref<400xi32, #tpu.memory_space<vmem>>) target_semaphore(%run_scoped3A_851 : memref<!tpu.dma_semaphore, #tpu.memory_space<semaphore_mem>>)
      %dma_wait3A_860 = arith.constant 0 : i32
      %dma_wait3A_861 = tpu.memref_slice %arg11[%run_scoped3A, %dma_wait3A_860] : memref<2x400xi32, #tpu.memory_space<vmem>> -> memref<1x400xi32, #tpu.memory_space<vmem>>
      %dma_wait3A_862 = tpu.memref_squeeze %dma_wait3A_861 : memref<1x400xi32, #tpu.memory_space<vmem>> -> memref<400xi32, #tpu.memory_space<vmem>>
      %dma_wait3A_863 = tpu.memref_slice %arg4[%add3A_9] : memref<320000xi32, #tpu.memory_space<hbm>> -> memref<400xi32, #tpu.memory_space<hbm>>
      %dma_wait3A_864 = arith.constant 0 : i32
      %dma_wait3A_865 = tpu.memref_slice %arg11[%run_scoped3A, %dma_wait3A_864] : memref<2x400xi32, #tpu.memory_space<vmem>> -> memref<1x400xi32, #tpu.memory_space<vmem>>
      %dma_wait3A_866 = tpu.memref_squeeze %dma_wait3A_865 : memref<1x400xi32, #tpu.memory_space<vmem>> -> memref<400xi32, #tpu.memory_space<vmem>>
      %dma_wait3A_867 = tpu.memref_slice %arg4[%add3A_9] : memref<320000xi32, #tpu.memory_space<hbm>> -> memref<400xi32, #tpu.memory_space<hbm>>
      tpu.wait_dma2 semaphore(%run_scoped3A_851 : memref<!tpu.dma_semaphore, #tpu.memory_space<semaphore_mem>>) src(%dma_wait3A_867 : memref<400xi32, #tpu.memory_space<hbm>>) dst(%dma_wait3A_866 : memref<400xi32, #tpu.memory_space<vmem>>)
      tpu.yield
    }) : () -> ()
    %scan3A = arith.constant 0 : i32
    %scan3A_10 = arith.constant 0 : i32
    %mul3A_11 = arith.constant 16 : i32
    %mul3A_12 = arith.muli %scan3A_10, %mul3A_11 : i32
    %get3A = arith.constant 0 : i32
    %get3A_13 = arith.index_cast %get3A : i32 to index
    %get3A_14 = arith.index_cast %mul3A_12 : i32 to index
    %get3A_15 = tpu.vector_load %arg11[%get3A_13, %get3A_14] {strides = array<i32>} : memref<2x400xi32, #tpu.memory_space<vmem>>, vector<16xi32>,
    %add3A_16 = vector.broadcast %mul3A_7 : i32 to vector<16xi32>
    %add3A_17 = arith.addi %get3A_15, %add3A_16 : vector<16xi32>
    %mul3A_18 = arith.constant 16 : i32
    %mul3A_19 = arith.muli %scan3A_10, %mul3A_18 : i32
    %swap3A = arith.constant 0 : i32
    %swap3A_20 = arith.index_cast %swap3A : i32 to index
    %swap3A_21 = arith.index_cast %mul3A_19 : i32 to index
    %swap3A_22 = tpu.vector_load %arg11[%swap3A_20, %swap3A_21] {strides = array<i32>} : memref<2x400xi32, #tpu.memory_space<vmem>>, vector<16xi32>,
    tpu.vector_store %arg11[%swap3A_20, %swap3A_21], %add3A_17 {strides = array<i32>} : memref<2x400xi32, #tpu.memory_space<vmem>>, vector<16xi32>,
    %scan3A_23 = arith.constant 1 : i32
    %mul3A_24 = arith.constant 16 : i32
    %mul3A_25 = arith.muli %scan3A_23, %mul3A_24 : i32
    %get3A_26 = arith.constant 0 : i32
    %get3A_27 = arith.index_cast %get3A_26 : i32 to index
    %get3A_28 = arith.index_cast %mul3A_25 : i32 to index
    %get3A_29 = tpu.vector_load %arg11[%get3A_27, %get3A_28] {strides = array<i32>} : memref<2x400xi32, #tpu.memory_space<vmem>>, vector<16xi32>,
    %add3A_30 = vector.broadcast %mul3A_7 : i32 to vector<16xi32>
    %add3A_31 = arith.addi %get3A_29, %add3A_30 : vector<16xi32>
    %mul3A_32 = arith.constant 16 : i32
    %mul3A_33 = arith.muli %scan3A_23, %mul3A_32 : i32
    %swap3A_34 = arith.constant 0 : i32
    %swap3A_35 = arith.index_cast %swap3A_34 : i32 to index
    %swap3A_36 = arith.index_cast %mul3A_33 : i32 to index
    %swap3A_37 = tpu.vector_load %arg11[%swap3A_35, %swap3A_36] {strides = array<i32>} : memref<2x400xi32, #tpu.memory_space<vmem>>, vector<16xi32>,
    tpu.vector_store %arg11[%swap3A_35, %swap3A_36], %add3A_31 {strides = array<i32>} : memref<2x400xi32, #tpu.memory_space<vmem>>, vector<16xi32>,
    %scan3A_38 = arith.constant 2 : i32
    %mul3A_39 = arith.constant 16 : i32
    %mul3A_40 = arith.muli %scan3A_38, %mul3A_39 : i32
    %get3A_41 = arith.constant 0 : i32
    %get3A_42 = arith.index_cast %get3A_41 : i32 to index
    %get3A_43 = arith.index_cast %mul3A_40 : i32 to index
    %get3A_44 = tpu.vector_load %arg11[%get3A_42, %get3A_43] {strides = array<i32>} : memref<2x400xi32, #tpu.memory_space<vmem>>, vector<16xi32>,
    %add3A_45 = vector.broadcast %mul3A_7 : i32 to vector<16xi32>
    %add3A_46 = arith.addi %get3A_44, %add3A_45 : vector<16xi32>
    %mul3A_47 = arith.constant 16 : i32
    %mul3A_48 = arith.muli %scan3A_38, %mul3A_47 : i32
    %swap3A_49 = arith.constant 0 : i32
    %swap3A_50 = arith.index_cast %swap3A_49 : i32 to index
    %swap3A_51 = arith.index_cast %mul3A_48 : i32 to index
    %swap3A_52 = tpu.vector_load %arg11[%swap3A_50, %swap3A_51] {strides = array<i32>} : memref<2x400xi32, #tpu.memory_space<vmem>>, vector<16xi32>,
    tpu.vector_store %arg11[%swap3A_50, %swap3A_51], %add3A_46 {strides = array<i32>} : memref<2x400xi32, #tpu.memory_space<vmem>>, vector<16xi32>,
    %scan3A_53 = arith.constant 3 : i32
    %mul3A_54 = arith.constant 16 : i32
    %mul3A_55 = arith.muli %scan3A_53, %mul3A_54 : i32
    %get3A_56 = arith.constant 0 : i32
    %get3A_57 = arith.index_cast %get3A_56 : i32 to index
    %get3A_58 = arith.index_cast %mul3A_55 : i32 to index
    %get3A_59 = tpu.vector_load %arg11[%get3A_57, %get3A_58] {strides = array<i32>} : memref<2x400xi32, #tpu.memory_space<vmem>>, vector<16xi32>,
    %add3A_60 = vector.broadcast %mul3A_7 : i32 to vector<16xi32>
    %add3A_61 = arith.addi %get3A_59, %add3A_60 : vector<16xi32>
    %mul3A_62 = arith.constant 16 : i32
    %mul3A_63 = arith.muli %scan3A_53, %mul3A_62 : i32
    %swap3A_64 = arith.constant 0 : i32
    %swap3A_65 = arith.index_cast %swap3A_64 : i32 to index
    %swap3A_66 = arith.index_cast %mul3A_63 : i32 to index
    %swap3A_67 = tpu.vector_load %arg11[%swap3A_65, %swap3A_66] {strides = array<i32>} : memref<2x400xi32, #tpu.memory_space<vmem>>, vector<16xi32>,
    tpu.vector_store %arg11[%swap3A_65, %swap3A_66], %add3A_61 {strides = array<i32>} : memref<2x400xi32, #tpu.memory_space<vmem>>, vector<16xi32>,
    %scan3A_68 = arith.constant 4 : i32
    %mul3A_69 = arith.constant 16 : i32
    %mul3A_70 = arith.muli %scan3A_68, %mul3A_69 : i32
    %get3A_71 = arith.constant 0 : i32
    %get3A_72 = arith.index_cast %get3A_71 : i32 to index
    %get3A_73 = arith.index_cast %mul3A_70 : i32 to index
    %get3A_74 = tpu.vector_load %arg11[%get3A_72, %get3A_73] {strides = array<i32>} : memref<2x400xi32, #tpu.memory_space<vmem>>, vector<16xi32>,
    %add3A_75 = vector.broadcast %mul3A_7 : i32 to vector<16xi32>
    %add3A_76 = arith.addi %get3A_74, %add3A_75 : vector<16xi32>
    %mul3A_77 = arith.constant 16 : i32
    %mul3A_78 = arith.muli %scan3A_68, %mul3A_77 : i32
    %swap3A_79 = arith.constant 0 : i32
    %swap3A_80 = arith.index_cast %swap3A_79 : i32 to index
    %swap3A_81 = arith.index_cast %mul3A_78 : i32 to index
    %swap3A_82 = tpu.vector_load %arg11[%swap3A_80, %swap3A_81] {strides = array<i32>} : memref<2x400xi32, #tpu.memory_space<vmem>>, vector<16xi32>,
    tpu.vector_store %arg11[%swap3A_80, %swap3A_81], %add3A_76 {strides = array<i32>} : memref<2x400xi32, #tpu.memory_space<vmem>>, vector<16xi32>,
    %scan3A_83 = arith.constant 5 : i32
    %mul3A_84 = arith.constant 16 : i32
    %mul3A_85 = arith.muli %scan3A_83, %mul3A_84 : i32
    %get3A_86 = arith.constant 0 : i32
    %get3A_87 = arith.index_cast %get3A_86 : i32 to index
    %get3A_88 = arith.index_cast %mul3A_85 : i32 to index
    %get3A_89 = tpu.vector_load %arg11[%get3A_87, %get3A_88] {strides = array<i32>} : memref<2x400xi32, #tpu.memory_space<vmem>>, vector<16xi32>,
    %add3A_90 = vector.broadcast %mul3A_7 : i32 to vector<16xi32>
    %add3A_91 = arith.addi %get3A_89, %add3A_90 : vector<16xi32>
    %mul3A_92 = arith.constant 16 : i32
    %mul3A_93 = arith.muli %scan3A_83, %mul3A_92 : i32
    %swap3A_94 = arith.constant 0 : i32
    %swap3A_95 = arith.index_cast %swap3A_94 : i32 to index
    %swap3A_96 = arith.index_cast %mul3A_93 : i32 to index
    %swap3A_97 = tpu.vector_load %arg11[%swap3A_95, %swap3A_96] {strides = array<i32>} : memref<2x400xi32, #tpu.memory_space<vmem>>, vector<16xi32>,
    tpu.vector_store %arg11[%swap3A_95, %swap3A_96], %add3A_91 {strides = array<i32>} : memref<2x400xi32, #tpu.memory_space<vmem>>, vector<16xi32>,
    %scan3A_98 = arith.constant 6 : i32
    %mul3A_99 = arith.constant 16 : i32
    %mul3A_100 = arith.muli %scan3A_98, %mul3A_99 : i32
    %get3A_101 = arith.constant 0 : i32
    %get3A_102 = arith.index_cast %get3A_101 : i32 to index
    %get3A_103 = arith.index_cast %mul3A_100 : i32 to index
    %get3A_104 = tpu.vector_load %arg11[%get3A_102, %get3A_103] {strides = array<i32>} : memref<2x400xi32, #tpu.memory_space<vmem>>, vector<16xi32>,
    %add3A_105 = vector.broadcast %mul3A_7 : i32 to vector<16xi32>
    %add3A_106 = arith.addi %get3A_104, %add3A_105 : vector<16xi32>
    %mul3A_107 = arith.constant 16 : i32
    %mul3A_108 = arith.muli %scan3A_98, %mul3A_107 : i32
    %swap3A_109 = arith.constant 0 : i32
    %swap3A_110 = arith.index_cast %swap3A_109 : i32 to index
    %swap3A_111 = arith.index_cast %mul3A_108 : i32 to index
    %swap3A_112 = tpu.vector_load %arg11[%swap3A_110, %swap3A_111] {strides = array<i32>} : memref<2x400xi32, #tpu.memory_space<vmem>>, vector<16xi32>,
    tpu.vector_store %arg11[%swap3A_110, %swap3A_111], %add3A_106 {strides = array<i32>} : memref<2x400xi32, #tpu.memory_space<vmem>>, vector<16xi32>,
    %scan3A_113 = arith.constant 7 : i32
    %mul3A_114 = arith.constant 16 : i32
    %mul3A_115 = arith.muli %scan3A_113, %mul3A_114 : i32
    %get3A_116 = arith.constant 0 : i32
    %get3A_117 = arith.index_cast %get3A_116 : i32 to index
    %get3A_118 = arith.index_cast %mul3A_115 : i32 to index
    %get3A_119 = tpu.vector_load %arg11[%get3A_117, %get3A_118] {strides = array<i32>} : memref<2x400xi32, #tpu.memory_space<vmem>>, vector<16xi32>,
    %add3A_120 = vector.broadcast %mul3A_7 : i32 to vector<16xi32>
    %add3A_121 = arith.addi %get3A_119, %add3A_120 : vector<16xi32>
    %mul3A_122 = arith.constant 16 : i32
    %mul3A_123 = arith.muli %scan3A_113, %mul3A_122 : i32
    %swap3A_124 = arith.constant 0 : i32
    %swap3A_125 = arith.index_cast %swap3A_124 : i32 to index
    %swap3A_126 = arith.index_cast %mul3A_123 : i32 to index
    %swap3A_127 = tpu.vector_load %arg11[%swap3A_125, %swap3A_126] {strides = array<i32>} : memref<2x400xi32, #tpu.memory_space<vmem>>, vector<16xi32>,
    tpu.vector_store %arg11[%swap3A_125, %swap3A_126], %add3A_121 {strides = array<i32>} : memref<2x400xi32, #tpu.memory_space<vmem>>, vector<16xi32>,
    %scan3A_128 = arith.constant 8 : i32
    %mul3A_129 = arith.constant 16 : i32
    %mul3A_130 = arith.muli %scan3A_128, %mul3A_129 : i32
    %get3A_131 = arith.constant 0 : i32
    %get3A_132 = arith.index_cast %get3A_131 : i32 to index
    %get3A_133 = arith.index_cast %mul3A_130 : i32 to index
    %get3A_134 = tpu.vector_load %arg11[%get3A_132, %get3A_133] {strides = array<i32>} : memref<2x400xi32, #tpu.memory_space<vmem>>, vector<16xi32>,
    %add3A_135 = vector.broadcast %mul3A_7 : i32 to vector<16xi32>
    %add3A_136 = arith.addi %get3A_134, %add3A_135 : vector<16xi32>
    %mul3A_137 = arith.constant 16 : i32
    %mul3A_138 = arith.muli %scan3A_128, %mul3A_137 : i32
    %swap3A_139 = arith.constant 0 : i32
    %swap3A_140 = arith.index_cast %swap3A_139 : i32 to index
    %swap3A_141 = arith.index_cast %mul3A_138 : i32 to index
    %swap3A_142 = tpu.vector_load %arg11[%swap3A_140, %swap3A_141] {strides = array<i32>} : memref<2x400xi32, #tpu.memory_space<vmem>>, vector<16xi32>,
    tpu.vector_store %arg11[%swap3A_140, %swap3A_141], %add3A_136 {strides = array<i32>} : memref<2x400xi32, #tpu.memory_space<vmem>>, vector<16xi32>,
    %scan3A_143 = arith.constant 9 : i32
    %mul3A_144 = arith.constant 16 : i32
    %mul3A_145 = arith.muli %scan3A_143, %mul3A_144 : i32
    %get3A_146 = arith.constant 0 : i32
    %get3A_147 = arith.index_cast %get3A_146 : i32 to index
    %get3A_148 = arith.index_cast %mul3A_145 : i32 to index
    %get3A_149 = tpu.vector_load %arg11[%get3A_147, %get3A_148] {strides = array<i32>} : memref<2x400xi32, #tpu.memory_space<vmem>>, vector<16xi32>,
    %add3A_150 = vector.broadcast %mul3A_7 : i32 to vector<16xi32>
    %add3A_151 = arith.addi %get3A_149, %add3A_150 : vector<16xi32>
    %mul3A_152 = arith.constant 16 : i32
    %mul3A_153 = arith.muli %scan3A_143, %mul3A_152 : i32
    %swap3A_154 = arith.constant 0 : i32
    %swap3A_155 = arith.index_cast %swap3A_154 : i32 to index
    %swap3A_156 = arith.index_cast %mul3A_153 : i32 to index
    %swap3A_157 = tpu.vector_load %arg11[%swap3A_155, %swap3A_156] {strides = array<i32>} : memref<2x400xi32, #tpu.memory_space<vmem>>, vector<16xi32>,
    tpu.vector_store %arg11[%swap3A_155, %swap3A_156], %add3A_151 {strides = array<i32>} : memref<2x400xi32, #tpu.memory_space<vmem>>, vector<16xi32>,
    %scan3A_158 = arith.constant 10 : i32
    %mul3A_159 = arith.constant 16 : i32
    %mul3A_160 = arith.muli %scan3A_158, %mul3A_159 : i32
    %get3A_161 = arith.constant 0 : i32
    %get3A_162 = arith.index_cast %get3A_161 : i32 to index
    %get3A_163 = arith.index_cast %mul3A_160 : i32 to index
    %get3A_164 = tpu.vector_load %arg11[%get3A_162, %get3A_163] {strides = array<i32>} : memref<2x400xi32, #tpu.memory_space<vmem>>, vector<16xi32>,
    %add3A_165 = vector.broadcast %mul3A_7 : i32 to vector<16xi32>
    %add3A_166 = arith.addi %get3A_164, %add3A_165 : vector<16xi32>
    %mul3A_167 = arith.constant 16 : i32
    %mul3A_168 = arith.muli %scan3A_158, %mul3A_167 : i32
    %swap3A_169 = arith.constant 0 : i32
    %swap3A_170 = arith.index_cast %swap3A_169 : i32 to index
    %swap3A_171 = arith.index_cast %mul3A_168 : i32 to index
    %swap3A_172 = tpu.vector_load %arg11[%swap3A_170, %swap3A_171] {strides = array<i32>} : memref<2x400xi32, #tpu.memory_space<vmem>>, vector<16xi32>,
    tpu.vector_store %arg11[%swap3A_170, %swap3A_171], %add3A_166 {strides = array<i32>} : memref<2x400xi32, #tpu.memory_space<vmem>>, vector<16xi32>,
    %scan3A_173 = arith.constant 11 : i32
    %mul3A_174 = arith.constant 16 : i32
    %mul3A_175 = arith.muli %scan3A_173, %mul3A_174 : i32
    %get3A_176 = arith.constant 0 : i32
    %get3A_177 = arith.index_cast %get3A_176 : i32 to index
    %get3A_178 = arith.index_cast %mul3A_175 : i32 to index
    %get3A_179 = tpu.vector_load %arg11[%get3A_177, %get3A_178] {strides = array<i32>} : memref<2x400xi32, #tpu.memory_space<vmem>>, vector<16xi32>,
    %add3A_180 = vector.broadcast %mul3A_7 : i32 to vector<16xi32>
    %add3A_181 = arith.addi %get3A_179, %add3A_180 : vector<16xi32>
    %mul3A_182 = arith.constant 16 : i32
    %mul3A_183 = arith.muli %scan3A_173, %mul3A_182 : i32
    %swap3A_184 = arith.constant 0 : i32
    %swap3A_185 = arith.index_cast %swap3A_184 : i32 to index
    %swap3A_186 = arith.index_cast %mul3A_183 : i32 to index
    %swap3A_187 = tpu.vector_load %arg11[%swap3A_185, %swap3A_186] {strides = array<i32>} : memref<2x400xi32, #tpu.memory_space<vmem>>, vector<16xi32>,
    tpu.vector_store %arg11[%swap3A_185, %swap3A_186], %add3A_181 {strides = array<i32>} : memref<2x400xi32, #tpu.memory_space<vmem>>, vector<16xi32>,
    %scan3A_188 = arith.constant 12 : i32
    %mul3A_189 = arith.constant 16 : i32
    %mul3A_190 = arith.muli %scan3A_188, %mul3A_189 : i32
    %get3A_191 = arith.constant 0 : i32
    %get3A_192 = arith.index_cast %get3A_191 : i32 to index
    %get3A_193 = arith.index_cast %mul3A_190 : i32 to index
    %get3A_194 = tpu.vector_load %arg11[%get3A_192, %get3A_193] {strides = array<i32>} : memref<2x400xi32, #tpu.memory_space<vmem>>, vector<16xi32>,
    %add3A_195 = vector.broadcast %mul3A_7 : i32 to vector<16xi32>
    %add3A_196 = arith.addi %get3A_194, %add3A_195 : vector<16xi32>
    %mul3A_197 = arith.constant 16 : i32
    %mul3A_198 = arith.muli %scan3A_188, %mul3A_197 : i32
    %swap3A_199 = arith.constant 0 : i32
    %swap3A_200 = arith.index_cast %swap3A_199 : i32 to index
    %swap3A_201 = arith.index_cast %mul3A_198 : i32 to index
    %swap3A_202 = tpu.vector_load %arg11[%swap3A_200, %swap3A_201] {strides = array<i32>} : memref<2x400xi32, #tpu.memory_space<vmem>>, vector<16xi32>,
    tpu.vector_store %arg11[%swap3A_200, %swap3A_201], %add3A_196 {strides = array<i32>} : memref<2x400xi32, #tpu.memory_space<vmem>>, vector<16xi32>,
    %scan3A_203 = arith.constant 13 : i32
    %mul3A_204 = arith.constant 16 : i32
    %mul3A_205 = arith.muli %scan3A_203, %mul3A_204 : i32
    %get3A_206 = arith.constant 0 : i32
    %get3A_207 = arith.index_cast %get3A_206 : i32 to index
    %get3A_208 = arith.index_cast %mul3A_205 : i32 to index
    %get3A_209 = tpu.vector_load %arg11[%get3A_207, %get3A_208] {strides = array<i32>} : memref<2x400xi32, #tpu.memory_space<vmem>>, vector<16xi32>,
    %add3A_210 = vector.broadcast %mul3A_7 : i32 to vector<16xi32>
    %add3A_211 = arith.addi %get3A_209, %add3A_210 : vector<16xi32>
    %mul3A_212 = arith.constant 16 : i32
    %mul3A_213 = arith.muli %scan3A_203, %mul3A_212 : i32
    %swap3A_214 = arith.constant 0 : i32
    %swap3A_215 = arith.index_cast %swap3A_214 : i32 to index
    %swap3A_216 = arith.index_cast %mul3A_213 : i32 to index
    %swap3A_217 = tpu.vector_load %arg11[%swap3A_215, %swap3A_216] {strides = array<i32>} : memref<2x400xi32, #tpu.memory_space<vmem>>, vector<16xi32>,
    tpu.vector_store %arg11[%swap3A_215, %swap3A_216], %add3A_211 {strides = array<i32>} : memref<2x400xi32, #tpu.memory_space<vmem>>, vector<16xi32>,
    %scan3A_218 = arith.constant 14 : i32
    %mul3A_219 = arith.constant 16 : i32
    %mul3A_220 = arith.muli %scan3A_218, %mul3A_219 : i32
    %get3A_221 = arith.constant 0 : i32
    %get3A_222 = arith.index_cast %get3A_221 : i32 to index
    %get3A_223 = arith.index_cast %mul3A_220 : i32 to index
    %get3A_224 = tpu.vector_load %arg11[%get3A_222, %get3A_223] {strides = array<i32>} : memref<2x400xi32, #tpu.memory_space<vmem>>, vector<16xi32>,
    %add3A_225 = vector.broadcast %mul3A_7 : i32 to vector<16xi32>
    %add3A_226 = arith.addi %get3A_224, %add3A_225 : vector<16xi32>
    %mul3A_227 = arith.constant 16 : i32
    %mul3A_228 = arith.muli %scan3A_218, %mul3A_227 : i32
    %swap3A_229 = arith.constant 0 : i32
    %swap3A_230 = arith.index_cast %swap3A_229 : i32 to index
    %swap3A_231 = arith.index_cast %mul3A_228 : i32 to index
    %swap3A_232 = tpu.vector_load %arg11[%swap3A_230, %swap3A_231] {strides = array<i32>} : memref<2x400xi32, #tpu.memory_space<vmem>>, vector<16xi32>,
    tpu.vector_store %arg11[%swap3A_230, %swap3A_231], %add3A_226 {strides = array<i32>} : memref<2x400xi32, #tpu.memory_space<vmem>>, vector<16xi32>,
    %scan3A_233 = arith.constant 15 : i32
    %mul3A_234 = arith.constant 16 : i32
    %mul3A_235 = arith.muli %scan3A_233, %mul3A_234 : i32
    %get3A_236 = arith.constant 0 : i32
    %get3A_237 = arith.index_cast %get3A_236 : i32 to index
    %get3A_238 = arith.index_cast %mul3A_235 : i32 to index
    %get3A_239 = tpu.vector_load %arg11[%get3A_237, %get3A_238] {strides = array<i32>} : memref<2x400xi32, #tpu.memory_space<vmem>>, vector<16xi32>,
    %add3A_240 = vector.broadcast %mul3A_7 : i32 to vector<16xi32>
    %add3A_241 = arith.addi %get3A_239, %add3A_240 : vector<16xi32>
    %mul3A_242 = arith.constant 16 : i32
    %mul3A_243 = arith.muli %scan3A_233, %mul3A_242 : i32
    %swap3A_244 = arith.constant 0 : i32
    %swap3A_245 = arith.index_cast %swap3A_244 : i32 to index
    %swap3A_246 = arith.index_cast %mul3A_243 : i32 to index
    %swap3A_247 = tpu.vector_load %arg11[%swap3A_245, %swap3A_246] {strides = array<i32>} : memref<2x400xi32, #tpu.memory_space<vmem>>, vector<16xi32>,
    tpu.vector_store %arg11[%swap3A_245, %swap3A_246], %add3A_241 {strides = array<i32>} : memref<2x400xi32, #tpu.memory_space<vmem>>, vector<16xi32>,
    %scan3A_248 = arith.constant 16 : i32
    %mul3A_249 = arith.constant 16 : i32
    %mul3A_250 = arith.muli %scan3A_248, %mul3A_249 : i32
    %get3A_251 = arith.constant 0 : i32
    %get3A_252 = arith.index_cast %get3A_251 : i32 to index
    %get3A_253 = arith.index_cast %mul3A_250 : i32 to index
    %get3A_254 = tpu.vector_load %arg11[%get3A_252, %get3A_253] {strides = array<i32>} : memref<2x400xi32, #tpu.memory_space<vmem>>, vector<16xi32>,
    %add3A_255 = vector.broadcast %mul3A_7 : i32 to vector<16xi32>
    %add3A_256 = arith.addi %get3A_254, %add3A_255 : vector<16xi32>
    %mul3A_257 = arith.constant 16 : i32
    %mul3A_258 = arith.muli %scan3A_248, %mul3A_257 : i32
    %swap3A_259 = arith.constant 0 : i32
    %swap3A_260 = arith.index_cast %swap3A_259 : i32 to index
    %swap3A_261 = arith.index_cast %mul3A_258 : i32 to index
    %swap3A_262 = tpu.vector_load %arg11[%swap3A_260, %swap3A_261] {strides = array<i32>} : memref<2x400xi32, #tpu.memory_space<vmem>>, vector<16xi32>,
    tpu.vector_store %arg11[%swap3A_260, %swap3A_261], %add3A_256 {strides = array<i32>} : memref<2x400xi32, #tpu.memory_space<vmem>>, vector<16xi32>,
    %scan3A_263 = arith.constant 17 : i32
    %mul3A_264 = arith.constant 16 : i32
    %mul3A_265 = arith.muli %scan3A_263, %mul3A_264 : i32
    %get3A_266 = arith.constant 0 : i32
    %get3A_267 = arith.index_cast %get3A_266 : i32 to index
    %get3A_268 = arith.index_cast %mul3A_265 : i32 to index
    %get3A_269 = tpu.vector_load %arg11[%get3A_267, %get3A_268] {strides = array<i32>} : memref<2x400xi32, #tpu.memory_space<vmem>>, vector<16xi32>,
    %add3A_270 = vector.broadcast %mul3A_7 : i32 to vector<16xi32>
    %add3A_271 = arith.addi %get3A_269, %add3A_270 : vector<16xi32>
    %mul3A_272 = arith.constant 16 : i32
    %mul3A_273 = arith.muli %scan3A_263, %mul3A_272 : i32
    %swap3A_274 = arith.constant 0 : i32
    %swap3A_275 = arith.index_cast %swap3A_274 : i32 to index
    %swap3A_276 = arith.index_cast %mul3A_273 : i32 to index
    %swap3A_277 = tpu.vector_load %arg11[%swap3A_275, %swap3A_276] {strides = array<i32>} : memref<2x400xi32, #tpu.memory_space<vmem>>, vector<16xi32>,
    tpu.vector_store %arg11[%swap3A_275, %swap3A_276], %add3A_271 {strides = array<i32>} : memref<2x400xi32, #tpu.memory_space<vmem>>, vector<16xi32>,
    %scan3A_278 = arith.constant 18 : i32
    %mul3A_279 = arith.constant 16 : i32
    %mul3A_280 = arith.muli %scan3A_278, %mul3A_279 : i32
    %get3A_281 = arith.constant 0 : i32
    %get3A_282 = arith.index_cast %get3A_281 : i32 to index
    %get3A_283 = arith.index_cast %mul3A_280 : i32 to index
    %get3A_284 = tpu.vector_load %arg11[%get3A_282, %get3A_283] {strides = array<i32>} : memref<2x400xi32, #tpu.memory_space<vmem>>, vector<16xi32>,
    %add3A_285 = vector.broadcast %mul3A_7 : i32 to vector<16xi32>
    %add3A_286 = arith.addi %get3A_284, %add3A_285 : vector<16xi32>
    %mul3A_287 = arith.constant 16 : i32
    %mul3A_288 = arith.muli %scan3A_278, %mul3A_287 : i32
    %swap3A_289 = arith.constant 0 : i32
    %swap3A_290 = arith.index_cast %swap3A_289 : i32 to index
    %swap3A_291 = arith.index_cast %mul3A_288 : i32 to index
    %swap3A_292 = tpu.vector_load %arg11[%swap3A_290, %swap3A_291] {strides = array<i32>} : memref<2x400xi32, #tpu.memory_space<vmem>>, vector<16xi32>,
    tpu.vector_store %arg11[%swap3A_290, %swap3A_291], %add3A_286 {strides = array<i32>} : memref<2x400xi32, #tpu.memory_space<vmem>>, vector<16xi32>,
    %scan3A_293 = arith.constant 19 : i32
    %mul3A_294 = arith.constant 16 : i32
    %mul3A_295 = arith.muli %scan3A_293, %mul3A_294 : i32
    %get3A_296 = arith.constant 0 : i32
    %get3A_297 = arith.index_cast %get3A_296 : i32 to index
    %get3A_298 = arith.index_cast %mul3A_295 : i32 to index
    %get3A_299 = tpu.vector_load %arg11[%get3A_297, %get3A_298] {strides = array<i32>} : memref<2x400xi32, #tpu.memory_space<vmem>>, vector<16xi32>,
    %add3A_300 = vector.broadcast %mul3A_7 : i32 to vector<16xi32>
    %add3A_301 = arith.addi %get3A_299, %add3A_300 : vector<16xi32>
    %mul3A_302 = arith.constant 16 : i32
    %mul3A_303 = arith.muli %scan3A_293, %mul3A_302 : i32
    %swap3A_304 = arith.constant 0 : i32
    %swap3A_305 = arith.index_cast %swap3A_304 : i32 to index
    %swap3A_306 = arith.index_cast %mul3A_303 : i32 to index
    %swap3A_307 = tpu.vector_load %arg11[%swap3A_305, %swap3A_306] {strides = array<i32>} : memref<2x400xi32, #tpu.memory_space<vmem>>, vector<16xi32>,
    tpu.vector_store %arg11[%swap3A_305, %swap3A_306], %add3A_301 {strides = array<i32>} : memref<2x400xi32, #tpu.memory_space<vmem>>, vector<16xi32>,
    %scan3A_308 = arith.constant 20 : i32
    %mul3A_309 = arith.constant 16 : i32
    %mul3A_310 = arith.muli %scan3A_308, %mul3A_309 : i32
    %get3A_311 = arith.constant 0 : i32
    %get3A_312 = arith.index_cast %get3A_311 : i32 to index
    %get3A_313 = arith.index_cast %mul3A_310 : i32 to index
    %get3A_314 = tpu.vector_load %arg11[%get3A_312, %get3A_313] {strides = array<i32>} : memref<2x400xi32, #tpu.memory_space<vmem>>, vector<16xi32>,
    %add3A_315 = vector.broadcast %mul3A_7 : i32 to vector<16xi32>
    %add3A_316 = arith.addi %get3A_314, %add3A_315 : vector<16xi32>
    %mul3A_317 = arith.constant 16 : i32
    %mul3A_318 = arith.muli %scan3A_308, %mul3A_317 : i32
    %swap3A_319 = arith.constant 0 : i32
    %swap3A_320 = arith.index_cast %swap3A_319 : i32 to index
    %swap3A_321 = arith.index_cast %mul3A_318 : i32 to index
    %swap3A_322 = tpu.vector_load %arg11[%swap3A_320, %swap3A_321] {strides = array<i32>} : memref<2x400xi32, #tpu.memory_space<vmem>>, vector<16xi32>,
    tpu.vector_store %arg11[%swap3A_320, %swap3A_321], %add3A_316 {strides = array<i32>} : memref<2x400xi32, #tpu.memory_space<vmem>>, vector<16xi32>,
    %scan3A_323 = arith.constant 21 : i32
    %mul3A_324 = arith.constant 16 : i32
    %mul3A_325 = arith.muli %scan3A_323, %mul3A_324 : i32
    %get3A_326 = arith.constant 0 : i32
    %get3A_327 = arith.index_cast %get3A_326 : i32 to index
    %get3A_328 = arith.index_cast %mul3A_325 : i32 to index
    %get3A_329 = tpu.vector_load %arg11[%get3A_327, %get3A_328] {strides = array<i32>} : memref<2x400xi32, #tpu.memory_space<vmem>>, vector<16xi32>,
    %add3A_330 = vector.broadcast %mul3A_7 : i32 to vector<16xi32>
    %add3A_331 = arith.addi %get3A_329, %add3A_330 : vector<16xi32>
    %mul3A_332 = arith.constant 16 : i32
    %mul3A_333 = arith.muli %scan3A_323, %mul3A_332 : i32
    %swap3A_334 = arith.constant 0 : i32
    %swap3A_335 = arith.index_cast %swap3A_334 : i32 to index
    %swap3A_336 = arith.index_cast %mul3A_333 : i32 to index
    %swap3A_337 = tpu.vector_load %arg11[%swap3A_335, %swap3A_336] {strides = array<i32>} : memref<2x400xi32, #tpu.memory_space<vmem>>, vector<16xi32>,
    tpu.vector_store %arg11[%swap3A_335, %swap3A_336], %add3A_331 {strides = array<i32>} : memref<2x400xi32, #tpu.memory_space<vmem>>, vector<16xi32>,
    %scan3A_338 = arith.constant 22 : i32
    %mul3A_339 = arith.constant 16 : i32
    %mul3A_340 = arith.muli %scan3A_338, %mul3A_339 : i32
    %get3A_341 = arith.constant 0 : i32
    %get3A_342 = arith.index_cast %get3A_341 : i32 to index
    %get3A_343 = arith.index_cast %mul3A_340 : i32 to index
    %get3A_344 = tpu.vector_load %arg11[%get3A_342, %get3A_343] {strides = array<i32>} : memref<2x400xi32, #tpu.memory_space<vmem>>, vector<16xi32>,
    %add3A_345 = vector.broadcast %mul3A_7 : i32 to vector<16xi32>
    %add3A_346 = arith.addi %get3A_344, %add3A_345 : vector<16xi32>
    %mul3A_347 = arith.constant 16 : i32
    %mul3A_348 = arith.muli %scan3A_338, %mul3A_347 : i32
    %swap3A_349 = arith.constant 0 : i32
    %swap3A_350 = arith.index_cast %swap3A_349 : i32 to index
    %swap3A_351 = arith.index_cast %mul3A_348 : i32 to index
    %swap3A_352 = tpu.vector_load %arg11[%swap3A_350, %swap3A_351] {strides = array<i32>} : memref<2x400xi32, #tpu.memory_space<vmem>>, vector<16xi32>,
    tpu.vector_store %arg11[%swap3A_350, %swap3A_351], %add3A_346 {strides = array<i32>} : memref<2x400xi32, #tpu.memory_space<vmem>>, vector<16xi32>,
    %scan3A_353 = arith.constant 23 : i32
    %mul3A_354 = arith.constant 16 : i32
    %mul3A_355 = arith.muli %scan3A_353, %mul3A_354 : i32
    %get3A_356 = arith.constant 0 : i32
    %get3A_357 = arith.index_cast %get3A_356 : i32 to index
    %get3A_358 = arith.index_cast %mul3A_355 : i32 to index
    %get3A_359 = tpu.vector_load %arg11[%get3A_357, %get3A_358] {strides = array<i32>} : memref<2x400xi32, #tpu.memory_space<vmem>>, vector<16xi32>,
    %add3A_360 = vector.broadcast %mul3A_7 : i32 to vector<16xi32>
    %add3A_361 = arith.addi %get3A_359, %add3A_360 : vector<16xi32>
    %mul3A_362 = arith.constant 16 : i32
    %mul3A_363 = arith.muli %scan3A_353, %mul3A_362 : i32
    %swap3A_364 = arith.constant 0 : i32
    %swap3A_365 = arith.index_cast %swap3A_364 : i32 to index
    %swap3A_366 = arith.index_cast %mul3A_363 : i32 to index
    %swap3A_367 = tpu.vector_load %arg11[%swap3A_365, %swap3A_366] {strides = array<i32>} : memref<2x400xi32, #tpu.memory_space<vmem>>, vector<16xi32>,
    tpu.vector_store %arg11[%swap3A_365, %swap3A_366], %add3A_361 {strides = array<i32>} : memref<2x400xi32, #tpu.memory_space<vmem>>, vector<16xi32>,
    %scan3A_368 = arith.constant 24 : i32
    %mul3A_369 = arith.constant 16 : i32
    %mul3A_370 = arith.muli %scan3A_368, %mul3A_369 : i32
    %get3A_371 = arith.constant 0 : i32
    %get3A_372 = arith.index_cast %get3A_371 : i32 to index
    %get3A_373 = arith.index_cast %mul3A_370 : i32 to index
    %get3A_374 = tpu.vector_load %arg11[%get3A_372, %get3A_373] {strides = array<i32>} : memref<2x400xi32, #tpu.memory_space<vmem>>, vector<16xi32>,
    %add3A_375 = vector.broadcast %mul3A_7 : i32 to vector<16xi32>
    %add3A_376 = arith.addi %get3A_374, %add3A_375 : vector<16xi32>
    %mul3A_377 = arith.constant 16 : i32
    %mul3A_378 = arith.muli %scan3A_368, %mul3A_377 : i32
    %swap3A_379 = arith.constant 0 : i32
    %swap3A_380 = arith.index_cast %swap3A_379 : i32 to index
    %swap3A_381 = arith.index_cast %mul3A_378 : i32 to index
    %swap3A_382 = tpu.vector_load %arg11[%swap3A_380, %swap3A_381] {strides = array<i32>} : memref<2x400xi32, #tpu.memory_space<vmem>>, vector<16xi32>,
    tpu.vector_store %arg11[%swap3A_380, %swap3A_381], %add3A_376 {strides = array<i32>} : memref<2x400xi32, #tpu.memory_space<vmem>>, vector<16xi32>,
    %scan3A_383 = arith.constant 25 : i32
    %dma_start3A = arith.constant 0 : i32
    %dma_start3A_384 = arith.constant 0 : i32
    %dma_start3A_385 = arith.constant 0 : i32
    %dma_start3A_386 = arith.constant 0 : i32
    %dma_start3A_387 = tpu.memref_slice %arg8[%dma_start3A_384, %dma_start3A_385, %dma_start3A_386] : memref<2x400x64xf32, #tpu.memory_space<vmem>> -> memref<1x400x64xf32, #tpu.memory_space<vmem>>
    %dma_start3A_388 = tpu.memref_squeeze %dma_start3A_387 : memref<1x400x64xf32, #tpu.memory_space<vmem>> -> memref<400x64xf32, #tpu.memory_space<vmem>>
    %dma_start3A_389 = arith.constant 0 : i32
    %dma_start3A_390 = tpu.memref_slice %arg11[%dma_start3A, %dma_start3A_389] : memref<2x400xi32, #tpu.memory_space<vmem>> -> memref<1x400xi32, #tpu.memory_space<vmem>>
    %dma_start3A_391 = tpu.memref_squeeze %dma_start3A_390 : memref<1x400xi32, #tpu.memory_space<vmem>> -> memref<400xi32, #tpu.memory_space<vmem>>
    %dma_start3A_392 = arith.constant 0 : i32
    %dma_start3A_393 = arith.constant 0 : i32
    %dma_start3A_394 = tpu.memref_slice %arg2[%dma_start3A_392, %dma_start3A_393] : memref<40000x64xf32, #tpu.memory_space<hbm>> -> memref<40000x64xf32, #tpu.memory_space<hbm>>
    tpu.enqueue_indirect_dma source(%dma_start3A_394 : memref<40000x64xf32, #tpu.memory_space<hbm>>) target(%dma_start3A_388 : memref<400x64xf32, #tpu.memory_space<vmem>>) offsets(%dma_start3A_391 : memref<400xi32, #tpu.memory_space<vmem>>) semaphore(%arg14 : memref<!tpu.dma_semaphore, #tpu.memory_space<semaphore_mem>>)
    %add3A_395 = arith.constant 0 : i32
    %add3A_396 = arith.addi %mul3A_0, %add3A_395 : i32
    %run_scoped3A_397 = arith.constant 0 : i32
    "tpu.region"() ({
      %run_scoped3A_851 = tpu.sem_alloc : memref<!tpu.dma_semaphore, #tpu.memory_space<semaphore_mem>>
      %dma_start3A_852 = arith.constant 0 : i32
      %dma_start3A_853 = tpu.memref_slice %arg12[%run_scoped3A_397, %dma_start3A_852] : memref<2x400xi32, #tpu.memory_space<vmem>> -> memref<1x400xi32, #tpu.memory_space<vmem>>
      %dma_start3A_854 = tpu.memref_squeeze %dma_start3A_853 : memref<1x400xi32, #tpu.memory_space<vmem>> -> memref<400xi32, #tpu.memory_space<vmem>>
      %dma_start3A_855 = tpu.memref_slice %arg5[%add3A_396] : memref<320000xi32, #tpu.memory_space<hbm>> -> memref<400xi32, #tpu.memory_space<hbm>>
      %dma_start3A_856 = arith.constant 0 : i32
      %dma_start3A_857 = tpu.memref_slice %arg12[%run_scoped3A_397, %dma_start3A_856] : memref<2x400xi32, #tpu.memory_space<vmem>> -> memref<1x400xi32, #tpu.memory_space<vmem>>
      %dma_start3A_858 = tpu.memref_squeeze %dma_start3A_857 : memref<1x400xi32, #tpu.memory_space<vmem>> -> memref<400xi32, #tpu.memory_space<vmem>>
      %dma_start3A_859 = tpu.memref_slice %arg5[%add3A_396] : memref<320000xi32, #tpu.memory_space<hbm>> -> memref<400xi32, #tpu.memory_space<hbm>>
      tpu.enqueue_dma source(%dma_start3A_859 : memref<400xi32, #tpu.memory_space<hbm>>) target(%dma_start3A_858 : memref<400xi32, #tpu.memory_space<vmem>>) target_semaphore(%run_scoped3A_851 : memref<!tpu.dma_semaphore, #tpu.memory_space<semaphore_mem>>)
      %dma_wait3A_860 = arith.constant 0 : i32
      %dma_wait3A_861 = tpu.memref_slice %arg12[%run_scoped3A_397, %dma_wait3A_860] : memref<2x400xi32, #tpu.memory_space<vmem>> -> memref<1x400xi32, #tpu.memory_space<vmem>>
      %dma_wait3A_862 = tpu.memref_squeeze %dma_wait3A_861 : memref<1x400xi32, #tpu.memory_space<vmem>> -> memref<400xi32, #tpu.memory_space<vmem>>
      %dma_wait3A_863 = tpu.memref_slice %arg5[%add3A_396] : memref<320000xi32, #tpu.memory_space<hbm>> -> memref<400xi32, #tpu.memory_space<hbm>>
      %dma_wait3A_864 = arith.constant 0 : i32
      %dma_wait3A_865 = tpu.memref_slice %arg12[%run_scoped3A_397, %dma_wait3A_864] : memref<2x400xi32, #tpu.memory_space<vmem>> -> memref<1x400xi32, #tpu.memory_space<vmem>>
      %dma_wait3A_866 = tpu.memref_squeeze %dma_wait3A_865 : memref<1x400xi32, #tpu.memory_space<vmem>> -> memref<400xi32, #tpu.memory_space<vmem>>
      %dma_wait3A_867 = tpu.memref_slice %arg5[%add3A_396] : memref<320000xi32, #tpu.memory_space<hbm>> -> memref<400xi32, #tpu.memory_space<hbm>>
      tpu.wait_dma2 semaphore(%run_scoped3A_851 : memref<!tpu.dma_semaphore, #tpu.memory_space<semaphore_mem>>) src(%dma_wait3A_867 : memref<400xi32, #tpu.memory_space<hbm>>) dst(%dma_wait3A_866 : memref<400xi32, #tpu.memory_space<vmem>>)
      tpu.yield
    }) : () -> ()
    %scan3A_398 = arith.constant 0 : i32
    %scan3A_399 = arith.constant 0 : i32
    %scan3A_400 = arith.constant 25 : i32
    %scan3A_401 = arith.addi %scan3A_399, %scan3A_400 : i32
    %scan3A_402 = arith.constant 1 : i32
    scf.for %scan3A_851 = %scan3A_399 to %scan3A_401 step %scan3A_402  : i32 {
      %mul3A_852 = arith.constant 2 : i32
      %mul3A_853 = arith.muli %mul3A_852, %scan3A_851 : i32
      %mul3A_854 = arith.constant 2 : i32
      %mul3A_855 = arith.muli %mul3A_854, %scan3A_851 : i32
      %add3A_856 = arith.constant 1 : i32
      %add3A_857 = arith.addi %mul3A_855, %add3A_856 : i32
      %gt3A = arith.constant 0 : i32
      %gt3A_858 = arith.cmpi sgt, %scan3A_851, %gt3A : i32
      %convert_element_type3A = arith.extui %gt3A_858 : i1 to i32
      %cond3A = arith.constant 0 : i32
      %cond3A_859 = arith.cmpi ne, %convert_element_type3A, %cond3A : i32
      scf.if %cond3A_859 {
        %dma_wait3A_1326 = arith.constant 1 : i32
        %dma_wait3A_1327 = arith.constant 1 : i32
        %dma_wait3A_1328 = arith.constant 0 : i32
        %dma_wait3A_1329 = arith.constant 0 : i32
        %dma_wait3A_1330 = tpu.memref_slice %arg8[%dma_wait3A_1326, %dma_wait3A_1328, %dma_wait3A_1329] : memref<2x400x64xf32, #tpu.memory_space<vmem>> -> memref<1x400x64xf32, #tpu.memory_space<vmem>>
        %dma_wait3A_1331 = tpu.memref_squeeze %dma_wait3A_1330 : memref<1x400x64xf32, #tpu.memory_space<vmem>> -> memref<400x64xf32, #tpu.memory_space<vmem>>
        %dma_wait3A_1332 = arith.constant 0 : i32
        %dma_wait3A_1333 = tpu.memref_slice %arg12[%dma_wait3A_1327, %dma_wait3A_1332] : memref<2x400xi32, #tpu.memory_space<vmem>> -> memref<1x400xi32, #tpu.memory_space<vmem>>
        %dma_wait3A_1334 = tpu.memref_squeeze %dma_wait3A_1333 : memref<1x400xi32, #tpu.memory_space<vmem>> -> memref<400xi32, #tpu.memory_space<vmem>>
        %dma_wait3A_1335 = arith.constant 0 : i32
        %dma_wait3A_1336 = arith.constant 0 : i32
        %dma_wait3A_1337 = tpu.memref_slice %arg13[%dma_wait3A_1335, %dma_wait3A_1336] : memref<10000x64xf32, #tpu.memory_space<vmem_shared>> -> memref<10000x64xf32, #tpu.memory_space<vmem_shared>>
        tpu.wait_indirect_dma semaphore(%arg17 : memref<!tpu.dma_semaphore, #tpu.memory_space<semaphore_mem>>) src(%dma_wait3A_1331 : memref<400x64xf32, #tpu.memory_space<vmem>>) dst(%dma_wait3A_1337 : memref<10000x64xf32, #tpu.memory_space<vmem_shared>>)
      } else {
      }
      %mul3A_860 = arith.constant 400 : i32
      %mul3A_861 = arith.muli %add3A_857, %mul3A_860 : i32
      %add3A_862 = arith.addi %mul3A_0, %mul3A_861 : i32
      %run_scoped3A_863 = arith.constant 1 : i32
      "tpu.region"() ({
        %run_scoped3A_1326 = tpu.sem_alloc : memref<!tpu.dma_semaphore, #tpu.memory_space<semaphore_mem>>
        %dma_start3A_1327 = arith.constant 0 : i32
        %dma_start3A_1328 = tpu.memref_slice %arg11[%run_scoped3A_863, %dma_start3A_1327] : memref<2x400xi32, #tpu.memory_space<vmem>> -> memref<1x400xi32, #tpu.memory_space<vmem>>
        %dma_start3A_1329 = tpu.memref_squeeze %dma_start3A_1328 : memref<1x400xi32, #tpu.memory_space<vmem>> -> memref<400xi32, #tpu.memory_space<vmem>>
        %dma_start3A_1330 = tpu.memref_slice %arg4[%add3A_862] : memref<320000xi32, #tpu.memory_space<hbm>> -> memref<400xi32, #tpu.memory_space<hbm>>
        %dma_start3A_1331 = arith.constant 0 : i32
        %dma_start3A_1332 = tpu.memref_slice %arg11[%run_scoped3A_863, %dma_start3A_1331] : memref<2x400xi32, #tpu.memory_space<vmem>> -> memref<1x400xi32, #tpu.memory_space<vmem>>
        %dma_start3A_1333 = tpu.memref_squeeze %dma_start3A_1332 : memref<1x400xi32, #tpu.memory_space<vmem>> -> memref<400xi32, #tpu.memory_space<vmem>>
        %dma_start3A_1334 = tpu.memref_slice %arg4[%add3A_862] : memref<320000xi32, #tpu.memory_space<hbm>> -> memref<400xi32, #tpu.memory_space<hbm>>
        tpu.enqueue_dma source(%dma_start3A_1334 : memref<400xi32, #tpu.memory_space<hbm>>) target(%dma_start3A_1333 : memref<400xi32, #tpu.memory_space<vmem>>) target_semaphore(%run_scoped3A_1326 : memref<!tpu.dma_semaphore, #tpu.memory_space<semaphore_mem>>)
        %dma_wait3A_1335 = arith.constant 0 : i32
        %dma_wait3A_1336 = tpu.memref_slice %arg11[%run_scoped3A_863, %dma_wait3A_1335] : memref<2x400xi32, #tpu.memory_space<vmem>> -> memref<1x400xi32, #tpu.memory_space<vmem>>
        %dma_wait3A_1337 = tpu.memref_squeeze %dma_wait3A_1336 : memref<1x400xi32, #tpu.memory_space<vmem>> -> memref<400xi32, #tpu.memory_space<vmem>>
        %dma_wait3A_1338 = tpu.memref_slice %arg4[%add3A_862] : memref<320000xi32, #tpu.memory_space<hbm>> -> memref<400xi32, #tpu.memory_space<hbm>>
        %dma_wait3A_1339 = arith.constant 0 : i32
        %dma_wait3A_1340 = tpu.memref_slice %arg11[%run_scoped3A_863, %dma_wait3A_1339] : memref<2x400xi32, #tpu.memory_space<vmem>> -> memref<1x400xi32, #tpu.memory_space<vmem>>
        %dma_wait3A_1341 = tpu.memref_squeeze %dma_wait3A_1340 : memref<1x400xi32, #tpu.memory_space<vmem>> -> memref<400xi32, #tpu.memory_space<vmem>>
        %dma_wait3A_1342 = tpu.memref_slice %arg4[%add3A_862] : memref<320000xi32, #tpu.memory_space<hbm>> -> memref<400xi32, #tpu.memory_space<hbm>>
        tpu.wait_dma2 semaphore(%run_scoped3A_1326 : memref<!tpu.dma_semaphore, #tpu.memory_space<semaphore_mem>>) src(%dma_wait3A_1342 : memref<400xi32, #tpu.memory_space<hbm>>) dst(%dma_wait3A_1341 : memref<400xi32, #tpu.memory_space<vmem>>)
        tpu.yield
      }) : () -> ()
      %scan3A_864 = arith.constant 0 : i32
      %scan3A_865 = arith.constant 0 : i32
      %mul3A_866 = arith.constant 16 : i32
      %mul3A_867 = arith.muli %scan3A_865, %mul3A_866 : i32
      %get3A_868 = arith.constant 1 : i32
      %get3A_869 = arith.index_cast %get3A_868 : i32 to index
      %get3A_870 = arith.index_cast %mul3A_867 : i32 to index
      %get3A_871 = tpu.vector_load %arg11[%get3A_869, %get3A_870] {strides = array<i32>} : memref<2x400xi32, #tpu.memory_space<vmem>>, vector<16xi32>,
      %add3A_872 = vector.broadcast %mul3A_7 : i32 to vector<16xi32>
      %add3A_873 = arith.addi %get3A_871, %add3A_872 : vector<16xi32>
      %mul3A_874 = arith.constant 16 : i32
      %mul3A_875 = arith.muli %scan3A_865, %mul3A_874 : i32
      %swap3A_876 = arith.constant 1 : i32
      %swap3A_877 = arith.index_cast %swap3A_876 : i32 to index
      %swap3A_878 = arith.index_cast %mul3A_875 : i32 to index
      %swap3A_879 = tpu.vector_load %arg11[%swap3A_877, %swap3A_878] {strides = array<i32>} : memref<2x400xi32, #tpu.memory_space<vmem>>, vector<16xi32>,
      tpu.vector_store %arg11[%swap3A_877, %swap3A_878], %add3A_873 {strides = array<i32>} : memref<2x400xi32, #tpu.memory_space<vmem>>, vector<16xi32>,
      %scan3A_880 = arith.constant 1 : i32
      %mul3A_881 = arith.constant 16 : i32
      %mul3A_882 = arith.muli %scan3A_880, %mul3A_881 : i32
      %get3A_883 = arith.constant 1 : i32
      %get3A_884 = arith.index_cast %get3A_883 : i32 to index
      %get3A_885 = arith.index_cast %mul3A_882 : i32 to index
      %get3A_886 = tpu.vector_load %arg11[%get3A_884, %get3A_885] {strides = array<i32>} : memref<2x400xi32, #tpu.memory_space<vmem>>, vector<16xi32>,
      %add3A_887 = vector.broadcast %mul3A_7 : i32 to vector<16xi32>
      %add3A_888 = arith.addi %get3A_886, %add3A_887 : vector<16xi32>
      %mul3A_889 = arith.constant 16 : i32
      %mul3A_890 = arith.muli %scan3A_880, %mul3A_889 : i32
      %swap3A_891 = arith.constant 1 : i32
      %swap3A_892 = arith.index_cast %swap3A_891 : i32 to index
      %swap3A_893 = arith.index_cast %mul3A_890 : i32 to index
      %swap3A_894 = tpu.vector_load %arg11[%swap3A_892, %swap3A_893] {strides = array<i32>} : memref<2x400xi32, #tpu.memory_space<vmem>>, vector<16xi32>,
      tpu.vector_store %arg11[%swap3A_892, %swap3A_893], %add3A_888 {strides = array<i32>} : memref<2x400xi32, #tpu.memory_space<vmem>>, vector<16xi32>,
      %scan3A_895 = arith.constant 2 : i32
      %mul3A_896 = arith.constant 16 : i32
      %mul3A_897 = arith.muli %scan3A_895, %mul3A_896 : i32
      %get3A_898 = arith.constant 1 : i32
      %get3A_899 = arith.index_cast %get3A_898 : i32 to index
      %get3A_900 = arith.index_cast %mul3A_897 : i32 to index
      %get3A_901 = tpu.vector_load %arg11[%get3A_899, %get3A_900] {strides = array<i32>} : memref<2x400xi32, #tpu.memory_space<vmem>>, vector<16xi32>,
      %add3A_902 = vector.broadcast %mul3A_7 : i32 to vector<16xi32>
      %add3A_903 = arith.addi %get3A_901, %add3A_902 : vector<16xi32>
      %mul3A_904 = arith.constant 16 : i32
      %mul3A_905 = arith.muli %scan3A_895, %mul3A_904 : i32
      %swap3A_906 = arith.constant 1 : i32
      %swap3A_907 = arith.index_cast %swap3A_906 : i32 to index
      %swap3A_908 = arith.index_cast %mul3A_905 : i32 to index
      %swap3A_909 = tpu.vector_load %arg11[%swap3A_907, %swap3A_908] {strides = array<i32>} : memref<2x400xi32, #tpu.memory_space<vmem>>, vector<16xi32>,
      tpu.vector_store %arg11[%swap3A_907, %swap3A_908], %add3A_903 {strides = array<i32>} : memref<2x400xi32, #tpu.memory_space<vmem>>, vector<16xi32>,
      %scan3A_910 = arith.constant 3 : i32
      %mul3A_911 = arith.constant 16 : i32
      %mul3A_912 = arith.muli %scan3A_910, %mul3A_911 : i32
      %get3A_913 = arith.constant 1 : i32
      %get3A_914 = arith.index_cast %get3A_913 : i32 to index
      %get3A_915 = arith.index_cast %mul3A_912 : i32 to index
      %get3A_916 = tpu.vector_load %arg11[%get3A_914, %get3A_915] {strides = array<i32>} : memref<2x400xi32, #tpu.memory_space<vmem>>, vector<16xi32>,
      %add3A_917 = vector.broadcast %mul3A_7 : i32 to vector<16xi32>
      %add3A_918 = arith.addi %get3A_916, %add3A_917 : vector<16xi32>
      %mul3A_919 = arith.constant 16 : i32
      %mul3A_920 = arith.muli %scan3A_910, %mul3A_919 : i32
      %swap3A_921 = arith.constant 1 : i32
      %swap3A_922 = arith.index_cast %swap3A_921 : i32 to index
      %swap3A_923 = arith.index_cast %mul3A_920 : i32 to index
      %swap3A_924 = tpu.vector_load %arg11[%swap3A_922, %swap3A_923] {strides = array<i32>} : memref<2x400xi32, #tpu.memory_space<vmem>>, vector<16xi32>,
      tpu.vector_store %arg11[%swap3A_922, %swap3A_923], %add3A_918 {strides = array<i32>} : memref<2x400xi32, #tpu.memory_space<vmem>>, vector<16xi32>,
      %scan3A_925 = arith.constant 4 : i32
      %mul3A_926 = arith.constant 16 : i32
      %mul3A_927 = arith.muli %scan3A_925, %mul3A_926 : i32
      %get3A_928 = arith.constant 1 : i32
      %get3A_929 = arith.index_cast %get3A_928 : i32 to index
      %get3A_930 = arith.index_cast %mul3A_927 : i32 to index
      %get3A_931 = tpu.vector_load %arg11[%get3A_929, %get3A_930] {strides = array<i32>} : memref<2x400xi32, #tpu.memory_space<vmem>>, vector<16xi32>,
      %add3A_932 = vector.broadcast %mul3A_7 : i32 to vector<16xi32>
      %add3A_933 = arith.addi %get3A_931, %add3A_932 : vector<16xi32>
      %mul3A_934 = arith.constant 16 : i32
      %mul3A_935 = arith.muli %scan3A_925, %mul3A_934 : i32
      %swap3A_936 = arith.constant 1 : i32
      %swap3A_937 = arith.index_cast %swap3A_936 : i32 to index
      %swap3A_938 = arith.index_cast %mul3A_935 : i32 to index
      %swap3A_939 = tpu.vector_load %arg11[%swap3A_937, %swap3A_938] {strides = array<i32>} : memref<2x400xi32, #tpu.memory_space<vmem>>, vector<16xi32>,
      tpu.vector_store %arg11[%swap3A_937, %swap3A_938], %add3A_933 {strides = array<i32>} : memref<2x400xi32, #tpu.memory_space<vmem>>, vector<16xi32>,
      %scan3A_940 = arith.constant 5 : i32
      %mul3A_941 = arith.constant 16 : i32
      %mul3A_942 = arith.muli %scan3A_940, %mul3A_941 : i32
      %get3A_943 = arith.constant 1 : i32
      %get3A_944 = arith.index_cast %get3A_943 : i32 to index
      %get3A_945 = arith.index_cast %mul3A_942 : i32 to index
      %get3A_946 = tpu.vector_load %arg11[%get3A_944, %get3A_945] {strides = array<i32>} : memref<2x400xi32, #tpu.memory_space<vmem>>, vector<16xi32>,
      %add3A_947 = vector.broadcast %mul3A_7 : i32 to vector<16xi32>
      %add3A_948 = arith.addi %get3A_946, %add3A_947 : vector<16xi32>
      %mul3A_949 = arith.constant 16 : i32
      %mul3A_950 = arith.muli %scan3A_940, %mul3A_949 : i32
      %swap3A_951 = arith.constant 1 : i32
      %swap3A_952 = arith.index_cast %swap3A_951 : i32 to index
      %swap3A_953 = arith.index_cast %mul3A_950 : i32 to index
      %swap3A_954 = tpu.vector_load %arg11[%swap3A_952, %swap3A_953] {strides = array<i32>} : memref<2x400xi32, #tpu.memory_space<vmem>>, vector<16xi32>,
      tpu.vector_store %arg11[%swap3A_952, %swap3A_953], %add3A_948 {strides = array<i32>} : memref<2x400xi32, #tpu.memory_space<vmem>>, vector<16xi32>,
      %scan3A_955 = arith.constant 6 : i32
      %mul3A_956 = arith.constant 16 : i32
      %mul3A_957 = arith.muli %scan3A_955, %mul3A_956 : i32
      %get3A_958 = arith.constant 1 : i32
      %get3A_959 = arith.index_cast %get3A_958 : i32 to index
      %get3A_960 = arith.index_cast %mul3A_957 : i32 to index
      %get3A_961 = tpu.vector_load %arg11[%get3A_959, %get3A_960] {strides = array<i32>} : memref<2x400xi32, #tpu.memory_space<vmem>>, vector<16xi32>,
      %add3A_962 = vector.broadcast %mul3A_7 : i32 to vector<16xi32>
      %add3A_963 = arith.addi %get3A_961, %add3A_962 : vector<16xi32>
      %mul3A_964 = arith.constant 16 : i32
      %mul3A_965 = arith.muli %scan3A_955, %mul3A_964 : i32
      %swap3A_966 = arith.constant 1 : i32
      %swap3A_967 = arith.index_cast %swap3A_966 : i32 to index
      %swap3A_968 = arith.index_cast %mul3A_965 : i32 to index
      %swap3A_969 = tpu.vector_load %arg11[%swap3A_967, %swap3A_968] {strides = array<i32>} : memref<2x400xi32, #tpu.memory_space<vmem>>, vector<16xi32>,
      tpu.vector_store %arg11[%swap3A_967, %swap3A_968], %add3A_963 {strides = array<i32>} : memref<2x400xi32, #tpu.memory_space<vmem>>, vector<16xi32>,
      %scan3A_970 = arith.constant 7 : i32
      %mul3A_971 = arith.constant 16 : i32
      %mul3A_972 = arith.muli %scan3A_970, %mul3A_971 : i32
      %get3A_973 = arith.constant 1 : i32
      %get3A_974 = arith.index_cast %get3A_973 : i32 to index
      %get3A_975 = arith.index_cast %mul3A_972 : i32 to index
      %get3A_976 = tpu.vector_load %arg11[%get3A_974, %get3A_975] {strides = array<i32>} : memref<2x400xi32, #tpu.memory_space<vmem>>, vector<16xi32>,
      %add3A_977 = vector.broadcast %mul3A_7 : i32 to vector<16xi32>
      %add3A_978 = arith.addi %get3A_976, %add3A_977 : vector<16xi32>
      %mul3A_979 = arith.constant 16 : i32
      %mul3A_980 = arith.muli %scan3A_970, %mul3A_979 : i32
      %swap3A_981 = arith.constant 1 : i32
      %swap3A_982 = arith.index_cast %swap3A_981 : i32 to index
      %swap3A_983 = arith.index_cast %mul3A_980 : i32 to index
      %swap3A_984 = tpu.vector_load %arg11[%swap3A_982, %swap3A_983] {strides = array<i32>} : memref<2x400xi32, #tpu.memory_space<vmem>>, vector<16xi32>,
      tpu.vector_store %arg11[%swap3A_982, %swap3A_983], %add3A_978 {strides = array<i32>} : memref<2x400xi32, #tpu.memory_space<vmem>>, vector<16xi32>,
      %scan3A_985 = arith.constant 8 : i32
      %mul3A_986 = arith.constant 16 : i32
      %mul3A_987 = arith.muli %scan3A_985, %mul3A_986 : i32
      %get3A_988 = arith.constant 1 : i32
      %get3A_989 = arith.index_cast %get3A_988 : i32 to index
      %get3A_990 = arith.index_cast %mul3A_987 : i32 to index
      %get3A_991 = tpu.vector_load %arg11[%get3A_989, %get3A_990] {strides = array<i32>} : memref<2x400xi32, #tpu.memory_space<vmem>>, vector<16xi32>,
      %add3A_992 = vector.broadcast %mul3A_7 : i32 to vector<16xi32>
      %add3A_993 = arith.addi %get3A_991, %add3A_992 : vector<16xi32>
      %mul3A_994 = arith.constant 16 : i32
      %mul3A_995 = arith.muli %scan3A_985, %mul3A_994 : i32
      %swap3A_996 = arith.constant 1 : i32
      %swap3A_997 = arith.index_cast %swap3A_996 : i32 to index
      %swap3A_998 = arith.index_cast %mul3A_995 : i32 to index
      %swap3A_999 = tpu.vector_load %arg11[%swap3A_997, %swap3A_998] {strides = array<i32>} : memref<2x400xi32, #tpu.memory_space<vmem>>, vector<16xi32>,
      tpu.vector_store %arg11[%swap3A_997, %swap3A_998], %add3A_993 {strides = array<i32>} : memref<2x400xi32, #tpu.memory_space<vmem>>, vector<16xi32>,
      %scan3A_1000 = arith.constant 9 : i32
      %mul3A_1001 = arith.constant 16 : i32
      %mul3A_1002 = arith.muli %scan3A_1000, %mul3A_1001 : i32
      %get3A_1003 = arith.constant 1 : i32
      %get3A_1004 = arith.index_cast %get3A_1003 : i32 to index
      %get3A_1005 = arith.index_cast %mul3A_1002 : i32 to index
      %get3A_1006 = tpu.vector_load %arg11[%get3A_1004, %get3A_1005] {strides = array<i32>} : memref<2x400xi32, #tpu.memory_space<vmem>>, vector<16xi32>,
      %add3A_1007 = vector.broadcast %mul3A_7 : i32 to vector<16xi32>
      %add3A_1008 = arith.addi %get3A_1006, %add3A_1007 : vector<16xi32>
      %mul3A_1009 = arith.constant 16 : i32
      %mul3A_1010 = arith.muli %scan3A_1000, %mul3A_1009 : i32
      %swap3A_1011 = arith.constant 1 : i32
      %swap3A_1012 = arith.index_cast %swap3A_1011 : i32 to index
      %swap3A_1013 = arith.index_cast %mul3A_1010 : i32 to index
      %swap3A_1014 = tpu.vector_load %arg11[%swap3A_1012, %swap3A_1013] {strides = array<i32>} : memref<2x400xi32, #tpu.memory_space<vmem>>, vector<16xi32>,
      tpu.vector_store %arg11[%swap3A_1012, %swap3A_1013], %add3A_1008 {strides = array<i32>} : memref<2x400xi32, #tpu.memory_space<vmem>>, vector<16xi32>,
      %scan3A_1015 = arith.constant 10 : i32
      %mul3A_1016 = arith.constant 16 : i32
      %mul3A_1017 = arith.muli %scan3A_1015, %mul3A_1016 : i32
      %get3A_1018 = arith.constant 1 : i32
      %get3A_1019 = arith.index_cast %get3A_1018 : i32 to index
      %get3A_1020 = arith.index_cast %mul3A_1017 : i32 to index
      %get3A_1021 = tpu.vector_load %arg11[%get3A_1019, %get3A_1020] {strides = array<i32>} : memref<2x400xi32, #tpu.memory_space<vmem>>, vector<16xi32>,
      %add3A_1022 = vector.broadcast %mul3A_7 : i32 to vector<16xi32>
      %add3A_1023 = arith.addi %get3A_1021, %add3A_1022 : vector<16xi32>
      %mul3A_1024 = arith.constant 16 : i32
      %mul3A_1025 = arith.muli %scan3A_1015, %mul3A_1024 : i32
      %swap3A_1026 = arith.constant 1 : i32
      %swap3A_1027 = arith.index_cast %swap3A_1026 : i32 to index
      %swap3A_1028 = arith.index_cast %mul3A_1025 : i32 to index
      %swap3A_1029 = tpu.vector_load %arg11[%swap3A_1027, %swap3A_1028] {strides = array<i32>} : memref<2x400xi32, #tpu.memory_space<vmem>>, vector<16xi32>,
      tpu.vector_store %arg11[%swap3A_1027, %swap3A_1028], %add3A_1023 {strides = array<i32>} : memref<2x400xi32, #tpu.memory_space<vmem>>, vector<16xi32>,
      %scan3A_1030 = arith.constant 11 : i32
      %mul3A_1031 = arith.constant 16 : i32
      %mul3A_1032 = arith.muli %scan3A_1030, %mul3A_1031 : i32
      %get3A_1033 = arith.constant 1 : i32
      %get3A_1034 = arith.index_cast %get3A_1033 : i32 to index
      %get3A_1035 = arith.index_cast %mul3A_1032 : i32 to index
      %get3A_1036 = tpu.vector_load %arg11[%get3A_1034, %get3A_1035] {strides = array<i32>} : memref<2x400xi32, #tpu.memory_space<vmem>>, vector<16xi32>,
      %add3A_1037 = vector.broadcast %mul3A_7 : i32 to vector<16xi32>
      %add3A_1038 = arith.addi %get3A_1036, %add3A_1037 : vector<16xi32>
      %mul3A_1039 = arith.constant 16 : i32
      %mul3A_1040 = arith.muli %scan3A_1030, %mul3A_1039 : i32
      %swap3A_1041 = arith.constant 1 : i32
      %swap3A_1042 = arith.index_cast %swap3A_1041 : i32 to index
      %swap3A_1043 = arith.index_cast %mul3A_1040 : i32 to index
      %swap3A_1044 = tpu.vector_load %arg11[%swap3A_1042, %swap3A_1043] {strides = array<i32>} : memref<2x400xi32, #tpu.memory_space<vmem>>, vector<16xi32>,
      tpu.vector_store %arg11[%swap3A_1042, %swap3A_1043], %add3A_1038 {strides = array<i32>} : memref<2x400xi32, #tpu.memory_space<vmem>>, vector<16xi32>,
      %scan3A_1045 = arith.constant 12 : i32
      %mul3A_1046 = arith.constant 16 : i32
      %mul3A_1047 = arith.muli %scan3A_1045, %mul3A_1046 : i32
      %get3A_1048 = arith.constant 1 : i32
      %get3A_1049 = arith.index_cast %get3A_1048 : i32 to index
      %get3A_1050 = arith.index_cast %mul3A_1047 : i32 to index
      %get3A_1051 = tpu.vector_load %arg11[%get3A_1049, %get3A_1050] {strides = array<i32>} : memref<2x400xi32, #tpu.memory_space<vmem>>, vector<16xi32>,
      %add3A_1052 = vector.broadcast %mul3A_7 : i32 to vector<16xi32>
      %add3A_1053 = arith.addi %get3A_1051, %add3A_1052 : vector<16xi32>
      %mul3A_1054 = arith.constant 16 : i32
      %mul3A_1055 = arith.muli %scan3A_1045, %mul3A_1054 : i32
      %swap3A_1056 = arith.constant 1 : i32
      %swap3A_1057 = arith.index_cast %swap3A_1056 : i32 to index
      %swap3A_1058 = arith.index_cast %mul3A_1055 : i32 to index
      %swap3A_1059 = tpu.vector_load %arg11[%swap3A_1057, %swap3A_1058] {strides = array<i32>} : memref<2x400xi32, #tpu.memory_space<vmem>>, vector<16xi32>,
      tpu.vector_store %arg11[%swap3A_1057, %swap3A_1058], %add3A_1053 {strides = array<i32>} : memref<2x400xi32, #tpu.memory_space<vmem>>, vector<16xi32>,
      %scan3A_1060 = arith.constant 13 : i32
      %mul3A_1061 = arith.constant 16 : i32
      %mul3A_1062 = arith.muli %scan3A_1060, %mul3A_1061 : i32
      %get3A_1063 = arith.constant 1 : i32
      %get3A_1064 = arith.index_cast %get3A_1063 : i32 to index
      %get3A_1065 = arith.index_cast %mul3A_1062 : i32 to index
      %get3A_1066 = tpu.vector_load %arg11[%get3A_1064, %get3A_1065] {strides = array<i32>} : memref<2x400xi32, #tpu.memory_space<vmem>>, vector<16xi32>,
      %add3A_1067 = vector.broadcast %mul3A_7 : i32 to vector<16xi32>
      %add3A_1068 = arith.addi %get3A_1066, %add3A_1067 : vector<16xi32>
      %mul3A_1069 = arith.constant 16 : i32
      %mul3A_1070 = arith.muli %scan3A_1060, %mul3A_1069 : i32
      %swap3A_1071 = arith.constant 1 : i32
      %swap3A_1072 = arith.index_cast %swap3A_1071 : i32 to index
      %swap3A_1073 = arith.index_cast %mul3A_1070 : i32 to index
      %swap3A_1074 = tpu.vector_load %arg11[%swap3A_1072, %swap3A_1073] {strides = array<i32>} : memref<2x400xi32, #tpu.memory_space<vmem>>, vector<16xi32>,
      tpu.vector_store %arg11[%swap3A_1072, %swap3A_1073], %add3A_1068 {strides = array<i32>} : memref<2x400xi32, #tpu.memory_space<vmem>>, vector<16xi32>,
      %scan3A_1075 = arith.constant 14 : i32
      %mul3A_1076 = arith.constant 16 : i32
      %mul3A_1077 = arith.muli %scan3A_1075, %mul3A_1076 : i32
      %get3A_1078 = arith.constant 1 : i32
      %get3A_1079 = arith.index_cast %get3A_1078 : i32 to index
      %get3A_1080 = arith.index_cast %mul3A_1077 : i32 to index
      %get3A_1081 = tpu.vector_load %arg11[%get3A_1079, %get3A_1080] {strides = array<i32>} : memref<2x400xi32, #tpu.memory_space<vmem>>, vector<16xi32>,
      %add3A_1082 = vector.broadcast %mul3A_7 : i32 to vector<16xi32>
      %add3A_1083 = arith.addi %get3A_1081, %add3A_1082 : vector<16xi32>
      %mul3A_1084 = arith.constant 16 : i32
      %mul3A_1085 = arith.muli %scan3A_1075, %mul3A_1084 : i32
      %swap3A_1086 = arith.constant 1 : i32
      %swap3A_1087 = arith.index_cast %swap3A_1086 : i32 to index
      %swap3A_1088 = arith.index_cast %mul3A_1085 : i32 to index
      %swap3A_1089 = tpu.vector_load %arg11[%swap3A_1087, %swap3A_1088] {strides = array<i32>} : memref<2x400xi32, #tpu.memory_space<vmem>>, vector<16xi32>,
      tpu.vector_store %arg11[%swap3A_1087, %swap3A_1088], %add3A_1083 {strides = array<i32>} : memref<2x400xi32, #tpu.memory_space<vmem>>, vector<16xi32>,
      %scan3A_1090 = arith.constant 15 : i32
      %mul3A_1091 = arith.constant 16 : i32
      %mul3A_1092 = arith.muli %scan3A_1090, %mul3A_1091 : i32
      %get3A_1093 = arith.constant 1 : i32
      %get3A_1094 = arith.index_cast %get3A_1093 : i32 to index
      %get3A_1095 = arith.index_cast %mul3A_1092 : i32 to index
      %get3A_1096 = tpu.vector_load %arg11[%get3A_1094, %get3A_1095] {strides = array<i32>} : memref<2x400xi32, #tpu.memory_space<vmem>>, vector<16xi32>,
      %add3A_1097 = vector.broadcast %mul3A_7 : i32 to vector<16xi32>
      %add3A_1098 = arith.addi %get3A_1096, %add3A_1097 : vector<16xi32>
      %mul3A_1099 = arith.constant 16 : i32
      %mul3A_1100 = arith.muli %scan3A_1090, %mul3A_1099 : i32
      %swap3A_1101 = arith.constant 1 : i32
      %swap3A_1102 = arith.index_cast %swap3A_1101 : i32 to index
      %swap3A_1103 = arith.index_cast %mul3A_1100 : i32 to index
      %swap3A_1104 = tpu.vector_load %arg11[%swap3A_1102, %swap3A_1103] {strides = array<i32>} : memref<2x400xi32, #tpu.memory_space<vmem>>, vector<16xi32>,
      tpu.vector_store %arg11[%swap3A_1102, %swap3A_1103], %add3A_1098 {strides = array<i32>} : memref<2x400xi32, #tpu.memory_space<vmem>>, vector<16xi32>,
      %scan3A_1105 = arith.constant 16 : i32
      %mul3A_1106 = arith.constant 16 : i32
      %mul3A_1107 = arith.muli %scan3A_1105, %mul3A_1106 : i32
      %get3A_1108 = arith.constant 1 : i32
      %get3A_1109 = arith.index_cast %get3A_1108 : i32 to index
      %get3A_1110 = arith.index_cast %mul3A_1107 : i32 to index
      %get3A_1111 = tpu.vector_load %arg11[%get3A_1109, %get3A_1110] {strides = array<i32>} : memref<2x400xi32, #tpu.memory_space<vmem>>, vector<16xi32>,
      %add3A_1112 = vector.broadcast %mul3A_7 : i32 to vector<16xi32>
      %add3A_1113 = arith.addi %get3A_1111, %add3A_1112 : vector<16xi32>
      %mul3A_1114 = arith.constant 16 : i32
      %mul3A_1115 = arith.muli %scan3A_1105, %mul3A_1114 : i32
      %swap3A_1116 = arith.constant 1 : i32
      %swap3A_1117 = arith.index_cast %swap3A_1116 : i32 to index
      %swap3A_1118 = arith.index_cast %mul3A_1115 : i32 to index
      %swap3A_1119 = tpu.vector_load %arg11[%swap3A_1117, %swap3A_1118] {strides = array<i32>} : memref<2x400xi32, #tpu.memory_space<vmem>>, vector<16xi32>,
      tpu.vector_store %arg11[%swap3A_1117, %swap3A_1118], %add3A_1113 {strides = array<i32>} : memref<2x400xi32, #tpu.memory_space<vmem>>, vector<16xi32>,
      %scan3A_1120 = arith.constant 17 : i32
      %mul3A_1121 = arith.constant 16 : i32
      %mul3A_1122 = arith.muli %scan3A_1120, %mul3A_1121 : i32
      %get3A_1123 = arith.constant 1 : i32
      %get3A_1124 = arith.index_cast %get3A_1123 : i32 to index
      %get3A_1125 = arith.index_cast %mul3A_1122 : i32 to index
      %get3A_1126 = tpu.vector_load %arg11[%get3A_1124, %get3A_1125] {strides = array<i32>} : memref<2x400xi32, #tpu.memory_space<vmem>>, vector<16xi32>,
      %add3A_1127 = vector.broadcast %mul3A_7 : i32 to vector<16xi32>
      %add3A_1128 = arith.addi %get3A_1126, %add3A_1127 : vector<16xi32>
      %mul3A_1129 = arith.constant 16 : i32
      %mul3A_1130 = arith.muli %scan3A_1120, %mul3A_1129 : i32
      %swap3A_1131 = arith.constant 1 : i32
      %swap3A_1132 = arith.index_cast %swap3A_1131 : i32 to index
      %swap3A_1133 = arith.index_cast %mul3A_1130 : i32 to index
      %swap3A_1134 = tpu.vector_load %arg11[%swap3A_1132, %swap3A_1133] {strides = array<i32>} : memref<2x400xi32, #tpu.memory_space<vmem>>, vector<16xi32>,
      tpu.vector_store %arg11[%swap3A_1132, %swap3A_1133], %add3A_1128 {strides = array<i32>} : memref<2x400xi32, #tpu.memory_space<vmem>>, vector<16xi32>,
      %scan3A_1135 = arith.constant 18 : i32
      %mul3A_1136 = arith.constant 16 : i32
      %mul3A_1137 = arith.muli %scan3A_1135, %mul3A_1136 : i32
      %get3A_1138 = arith.constant 1 : i32
      %get3A_1139 = arith.index_cast %get3A_1138 : i32 to index
      %get3A_1140 = arith.index_cast %mul3A_1137 : i32 to index
      %get3A_1141 = tpu.vector_load %arg11[%get3A_1139, %get3A_1140] {strides = array<i32>} : memref<2x400xi32, #tpu.memory_space<vmem>>, vector<16xi32>,
      %add3A_1142 = vector.broadcast %mul3A_7 : i32 to vector<16xi32>
      %add3A_1143 = arith.addi %get3A_1141, %add3A_1142 : vector<16xi32>
      %mul3A_1144 = arith.constant 16 : i32
      %mul3A_1145 = arith.muli %scan3A_1135, %mul3A_1144 : i32
      %swap3A_1146 = arith.constant 1 : i32
      %swap3A_1147 = arith.index_cast %swap3A_1146 : i32 to index
      %swap3A_1148 = arith.index_cast %mul3A_1145 : i32 to index
      %swap3A_1149 = tpu.vector_load %arg11[%swap3A_1147, %swap3A_1148] {strides = array<i32>} : memref<2x400xi32, #tpu.memory_space<vmem>>, vector<16xi32>,
      tpu.vector_store %arg11[%swap3A_1147, %swap3A_1148], %add3A_1143 {strides = array<i32>} : memref<2x400xi32, #tpu.memory_space<vmem>>, vector<16xi32>,
      %scan3A_1150 = arith.constant 19 : i32
      %mul3A_1151 = arith.constant 16 : i32
      %mul3A_1152 = arith.muli %scan3A_1150, %mul3A_1151 : i32
      %get3A_1153 = arith.constant 1 : i32
      %get3A_1154 = arith.index_cast %get3A_1153 : i32 to index
      %get3A_1155 = arith.index_cast %mul3A_1152 : i32 to index
      %get3A_1156 = tpu.vector_load %arg11[%get3A_1154, %get3A_1155] {strides = array<i32>} : memref<2x400xi32, #tpu.memory_space<vmem>>, vector<16xi32>,
      %add3A_1157 = vector.broadcast %mul3A_7 : i32 to vector<16xi32>
      %add3A_1158 = arith.addi %get3A_1156, %add3A_1157 : vector<16xi32>
      %mul3A_1159 = arith.constant 16 : i32
      %mul3A_1160 = arith.muli %scan3A_1150, %mul3A_1159 : i32
      %swap3A_1161 = arith.constant 1 : i32
      %swap3A_1162 = arith.index_cast %swap3A_1161 : i32 to index
      %swap3A_1163 = arith.index_cast %mul3A_1160 : i32 to index
      %swap3A_1164 = tpu.vector_load %arg11[%swap3A_1162, %swap3A_1163] {strides = array<i32>} : memref<2x400xi32, #tpu.memory_space<vmem>>, vector<16xi32>,
      tpu.vector_store %arg11[%swap3A_1162, %swap3A_1163], %add3A_1158 {strides = array<i32>} : memref<2x400xi32, #tpu.memory_space<vmem>>, vector<16xi32>,
      %scan3A_1165 = arith.constant 20 : i32
      %mul3A_1166 = arith.constant 16 : i32
      %mul3A_1167 = arith.muli %scan3A_1165, %mul3A_1166 : i32
      %get3A_1168 = arith.constant 1 : i32
      %get3A_1169 = arith.index_cast %get3A_1168 : i32 to index
      %get3A_1170 = arith.index_cast %mul3A_1167 : i32 to index
      %get3A_1171 = tpu.vector_load %arg11[%get3A_1169, %get3A_1170] {strides = array<i32>} : memref<2x400xi32, #tpu.memory_space<vmem>>, vector<16xi32>,
      %add3A_1172 = vector.broadcast %mul3A_7 : i32 to vector<16xi32>
      %add3A_1173 = arith.addi %get3A_1171, %add3A_1172 : vector<16xi32>
      %mul3A_1174 = arith.constant 16 : i32
      %mul3A_1175 = arith.muli %scan3A_1165, %mul3A_1174 : i32
      %swap3A_1176 = arith.constant 1 : i32
      %swap3A_1177 = arith.index_cast %swap3A_1176 : i32 to index
      %swap3A_1178 = arith.index_cast %mul3A_1175 : i32 to index
      %swap3A_1179 = tpu.vector_load %arg11[%swap3A_1177, %swap3A_1178] {strides = array<i32>} : memref<2x400xi32, #tpu.memory_space<vmem>>, vector<16xi32>,
      tpu.vector_store %arg11[%swap3A_1177, %swap3A_1178], %add3A_1173 {strides = array<i32>} : memref<2x400xi32, #tpu.memory_space<vmem>>, vector<16xi32>,
      %scan3A_1180 = arith.constant 21 : i32
      %mul3A_1181 = arith.constant 16 : i32
      %mul3A_1182 = arith.muli %scan3A_1180, %mul3A_1181 : i32
      %get3A_1183 = arith.constant 1 : i32
      %get3A_1184 = arith.index_cast %get3A_1183 : i32 to index
      %get3A_1185 = arith.index_cast %mul3A_1182 : i32 to index
      %get3A_1186 = tpu.vector_load %arg11[%get3A_1184, %get3A_1185] {strides = array<i32>} : memref<2x400xi32, #tpu.memory_space<vmem>>, vector<16xi32>,
      %add3A_1187 = vector.broadcast %mul3A_7 : i32 to vector<16xi32>
      %add3A_1188 = arith.addi %get3A_1186, %add3A_1187 : vector<16xi32>
      %mul3A_1189 = arith.constant 16 : i32
      %mul3A_1190 = arith.muli %scan3A_1180, %mul3A_1189 : i32
      %swap3A_1191 = arith.constant 1 : i32
      %swap3A_1192 = arith.index_cast %swap3A_1191 : i32 to index
      %swap3A_1193 = arith.index_cast %mul3A_1190 : i32 to index
      %swap3A_1194 = tpu.vector_load %arg11[%swap3A_1192, %swap3A_1193] {strides = array<i32>} : memref<2x400xi32, #tpu.memory_space<vmem>>, vector<16xi32>,
      tpu.vector_store %arg11[%swap3A_1192, %swap3A_1193], %add3A_1188 {strides = array<i32>} : memref<2x400xi32, #tpu.memory_space<vmem>>, vector<16xi32>,
      %scan3A_1195 = arith.constant 22 : i32
      %mul3A_1196 = arith.constant 16 : i32
      %mul3A_1197 = arith.muli %scan3A_1195, %mul3A_1196 : i32
      %get3A_1198 = arith.constant 1 : i32
      %get3A_1199 = arith.index_cast %get3A_1198 : i32 to index
      %get3A_1200 = arith.index_cast %mul3A_1197 : i32 to index
      %get3A_1201 = tpu.vector_load %arg11[%get3A_1199, %get3A_1200] {strides = array<i32>} : memref<2x400xi32, #tpu.memory_space<vmem>>, vector<16xi32>,
      %add3A_1202 = vector.broadcast %mul3A_7 : i32 to vector<16xi32>
      %add3A_1203 = arith.addi %get3A_1201, %add3A_1202 : vector<16xi32>
      %mul3A_1204 = arith.constant 16 : i32
      %mul3A_1205 = arith.muli %scan3A_1195, %mul3A_1204 : i32
      %swap3A_1206 = arith.constant 1 : i32
      %swap3A_1207 = arith.index_cast %swap3A_1206 : i32 to index
      %swap3A_1208 = arith.index_cast %mul3A_1205 : i32 to index
      %swap3A_1209 = tpu.vector_load %arg11[%swap3A_1207, %swap3A_1208] {strides = array<i32>} : memref<2x400xi32, #tpu.memory_space<vmem>>, vector<16xi32>,
      tpu.vector_store %arg11[%swap3A_1207, %swap3A_1208], %add3A_1203 {strides = array<i32>} : memref<2x400xi32, #tpu.memory_space<vmem>>, vector<16xi32>,
      %scan3A_1210 = arith.constant 23 : i32
      %mul3A_1211 = arith.constant 16 : i32
      %mul3A_1212 = arith.muli %scan3A_1210, %mul3A_1211 : i32
      %get3A_1213 = arith.constant 1 : i32
      %get3A_1214 = arith.index_cast %get3A_1213 : i32 to index
      %get3A_1215 = arith.index_cast %mul3A_1212 : i32 to index
      %get3A_1216 = tpu.vector_load %arg11[%get3A_1214, %get3A_1215] {strides = array<i32>} : memref<2x400xi32, #tpu.memory_space<vmem>>, vector<16xi32>,
      %add3A_1217 = vector.broadcast %mul3A_7 : i32 to vector<16xi32>
      %add3A_1218 = arith.addi %get3A_1216, %add3A_1217 : vector<16xi32>
      %mul3A_1219 = arith.constant 16 : i32
      %mul3A_1220 = arith.muli %scan3A_1210, %mul3A_1219 : i32
      %swap3A_1221 = arith.constant 1 : i32
      %swap3A_1222 = arith.index_cast %swap3A_1221 : i32 to index
      %swap3A_1223 = arith.index_cast %mul3A_1220 : i32 to index
      %swap3A_1224 = tpu.vector_load %arg11[%swap3A_1222, %swap3A_1223] {strides = array<i32>} : memref<2x400xi32, #tpu.memory_space<vmem>>, vector<16xi32>,
      tpu.vector_store %arg11[%swap3A_1222, %swap3A_1223], %add3A_1218 {strides = array<i32>} : memref<2x400xi32, #tpu.memory_space<vmem>>, vector<16xi32>,
      %scan3A_1225 = arith.constant 24 : i32
      %mul3A_1226 = arith.constant 16 : i32
      %mul3A_1227 = arith.muli %scan3A_1225, %mul3A_1226 : i32
      %get3A_1228 = arith.constant 1 : i32
      %get3A_1229 = arith.index_cast %get3A_1228 : i32 to index
      %get3A_1230 = arith.index_cast %mul3A_1227 : i32 to index
      %get3A_1231 = tpu.vector_load %arg11[%get3A_1229, %get3A_1230] {strides = array<i32>} : memref<2x400xi32, #tpu.memory_space<vmem>>, vector<16xi32>,
      %add3A_1232 = vector.broadcast %mul3A_7 : i32 to vector<16xi32>
      %add3A_1233 = arith.addi %get3A_1231, %add3A_1232 : vector<16xi32>
      %mul3A_1234 = arith.constant 16 : i32
      %mul3A_1235 = arith.muli %scan3A_1225, %mul3A_1234 : i32
      %swap3A_1236 = arith.constant 1 : i32
      %swap3A_1237 = arith.index_cast %swap3A_1236 : i32 to index
      %swap3A_1238 = arith.index_cast %mul3A_1235 : i32 to index
      %swap3A_1239 = tpu.vector_load %arg11[%swap3A_1237, %swap3A_1238] {strides = array<i32>} : memref<2x400xi32, #tpu.memory_space<vmem>>, vector<16xi32>,
      tpu.vector_store %arg11[%swap3A_1237, %swap3A_1238], %add3A_1233 {strides = array<i32>} : memref<2x400xi32, #tpu.memory_space<vmem>>, vector<16xi32>,
      %scan3A_1240 = arith.constant 25 : i32
      %dma_start3A_1241 = arith.constant 1 : i32
      %dma_start3A_1242 = arith.constant 1 : i32
      %dma_start3A_1243 = arith.constant 0 : i32
      %dma_start3A_1244 = arith.constant 0 : i32
      %dma_start3A_1245 = tpu.memref_slice %arg8[%dma_start3A_1242, %dma_start3A_1243, %dma_start3A_1244] : memref<2x400x64xf32, #tpu.memory_space<vmem>> -> memref<1x400x64xf32, #tpu.memory_space<vmem>>
      %dma_start3A_1246 = tpu.memref_squeeze %dma_start3A_1245 : memref<1x400x64xf32, #tpu.memory_space<vmem>> -> memref<400x64xf32, #tpu.memory_space<vmem>>
      %dma_start3A_1247 = arith.constant 0 : i32
      %dma_start3A_1248 = tpu.memref_slice %arg11[%dma_start3A_1241, %dma_start3A_1247] : memref<2x400xi32, #tpu.memory_space<vmem>> -> memref<1x400xi32, #tpu.memory_space<vmem>>
      %dma_start3A_1249 = tpu.memref_squeeze %dma_start3A_1248 : memref<1x400xi32, #tpu.memory_space<vmem>> -> memref<400xi32, #tpu.memory_space<vmem>>
      %dma_start3A_1250 = arith.constant 0 : i32
      %dma_start3A_1251 = arith.constant 0 : i32
      %dma_start3A_1252 = tpu.memref_slice %arg2[%dma_start3A_1250, %dma_start3A_1251] : memref<40000x64xf32, #tpu.memory_space<hbm>> -> memref<40000x64xf32, #tpu.memory_space<hbm>>
      tpu.enqueue_indirect_dma source(%dma_start3A_1252 : memref<40000x64xf32, #tpu.memory_space<hbm>>) target(%dma_start3A_1246 : memref<400x64xf32, #tpu.memory_space<vmem>>) offsets(%dma_start3A_1249 : memref<400xi32, #tpu.memory_space<vmem>>) semaphore(%arg15 : memref<!tpu.dma_semaphore, #tpu.memory_space<semaphore_mem>>)
      %mul3A_1253 = arith.constant 400 : i32
      %mul3A_1254 = arith.muli %add3A_857, %mul3A_1253 : i32
      %add3A_1255 = arith.addi %mul3A_0, %mul3A_1254 : i32
      %run_scoped3A_1256 = arith.constant 1 : i32
      "tpu.region"() ({
        %run_scoped3A_1326 = tpu.sem_alloc : memref<!tpu.dma_semaphore, #tpu.memory_space<semaphore_mem>>
        %dma_start3A_1327 = arith.constant 0 : i32
        %dma_start3A_1328 = tpu.memref_slice %arg12[%run_scoped3A_1256, %dma_start3A_1327] : memref<2x400xi32, #tpu.memory_space<vmem>> -> memref<1x400xi32, #tpu.memory_space<vmem>>
        %dma_start3A_1329 = tpu.memref_squeeze %dma_start3A_1328 : memref<1x400xi32, #tpu.memory_space<vmem>> -> memref<400xi32, #tpu.memory_space<vmem>>
        %dma_start3A_1330 = tpu.memref_slice %arg5[%add3A_1255] : memref<320000xi32, #tpu.memory_space<hbm>> -> memref<400xi32, #tpu.memory_space<hbm>>
        %dma_start3A_1331 = arith.constant 0 : i32
        %dma_start3A_1332 = tpu.memref_slice %arg12[%run_scoped3A_1256, %dma_start3A_1331] : memref<2x400xi32, #tpu.memory_space<vmem>> -> memref<1x400xi32, #tpu.memory_space<vmem>>
        %dma_start3A_1333 = tpu.memref_squeeze %dma_start3A_1332 : memref<1x400xi32, #tpu.memory_space<vmem>> -> memref<400xi32, #tpu.memory_space<vmem>>
        %dma_start3A_1334 = tpu.memref_slice %arg5[%add3A_1255] : memref<320000xi32, #tpu.memory_space<hbm>> -> memref<400xi32, #tpu.memory_space<hbm>>
        tpu.enqueue_dma source(%dma_start3A_1334 : memref<400xi32, #tpu.memory_space<hbm>>) target(%dma_start3A_1333 : memref<400xi32, #tpu.memory_space<vmem>>) target_semaphore(%run_scoped3A_1326 : memref<!tpu.dma_semaphore, #tpu.memory_space<semaphore_mem>>)
        %dma_wait3A_1335 = arith.constant 0 : i32
        %dma_wait3A_1336 = tpu.memref_slice %arg12[%run_scoped3A_1256, %dma_wait3A_1335] : memref<2x400xi32, #tpu.memory_space<vmem>> -> memref<1x400xi32, #tpu.memory_space<vmem>>
        %dma_wait3A_1337 = tpu.memref_squeeze %dma_wait3A_1336 : memref<1x400xi32, #tpu.memory_space<vmem>> -> memref<400xi32, #tpu.memory_space<vmem>>
        %dma_wait3A_1338 = tpu.memref_slice %arg5[%add3A_1255] : memref<320000xi32, #tpu.memory_space<hbm>> -> memref<400xi32, #tpu.memory_space<hbm>>
        %dma_wait3A_1339 = arith.constant 0 : i32
        %dma_wait3A_1340 = tpu.memref_slice %arg12[%run_scoped3A_1256, %dma_wait3A_1339] : memref<2x400xi32, #tpu.memory_space<vmem>> -> memref<1x400xi32, #tpu.memory_space<vmem>>
        %dma_wait3A_1341 = tpu.memref_squeeze %dma_wait3A_1340 : memref<1x400xi32, #tpu.memory_space<vmem>> -> memref<400xi32, #tpu.memory_space<vmem>>
        %dma_wait3A_1342 = tpu.memref_slice %arg5[%add3A_1255] : memref<320000xi32, #tpu.memory_space<hbm>> -> memref<400xi32, #tpu.memory_space<hbm>>
        tpu.wait_dma2 semaphore(%run_scoped3A_1326 : memref<!tpu.dma_semaphore, #tpu.memory_space<semaphore_mem>>) src(%dma_wait3A_1342 : memref<400xi32, #tpu.memory_space<hbm>>) dst(%dma_wait3A_1341 : memref<400xi32, #tpu.memory_space<vmem>>)
        tpu.yield
      }) : () -> ()
      %dma_wait3A_1257 = arith.constant 0 : i32
      %dma_wait3A_1258 = arith.constant 0 : i32
      %dma_wait3A_1259 = arith.constant 0 : i32
      %dma_wait3A_1260 = arith.constant 0 : i32
      %dma_wait3A_1261 = tpu.memref_slice %arg8[%dma_wait3A_1258, %dma_wait3A_1259, %dma_wait3A_1260] : memref<2x400x64xf32, #tpu.memory_space<vmem>> -> memref<1x400x64xf32, #tpu.memory_space<vmem>>
      %dma_wait3A_1262 = tpu.memref_squeeze %dma_wait3A_1261 : memref<1x400x64xf32, #tpu.memory_space<vmem>> -> memref<400x64xf32, #tpu.memory_space<vmem>>
      %dma_wait3A_1263 = arith.constant 0 : i32
      %dma_wait3A_1264 = tpu.memref_slice %arg11[%dma_wait3A_1257, %dma_wait3A_1263] : memref<2x400xi32, #tpu.memory_space<vmem>> -> memref<1x400xi32, #tpu.memory_space<vmem>>
      %dma_wait3A_1265 = tpu.memref_squeeze %dma_wait3A_1264 : memref<1x400xi32, #tpu.memory_space<vmem>> -> memref<400xi32, #tpu.memory_space<vmem>>
      %dma_wait3A_1266 = arith.constant 0 : i32
      %dma_wait3A_1267 = arith.constant 0 : i32
      %dma_wait3A_1268 = tpu.memref_slice %arg2[%dma_wait3A_1266, %dma_wait3A_1267] : memref<40000x64xf32, #tpu.memory_space<hbm>> -> memref<40000x64xf32, #tpu.memory_space<hbm>>
      tpu.wait_indirect_dma semaphore(%arg14 : memref<!tpu.dma_semaphore, #tpu.memory_space<semaphore_mem>>) src(%dma_wait3A_1268 : memref<40000x64xf32, #tpu.memory_space<hbm>>) dst(%dma_wait3A_1262 : memref<400x64xf32, #tpu.memory_space<vmem>>)
      %gt3A_1269 = arith.constant 0 : i32
      %gt3A_1270 = arith.cmpi sgt, %scan3A_851, %gt3A_1269 : i32
      %convert_element_type3A_1271 = arith.extui %gt3A_1270 : i1 to i32
      %cond3A_1272 = arith.constant 0 : i32
      %cond3A_1273 = arith.cmpi ne, %convert_element_type3A_1271, %cond3A_1272 : i32
      scf.if %cond3A_1273 {
        %mul3A_1326 = arith.constant 400 : i32
        %mul3A_1327 = arith.muli %mul3A_853, %mul3A_1326 : i32
        %add3A_1328 = arith.addi %mul3A_0, %mul3A_1327 : i32
        %run_scoped3A_1329 = arith.constant 0 : i32
        "tpu.region"() ({
          %run_scoped3A_1330 = tpu.sem_alloc : memref<!tpu.dma_semaphore, #tpu.memory_space<semaphore_mem>>
          %dma_start3A_1331 = arith.constant 0 : i32
          %dma_start3A_1332 = tpu.memref_slice %arg12[%run_scoped3A_1329, %dma_start3A_1331] : memref<2x400xi32, #tpu.memory_space<vmem>> -> memref<1x400xi32, #tpu.memory_space<vmem>>
          %dma_start3A_1333 = tpu.memref_squeeze %dma_start3A_1332 : memref<1x400xi32, #tpu.memory_space<vmem>> -> memref<400xi32, #tpu.memory_space<vmem>>
          %dma_start3A_1334 = tpu.memref_slice %arg5[%add3A_1328] : memref<320000xi32, #tpu.memory_space<hbm>> -> memref<400xi32, #tpu.memory_space<hbm>>
          %dma_start3A_1335 = arith.constant 0 : i32
          %dma_start3A_1336 = tpu.memref_slice %arg12[%run_scoped3A_1329, %dma_start3A_1335] : memref<2x400xi32, #tpu.memory_space<vmem>> -> memref<1x400xi32, #tpu.memory_space<vmem>>
          %dma_start3A_1337 = tpu.memref_squeeze %dma_start3A_1336 : memref<1x400xi32, #tpu.memory_space<vmem>> -> memref<400xi32, #tpu.memory_space<vmem>>
          %dma_start3A_1338 = tpu.memref_slice %arg5[%add3A_1328] : memref<320000xi32, #tpu.memory_space<hbm>> -> memref<400xi32, #tpu.memory_space<hbm>>
          tpu.enqueue_dma source(%dma_start3A_1338 : memref<400xi32, #tpu.memory_space<hbm>>) target(%dma_start3A_1337 : memref<400xi32, #tpu.memory_space<vmem>>) target_semaphore(%run_scoped3A_1330 : memref<!tpu.dma_semaphore, #tpu.memory_space<semaphore_mem>>)
          %dma_wait3A_1339 = arith.constant 0 : i32
          %dma_wait3A_1340 = tpu.memref_slice %arg12[%run_scoped3A_1329, %dma_wait3A_1339] : memref<2x400xi32, #tpu.memory_space<vmem>> -> memref<1x400xi32, #tpu.memory_space<vmem>>
          %dma_wait3A_1341 = tpu.memref_squeeze %dma_wait3A_1340 : memref<1x400xi32, #tpu.memory_space<vmem>> -> memref<400xi32, #tpu.memory_space<vmem>>
          %dma_wait3A_1342 = tpu.memref_slice %arg5[%add3A_1328] : memref<320000xi32, #tpu.memory_space<hbm>> -> memref<400xi32, #tpu.memory_space<hbm>>
          %dma_wait3A_1343 = arith.constant 0 : i32
          %dma_wait3A_1344 = tpu.memref_slice %arg12[%run_scoped3A_1329, %dma_wait3A_1343] : memref<2x400xi32, #tpu.memory_space<vmem>> -> memref<1x400xi32, #tpu.memory_space<vmem>>
          %dma_wait3A_1345 = tpu.memref_squeeze %dma_wait3A_1344 : memref<1x400xi32, #tpu.memory_space<vmem>> -> memref<400xi32, #tpu.memory_space<vmem>>
          %dma_wait3A_1346 = tpu.memref_slice %arg5[%add3A_1328] : memref<320000xi32, #tpu.memory_space<hbm>> -> memref<400xi32, #tpu.memory_space<hbm>>
          tpu.wait_dma2 semaphore(%run_scoped3A_1330 : memref<!tpu.dma_semaphore, #tpu.memory_space<semaphore_mem>>) src(%dma_wait3A_1346 : memref<400xi32, #tpu.memory_space<hbm>>) dst(%dma_wait3A_1345 : memref<400xi32, #tpu.memory_space<vmem>>)
          tpu.yield
        }) : () -> ()
      } else {
      }
      %dma_start3A_1274 = arith.constant 0 : i32
      %dma_start3A_1275 = arith.constant 0 : i32
      %dma_start3A_1276 = arith.constant 0 : i32
      %dma_start3A_1277 = arith.constant 0 : i32
      %dma_start3A_1278 = tpu.memref_slice %arg8[%dma_start3A_1274, %dma_start3A_1276, %dma_start3A_1277] : memref<2x400x64xf32, #tpu.memory_space<vmem>> -> memref<1x400x64xf32, #tpu.memory_space<vmem>>
      %dma_start3A_1279 = tpu.memref_squeeze %dma_start3A_1278 : memref<1x400x64xf32, #tpu.memory_space<vmem>> -> memref<400x64xf32, #tpu.memory_space<vmem>>
      %dma_start3A_1280 = arith.constant 0 : i32
      %dma_start3A_1281 = tpu.memref_slice %arg12[%dma_start3A_1275, %dma_start3A_1280] : memref<2x400xi32, #tpu.memory_space<vmem>> -> memref<1x400xi32, #tpu.memory_space<vmem>>
      %dma_start3A_1282 = tpu.memref_squeeze %dma_start3A_1281 : memref<1x400xi32, #tpu.memory_space<vmem>> -> memref<400xi32, #tpu.memory_space<vmem>>
      %dma_start3A_1283 = arith.constant 0 : i32
      %dma_start3A_1284 = arith.constant 0 : i32
      %dma_start3A_1285 = tpu.memref_slice %arg13[%dma_start3A_1283, %dma_start3A_1284] : memref<10000x64xf32, #tpu.memory_space<vmem_shared>> -> memref<10000x64xf32, #tpu.memory_space<vmem_shared>>
      tpu.enqueue_indirect_dma source(%dma_start3A_1279 : memref<400x64xf32, #tpu.memory_space<vmem>>) target(%dma_start3A_1285 : memref<10000x64xf32, #tpu.memory_space<vmem_shared>>) offsets(%dma_start3A_1282 : memref<400xi32, #tpu.memory_space<vmem>>) semaphore(%arg16 : memref<!tpu.dma_semaphore, #tpu.memory_space<semaphore_mem>>) {add = true}
      %dma_wait3A_1286 = arith.constant 0 : i32
      %dma_wait3A_1287 = arith.constant 0 : i32
      %dma_wait3A_1288 = arith.constant 0 : i32
      %dma_wait3A_1289 = arith.constant 0 : i32
      %dma_wait3A_1290 = tpu.memref_slice %arg8[%dma_wait3A_1286, %dma_wait3A_1288, %dma_wait3A_1289] : memref<2x400x64xf32, #tpu.memory_space<vmem>> -> memref<1x400x64xf32, #tpu.memory_space<vmem>>
      %dma_wait3A_1291 = tpu.memref_squeeze %dma_wait3A_1290 : memref<1x400x64xf32, #tpu.memory_space<vmem>> -> memref<400x64xf32, #tpu.memory_space<vmem>>
      %dma_wait3A_1292 = arith.constant 0 : i32
      %dma_wait3A_1293 = tpu.memref_slice %arg12[%dma_wait3A_1287, %dma_wait3A_1292] : memref<2x400xi32, #tpu.memory_space<vmem>> -> memref<1x400xi32, #tpu.memory_space<vmem>>
      %dma_wait3A_1294 = tpu.memref_squeeze %dma_wait3A_1293 : memref<1x400xi32, #tpu.memory_space<vmem>> -> memref<400xi32, #tpu.memory_space<vmem>>
      %dma_wait3A_1295 = arith.constant 0 : i32
      %dma_wait3A_1296 = arith.constant 0 : i32
      %dma_wait3A_1297 = tpu.memref_slice %arg13[%dma_wait3A_1295, %dma_wait3A_1296] : memref<10000x64xf32, #tpu.memory_space<vmem_shared>> -> memref<10000x64xf32, #tpu.memory_space<vmem_shared>>
      tpu.wait_indirect_dma semaphore(%arg16 : memref<!tpu.dma_semaphore, #tpu.memory_space<semaphore_mem>>) src(%dma_wait3A_1291 : memref<400x64xf32, #tpu.memory_space<vmem>>) dst(%dma_wait3A_1297 : memref<10000x64xf32, #tpu.memory_space<vmem_shared>>)
      %lt3A = arith.constant 24 : i32
      %lt3A_1298 = arith.cmpi slt, %scan3A_851, %lt3A : i32
      %convert_element_type3A_1299 = arith.extui %lt3A_1298 : i1 to i32
      %cond3A_1300 = arith.constant 0 : i32
      %cond3A_1301 = arith.cmpi ne, %convert_element_type3A_1299, %cond3A_1300 : i32
      scf.if %cond3A_1301 {
        %add3A_1326 = arith.constant 2 : i32
        %add3A_1327 = arith.addi %mul3A_853, %add3A_1326 : i32
        %mul3A_1328 = arith.constant 400 : i32
        %mul3A_1329 = arith.muli %add3A_1327, %mul3A_1328 : i32
        %add3A_1330 = arith.addi %mul3A_0, %mul3A_1329 : i32
        %run_scoped3A_1331 = arith.constant 0 : i32
        "tpu.region"() ({
          %run_scoped3A_1721 = tpu.sem_alloc : memref<!tpu.dma_semaphore, #tpu.memory_space<semaphore_mem>>
          %dma_start3A_1722 = arith.constant 0 : i32
          %dma_start3A_1723 = tpu.memref_slice %arg11[%run_scoped3A_1331, %dma_start3A_1722] : memref<2x400xi32, #tpu.memory_space<vmem>> -> memref<1x400xi32, #tpu.memory_space<vmem>>
          %dma_start3A_1724 = tpu.memref_squeeze %dma_start3A_1723 : memref<1x400xi32, #tpu.memory_space<vmem>> -> memref<400xi32, #tpu.memory_space<vmem>>
          %dma_start3A_1725 = tpu.memref_slice %arg4[%add3A_1330] : memref<320000xi32, #tpu.memory_space<hbm>> -> memref<400xi32, #tpu.memory_space<hbm>>
          %dma_start3A_1726 = arith.constant 0 : i32
          %dma_start3A_1727 = tpu.memref_slice %arg11[%run_scoped3A_1331, %dma_start3A_1726] : memref<2x400xi32, #tpu.memory_space<vmem>> -> memref<1x400xi32, #tpu.memory_space<vmem>>
          %dma_start3A_1728 = tpu.memref_squeeze %dma_start3A_1727 : memref<1x400xi32, #tpu.memory_space<vmem>> -> memref<400xi32, #tpu.memory_space<vmem>>
          %dma_start3A_1729 = tpu.memref_slice %arg4[%add3A_1330] : memref<320000xi32, #tpu.memory_space<hbm>> -> memref<400xi32, #tpu.memory_space<hbm>>
          tpu.enqueue_dma source(%dma_start3A_1729 : memref<400xi32, #tpu.memory_space<hbm>>) target(%dma_start3A_1728 : memref<400xi32, #tpu.memory_space<vmem>>) target_semaphore(%run_scoped3A_1721 : memref<!tpu.dma_semaphore, #tpu.memory_space<semaphore_mem>>)
          %dma_wait3A_1730 = arith.constant 0 : i32
          %dma_wait3A_1731 = tpu.memref_slice %arg11[%run_scoped3A_1331, %dma_wait3A_1730] : memref<2x400xi32, #tpu.memory_space<vmem>> -> memref<1x400xi32, #tpu.memory_space<vmem>>
          %dma_wait3A_1732 = tpu.memref_squeeze %dma_wait3A_1731 : memref<1x400xi32, #tpu.memory_space<vmem>> -> memref<400xi32, #tpu.memory_space<vmem>>
          %dma_wait3A_1733 = tpu.memref_slice %arg4[%add3A_1330] : memref<320000xi32, #tpu.memory_space<hbm>> -> memref<400xi32, #tpu.memory_space<hbm>>
          %dma_wait3A_1734 = arith.constant 0 : i32
          %dma_wait3A_1735 = tpu.memref_slice %arg11[%run_scoped3A_1331, %dma_wait3A_1734] : memref<2x400xi32, #tpu.memory_space<vmem>> -> memref<1x400xi32, #tpu.memory_space<vmem>>
          %dma_wait3A_1736 = tpu.memref_squeeze %dma_wait3A_1735 : memref<1x400xi32, #tpu.memory_space<vmem>> -> memref<400xi32, #tpu.memory_space<vmem>>
          %dma_wait3A_1737 = tpu.memref_slice %arg4[%add3A_1330] : memref<320000xi32, #tpu.memory_space<hbm>> -> memref<400xi32, #tpu.memory_space<hbm>>
          tpu.wait_dma2 semaphore(%run_scoped3A_1721 : memref<!tpu.dma_semaphore, #tpu.memory_space<semaphore_mem>>) src(%dma_wait3A_1737 : memref<400xi32, #tpu.memory_space<hbm>>) dst(%dma_wait3A_1736 : memref<400xi32, #tpu.memory_space<vmem>>)
          tpu.yield
        }) : () -> ()
        %scan3A_1332 = arith.constant 0 : i32
        %scan3A_1333 = arith.constant 0 : i32
        %mul3A_1334 = arith.constant 16 : i32
        %mul3A_1335 = arith.muli %scan3A_1333, %mul3A_1334 : i32
        %get3A_1336 = arith.constant 0 : i32
        %get3A_1337 = arith.index_cast %get3A_1336 : i32 to index
        %get3A_1338 = arith.index_cast %mul3A_1335 : i32 to index
        %get3A_1339 = tpu.vector_load %arg11[%get3A_1337, %get3A_1338] {strides = array<i32>} : memref<2x400xi32, #tpu.memory_space<vmem>>, vector<16xi32>,
        %add3A_1340 = vector.broadcast %mul3A_7 : i32 to vector<16xi32>
        %add3A_1341 = arith.addi %get3A_1339, %add3A_1340 : vector<16xi32>
        %mul3A_1342 = arith.constant 16 : i32
        %mul3A_1343 = arith.muli %scan3A_1333, %mul3A_1342 : i32
        %swap3A_1344 = arith.constant 0 : i32
        %swap3A_1345 = arith.index_cast %swap3A_1344 : i32 to index
        %swap3A_1346 = arith.index_cast %mul3A_1343 : i32 to index
        %swap3A_1347 = tpu.vector_load %arg11[%swap3A_1345, %swap3A_1346] {strides = array<i32>} : memref<2x400xi32, #tpu.memory_space<vmem>>, vector<16xi32>,
        tpu.vector_store %arg11[%swap3A_1345, %swap3A_1346], %add3A_1341 {strides = array<i32>} : memref<2x400xi32, #tpu.memory_space<vmem>>, vector<16xi32>,
        %scan3A_1348 = arith.constant 1 : i32
        %mul3A_1349 = arith.constant 16 : i32
        %mul3A_1350 = arith.muli %scan3A_1348, %mul3A_1349 : i32
        %get3A_1351 = arith.constant 0 : i32
        %get3A_1352 = arith.index_cast %get3A_1351 : i32 to index
        %get3A_1353 = arith.index_cast %mul3A_1350 : i32 to index
        %get3A_1354 = tpu.vector_load %arg11[%get3A_1352, %get3A_1353] {strides = array<i32>} : memref<2x400xi32, #tpu.memory_space<vmem>>, vector<16xi32>,
        %add3A_1355 = vector.broadcast %mul3A_7 : i32 to vector<16xi32>
        %add3A_1356 = arith.addi %get3A_1354, %add3A_1355 : vector<16xi32>
        %mul3A_1357 = arith.constant 16 : i32
        %mul3A_1358 = arith.muli %scan3A_1348, %mul3A_1357 : i32
        %swap3A_1359 = arith.constant 0 : i32
        %swap3A_1360 = arith.index_cast %swap3A_1359 : i32 to index
        %swap3A_1361 = arith.index_cast %mul3A_1358 : i32 to index
        %swap3A_1362 = tpu.vector_load %arg11[%swap3A_1360, %swap3A_1361] {strides = array<i32>} : memref<2x400xi32, #tpu.memory_space<vmem>>, vector<16xi32>,
        tpu.vector_store %arg11[%swap3A_1360, %swap3A_1361], %add3A_1356 {strides = array<i32>} : memref<2x400xi32, #tpu.memory_space<vmem>>, vector<16xi32>,
        %scan3A_1363 = arith.constant 2 : i32
        %mul3A_1364 = arith.constant 16 : i32
        %mul3A_1365 = arith.muli %scan3A_1363, %mul3A_1364 : i32
        %get3A_1366 = arith.constant 0 : i32
        %get3A_1367 = arith.index_cast %get3A_1366 : i32 to index
        %get3A_1368 = arith.index_cast %mul3A_1365 : i32 to index
        %get3A_1369 = tpu.vector_load %arg11[%get3A_1367, %get3A_1368] {strides = array<i32>} : memref<2x400xi32, #tpu.memory_space<vmem>>, vector<16xi32>,
        %add3A_1370 = vector.broadcast %mul3A_7 : i32 to vector<16xi32>
        %add3A_1371 = arith.addi %get3A_1369, %add3A_1370 : vector<16xi32>
        %mul3A_1372 = arith.constant 16 : i32
        %mul3A_1373 = arith.muli %scan3A_1363, %mul3A_1372 : i32
        %swap3A_1374 = arith.constant 0 : i32
        %swap3A_1375 = arith.index_cast %swap3A_1374 : i32 to index
        %swap3A_1376 = arith.index_cast %mul3A_1373 : i32 to index
        %swap3A_1377 = tpu.vector_load %arg11[%swap3A_1375, %swap3A_1376] {strides = array<i32>} : memref<2x400xi32, #tpu.memory_space<vmem>>, vector<16xi32>,
        tpu.vector_store %arg11[%swap3A_1375, %swap3A_1376], %add3A_1371 {strides = array<i32>} : memref<2x400xi32, #tpu.memory_space<vmem>>, vector<16xi32>,
        %scan3A_1378 = arith.constant 3 : i32
        %mul3A_1379 = arith.constant 16 : i32
        %mul3A_1380 = arith.muli %scan3A_1378, %mul3A_1379 : i32
        %get3A_1381 = arith.constant 0 : i32
        %get3A_1382 = arith.index_cast %get3A_1381 : i32 to index
        %get3A_1383 = arith.index_cast %mul3A_1380 : i32 to index
        %get3A_1384 = tpu.vector_load %arg11[%get3A_1382, %get3A_1383] {strides = array<i32>} : memref<2x400xi32, #tpu.memory_space<vmem>>, vector<16xi32>,
        %add3A_1385 = vector.broadcast %mul3A_7 : i32 to vector<16xi32>
        %add3A_1386 = arith.addi %get3A_1384, %add3A_1385 : vector<16xi32>
        %mul3A_1387 = arith.constant 16 : i32
        %mul3A_1388 = arith.muli %scan3A_1378, %mul3A_1387 : i32
        %swap3A_1389 = arith.constant 0 : i32
        %swap3A_1390 = arith.index_cast %swap3A_1389 : i32 to index
        %swap3A_1391 = arith.index_cast %mul3A_1388 : i32 to index
        %swap3A_1392 = tpu.vector_load %arg11[%swap3A_1390, %swap3A_1391] {strides = array<i32>} : memref<2x400xi32, #tpu.memory_space<vmem>>, vector<16xi32>,
        tpu.vector_store %arg11[%swap3A_1390, %swap3A_1391], %add3A_1386 {strides = array<i32>} : memref<2x400xi32, #tpu.memory_space<vmem>>, vector<16xi32>,
        %scan3A_1393 = arith.constant 4 : i32
        %mul3A_1394 = arith.constant 16 : i32
        %mul3A_1395 = arith.muli %scan3A_1393, %mul3A_1394 : i32
        %get3A_1396 = arith.constant 0 : i32
        %get3A_1397 = arith.index_cast %get3A_1396 : i32 to index
        %get3A_1398 = arith.index_cast %mul3A_1395 : i32 to index
        %get3A_1399 = tpu.vector_load %arg11[%get3A_1397, %get3A_1398] {strides = array<i32>} : memref<2x400xi32, #tpu.memory_space<vmem>>, vector<16xi32>,
        %add3A_1400 = vector.broadcast %mul3A_7 : i32 to vector<16xi32>
        %add3A_1401 = arith.addi %get3A_1399, %add3A_1400 : vector<16xi32>
        %mul3A_1402 = arith.constant 16 : i32
        %mul3A_1403 = arith.muli %scan3A_1393, %mul3A_1402 : i32
        %swap3A_1404 = arith.constant 0 : i32
        %swap3A_1405 = arith.index_cast %swap3A_1404 : i32 to index
        %swap3A_1406 = arith.index_cast %mul3A_1403 : i32 to index
        %swap3A_1407 = tpu.vector_load %arg11[%swap3A_1405, %swap3A_1406] {strides = array<i32>} : memref<2x400xi32, #tpu.memory_space<vmem>>, vector<16xi32>,
        tpu.vector_store %arg11[%swap3A_1405, %swap3A_1406], %add3A_1401 {strides = array<i32>} : memref<2x400xi32, #tpu.memory_space<vmem>>, vector<16xi32>,
        %scan3A_1408 = arith.constant 5 : i32
        %mul3A_1409 = arith.constant 16 : i32
        %mul3A_1410 = arith.muli %scan3A_1408, %mul3A_1409 : i32
        %get3A_1411 = arith.constant 0 : i32
        %get3A_1412 = arith.index_cast %get3A_1411 : i32 to index
        %get3A_1413 = arith.index_cast %mul3A_1410 : i32 to index
        %get3A_1414 = tpu.vector_load %arg11[%get3A_1412, %get3A_1413] {strides = array<i32>} : memref<2x400xi32, #tpu.memory_space<vmem>>, vector<16xi32>,
        %add3A_1415 = vector.broadcast %mul3A_7 : i32 to vector<16xi32>
        %add3A_1416 = arith.addi %get3A_1414, %add3A_1415 : vector<16xi32>
        %mul3A_1417 = arith.constant 16 : i32
        %mul3A_1418 = arith.muli %scan3A_1408, %mul3A_1417 : i32
        %swap3A_1419 = arith.constant 0 : i32
        %swap3A_1420 = arith.index_cast %swap3A_1419 : i32 to index
        %swap3A_1421 = arith.index_cast %mul3A_1418 : i32 to index
        %swap3A_1422 = tpu.vector_load %arg11[%swap3A_1420, %swap3A_1421] {strides = array<i32>} : memref<2x400xi32, #tpu.memory_space<vmem>>, vector<16xi32>,
        tpu.vector_store %arg11[%swap3A_1420, %swap3A_1421], %add3A_1416 {strides = array<i32>} : memref<2x400xi32, #tpu.memory_space<vmem>>, vector<16xi32>,
        %scan3A_1423 = arith.constant 6 : i32
        %mul3A_1424 = arith.constant 16 : i32
        %mul3A_1425 = arith.muli %scan3A_1423, %mul3A_1424 : i32
        %get3A_1426 = arith.constant 0 : i32
        %get3A_1427 = arith.index_cast %get3A_1426 : i32 to index
        %get3A_1428 = arith.index_cast %mul3A_1425 : i32 to index
        %get3A_1429 = tpu.vector_load %arg11[%get3A_1427, %get3A_1428] {strides = array<i32>} : memref<2x400xi32, #tpu.memory_space<vmem>>, vector<16xi32>,
        %add3A_1430 = vector.broadcast %mul3A_7 : i32 to vector<16xi32>
        %add3A_1431 = arith.addi %get3A_1429, %add3A_1430 : vector<16xi32>
        %mul3A_1432 = arith.constant 16 : i32
        %mul3A_1433 = arith.muli %scan3A_1423, %mul3A_1432 : i32
        %swap3A_1434 = arith.constant 0 : i32
        %swap3A_1435 = arith.index_cast %swap3A_1434 : i32 to index
        %swap3A_1436 = arith.index_cast %mul3A_1433 : i32 to index
        %swap3A_1437 = tpu.vector_load %arg11[%swap3A_1435, %swap3A_1436] {strides = array<i32>} : memref<2x400xi32, #tpu.memory_space<vmem>>, vector<16xi32>,
        tpu.vector_store %arg11[%swap3A_1435, %swap3A_1436], %add3A_1431 {strides = array<i32>} : memref<2x400xi32, #tpu.memory_space<vmem>>, vector<16xi32>,
        %scan3A_1438 = arith.constant 7 : i32
        %mul3A_1439 = arith.constant 16 : i32
        %mul3A_1440 = arith.muli %scan3A_1438, %mul3A_1439 : i32
        %get3A_1441 = arith.constant 0 : i32
        %get3A_1442 = arith.index_cast %get3A_1441 : i32 to index
        %get3A_1443 = arith.index_cast %mul3A_1440 : i32 to index
        %get3A_1444 = tpu.vector_load %arg11[%get3A_1442, %get3A_1443] {strides = array<i32>} : memref<2x400xi32, #tpu.memory_space<vmem>>, vector<16xi32>,
        %add3A_1445 = vector.broadcast %mul3A_7 : i32 to vector<16xi32>
        %add3A_1446 = arith.addi %get3A_1444, %add3A_1445 : vector<16xi32>
        %mul3A_1447 = arith.constant 16 : i32
        %mul3A_1448 = arith.muli %scan3A_1438, %mul3A_1447 : i32
        %swap3A_1449 = arith.constant 0 : i32
        %swap3A_1450 = arith.index_cast %swap3A_1449 : i32 to index
        %swap3A_1451 = arith.index_cast %mul3A_1448 : i32 to index
        %swap3A_1452 = tpu.vector_load %arg11[%swap3A_1450, %swap3A_1451] {strides = array<i32>} : memref<2x400xi32, #tpu.memory_space<vmem>>, vector<16xi32>,
        tpu.vector_store %arg11[%swap3A_1450, %swap3A_1451], %add3A_1446 {strides = array<i32>} : memref<2x400xi32, #tpu.memory_space<vmem>>, vector<16xi32>,
        %scan3A_1453 = arith.constant 8 : i32
        %mul3A_1454 = arith.constant 16 : i32
        %mul3A_1455 = arith.muli %scan3A_1453, %mul3A_1454 : i32
        %get3A_1456 = arith.constant 0 : i32
        %get3A_1457 = arith.index_cast %get3A_1456 : i32 to index
        %get3A_1458 = arith.index_cast %mul3A_1455 : i32 to index
        %get3A_1459 = tpu.vector_load %arg11[%get3A_1457, %get3A_1458] {strides = array<i32>} : memref<2x400xi32, #tpu.memory_space<vmem>>, vector<16xi32>,
        %add3A_1460 = vector.broadcast %mul3A_7 : i32 to vector<16xi32>
        %add3A_1461 = arith.addi %get3A_1459, %add3A_1460 : vector<16xi32>
        %mul3A_1462 = arith.constant 16 : i32
        %mul3A_1463 = arith.muli %scan3A_1453, %mul3A_1462 : i32
        %swap3A_1464 = arith.constant 0 : i32
        %swap3A_1465 = arith.index_cast %swap3A_1464 : i32 to index
        %swap3A_1466 = arith.index_cast %mul3A_1463 : i32 to index
        %swap3A_1467 = tpu.vector_load %arg11[%swap3A_1465, %swap3A_1466] {strides = array<i32>} : memref<2x400xi32, #tpu.memory_space<vmem>>, vector<16xi32>,
        tpu.vector_store %arg11[%swap3A_1465, %swap3A_1466], %add3A_1461 {strides = array<i32>} : memref<2x400xi32, #tpu.memory_space<vmem>>, vector<16xi32>,
        %scan3A_1468 = arith.constant 9 : i32
        %mul3A_1469 = arith.constant 16 : i32
        %mul3A_1470 = arith.muli %scan3A_1468, %mul3A_1469 : i32
        %get3A_1471 = arith.constant 0 : i32
        %get3A_1472 = arith.index_cast %get3A_1471 : i32 to index
        %get3A_1473 = arith.index_cast %mul3A_1470 : i32 to index
        %get3A_1474 = tpu.vector_load %arg11[%get3A_1472, %get3A_1473] {strides = array<i32>} : memref<2x400xi32, #tpu.memory_space<vmem>>, vector<16xi32>,
        %add3A_1475 = vector.broadcast %mul3A_7 : i32 to vector<16xi32>
        %add3A_1476 = arith.addi %get3A_1474, %add3A_1475 : vector<16xi32>
        %mul3A_1477 = arith.constant 16 : i32
        %mul3A_1478 = arith.muli %scan3A_1468, %mul3A_1477 : i32
        %swap3A_1479 = arith.constant 0 : i32
        %swap3A_1480 = arith.index_cast %swap3A_1479 : i32 to index
        %swap3A_1481 = arith.index_cast %mul3A_1478 : i32 to index
        %swap3A_1482 = tpu.vector_load %arg11[%swap3A_1480, %swap3A_1481] {strides = array<i32>} : memref<2x400xi32, #tpu.memory_space<vmem>>, vector<16xi32>,
        tpu.vector_store %arg11[%swap3A_1480, %swap3A_1481], %add3A_1476 {strides = array<i32>} : memref<2x400xi32, #tpu.memory_space<vmem>>, vector<16xi32>,
        %scan3A_1483 = arith.constant 10 : i32
        %mul3A_1484 = arith.constant 16 : i32
        %mul3A_1485 = arith.muli %scan3A_1483, %mul3A_1484 : i32
        %get3A_1486 = arith.constant 0 : i32
        %get3A_1487 = arith.index_cast %get3A_1486 : i32 to index
        %get3A_1488 = arith.index_cast %mul3A_1485 : i32 to index
        %get3A_1489 = tpu.vector_load %arg11[%get3A_1487, %get3A_1488] {strides = array<i32>} : memref<2x400xi32, #tpu.memory_space<vmem>>, vector<16xi32>,
        %add3A_1490 = vector.broadcast %mul3A_7 : i32 to vector<16xi32>
        %add3A_1491 = arith.addi %get3A_1489, %add3A_1490 : vector<16xi32>
        %mul3A_1492 = arith.constant 16 : i32
        %mul3A_1493 = arith.muli %scan3A_1483, %mul3A_1492 : i32
        %swap3A_1494 = arith.constant 0 : i32
        %swap3A_1495 = arith.index_cast %swap3A_1494 : i32 to index
        %swap3A_1496 = arith.index_cast %mul3A_1493 : i32 to index
        %swap3A_1497 = tpu.vector_load %arg11[%swap3A_1495, %swap3A_1496] {strides = array<i32>} : memref<2x400xi32, #tpu.memory_space<vmem>>, vector<16xi32>,
        tpu.vector_store %arg11[%swap3A_1495, %swap3A_1496], %add3A_1491 {strides = array<i32>} : memref<2x400xi32, #tpu.memory_space<vmem>>, vector<16xi32>,
        %scan3A_1498 = arith.constant 11 : i32
        %mul3A_1499 = arith.constant 16 : i32
        %mul3A_1500 = arith.muli %scan3A_1498, %mul3A_1499 : i32
        %get3A_1501 = arith.constant 0 : i32
        %get3A_1502 = arith.index_cast %get3A_1501 : i32 to index
        %get3A_1503 = arith.index_cast %mul3A_1500 : i32 to index
        %get3A_1504 = tpu.vector_load %arg11[%get3A_1502, %get3A_1503] {strides = array<i32>} : memref<2x400xi32, #tpu.memory_space<vmem>>, vector<16xi32>,
        %add3A_1505 = vector.broadcast %mul3A_7 : i32 to vector<16xi32>
        %add3A_1506 = arith.addi %get3A_1504, %add3A_1505 : vector<16xi32>
        %mul3A_1507 = arith.constant 16 : i32
        %mul3A_1508 = arith.muli %scan3A_1498, %mul3A_1507 : i32
        %swap3A_1509 = arith.constant 0 : i32
        %swap3A_1510 = arith.index_cast %swap3A_1509 : i32 to index
        %swap3A_1511 = arith.index_cast %mul3A_1508 : i32 to index
        %swap3A_1512 = tpu.vector_load %arg11[%swap3A_1510, %swap3A_1511] {strides = array<i32>} : memref<2x400xi32, #tpu.memory_space<vmem>>, vector<16xi32>,
        tpu.vector_store %arg11[%swap3A_1510, %swap3A_1511], %add3A_1506 {strides = array<i32>} : memref<2x400xi32, #tpu.memory_space<vmem>>, vector<16xi32>,
        %scan3A_1513 = arith.constant 12 : i32
        %mul3A_1514 = arith.constant 16 : i32
        %mul3A_1515 = arith.muli %scan3A_1513, %mul3A_1514 : i32
        %get3A_1516 = arith.constant 0 : i32
        %get3A_1517 = arith.index_cast %get3A_1516 : i32 to index
        %get3A_1518 = arith.index_cast %mul3A_1515 : i32 to index
        %get3A_1519 = tpu.vector_load %arg11[%get3A_1517, %get3A_1518] {strides = array<i32>} : memref<2x400xi32, #tpu.memory_space<vmem>>, vector<16xi32>,
        %add3A_1520 = vector.broadcast %mul3A_7 : i32 to vector<16xi32>
        %add3A_1521 = arith.addi %get3A_1519, %add3A_1520 : vector<16xi32>
        %mul3A_1522 = arith.constant 16 : i32
        %mul3A_1523 = arith.muli %scan3A_1513, %mul3A_1522 : i32
        %swap3A_1524 = arith.constant 0 : i32
        %swap3A_1525 = arith.index_cast %swap3A_1524 : i32 to index
        %swap3A_1526 = arith.index_cast %mul3A_1523 : i32 to index
        %swap3A_1527 = tpu.vector_load %arg11[%swap3A_1525, %swap3A_1526] {strides = array<i32>} : memref<2x400xi32, #tpu.memory_space<vmem>>, vector<16xi32>,
        tpu.vector_store %arg11[%swap3A_1525, %swap3A_1526], %add3A_1521 {strides = array<i32>} : memref<2x400xi32, #tpu.memory_space<vmem>>, vector<16xi32>,
        %scan3A_1528 = arith.constant 13 : i32
        %mul3A_1529 = arith.constant 16 : i32
        %mul3A_1530 = arith.muli %scan3A_1528, %mul3A_1529 : i32
        %get3A_1531 = arith.constant 0 : i32
        %get3A_1532 = arith.index_cast %get3A_1531 : i32 to index
        %get3A_1533 = arith.index_cast %mul3A_1530 : i32 to index
        %get3A_1534 = tpu.vector_load %arg11[%get3A_1532, %get3A_1533] {strides = array<i32>} : memref<2x400xi32, #tpu.memory_space<vmem>>, vector<16xi32>,
        %add3A_1535 = vector.broadcast %mul3A_7 : i32 to vector<16xi32>
        %add3A_1536 = arith.addi %get3A_1534, %add3A_1535 : vector<16xi32>
        %mul3A_1537 = arith.constant 16 : i32
        %mul3A_1538 = arith.muli %scan3A_1528, %mul3A_1537 : i32
        %swap3A_1539 = arith.constant 0 : i32
        %swap3A_1540 = arith.index_cast %swap3A_1539 : i32 to index
        %swap3A_1541 = arith.index_cast %mul3A_1538 : i32 to index
        %swap3A_1542 = tpu.vector_load %arg11[%swap3A_1540, %swap3A_1541] {strides = array<i32>} : memref<2x400xi32, #tpu.memory_space<vmem>>, vector<16xi32>,
        tpu.vector_store %arg11[%swap3A_1540, %swap3A_1541], %add3A_1536 {strides = array<i32>} : memref<2x400xi32, #tpu.memory_space<vmem>>, vector<16xi32>,
        %scan3A_1543 = arith.constant 14 : i32
        %mul3A_1544 = arith.constant 16 : i32
        %mul3A_1545 = arith.muli %scan3A_1543, %mul3A_1544 : i32
        %get3A_1546 = arith.constant 0 : i32
        %get3A_1547 = arith.index_cast %get3A_1546 : i32 to index
        %get3A_1548 = arith.index_cast %mul3A_1545 : i32 to index
        %get3A_1549 = tpu.vector_load %arg11[%get3A_1547, %get3A_1548] {strides = array<i32>} : memref<2x400xi32, #tpu.memory_space<vmem>>, vector<16xi32>,
        %add3A_1550 = vector.broadcast %mul3A_7 : i32 to vector<16xi32>
        %add3A_1551 = arith.addi %get3A_1549, %add3A_1550 : vector<16xi32>
        %mul3A_1552 = arith.constant 16 : i32
        %mul3A_1553 = arith.muli %scan3A_1543, %mul3A_1552 : i32
        %swap3A_1554 = arith.constant 0 : i32
        %swap3A_1555 = arith.index_cast %swap3A_1554 : i32 to index
        %swap3A_1556 = arith.index_cast %mul3A_1553 : i32 to index
        %swap3A_1557 = tpu.vector_load %arg11[%swap3A_1555, %swap3A_1556] {strides = array<i32>} : memref<2x400xi32, #tpu.memory_space<vmem>>, vector<16xi32>,
        tpu.vector_store %arg11[%swap3A_1555, %swap3A_1556], %add3A_1551 {strides = array<i32>} : memref<2x400xi32, #tpu.memory_space<vmem>>, vector<16xi32>,
        %scan3A_1558 = arith.constant 15 : i32
        %mul3A_1559 = arith.constant 16 : i32
        %mul3A_1560 = arith.muli %scan3A_1558, %mul3A_1559 : i32
        %get3A_1561 = arith.constant 0 : i32
        %get3A_1562 = arith.index_cast %get3A_1561 : i32 to index
        %get3A_1563 = arith.index_cast %mul3A_1560 : i32 to index
        %get3A_1564 = tpu.vector_load %arg11[%get3A_1562, %get3A_1563] {strides = array<i32>} : memref<2x400xi32, #tpu.memory_space<vmem>>, vector<16xi32>,
        %add3A_1565 = vector.broadcast %mul3A_7 : i32 to vector<16xi32>
        %add3A_1566 = arith.addi %get3A_1564, %add3A_1565 : vector<16xi32>
        %mul3A_1567 = arith.constant 16 : i32
        %mul3A_1568 = arith.muli %scan3A_1558, %mul3A_1567 : i32
        %swap3A_1569 = arith.constant 0 : i32
        %swap3A_1570 = arith.index_cast %swap3A_1569 : i32 to index
        %swap3A_1571 = arith.index_cast %mul3A_1568 : i32 to index
        %swap3A_1572 = tpu.vector_load %arg11[%swap3A_1570, %swap3A_1571] {strides = array<i32>} : memref<2x400xi32, #tpu.memory_space<vmem>>, vector<16xi32>,
        tpu.vector_store %arg11[%swap3A_1570, %swap3A_1571], %add3A_1566 {strides = array<i32>} : memref<2x400xi32, #tpu.memory_space<vmem>>, vector<16xi32>,
        %scan3A_1573 = arith.constant 16 : i32
        %mul3A_1574 = arith.constant 16 : i32
        %mul3A_1575 = arith.muli %scan3A_1573, %mul3A_1574 : i32
        %get3A_1576 = arith.constant 0 : i32
        %get3A_1577 = arith.index_cast %get3A_1576 : i32 to index
        %get3A_1578 = arith.index_cast %mul3A_1575 : i32 to index
        %get3A_1579 = tpu.vector_load %arg11[%get3A_1577, %get3A_1578] {strides = array<i32>} : memref<2x400xi32, #tpu.memory_space<vmem>>, vector<16xi32>,
        %add3A_1580 = vector.broadcast %mul3A_7 : i32 to vector<16xi32>
        %add3A_1581 = arith.addi %get3A_1579, %add3A_1580 : vector<16xi32>
        %mul3A_1582 = arith.constant 16 : i32
        %mul3A_1583 = arith.muli %scan3A_1573, %mul3A_1582 : i32
        %swap3A_1584 = arith.constant 0 : i32
        %swap3A_1585 = arith.index_cast %swap3A_1584 : i32 to index
        %swap3A_1586 = arith.index_cast %mul3A_1583 : i32 to index
        %swap3A_1587 = tpu.vector_load %arg11[%swap3A_1585, %swap3A_1586] {strides = array<i32>} : memref<2x400xi32, #tpu.memory_space<vmem>>, vector<16xi32>,
        tpu.vector_store %arg11[%swap3A_1585, %swap3A_1586], %add3A_1581 {strides = array<i32>} : memref<2x400xi32, #tpu.memory_space<vmem>>, vector<16xi32>,
        %scan3A_1588 = arith.constant 17 : i32
        %mul3A_1589 = arith.constant 16 : i32
        %mul3A_1590 = arith.muli %scan3A_1588, %mul3A_1589 : i32
        %get3A_1591 = arith.constant 0 : i32
        %get3A_1592 = arith.index_cast %get3A_1591 : i32 to index
        %get3A_1593 = arith.index_cast %mul3A_1590 : i32 to index
        %get3A_1594 = tpu.vector_load %arg11[%get3A_1592, %get3A_1593] {strides = array<i32>} : memref<2x400xi32, #tpu.memory_space<vmem>>, vector<16xi32>,
        %add3A_1595 = vector.broadcast %mul3A_7 : i32 to vector<16xi32>
        %add3A_1596 = arith.addi %get3A_1594, %add3A_1595 : vector<16xi32>
        %mul3A_1597 = arith.constant 16 : i32
        %mul3A_1598 = arith.muli %scan3A_1588, %mul3A_1597 : i32
        %swap3A_1599 = arith.constant 0 : i32
        %swap3A_1600 = arith.index_cast %swap3A_1599 : i32 to index
        %swap3A_1601 = arith.index_cast %mul3A_1598 : i32 to index
        %swap3A_1602 = tpu.vector_load %arg11[%swap3A_1600, %swap3A_1601] {strides = array<i32>} : memref<2x400xi32, #tpu.memory_space<vmem>>, vector<16xi32>,
        tpu.vector_store %arg11[%swap3A_1600, %swap3A_1601], %add3A_1596 {strides = array<i32>} : memref<2x400xi32, #tpu.memory_space<vmem>>, vector<16xi32>,
        %scan3A_1603 = arith.constant 18 : i32
        %mul3A_1604 = arith.constant 16 : i32
        %mul3A_1605 = arith.muli %scan3A_1603, %mul3A_1604 : i32
        %get3A_1606 = arith.constant 0 : i32
        %get3A_1607 = arith.index_cast %get3A_1606 : i32 to index
        %get3A_1608 = arith.index_cast %mul3A_1605 : i32 to index
        %get3A_1609 = tpu.vector_load %arg11[%get3A_1607, %get3A_1608] {strides = array<i32>} : memref<2x400xi32, #tpu.memory_space<vmem>>, vector<16xi32>,
        %add3A_1610 = vector.broadcast %mul3A_7 : i32 to vector<16xi32>
        %add3A_1611 = arith.addi %get3A_1609, %add3A_1610 : vector<16xi32>
        %mul3A_1612 = arith.constant 16 : i32
        %mul3A_1613 = arith.muli %scan3A_1603, %mul3A_1612 : i32
        %swap3A_1614 = arith.constant 0 : i32
        %swap3A_1615 = arith.index_cast %swap3A_1614 : i32 to index
        %swap3A_1616 = arith.index_cast %mul3A_1613 : i32 to index
        %swap3A_1617 = tpu.vector_load %arg11[%swap3A_1615, %swap3A_1616] {strides = array<i32>} : memref<2x400xi32, #tpu.memory_space<vmem>>, vector<16xi32>,
        tpu.vector_store %arg11[%swap3A_1615, %swap3A_1616], %add3A_1611 {strides = array<i32>} : memref<2x400xi32, #tpu.memory_space<vmem>>, vector<16xi32>,
        %scan3A_1618 = arith.constant 19 : i32
        %mul3A_1619 = arith.constant 16 : i32
        %mul3A_1620 = arith.muli %scan3A_1618, %mul3A_1619 : i32
        %get3A_1621 = arith.constant 0 : i32
        %get3A_1622 = arith.index_cast %get3A_1621 : i32 to index
        %get3A_1623 = arith.index_cast %mul3A_1620 : i32 to index
        %get3A_1624 = tpu.vector_load %arg11[%get3A_1622, %get3A_1623] {strides = array<i32>} : memref<2x400xi32, #tpu.memory_space<vmem>>, vector<16xi32>,
        %add3A_1625 = vector.broadcast %mul3A_7 : i32 to vector<16xi32>
        %add3A_1626 = arith.addi %get3A_1624, %add3A_1625 : vector<16xi32>
        %mul3A_1627 = arith.constant 16 : i32
        %mul3A_1628 = arith.muli %scan3A_1618, %mul3A_1627 : i32
        %swap3A_1629 = arith.constant 0 : i32
        %swap3A_1630 = arith.index_cast %swap3A_1629 : i32 to index
        %swap3A_1631 = arith.index_cast %mul3A_1628 : i32 to index
        %swap3A_1632 = tpu.vector_load %arg11[%swap3A_1630, %swap3A_1631] {strides = array<i32>} : memref<2x400xi32, #tpu.memory_space<vmem>>, vector<16xi32>,
        tpu.vector_store %arg11[%swap3A_1630, %swap3A_1631], %add3A_1626 {strides = array<i32>} : memref<2x400xi32, #tpu.memory_space<vmem>>, vector<16xi32>,
        %scan3A_1633 = arith.constant 20 : i32
        %mul3A_1634 = arith.constant 16 : i32
        %mul3A_1635 = arith.muli %scan3A_1633, %mul3A_1634 : i32
        %get3A_1636 = arith.constant 0 : i32
        %get3A_1637 = arith.index_cast %get3A_1636 : i32 to index
        %get3A_1638 = arith.index_cast %mul3A_1635 : i32 to index
        %get3A_1639 = tpu.vector_load %arg11[%get3A_1637, %get3A_1638] {strides = array<i32>} : memref<2x400xi32, #tpu.memory_space<vmem>>, vector<16xi32>,
        %add3A_1640 = vector.broadcast %mul3A_7 : i32 to vector<16xi32>
        %add3A_1641 = arith.addi %get3A_1639, %add3A_1640 : vector<16xi32>
        %mul3A_1642 = arith.constant 16 : i32
        %mul3A_1643 = arith.muli %scan3A_1633, %mul3A_1642 : i32
        %swap3A_1644 = arith.constant 0 : i32
        %swap3A_1645 = arith.index_cast %swap3A_1644 : i32 to index
        %swap3A_1646 = arith.index_cast %mul3A_1643 : i32 to index
        %swap3A_1647 = tpu.vector_load %arg11[%swap3A_1645, %swap3A_1646] {strides = array<i32>} : memref<2x400xi32, #tpu.memory_space<vmem>>, vector<16xi32>,
        tpu.vector_store %arg11[%swap3A_1645, %swap3A_1646], %add3A_1641 {strides = array<i32>} : memref<2x400xi32, #tpu.memory_space<vmem>>, vector<16xi32>,
        %scan3A_1648 = arith.constant 21 : i32
        %mul3A_1649 = arith.constant 16 : i32
        %mul3A_1650 = arith.muli %scan3A_1648, %mul3A_1649 : i32
        %get3A_1651 = arith.constant 0 : i32
        %get3A_1652 = arith.index_cast %get3A_1651 : i32 to index
        %get3A_1653 = arith.index_cast %mul3A_1650 : i32 to index
        %get3A_1654 = tpu.vector_load %arg11[%get3A_1652, %get3A_1653] {strides = array<i32>} : memref<2x400xi32, #tpu.memory_space<vmem>>, vector<16xi32>,
        %add3A_1655 = vector.broadcast %mul3A_7 : i32 to vector<16xi32>
        %add3A_1656 = arith.addi %get3A_1654, %add3A_1655 : vector<16xi32>
        %mul3A_1657 = arith.constant 16 : i32
        %mul3A_1658 = arith.muli %scan3A_1648, %mul3A_1657 : i32
        %swap3A_1659 = arith.constant 0 : i32
        %swap3A_1660 = arith.index_cast %swap3A_1659 : i32 to index
        %swap3A_1661 = arith.index_cast %mul3A_1658 : i32 to index
        %swap3A_1662 = tpu.vector_load %arg11[%swap3A_1660, %swap3A_1661] {strides = array<i32>} : memref<2x400xi32, #tpu.memory_space<vmem>>, vector<16xi32>,
        tpu.vector_store %arg11[%swap3A_1660, %swap3A_1661], %add3A_1656 {strides = array<i32>} : memref<2x400xi32, #tpu.memory_space<vmem>>, vector<16xi32>,
        %scan3A_1663 = arith.constant 22 : i32
        %mul3A_1664 = arith.constant 16 : i32
        %mul3A_1665 = arith.muli %scan3A_1663, %mul3A_1664 : i32
        %get3A_1666 = arith.constant 0 : i32
        %get3A_1667 = arith.index_cast %get3A_1666 : i32 to index
        %get3A_1668 = arith.index_cast %mul3A_1665 : i32 to index
        %get3A_1669 = tpu.vector_load %arg11[%get3A_1667, %get3A_1668] {strides = array<i32>} : memref<2x400xi32, #tpu.memory_space<vmem>>, vector<16xi32>,
        %add3A_1670 = vector.broadcast %mul3A_7 : i32 to vector<16xi32>
        %add3A_1671 = arith.addi %get3A_1669, %add3A_1670 : vector<16xi32>
        %mul3A_1672 = arith.constant 16 : i32
        %mul3A_1673 = arith.muli %scan3A_1663, %mul3A_1672 : i32
        %swap3A_1674 = arith.constant 0 : i32
        %swap3A_1675 = arith.index_cast %swap3A_1674 : i32 to index
        %swap3A_1676 = arith.index_cast %mul3A_1673 : i32 to index
        %swap3A_1677 = tpu.vector_load %arg11[%swap3A_1675, %swap3A_1676] {strides = array<i32>} : memref<2x400xi32, #tpu.memory_space<vmem>>, vector<16xi32>,
        tpu.vector_store %arg11[%swap3A_1675, %swap3A_1676], %add3A_1671 {strides = array<i32>} : memref<2x400xi32, #tpu.memory_space<vmem>>, vector<16xi32>,
        %scan3A_1678 = arith.constant 23 : i32
        %mul3A_1679 = arith.constant 16 : i32
        %mul3A_1680 = arith.muli %scan3A_1678, %mul3A_1679 : i32
        %get3A_1681 = arith.constant 0 : i32
        %get3A_1682 = arith.index_cast %get3A_1681 : i32 to index
        %get3A_1683 = arith.index_cast %mul3A_1680 : i32 to index
        %get3A_1684 = tpu.vector_load %arg11[%get3A_1682, %get3A_1683] {strides = array<i32>} : memref<2x400xi32, #tpu.memory_space<vmem>>, vector<16xi32>,
        %add3A_1685 = vector.broadcast %mul3A_7 : i32 to vector<16xi32>
        %add3A_1686 = arith.addi %get3A_1684, %add3A_1685 : vector<16xi32>
        %mul3A_1687 = arith.constant 16 : i32
        %mul3A_1688 = arith.muli %scan3A_1678, %mul3A_1687 : i32
        %swap3A_1689 = arith.constant 0 : i32
        %swap3A_1690 = arith.index_cast %swap3A_1689 : i32 to index
        %swap3A_1691 = arith.index_cast %mul3A_1688 : i32 to index
        %swap3A_1692 = tpu.vector_load %arg11[%swap3A_1690, %swap3A_1691] {strides = array<i32>} : memref<2x400xi32, #tpu.memory_space<vmem>>, vector<16xi32>,
        tpu.vector_store %arg11[%swap3A_1690, %swap3A_1691], %add3A_1686 {strides = array<i32>} : memref<2x400xi32, #tpu.memory_space<vmem>>, vector<16xi32>,
        %scan3A_1693 = arith.constant 24 : i32
        %mul3A_1694 = arith.constant 16 : i32
        %mul3A_1695 = arith.muli %scan3A_1693, %mul3A_1694 : i32
        %get3A_1696 = arith.constant 0 : i32
        %get3A_1697 = arith.index_cast %get3A_1696 : i32 to index
        %get3A_1698 = arith.index_cast %mul3A_1695 : i32 to index
        %get3A_1699 = tpu.vector_load %arg11[%get3A_1697, %get3A_1698] {strides = array<i32>} : memref<2x400xi32, #tpu.memory_space<vmem>>, vector<16xi32>,
        %add3A_1700 = vector.broadcast %mul3A_7 : i32 to vector<16xi32>
        %add3A_1701 = arith.addi %get3A_1699, %add3A_1700 : vector<16xi32>
        %mul3A_1702 = arith.constant 16 : i32
        %mul3A_1703 = arith.muli %scan3A_1693, %mul3A_1702 : i32
        %swap3A_1704 = arith.constant 0 : i32
        %swap3A_1705 = arith.index_cast %swap3A_1704 : i32 to index
        %swap3A_1706 = arith.index_cast %mul3A_1703 : i32 to index
        %swap3A_1707 = tpu.vector_load %arg11[%swap3A_1705, %swap3A_1706] {strides = array<i32>} : memref<2x400xi32, #tpu.memory_space<vmem>>, vector<16xi32>,
        tpu.vector_store %arg11[%swap3A_1705, %swap3A_1706], %add3A_1701 {strides = array<i32>} : memref<2x400xi32, #tpu.memory_space<vmem>>, vector<16xi32>,
        %scan3A_1708 = arith.constant 25 : i32
        %dma_start3A_1709 = arith.constant 0 : i32
        %dma_start3A_1710 = arith.constant 0 : i32
        %dma_start3A_1711 = arith.constant 0 : i32
        %dma_start3A_1712 = arith.constant 0 : i32
        %dma_start3A_1713 = tpu.memref_slice %arg8[%dma_start3A_1710, %dma_start3A_1711, %dma_start3A_1712] : memref<2x400x64xf32, #tpu.memory_space<vmem>> -> memref<1x400x64xf32, #tpu.memory_space<vmem>>
        %dma_start3A_1714 = tpu.memref_squeeze %dma_start3A_1713 : memref<1x400x64xf32, #tpu.memory_space<vmem>> -> memref<400x64xf32, #tpu.memory_space<vmem>>
        %dma_start3A_1715 = arith.constant 0 : i32
        %dma_start3A_1716 = tpu.memref_slice %arg11[%dma_start3A_1709, %dma_start3A_1715] : memref<2x400xi32, #tpu.memory_space<vmem>> -> memref<1x400xi32, #tpu.memory_space<vmem>>
        %dma_start3A_1717 = tpu.memref_squeeze %dma_start3A_1716 : memref<1x400xi32, #tpu.memory_space<vmem>> -> memref<400xi32, #tpu.memory_space<vmem>>
        %dma_start3A_1718 = arith.constant 0 : i32
        %dma_start3A_1719 = arith.constant 0 : i32
        %dma_start3A_1720 = tpu.memref_slice %arg2[%dma_start3A_1718, %dma_start3A_1719] : memref<40000x64xf32, #tpu.memory_space<hbm>> -> memref<40000x64xf32, #tpu.memory_space<hbm>>
        tpu.enqueue_indirect_dma source(%dma_start3A_1720 : memref<40000x64xf32, #tpu.memory_space<hbm>>) target(%dma_start3A_1714 : memref<400x64xf32, #tpu.memory_space<vmem>>) offsets(%dma_start3A_1717 : memref<400xi32, #tpu.memory_space<vmem>>) semaphore(%arg14 : memref<!tpu.dma_semaphore, #tpu.memory_space<semaphore_mem>>)
      } else {
      }
      %dma_wait3A_1302 = arith.constant 1 : i32
      %dma_wait3A_1303 = arith.constant 1 : i32
      %dma_wait3A_1304 = arith.constant 0 : i32
      %dma_wait3A_1305 = arith.constant 0 : i32
      %dma_wait3A_1306 = tpu.memref_slice %arg8[%dma_wait3A_1303, %dma_wait3A_1304, %dma_wait3A_1305] : memref<2x400x64xf32, #tpu.memory_space<vmem>> -> memref<1x400x64xf32, #tpu.memory_space<vmem>>
      %dma_wait3A_1307 = tpu.memref_squeeze %dma_wait3A_1306 : memref<1x400x64xf32, #tpu.memory_space<vmem>> -> memref<400x64xf32, #tpu.memory_space<vmem>>
      %dma_wait3A_1308 = arith.constant 0 : i32
      %dma_wait3A_1309 = tpu.memref_slice %arg11[%dma_wait3A_1302, %dma_wait3A_1308] : memref<2x400xi32, #tpu.memory_space<vmem>> -> memref<1x400xi32, #tpu.memory_space<vmem>>
      %dma_wait3A_1310 = tpu.memref_squeeze %dma_wait3A_1309 : memref<1x400xi32, #tpu.memory_space<vmem>> -> memref<400xi32, #tpu.memory_space<vmem>>
      %dma_wait3A_1311 = arith.constant 0 : i32
      %dma_wait3A_1312 = arith.constant 0 : i32
      %dma_wait3A_1313 = tpu.memref_slice %arg2[%dma_wait3A_1311, %dma_wait3A_1312] : memref<40000x64xf32, #tpu.memory_space<hbm>> -> memref<40000x64xf32, #tpu.memory_space<hbm>>
      tpu.wait_indirect_dma semaphore(%arg15 : memref<!tpu.dma_semaphore, #tpu.memory_space<semaphore_mem>>) src(%dma_wait3A_1313 : memref<40000x64xf32, #tpu.memory_space<hbm>>) dst(%dma_wait3A_1307 : memref<400x64xf32, #tpu.memory_space<vmem>>)
      %dma_start3A_1314 = arith.constant 1 : i32
      %dma_start3A_1315 = arith.constant 1 : i32
      %dma_start3A_1316 = arith.constant 0 : i32
      %dma_start3A_1317 = arith.constant 0 : i32
      %dma_start3A_1318 = tpu.memref_slice %arg8[%dma_start3A_1314, %dma_start3A_1316, %dma_start3A_1317] : memref<2x400x64xf32, #tpu.memory_space<vmem>> -> memref<1x400x64xf32, #tpu.memory_space<vmem>>
      %dma_start3A_1319 = tpu.memref_squeeze %dma_start3A_1318 : memref<1x400x64xf32, #tpu.memory_space<vmem>> -> memref<400x64xf32, #tpu.memory_space<vmem>>
      %dma_start3A_1320 = arith.constant 0 : i32
      %dma_start3A_1321 = tpu.memref_slice %arg12[%dma_start3A_1315, %dma_start3A_1320] : memref<2x400xi32, #tpu.memory_space<vmem>> -> memref<1x400xi32, #tpu.memory_space<vmem>>
      %dma_start3A_1322 = tpu.memref_squeeze %dma_start3A_1321 : memref<1x400xi32, #tpu.memory_space<vmem>> -> memref<400xi32, #tpu.memory_space<vmem>>
      %dma_start3A_1323 = arith.constant 0 : i32
      %dma_start3A_1324 = arith.constant 0 : i32
      %dma_start3A_1325 = tpu.memref_slice %arg13[%dma_start3A_1323, %dma_start3A_1324] : memref<10000x64xf32, #tpu.memory_space<vmem_shared>> -> memref<10000x64xf32, #tpu.memory_space<vmem_shared>>
      tpu.enqueue_indirect_dma source(%dma_start3A_1319 : memref<400x64xf32, #tpu.memory_space<vmem>>) target(%dma_start3A_1325 : memref<10000x64xf32, #tpu.memory_space<vmem_shared>>) offsets(%dma_start3A_1322 : memref<400xi32, #tpu.memory_space<vmem>>) semaphore(%arg17 : memref<!tpu.dma_semaphore, #tpu.memory_space<semaphore_mem>>) {add = true}
    }
    %scan3A_403 = arith.constant 25 : i32
    %dma_wait3A = arith.constant 1 : i32
    %dma_wait3A_404 = arith.constant 1 : i32
    %dma_wait3A_405 = arith.constant 0 : i32
    %dma_wait3A_406 = arith.constant 0 : i32
    %dma_wait3A_407 = tpu.memref_slice %arg8[%dma_wait3A, %dma_wait3A_405, %dma_wait3A_406] : memref<2x400x64xf32, #tpu.memory_space<vmem>> -> memref<1x400x64xf32, #tpu.memory_space<vmem>>
    %dma_wait3A_408 = tpu.memref_squeeze %dma_wait3A_407 : memref<1x400x64xf32, #tpu.memory_space<vmem>> -> memref<400x64xf32, #tpu.memory_space<vmem>>
    %dma_wait3A_409 = arith.constant 0 : i32
    %dma_wait3A_410 = tpu.memref_slice %arg12[%dma_wait3A_404, %dma_wait3A_409] : memref<2x400xi32, #tpu.memory_space<vmem>> -> memref<1x400xi32, #tpu.memory_space<vmem>>
    %dma_wait3A_411 = tpu.memref_squeeze %dma_wait3A_410 : memref<1x400xi32, #tpu.memory_space<vmem>> -> memref<400xi32, #tpu.memory_space<vmem>>
    %dma_wait3A_412 = arith.constant 0 : i32
    %dma_wait3A_413 = arith.constant 0 : i32
    %dma_wait3A_414 = tpu.memref_slice %arg13[%dma_wait3A_412, %dma_wait3A_413] : memref<10000x64xf32, #tpu.memory_space<vmem_shared>> -> memref<10000x64xf32, #tpu.memory_space<vmem_shared>>
    tpu.wait_indirect_dma semaphore(%arg17 : memref<!tpu.dma_semaphore, #tpu.memory_space<semaphore_mem>>) src(%dma_wait3A_408 : memref<400x64xf32, #tpu.memory_space<vmem>>) dst(%dma_wait3A_414 : memref<10000x64xf32, #tpu.memory_space<vmem_shared>>)
    %barrier3A_415 = arith.constant 0 : index
    tpu.barrier barrier_id(%barrier3A_415)
    %scan3A_416 = arith.constant 0 : i32
    %scan3A_417 = arith.constant 0 : i32
    %scan3A_418 = arith.constant 5 : i32
    %scan3A_419 = arith.addi %scan3A_417, %scan3A_418 : i32
    %scan3A_420 = arith.constant 1 : i32
    scf.for %scan3A_851 = %scan3A_417 to %scan3A_419 step %scan3A_420  : i32 {
      %mul3A_852 = arith.constant 625 : i32
      %mul3A_853 = arith.muli %arg1, %mul3A_852 : i32
      %mul3A_854 = arith.constant 125 : i32
      %mul3A_855 = arith.muli %scan3A_851, %mul3A_854 : i32
      %add3A_856 = arith.addi %mul3A_853, %mul3A_855 : i32
      %run_scoped3A_857 = arith.constant 0 : i32
      "tpu.region"() ({
        %run_scoped3A_874 = tpu.sem_alloc : memref<!tpu.dma_semaphore, #tpu.memory_space<semaphore_mem>>
        %dma_start3A_875 = arith.constant 0 : i32
        %dma_start3A_876 = arith.constant 0 : i32
        %dma_start3A_877 = tpu.memref_slice %arg8[%run_scoped3A_857, %dma_start3A_875, %dma_start3A_876] : memref<2x400x64xf32, #tpu.memory_space<vmem>> -> memref<1x125x64xf32, #tpu.memory_space<vmem>>
        %dma_start3A_878 = tpu.memref_squeeze %dma_start3A_877 : memref<1x125x64xf32, #tpu.memory_space<vmem>> -> memref<125x64xf32, #tpu.memory_space<vmem>>
        %dma_start3A_879 = arith.constant 0 : i32
        %dma_start3A_880 = tpu.memref_slice %arg13[%add3A_856, %dma_start3A_879] : memref<10000x64xf32, #tpu.memory_space<vmem_shared>> -> memref<125x64xf32, #tpu.memory_space<vmem_shared>>
        %dma_start3A_881 = arith.constant 0 : i32
        %dma_start3A_882 = arith.constant 0 : i32
        %dma_start3A_883 = tpu.memref_slice %arg8[%run_scoped3A_857, %dma_start3A_881, %dma_start3A_882] : memref<2x400x64xf32, #tpu.memory_space<vmem>> -> memref<1x125x64xf32, #tpu.memory_space<vmem>>
        %dma_start3A_884 = tpu.memref_squeeze %dma_start3A_883 : memref<1x125x64xf32, #tpu.memory_space<vmem>> -> memref<125x64xf32, #tpu.memory_space<vmem>>
        %dma_start3A_885 = arith.constant 0 : i32
        %dma_start3A_886 = tpu.memref_slice %arg13[%add3A_856, %dma_start3A_885] : memref<10000x64xf32, #tpu.memory_space<vmem_shared>> -> memref<125x64xf32, #tpu.memory_space<vmem_shared>>
        tpu.enqueue_dma source(%dma_start3A_886 : memref<125x64xf32, #tpu.memory_space<vmem_shared>>) target(%dma_start3A_884 : memref<125x64xf32, #tpu.memory_space<vmem>>) target_semaphore(%run_scoped3A_874 : memref<!tpu.dma_semaphore, #tpu.memory_space<semaphore_mem>>)
        %dma_wait3A_887 = arith.constant 0 : i32
        %dma_wait3A_888 = arith.constant 0 : i32
        %dma_wait3A_889 = tpu.memref_slice %arg8[%run_scoped3A_857, %dma_wait3A_887, %dma_wait3A_888] : memref<2x400x64xf32, #tpu.memory_space<vmem>> -> memref<1x125x64xf32, #tpu.memory_space<vmem>>
        %dma_wait3A_890 = tpu.memref_squeeze %dma_wait3A_889 : memref<1x125x64xf32, #tpu.memory_space<vmem>> -> memref<125x64xf32, #tpu.memory_space<vmem>>
        %dma_wait3A_891 = arith.constant 0 : i32
        %dma_wait3A_892 = tpu.memref_slice %arg13[%add3A_856, %dma_wait3A_891] : memref<10000x64xf32, #tpu.memory_space<vmem_shared>> -> memref<125x64xf32, #tpu.memory_space<vmem_shared>>
        %dma_wait3A_893 = arith.constant 0 : i32
        %dma_wait3A_894 = arith.constant 0 : i32
        %dma_wait3A_895 = tpu.memref_slice %arg8[%run_scoped3A_857, %dma_wait3A_893, %dma_wait3A_894] : memref<2x400x64xf32, #tpu.memory_space<vmem>> -> memref<1x125x64xf32, #tpu.memory_space<vmem>>
        %dma_wait3A_896 = tpu.memref_squeeze %dma_wait3A_895 : memref<1x125x64xf32, #tpu.memory_space<vmem>> -> memref<125x64xf32, #tpu.memory_space<vmem>>
        %dma_wait3A_897 = arith.constant 0 : i32
        %dma_wait3A_898 = tpu.memref_slice %arg13[%add3A_856, %dma_wait3A_897] : memref<10000x64xf32, #tpu.memory_space<vmem_shared>> -> memref<125x64xf32, #tpu.memory_space<vmem_shared>>
        tpu.wait_dma2 semaphore(%run_scoped3A_874 : memref<!tpu.dma_semaphore, #tpu.memory_space<semaphore_mem>>) src(%dma_wait3A_898 : memref<125x64xf32, #tpu.memory_space<vmem_shared>>) dst(%dma_wait3A_896 : memref<125x64xf32, #tpu.memory_space<vmem>>)
        tpu.yield
      }) : () -> ()
      %mul3A_858 = arith.constant 10000 : i32
      %mul3A_859 = arith.muli %add3A_3, %mul3A_858 : i32
      %add3A_860 = arith.addi %mul3A_859, %add3A_856 : i32
      %mul3A_861 = arith.constant 32 : i32
      %mul3A_862 = arith.muli %add3A_860, %mul3A_861 : i32
      "tpu.region"() ({
        %run_scoped3A_874 = tpu.sem_alloc : memref<!tpu.dma_semaphore, #tpu.memory_space<semaphore_mem>>
        %dma_start3A_875 = tpu.memref_slice %arg3[%mul3A_862] : memref<1280000xf32, #tpu.memory_space<hbm>> -> memref<4000xf32, #tpu.memory_space<hbm>>
        %dma_start3A_876 = tpu.memref_slice %arg3[%mul3A_862] : memref<1280000xf32, #tpu.memory_space<hbm>> -> memref<4000xf32, #tpu.memory_space<hbm>>
        tpu.enqueue_dma source(%dma_start3A_876 : memref<4000xf32, #tpu.memory_space<hbm>>) target(%arg10 : memref<4000xf32, #tpu.memory_space<vmem>>) target_semaphore(%run_scoped3A_874 : memref<!tpu.dma_semaphore, #tpu.memory_space<semaphore_mem>>)
        %dma_wait3A_877 = tpu.memref_slice %arg3[%mul3A_862] : memref<1280000xf32, #tpu.memory_space<hbm>> -> memref<4000xf32, #tpu.memory_space<hbm>>
        %dma_wait3A_878 = tpu.memref_slice %arg3[%mul3A_862] : memref<1280000xf32, #tpu.memory_space<hbm>> -> memref<4000xf32, #tpu.memory_space<hbm>>
        tpu.wait_dma2 semaphore(%run_scoped3A_874 : memref<!tpu.dma_semaphore, #tpu.memory_space<semaphore_mem>>) src(%dma_wait3A_878 : memref<4000xf32, #tpu.memory_space<hbm>>) dst(%arg10 : memref<4000xf32, #tpu.memory_space<vmem>>)
        tpu.yield
      }) : () -> ()
      %scan3A_863 = arith.constant 0 : i32
      %scan3A_864 = arith.constant 0 : i32
      %scan3A_865 = arith.constant 125 : i32
      %scan3A_866 = arith.addi %scan3A_864, %scan3A_865 : i32
      %scan3A_867 = arith.constant 1 : i32
      scf.for %scan3A_874 = %scan3A_864 to %scan3A_866 step %scan3A_867  : i32 {
        %get3A_875 = arith.constant 0 : i32
        %get3A_876 = arith.index_cast %get3A_875 : i32 to index
        %get3A_877 = arith.index_cast %scan3A_874 : i32 to index
        %get3A_878 = arith.constant 0 : index
        %get3A_879 = tpu.vector_load %arg8[%get3A_876, %get3A_877, %get3A_878] {strides = array<i32>} : memref<2x400x64xf32, #tpu.memory_space<vmem>>, vector<16xf32>,
        %get3A_880 = arith.constant 0 : i32
        %get3A_881 = arith.index_cast %get3A_880 : i32 to index
        %get3A_882 = arith.index_cast %scan3A_874 : i32 to index
        %get3A_883 = arith.constant 32 : index
        %get3A_884 = tpu.vector_load %arg8[%get3A_881, %get3A_882, %get3A_883] {strides = array<i32>} : memref<2x400x64xf32, #tpu.memory_space<vmem>>, vector<16xf32>,
        %mul3A_885 = arith.constant 32 : i32
        %mul3A_886 = arith.muli %scan3A_874, %mul3A_885 : i32
        %add3A_887 = arith.constant 0 : i32
        %add3A_888 = arith.addi %mul3A_886, %add3A_887 : i32
        %get3A_889 = arith.index_cast %add3A_888 : i32 to index
        %get3A_890 = tpu.vector_load %arg10[%get3A_889] {strides = array<i32>} : memref<4000xf32, #tpu.memory_space<vmem>>, vector<16xf32>,
        %mul3A_891 = arith.mulf %get3A_890, %get3A_879 : vector<16xf32>
        %add3A_892 = arith.addf %get3A_884, %mul3A_891 : vector<16xf32>
        %add3A_893 = arith.constant 1.000000e-16 : f32
        %add3A_894 = vector.broadcast %add3A_893 : f32 to vector<16xf32>
        %add3A_895 = arith.addf %get3A_879, %add3A_894 : vector<16xf32>
        %div3A = arith.divf %add3A_892, %add3A_895 : vector<16xf32>
        %mul3A_896 = arith.constant 32 : i32
        %mul3A_897 = arith.muli %scan3A_874, %mul3A_896 : i32
        %add3A_898 = arith.constant 0 : i32
        %add3A_899 = arith.addi %mul3A_897, %add3A_898 : i32
        %swap3A_900 = arith.index_cast %add3A_899 : i32 to index
        %swap3A_901 = tpu.vector_load %arg9[%swap3A_900] {strides = array<i32>} : memref<4000xf32, #tpu.memory_space<vmem>>, vector<16xf32>,
        tpu.vector_store %arg9[%swap3A_900], %div3A {strides = array<i32>} : memref<4000xf32, #tpu.memory_space<vmem>>, vector<16xf32>,
        %get3A_902 = arith.constant 0 : i32
        %get3A_903 = arith.index_cast %get3A_902 : i32 to index
        %get3A_904 = arith.index_cast %scan3A_874 : i32 to index
        %get3A_905 = arith.constant 16 : index
        %get3A_906 = tpu.vector_load %arg8[%get3A_903, %get3A_904, %get3A_905] {strides = array<i32>} : memref<2x400x64xf32, #tpu.memory_space<vmem>>, vector<16xf32>,
        %get3A_907 = arith.constant 0 : i32
        %get3A_908 = arith.index_cast %get3A_907 : i32 to index
        %get3A_909 = arith.index_cast %scan3A_874 : i32 to index
        %get3A_910 = arith.constant 48 : index
        %get3A_911 = tpu.vector_load %arg8[%get3A_908, %get3A_909, %get3A_910] {strides = array<i32>} : memref<2x400x64xf32, #tpu.memory_space<vmem>>, vector<16xf32>,
        %mul3A_912 = arith.constant 32 : i32
        %mul3A_913 = arith.muli %scan3A_874, %mul3A_912 : i32
        %add3A_914 = arith.constant 16 : i32
        %add3A_915 = arith.addi %mul3A_913, %add3A_914 : i32
        %get3A_916 = arith.index_cast %add3A_915 : i32 to index
        %get3A_917 = tpu.vector_load %arg10[%get3A_916] {strides = array<i32>} : memref<4000xf32, #tpu.memory_space<vmem>>, vector<16xf32>,
        %mul3A_918 = arith.mulf %get3A_917, %get3A_906 : vector<16xf32>
        %add3A_919 = arith.addf %get3A_911, %mul3A_918 : vector<16xf32>
        %add3A_920 = arith.constant 1.000000e-16 : f32
        %add3A_921 = vector.broadcast %add3A_920 : f32 to vector<16xf32>
        %add3A_922 = arith.addf %get3A_906, %add3A_921 : vector<16xf32>
        %div3A_923 = arith.divf %add3A_919, %add3A_922 : vector<16xf32>
        %mul3A_924 = arith.constant 32 : i32
        %mul3A_925 = arith.muli %scan3A_874, %mul3A_924 : i32
        %add3A_926 = arith.constant 16 : i32
        %add3A_927 = arith.addi %mul3A_925, %add3A_926 : i32
        %swap3A_928 = arith.index_cast %add3A_927 : i32 to index
        %swap3A_929 = tpu.vector_load %arg9[%swap3A_928] {strides = array<i32>} : memref<4000xf32, #tpu.memory_space<vmem>>, vector<16xf32>,
        tpu.vector_store %arg9[%swap3A_928], %div3A_923 {strides = array<i32>} : memref<4000xf32, #tpu.memory_space<vmem>>, vector<16xf32>,
      }
      %scan3A_868 = arith.constant 125 : i32
      %mul3A_869 = arith.constant 10000 : i32
      %mul3A_870 = arith.muli %add3A_3, %mul3A_869 : i32
      %add3A_871 = arith.addi %mul3A_870, %add3A_856 : i32
      %mul3A_872 = arith.constant 32 : i32
      %mul3A_873 = arith.muli %add3A_871, %mul3A_872 : i32
      "tpu.region"() ({
        %run_scoped3A_874 = tpu.sem_alloc : memref<!tpu.dma_semaphore, #tpu.memory_space<semaphore_mem>>
        %dma_start3A_875 = tpu.memref_slice %arg7[%mul3A_873] : memref<1280000xf32, #tpu.memory_space<hbm>> -> memref<4000xf32, #tpu.memory_space<hbm>>
        %dma_start3A_876 = tpu.memref_slice %arg7[%mul3A_873] : memref<1280000xf32, #tpu.memory_space<hbm>> -> memref<4000xf32, #tpu.memory_space<hbm>>
        tpu.enqueue_dma source(%arg9 : memref<4000xf32, #tpu.memory_space<vmem>>) target(%dma_start3A_876 : memref<4000xf32, #tpu.memory_space<hbm>>) target_semaphore(%run_scoped3A_874 : memref<!tpu.dma_semaphore, #tpu.memory_space<semaphore_mem>>)
        %dma_wait3A_877 = tpu.memref_slice %arg7[%mul3A_873] : memref<1280000xf32, #tpu.memory_space<hbm>> -> memref<4000xf32, #tpu.memory_space<hbm>>
        %dma_wait3A_878 = tpu.memref_slice %arg7[%mul3A_873] : memref<1280000xf32, #tpu.memory_space<hbm>> -> memref<4000xf32, #tpu.memory_space<hbm>>
        tpu.wait_dma2 semaphore(%run_scoped3A_874 : memref<!tpu.dma_semaphore, #tpu.memory_space<semaphore_mem>>) src(%arg9 : memref<4000xf32, #tpu.memory_space<vmem>>) dst(%dma_wait3A_878 : memref<4000xf32, #tpu.memory_space<hbm>>)
        tpu.yield
      }) : () -> ()
    }
    %scan3A_421 = arith.constant 5 : i32
    %mul3A_422 = arith.constant 2 : i32
    %mul3A_423 = arith.muli %arg0, %mul3A_422 : i32
    %add3A_424 = arith.constant 1 : i32
    %add3A_425 = arith.addi %mul3A_423, %add3A_424 : i32
    %mul3A_426 = arith.constant 625 : i32
    %mul3A_427 = arith.muli %arg1, %mul3A_426 : i32
    "tpu.region"() ({
      %run_scoped3A_851 = tpu.sem_alloc : memref<!tpu.dma_semaphore, #tpu.memory_space<semaphore_mem>>
      %dma_start3A_852 = arith.constant 0 : i32
      %dma_start3A_853 = tpu.memref_slice %arg13[%mul3A_427, %dma_start3A_852] : memref<10000x64xf32, #tpu.memory_space<vmem_shared>> -> memref<625x64xf32, #tpu.memory_space<vmem_shared>>
      tpu.enqueue_dma source(%arg6 : memref<625x64xf32, #tpu.memory_space<hbm>>) target(%dma_start3A_853 : memref<625x64xf32, #tpu.memory_space<vmem_shared>>) target_semaphore(%run_scoped3A_851 : memref<!tpu.dma_semaphore, #tpu.memory_space<semaphore_mem>>)
      %dma_wait3A_854 = arith.constant 0 : i32
      %dma_wait3A_855 = tpu.memref_slice %arg13[%mul3A_427, %dma_wait3A_854] : memref<10000x64xf32, #tpu.memory_space<vmem_shared>> -> memref<625x64xf32, #tpu.memory_space<vmem_shared>>
      tpu.wait_dma2 semaphore(%run_scoped3A_851 : memref<!tpu.dma_semaphore, #tpu.memory_space<semaphore_mem>>) src(%arg6 : memref<625x64xf32, #tpu.memory_space<hbm>>) dst(%dma_wait3A_855 : memref<625x64xf32, #tpu.memory_space<vmem_shared>>)
      tpu.yield
    }) : () -> ()
    %barrier3A_428 = arith.constant 0 : index
    tpu.barrier barrier_id(%barrier3A_428)
    %mul3A_429 = arith.constant 10000 : i32
    %mul3A_430 = arith.muli %add3A_425, %mul3A_429 : i32
    %add3A_431 = arith.constant 0 : i32
    %add3A_432 = arith.addi %mul3A_0, %add3A_431 : i32
    %run_scoped3A_433 = arith.constant 0 : i32
    "tpu.region"() ({
      %run_scoped3A_851 = tpu.sem_alloc : memref<!tpu.dma_semaphore, #tpu.memory_space<semaphore_mem>>
      %dma_start3A_852 = arith.constant 0 : i32
      %dma_start3A_853 = tpu.memref_slice %arg11[%run_scoped3A_433, %dma_start3A_852] : memref<2x400xi32, #tpu.memory_space<vmem>> -> memref<1x400xi32, #tpu.memory_space<vmem>>
      %dma_start3A_854 = tpu.memref_squeeze %dma_start3A_853 : memref<1x400xi32, #tpu.memory_space<vmem>> -> memref<400xi32, #tpu.memory_space<vmem>>
      %dma_start3A_855 = tpu.memref_slice %arg4[%add3A_432] : memref<320000xi32, #tpu.memory_space<hbm>> -> memref<400xi32, #tpu.memory_space<hbm>>
      %dma_start3A_856 = arith.constant 0 : i32
      %dma_start3A_857 = tpu.memref_slice %arg11[%run_scoped3A_433, %dma_start3A_856] : memref<2x400xi32, #tpu.memory_space<vmem>> -> memref<1x400xi32, #tpu.memory_space<vmem>>
      %dma_start3A_858 = tpu.memref_squeeze %dma_start3A_857 : memref<1x400xi32, #tpu.memory_space<vmem>> -> memref<400xi32, #tpu.memory_space<vmem>>
      %dma_start3A_859 = tpu.memref_slice %arg4[%add3A_432] : memref<320000xi32, #tpu.memory_space<hbm>> -> memref<400xi32, #tpu.memory_space<hbm>>
      tpu.enqueue_dma source(%dma_start3A_859 : memref<400xi32, #tpu.memory_space<hbm>>) target(%dma_start3A_858 : memref<400xi32, #tpu.memory_space<vmem>>) target_semaphore(%run_scoped3A_851 : memref<!tpu.dma_semaphore, #tpu.memory_space<semaphore_mem>>)
      %dma_wait3A_860 = arith.constant 0 : i32
      %dma_wait3A_861 = tpu.memref_slice %arg11[%run_scoped3A_433, %dma_wait3A_860] : memref<2x400xi32, #tpu.memory_space<vmem>> -> memref<1x400xi32, #tpu.memory_space<vmem>>
      %dma_wait3A_862 = tpu.memref_squeeze %dma_wait3A_861 : memref<1x400xi32, #tpu.memory_space<vmem>> -> memref<400xi32, #tpu.memory_space<vmem>>
      %dma_wait3A_863 = tpu.memref_slice %arg4[%add3A_432] : memref<320000xi32, #tpu.memory_space<hbm>> -> memref<400xi32, #tpu.memory_space<hbm>>
      %dma_wait3A_864 = arith.constant 0 : i32
      %dma_wait3A_865 = tpu.memref_slice %arg11[%run_scoped3A_433, %dma_wait3A_864] : memref<2x400xi32, #tpu.memory_space<vmem>> -> memref<1x400xi32, #tpu.memory_space<vmem>>
      %dma_wait3A_866 = tpu.memref_squeeze %dma_wait3A_865 : memref<1x400xi32, #tpu.memory_space<vmem>> -> memref<400xi32, #tpu.memory_space<vmem>>
      %dma_wait3A_867 = tpu.memref_slice %arg4[%add3A_432] : memref<320000xi32, #tpu.memory_space<hbm>> -> memref<400xi32, #tpu.memory_space<hbm>>
      tpu.wait_dma2 semaphore(%run_scoped3A_851 : memref<!tpu.dma_semaphore, #tpu.memory_space<semaphore_mem>>) src(%dma_wait3A_867 : memref<400xi32, #tpu.memory_space<hbm>>) dst(%dma_wait3A_866 : memref<400xi32, #tpu.memory_space<vmem>>)
      tpu.yield
    }) : () -> ()
    %scan3A_434 = arith.constant 0 : i32
    %scan3A_435 = arith.constant 0 : i32
    %mul3A_436 = arith.constant 16 : i32
    %mul3A_437 = arith.muli %scan3A_435, %mul3A_436 : i32
    %get3A_438 = arith.constant 0 : i32
    %get3A_439 = arith.index_cast %get3A_438 : i32 to index
    %get3A_440 = arith.index_cast %mul3A_437 : i32 to index
    %get3A_441 = tpu.vector_load %arg11[%get3A_439, %get3A_440] {strides = array<i32>} : memref<2x400xi32, #tpu.memory_space<vmem>>, vector<16xi32>,
    %add3A_442 = vector.broadcast %mul3A_430 : i32 to vector<16xi32>
    %add3A_443 = arith.addi %get3A_441, %add3A_442 : vector<16xi32>
    %mul3A_444 = arith.constant 16 : i32
    %mul3A_445 = arith.muli %scan3A_435, %mul3A_444 : i32
    %swap3A_446 = arith.constant 0 : i32
    %swap3A_447 = arith.index_cast %swap3A_446 : i32 to index
    %swap3A_448 = arith.index_cast %mul3A_445 : i32 to index
    %swap3A_449 = tpu.vector_load %arg11[%swap3A_447, %swap3A_448] {strides = array<i32>} : memref<2x400xi32, #tpu.memory_space<vmem>>, vector<16xi32>,
    tpu.vector_store %arg11[%swap3A_447, %swap3A_448], %add3A_443 {strides = array<i32>} : memref<2x400xi32, #tpu.memory_space<vmem>>, vector<16xi32>,
    %scan3A_450 = arith.constant 1 : i32
    %mul3A_451 = arith.constant 16 : i32
    %mul3A_452 = arith.muli %scan3A_450, %mul3A_451 : i32
    %get3A_453 = arith.constant 0 : i32
    %get3A_454 = arith.index_cast %get3A_453 : i32 to index
    %get3A_455 = arith.index_cast %mul3A_452 : i32 to index
    %get3A_456 = tpu.vector_load %arg11[%get3A_454, %get3A_455] {strides = array<i32>} : memref<2x400xi32, #tpu.memory_space<vmem>>, vector<16xi32>,
    %add3A_457 = vector.broadcast %mul3A_430 : i32 to vector<16xi32>
    %add3A_458 = arith.addi %get3A_456, %add3A_457 : vector<16xi32>
    %mul3A_459 = arith.constant 16 : i32
    %mul3A_460 = arith.muli %scan3A_450, %mul3A_459 : i32
    %swap3A_461 = arith.constant 0 : i32
    %swap3A_462 = arith.index_cast %swap3A_461 : i32 to index
    %swap3A_463 = arith.index_cast %mul3A_460 : i32 to index
    %swap3A_464 = tpu.vector_load %arg11[%swap3A_462, %swap3A_463] {strides = array<i32>} : memref<2x400xi32, #tpu.memory_space<vmem>>, vector<16xi32>,
    tpu.vector_store %arg11[%swap3A_462, %swap3A_463], %add3A_458 {strides = array<i32>} : memref<2x400xi32, #tpu.memory_space<vmem>>, vector<16xi32>,
    %scan3A_465 = arith.constant 2 : i32
    %mul3A_466 = arith.constant 16 : i32
    %mul3A_467 = arith.muli %scan3A_465, %mul3A_466 : i32
    %get3A_468 = arith.constant 0 : i32
    %get3A_469 = arith.index_cast %get3A_468 : i32 to index
    %get3A_470 = arith.index_cast %mul3A_467 : i32 to index
    %get3A_471 = tpu.vector_load %arg11[%get3A_469, %get3A_470] {strides = array<i32>} : memref<2x400xi32, #tpu.memory_space<vmem>>, vector<16xi32>,
    %add3A_472 = vector.broadcast %mul3A_430 : i32 to vector<16xi32>
    %add3A_473 = arith.addi %get3A_471, %add3A_472 : vector<16xi32>
    %mul3A_474 = arith.constant 16 : i32
    %mul3A_475 = arith.muli %scan3A_465, %mul3A_474 : i32
    %swap3A_476 = arith.constant 0 : i32
    %swap3A_477 = arith.index_cast %swap3A_476 : i32 to index
    %swap3A_478 = arith.index_cast %mul3A_475 : i32 to index
    %swap3A_479 = tpu.vector_load %arg11[%swap3A_477, %swap3A_478] {strides = array<i32>} : memref<2x400xi32, #tpu.memory_space<vmem>>, vector<16xi32>,
    tpu.vector_store %arg11[%swap3A_477, %swap3A_478], %add3A_473 {strides = array<i32>} : memref<2x400xi32, #tpu.memory_space<vmem>>, vector<16xi32>,
    %scan3A_480 = arith.constant 3 : i32
    %mul3A_481 = arith.constant 16 : i32
    %mul3A_482 = arith.muli %scan3A_480, %mul3A_481 : i32
    %get3A_483 = arith.constant 0 : i32
    %get3A_484 = arith.index_cast %get3A_483 : i32 to index
    %get3A_485 = arith.index_cast %mul3A_482 : i32 to index
    %get3A_486 = tpu.vector_load %arg11[%get3A_484, %get3A_485] {strides = array<i32>} : memref<2x400xi32, #tpu.memory_space<vmem>>, vector<16xi32>,
    %add3A_487 = vector.broadcast %mul3A_430 : i32 to vector<16xi32>
    %add3A_488 = arith.addi %get3A_486, %add3A_487 : vector<16xi32>
    %mul3A_489 = arith.constant 16 : i32
    %mul3A_490 = arith.muli %scan3A_480, %mul3A_489 : i32
    %swap3A_491 = arith.constant 0 : i32
    %swap3A_492 = arith.index_cast %swap3A_491 : i32 to index
    %swap3A_493 = arith.index_cast %mul3A_490 : i32 to index
    %swap3A_494 = tpu.vector_load %arg11[%swap3A_492, %swap3A_493] {strides = array<i32>} : memref<2x400xi32, #tpu.memory_space<vmem>>, vector<16xi32>,
    tpu.vector_store %arg11[%swap3A_492, %swap3A_493], %add3A_488 {strides = array<i32>} : memref<2x400xi32, #tpu.memory_space<vmem>>, vector<16xi32>,
    %scan3A_495 = arith.constant 4 : i32
    %mul3A_496 = arith.constant 16 : i32
    %mul3A_497 = arith.muli %scan3A_495, %mul3A_496 : i32
    %get3A_498 = arith.constant 0 : i32
    %get3A_499 = arith.index_cast %get3A_498 : i32 to index
    %get3A_500 = arith.index_cast %mul3A_497 : i32 to index
    %get3A_501 = tpu.vector_load %arg11[%get3A_499, %get3A_500] {strides = array<i32>} : memref<2x400xi32, #tpu.memory_space<vmem>>, vector<16xi32>,
    %add3A_502 = vector.broadcast %mul3A_430 : i32 to vector<16xi32>
    %add3A_503 = arith.addi %get3A_501, %add3A_502 : vector<16xi32>
    %mul3A_504 = arith.constant 16 : i32
    %mul3A_505 = arith.muli %scan3A_495, %mul3A_504 : i32
    %swap3A_506 = arith.constant 0 : i32
    %swap3A_507 = arith.index_cast %swap3A_506 : i32 to index
    %swap3A_508 = arith.index_cast %mul3A_505 : i32 to index
    %swap3A_509 = tpu.vector_load %arg11[%swap3A_507, %swap3A_508] {strides = array<i32>} : memref<2x400xi32, #tpu.memory_space<vmem>>, vector<16xi32>,
    tpu.vector_store %arg11[%swap3A_507, %swap3A_508], %add3A_503 {strides = array<i32>} : memref<2x400xi32, #tpu.memory_space<vmem>>, vector<16xi32>,
    %scan3A_510 = arith.constant 5 : i32
    %mul3A_511 = arith.constant 16 : i32
    %mul3A_512 = arith.muli %scan3A_510, %mul3A_511 : i32
    %get3A_513 = arith.constant 0 : i32
    %get3A_514 = arith.index_cast %get3A_513 : i32 to index
    %get3A_515 = arith.index_cast %mul3A_512 : i32 to index
    %get3A_516 = tpu.vector_load %arg11[%get3A_514, %get3A_515] {strides = array<i32>} : memref<2x400xi32, #tpu.memory_space<vmem>>, vector<16xi32>,
    %add3A_517 = vector.broadcast %mul3A_430 : i32 to vector<16xi32>
    %add3A_518 = arith.addi %get3A_516, %add3A_517 : vector<16xi32>
    %mul3A_519 = arith.constant 16 : i32
    %mul3A_520 = arith.muli %scan3A_510, %mul3A_519 : i32
    %swap3A_521 = arith.constant 0 : i32
    %swap3A_522 = arith.index_cast %swap3A_521 : i32 to index
    %swap3A_523 = arith.index_cast %mul3A_520 : i32 to index
    %swap3A_524 = tpu.vector_load %arg11[%swap3A_522, %swap3A_523] {strides = array<i32>} : memref<2x400xi32, #tpu.memory_space<vmem>>, vector<16xi32>,
    tpu.vector_store %arg11[%swap3A_522, %swap3A_523], %add3A_518 {strides = array<i32>} : memref<2x400xi32, #tpu.memory_space<vmem>>, vector<16xi32>,
    %scan3A_525 = arith.constant 6 : i32
    %mul3A_526 = arith.constant 16 : i32
    %mul3A_527 = arith.muli %scan3A_525, %mul3A_526 : i32
    %get3A_528 = arith.constant 0 : i32
    %get3A_529 = arith.index_cast %get3A_528 : i32 to index
    %get3A_530 = arith.index_cast %mul3A_527 : i32 to index
    %get3A_531 = tpu.vector_load %arg11[%get3A_529, %get3A_530] {strides = array<i32>} : memref<2x400xi32, #tpu.memory_space<vmem>>, vector<16xi32>,
    %add3A_532 = vector.broadcast %mul3A_430 : i32 to vector<16xi32>
    %add3A_533 = arith.addi %get3A_531, %add3A_532 : vector<16xi32>
    %mul3A_534 = arith.constant 16 : i32
    %mul3A_535 = arith.muli %scan3A_525, %mul3A_534 : i32
    %swap3A_536 = arith.constant 0 : i32
    %swap3A_537 = arith.index_cast %swap3A_536 : i32 to index
    %swap3A_538 = arith.index_cast %mul3A_535 : i32 to index
    %swap3A_539 = tpu.vector_load %arg11[%swap3A_537, %swap3A_538] {strides = array<i32>} : memref<2x400xi32, #tpu.memory_space<vmem>>, vector<16xi32>,
    tpu.vector_store %arg11[%swap3A_537, %swap3A_538], %add3A_533 {strides = array<i32>} : memref<2x400xi32, #tpu.memory_space<vmem>>, vector<16xi32>,
    %scan3A_540 = arith.constant 7 : i32
    %mul3A_541 = arith.constant 16 : i32
    %mul3A_542 = arith.muli %scan3A_540, %mul3A_541 : i32
    %get3A_543 = arith.constant 0 : i32
    %get3A_544 = arith.index_cast %get3A_543 : i32 to index
    %get3A_545 = arith.index_cast %mul3A_542 : i32 to index
    %get3A_546 = tpu.vector_load %arg11[%get3A_544, %get3A_545] {strides = array<i32>} : memref<2x400xi32, #tpu.memory_space<vmem>>, vector<16xi32>,
    %add3A_547 = vector.broadcast %mul3A_430 : i32 to vector<16xi32>
    %add3A_548 = arith.addi %get3A_546, %add3A_547 : vector<16xi32>
    %mul3A_549 = arith.constant 16 : i32
    %mul3A_550 = arith.muli %scan3A_540, %mul3A_549 : i32
    %swap3A_551 = arith.constant 0 : i32
    %swap3A_552 = arith.index_cast %swap3A_551 : i32 to index
    %swap3A_553 = arith.index_cast %mul3A_550 : i32 to index
    %swap3A_554 = tpu.vector_load %arg11[%swap3A_552, %swap3A_553] {strides = array<i32>} : memref<2x400xi32, #tpu.memory_space<vmem>>, vector<16xi32>,
    tpu.vector_store %arg11[%swap3A_552, %swap3A_553], %add3A_548 {strides = array<i32>} : memref<2x400xi32, #tpu.memory_space<vmem>>, vector<16xi32>,
    %scan3A_555 = arith.constant 8 : i32
    %mul3A_556 = arith.constant 16 : i32
    %mul3A_557 = arith.muli %scan3A_555, %mul3A_556 : i32
    %get3A_558 = arith.constant 0 : i32
    %get3A_559 = arith.index_cast %get3A_558 : i32 to index
    %get3A_560 = arith.index_cast %mul3A_557 : i32 to index
    %get3A_561 = tpu.vector_load %arg11[%get3A_559, %get3A_560] {strides = array<i32>} : memref<2x400xi32, #tpu.memory_space<vmem>>, vector<16xi32>,
    %add3A_562 = vector.broadcast %mul3A_430 : i32 to vector<16xi32>
    %add3A_563 = arith.addi %get3A_561, %add3A_562 : vector<16xi32>
    %mul3A_564 = arith.constant 16 : i32
    %mul3A_565 = arith.muli %scan3A_555, %mul3A_564 : i32
    %swap3A_566 = arith.constant 0 : i32
    %swap3A_567 = arith.index_cast %swap3A_566 : i32 to index
    %swap3A_568 = arith.index_cast %mul3A_565 : i32 to index
    %swap3A_569 = tpu.vector_load %arg11[%swap3A_567, %swap3A_568] {strides = array<i32>} : memref<2x400xi32, #tpu.memory_space<vmem>>, vector<16xi32>,
    tpu.vector_store %arg11[%swap3A_567, %swap3A_568], %add3A_563 {strides = array<i32>} : memref<2x400xi32, #tpu.memory_space<vmem>>, vector<16xi32>,
    %scan3A_570 = arith.constant 9 : i32
    %mul3A_571 = arith.constant 16 : i32
    %mul3A_572 = arith.muli %scan3A_570, %mul3A_571 : i32
    %get3A_573 = arith.constant 0 : i32
    %get3A_574 = arith.index_cast %get3A_573 : i32 to index
    %get3A_575 = arith.index_cast %mul3A_572 : i32 to index
    %get3A_576 = tpu.vector_load %arg11[%get3A_574, %get3A_575] {strides = array<i32>} : memref<2x400xi32, #tpu.memory_space<vmem>>, vector<16xi32>,
    %add3A_577 = vector.broadcast %mul3A_430 : i32 to vector<16xi32>
    %add3A_578 = arith.addi %get3A_576, %add3A_577 : vector<16xi32>
    %mul3A_579 = arith.constant 16 : i32
    %mul3A_580 = arith.muli %scan3A_570, %mul3A_579 : i32
    %swap3A_581 = arith.constant 0 : i32
    %swap3A_582 = arith.index_cast %swap3A_581 : i32 to index
    %swap3A_583 = arith.index_cast %mul3A_580 : i32 to index
    %swap3A_584 = tpu.vector_load %arg11[%swap3A_582, %swap3A_583] {strides = array<i32>} : memref<2x400xi32, #tpu.memory_space<vmem>>, vector<16xi32>,
    tpu.vector_store %arg11[%swap3A_582, %swap3A_583], %add3A_578 {strides = array<i32>} : memref<2x400xi32, #tpu.memory_space<vmem>>, vector<16xi32>,
    %scan3A_585 = arith.constant 10 : i32
    %mul3A_586 = arith.constant 16 : i32
    %mul3A_587 = arith.muli %scan3A_585, %mul3A_586 : i32
    %get3A_588 = arith.constant 0 : i32
    %get3A_589 = arith.index_cast %get3A_588 : i32 to index
    %get3A_590 = arith.index_cast %mul3A_587 : i32 to index
    %get3A_591 = tpu.vector_load %arg11[%get3A_589, %get3A_590] {strides = array<i32>} : memref<2x400xi32, #tpu.memory_space<vmem>>, vector<16xi32>,
    %add3A_592 = vector.broadcast %mul3A_430 : i32 to vector<16xi32>
    %add3A_593 = arith.addi %get3A_591, %add3A_592 : vector<16xi32>
    %mul3A_594 = arith.constant 16 : i32
    %mul3A_595 = arith.muli %scan3A_585, %mul3A_594 : i32
    %swap3A_596 = arith.constant 0 : i32
    %swap3A_597 = arith.index_cast %swap3A_596 : i32 to index
    %swap3A_598 = arith.index_cast %mul3A_595 : i32 to index
    %swap3A_599 = tpu.vector_load %arg11[%swap3A_597, %swap3A_598] {strides = array<i32>} : memref<2x400xi32, #tpu.memory_space<vmem>>, vector<16xi32>,
    tpu.vector_store %arg11[%swap3A_597, %swap3A_598], %add3A_593 {strides = array<i32>} : memref<2x400xi32, #tpu.memory_space<vmem>>, vector<16xi32>,
    %scan3A_600 = arith.constant 11 : i32
    %mul3A_601 = arith.constant 16 : i32
    %mul3A_602 = arith.muli %scan3A_600, %mul3A_601 : i32
    %get3A_603 = arith.constant 0 : i32
    %get3A_604 = arith.index_cast %get3A_603 : i32 to index
    %get3A_605 = arith.index_cast %mul3A_602 : i32 to index
    %get3A_606 = tpu.vector_load %arg11[%get3A_604, %get3A_605] {strides = array<i32>} : memref<2x400xi32, #tpu.memory_space<vmem>>, vector<16xi32>,
    %add3A_607 = vector.broadcast %mul3A_430 : i32 to vector<16xi32>
    %add3A_608 = arith.addi %get3A_606, %add3A_607 : vector<16xi32>
    %mul3A_609 = arith.constant 16 : i32
    %mul3A_610 = arith.muli %scan3A_600, %mul3A_609 : i32
    %swap3A_611 = arith.constant 0 : i32
    %swap3A_612 = arith.index_cast %swap3A_611 : i32 to index
    %swap3A_613 = arith.index_cast %mul3A_610 : i32 to index
    %swap3A_614 = tpu.vector_load %arg11[%swap3A_612, %swap3A_613] {strides = array<i32>} : memref<2x400xi32, #tpu.memory_space<vmem>>, vector<16xi32>,
    tpu.vector_store %arg11[%swap3A_612, %swap3A_613], %add3A_608 {strides = array<i32>} : memref<2x400xi32, #tpu.memory_space<vmem>>, vector<16xi32>,
    %scan3A_615 = arith.constant 12 : i32
    %mul3A_616 = arith.constant 16 : i32
    %mul3A_617 = arith.muli %scan3A_615, %mul3A_616 : i32
    %get3A_618 = arith.constant 0 : i32
    %get3A_619 = arith.index_cast %get3A_618 : i32 to index
    %get3A_620 = arith.index_cast %mul3A_617 : i32 to index
    %get3A_621 = tpu.vector_load %arg11[%get3A_619, %get3A_620] {strides = array<i32>} : memref<2x400xi32, #tpu.memory_space<vmem>>, vector<16xi32>,
    %add3A_622 = vector.broadcast %mul3A_430 : i32 to vector<16xi32>
    %add3A_623 = arith.addi %get3A_621, %add3A_622 : vector<16xi32>
    %mul3A_624 = arith.constant 16 : i32
    %mul3A_625 = arith.muli %scan3A_615, %mul3A_624 : i32
    %swap3A_626 = arith.constant 0 : i32
    %swap3A_627 = arith.index_cast %swap3A_626 : i32 to index
    %swap3A_628 = arith.index_cast %mul3A_625 : i32 to index
    %swap3A_629 = tpu.vector_load %arg11[%swap3A_627, %swap3A_628] {strides = array<i32>} : memref<2x400xi32, #tpu.memory_space<vmem>>, vector<16xi32>,
    tpu.vector_store %arg11[%swap3A_627, %swap3A_628], %add3A_623 {strides = array<i32>} : memref<2x400xi32, #tpu.memory_space<vmem>>, vector<16xi32>,
    %scan3A_630 = arith.constant 13 : i32
    %mul3A_631 = arith.constant 16 : i32
    %mul3A_632 = arith.muli %scan3A_630, %mul3A_631 : i32
    %get3A_633 = arith.constant 0 : i32
    %get3A_634 = arith.index_cast %get3A_633 : i32 to index
    %get3A_635 = arith.index_cast %mul3A_632 : i32 to index
    %get3A_636 = tpu.vector_load %arg11[%get3A_634, %get3A_635] {strides = array<i32>} : memref<2x400xi32, #tpu.memory_space<vmem>>, vector<16xi32>,
    %add3A_637 = vector.broadcast %mul3A_430 : i32 to vector<16xi32>
    %add3A_638 = arith.addi %get3A_636, %add3A_637 : vector<16xi32>
    %mul3A_639 = arith.constant 16 : i32
    %mul3A_640 = arith.muli %scan3A_630, %mul3A_639 : i32
    %swap3A_641 = arith.constant 0 : i32
    %swap3A_642 = arith.index_cast %swap3A_641 : i32 to index
    %swap3A_643 = arith.index_cast %mul3A_640 : i32 to index
    %swap3A_644 = tpu.vector_load %arg11[%swap3A_642, %swap3A_643] {strides = array<i32>} : memref<2x400xi32, #tpu.memory_space<vmem>>, vector<16xi32>,
    tpu.vector_store %arg11[%swap3A_642, %swap3A_643], %add3A_638 {strides = array<i32>} : memref<2x400xi32, #tpu.memory_space<vmem>>, vector<16xi32>,
    %scan3A_645 = arith.constant 14 : i32
    %mul3A_646 = arith.constant 16 : i32
    %mul3A_647 = arith.muli %scan3A_645, %mul3A_646 : i32
    %get3A_648 = arith.constant 0 : i32
    %get3A_649 = arith.index_cast %get3A_648 : i32 to index
    %get3A_650 = arith.index_cast %mul3A_647 : i32 to index
    %get3A_651 = tpu.vector_load %arg11[%get3A_649, %get3A_650] {strides = array<i32>} : memref<2x400xi32, #tpu.memory_space<vmem>>, vector<16xi32>,
    %add3A_652 = vector.broadcast %mul3A_430 : i32 to vector<16xi32>
    %add3A_653 = arith.addi %get3A_651, %add3A_652 : vector<16xi32>
    %mul3A_654 = arith.constant 16 : i32
    %mul3A_655 = arith.muli %scan3A_645, %mul3A_654 : i32
    %swap3A_656 = arith.constant 0 : i32
    %swap3A_657 = arith.index_cast %swap3A_656 : i32 to index
    %swap3A_658 = arith.index_cast %mul3A_655 : i32 to index
    %swap3A_659 = tpu.vector_load %arg11[%swap3A_657, %swap3A_658] {strides = array<i32>} : memref<2x400xi32, #tpu.memory_space<vmem>>, vector<16xi32>,
    tpu.vector_store %arg11[%swap3A_657, %swap3A_658], %add3A_653 {strides = array<i32>} : memref<2x400xi32, #tpu.memory_space<vmem>>, vector<16xi32>,
    %scan3A_660 = arith.constant 15 : i32
    %mul3A_661 = arith.constant 16 : i32
    %mul3A_662 = arith.muli %scan3A_660, %mul3A_661 : i32
    %get3A_663 = arith.constant 0 : i32
    %get3A_664 = arith.index_cast %get3A_663 : i32 to index
    %get3A_665 = arith.index_cast %mul3A_662 : i32 to index
    %get3A_666 = tpu.vector_load %arg11[%get3A_664, %get3A_665] {strides = array<i32>} : memref<2x400xi32, #tpu.memory_space<vmem>>, vector<16xi32>,
    %add3A_667 = vector.broadcast %mul3A_430 : i32 to vector<16xi32>
    %add3A_668 = arith.addi %get3A_666, %add3A_667 : vector<16xi32>
    %mul3A_669 = arith.constant 16 : i32
    %mul3A_670 = arith.muli %scan3A_660, %mul3A_669 : i32
    %swap3A_671 = arith.constant 0 : i32
    %swap3A_672 = arith.index_cast %swap3A_671 : i32 to index
    %swap3A_673 = arith.index_cast %mul3A_670 : i32 to index
    %swap3A_674 = tpu.vector_load %arg11[%swap3A_672, %swap3A_673] {strides = array<i32>} : memref<2x400xi32, #tpu.memory_space<vmem>>, vector<16xi32>,
    tpu.vector_store %arg11[%swap3A_672, %swap3A_673], %add3A_668 {strides = array<i32>} : memref<2x400xi32, #tpu.memory_space<vmem>>, vector<16xi32>,
    %scan3A_675 = arith.constant 16 : i32
    %mul3A_676 = arith.constant 16 : i32
    %mul3A_677 = arith.muli %scan3A_675, %mul3A_676 : i32
    %get3A_678 = arith.constant 0 : i32
    %get3A_679 = arith.index_cast %get3A_678 : i32 to index
    %get3A_680 = arith.index_cast %mul3A_677 : i32 to index
    %get3A_681 = tpu.vector_load %arg11[%get3A_679, %get3A_680] {strides = array<i32>} : memref<2x400xi32, #tpu.memory_space<vmem>>, vector<16xi32>,
    %add3A_682 = vector.broadcast %mul3A_430 : i32 to vector<16xi32>
    %add3A_683 = arith.addi %get3A_681, %add3A_682 : vector<16xi32>
    %mul3A_684 = arith.constant 16 : i32
    %mul3A_685 = arith.muli %scan3A_675, %mul3A_684 : i32
    %swap3A_686 = arith.constant 0 : i32
    %swap3A_687 = arith.index_cast %swap3A_686 : i32 to index
    %swap3A_688 = arith.index_cast %mul3A_685 : i32 to index
    %swap3A_689 = tpu.vector_load %arg11[%swap3A_687, %swap3A_688] {strides = array<i32>} : memref<2x400xi32, #tpu.memory_space<vmem>>, vector<16xi32>,
    tpu.vector_store %arg11[%swap3A_687, %swap3A_688], %add3A_683 {strides = array<i32>} : memref<2x400xi32, #tpu.memory_space<vmem>>, vector<16xi32>,
    %scan3A_690 = arith.constant 17 : i32
    %mul3A_691 = arith.constant 16 : i32
    %mul3A_692 = arith.muli %scan3A_690, %mul3A_691 : i32
    %get3A_693 = arith.constant 0 : i32
    %get3A_694 = arith.index_cast %get3A_693 : i32 to index
    %get3A_695 = arith.index_cast %mul3A_692 : i32 to index
    %get3A_696 = tpu.vector_load %arg11[%get3A_694, %get3A_695] {strides = array<i32>} : memref<2x400xi32, #tpu.memory_space<vmem>>, vector<16xi32>,
    %add3A_697 = vector.broadcast %mul3A_430 : i32 to vector<16xi32>
    %add3A_698 = arith.addi %get3A_696, %add3A_697 : vector<16xi32>
    %mul3A_699 = arith.constant 16 : i32
    %mul3A_700 = arith.muli %scan3A_690, %mul3A_699 : i32
    %swap3A_701 = arith.constant 0 : i32
    %swap3A_702 = arith.index_cast %swap3A_701 : i32 to index
    %swap3A_703 = arith.index_cast %mul3A_700 : i32 to index
    %swap3A_704 = tpu.vector_load %arg11[%swap3A_702, %swap3A_703] {strides = array<i32>} : memref<2x400xi32, #tpu.memory_space<vmem>>, vector<16xi32>,
    tpu.vector_store %arg11[%swap3A_702, %swap3A_703], %add3A_698 {strides = array<i32>} : memref<2x400xi32, #tpu.memory_space<vmem>>, vector<16xi32>,
    %scan3A_705 = arith.constant 18 : i32
    %mul3A_706 = arith.constant 16 : i32
    %mul3A_707 = arith.muli %scan3A_705, %mul3A_706 : i32
    %get3A_708 = arith.constant 0 : i32
    %get3A_709 = arith.index_cast %get3A_708 : i32 to index
    %get3A_710 = arith.index_cast %mul3A_707 : i32 to index
    %get3A_711 = tpu.vector_load %arg11[%get3A_709, %get3A_710] {strides = array<i32>} : memref<2x400xi32, #tpu.memory_space<vmem>>, vector<16xi32>,
    %add3A_712 = vector.broadcast %mul3A_430 : i32 to vector<16xi32>
    %add3A_713 = arith.addi %get3A_711, %add3A_712 : vector<16xi32>
    %mul3A_714 = arith.constant 16 : i32
    %mul3A_715 = arith.muli %scan3A_705, %mul3A_714 : i32
    %swap3A_716 = arith.constant 0 : i32
    %swap3A_717 = arith.index_cast %swap3A_716 : i32 to index
    %swap3A_718 = arith.index_cast %mul3A_715 : i32 to index
    %swap3A_719 = tpu.vector_load %arg11[%swap3A_717, %swap3A_718] {strides = array<i32>} : memref<2x400xi32, #tpu.memory_space<vmem>>, vector<16xi32>,
    tpu.vector_store %arg11[%swap3A_717, %swap3A_718], %add3A_713 {strides = array<i32>} : memref<2x400xi32, #tpu.memory_space<vmem>>, vector<16xi32>,
    %scan3A_720 = arith.constant 19 : i32
    %mul3A_721 = arith.constant 16 : i32
    %mul3A_722 = arith.muli %scan3A_720, %mul3A_721 : i32
    %get3A_723 = arith.constant 0 : i32
    %get3A_724 = arith.index_cast %get3A_723 : i32 to index
    %get3A_725 = arith.index_cast %mul3A_722 : i32 to index
    %get3A_726 = tpu.vector_load %arg11[%get3A_724, %get3A_725] {strides = array<i32>} : memref<2x400xi32, #tpu.memory_space<vmem>>, vector<16xi32>,
    %add3A_727 = vector.broadcast %mul3A_430 : i32 to vector<16xi32>
    %add3A_728 = arith.addi %get3A_726, %add3A_727 : vector<16xi32>
    %mul3A_729 = arith.constant 16 : i32
    %mul3A_730 = arith.muli %scan3A_720, %mul3A_729 : i32
    %swap3A_731 = arith.constant 0 : i32
    %swap3A_732 = arith.index_cast %swap3A_731 : i32 to index
    %swap3A_733 = arith.index_cast %mul3A_730 : i32 to index
    %swap3A_734 = tpu.vector_load %arg11[%swap3A_732, %swap3A_733] {strides = array<i32>} : memref<2x400xi32, #tpu.memory_space<vmem>>, vector<16xi32>,
    tpu.vector_store %arg11[%swap3A_732, %swap3A_733], %add3A_728 {strides = array<i32>} : memref<2x400xi32, #tpu.memory_space<vmem>>, vector<16xi32>,
    %scan3A_735 = arith.constant 20 : i32
    %mul3A_736 = arith.constant 16 : i32
    %mul3A_737 = arith.muli %scan3A_735, %mul3A_736 : i32
    %get3A_738 = arith.constant 0 : i32
    %get3A_739 = arith.index_cast %get3A_738 : i32 to index
    %get3A_740 = arith.index_cast %mul3A_737 : i32 to index
    %get3A_741 = tpu.vector_load %arg11[%get3A_739, %get3A_740] {strides = array<i32>} : memref<2x400xi32, #tpu.memory_space<vmem>>, vector<16xi32>,
    %add3A_742 = vector.broadcast %mul3A_430 : i32 to vector<16xi32>
    %add3A_743 = arith.addi %get3A_741, %add3A_742 : vector<16xi32>
    %mul3A_744 = arith.constant 16 : i32
    %mul3A_745 = arith.muli %scan3A_735, %mul3A_744 : i32
    %swap3A_746 = arith.constant 0 : i32
    %swap3A_747 = arith.index_cast %swap3A_746 : i32 to index
    %swap3A_748 = arith.index_cast %mul3A_745 : i32 to index
    %swap3A_749 = tpu.vector_load %arg11[%swap3A_747, %swap3A_748] {strides = array<i32>} : memref<2x400xi32, #tpu.memory_space<vmem>>, vector<16xi32>,
    tpu.vector_store %arg11[%swap3A_747, %swap3A_748], %add3A_743 {strides = array<i32>} : memref<2x400xi32, #tpu.memory_space<vmem>>, vector<16xi32>,
    %scan3A_750 = arith.constant 21 : i32
    %mul3A_751 = arith.constant 16 : i32
    %mul3A_752 = arith.muli %scan3A_750, %mul3A_751 : i32
    %get3A_753 = arith.constant 0 : i32
    %get3A_754 = arith.index_cast %get3A_753 : i32 to index
    %get3A_755 = arith.index_cast %mul3A_752 : i32 to index
    %get3A_756 = tpu.vector_load %arg11[%get3A_754, %get3A_755] {strides = array<i32>} : memref<2x400xi32, #tpu.memory_space<vmem>>, vector<16xi32>,
    %add3A_757 = vector.broadcast %mul3A_430 : i32 to vector<16xi32>
    %add3A_758 = arith.addi %get3A_756, %add3A_757 : vector<16xi32>
    %mul3A_759 = arith.constant 16 : i32
    %mul3A_760 = arith.muli %scan3A_750, %mul3A_759 : i32
    %swap3A_761 = arith.constant 0 : i32
    %swap3A_762 = arith.index_cast %swap3A_761 : i32 to index
    %swap3A_763 = arith.index_cast %mul3A_760 : i32 to index
    %swap3A_764 = tpu.vector_load %arg11[%swap3A_762, %swap3A_763] {strides = array<i32>} : memref<2x400xi32, #tpu.memory_space<vmem>>, vector<16xi32>,
    tpu.vector_store %arg11[%swap3A_762, %swap3A_763], %add3A_758 {strides = array<i32>} : memref<2x400xi32, #tpu.memory_space<vmem>>, vector<16xi32>,
    %scan3A_765 = arith.constant 22 : i32
    %mul3A_766 = arith.constant 16 : i32
    %mul3A_767 = arith.muli %scan3A_765, %mul3A_766 : i32
    %get3A_768 = arith.constant 0 : i32
    %get3A_769 = arith.index_cast %get3A_768 : i32 to index
    %get3A_770 = arith.index_cast %mul3A_767 : i32 to index
    %get3A_771 = tpu.vector_load %arg11[%get3A_769, %get3A_770] {strides = array<i32>} : memref<2x400xi32, #tpu.memory_space<vmem>>, vector<16xi32>,
    %add3A_772 = vector.broadcast %mul3A_430 : i32 to vector<16xi32>
    %add3A_773 = arith.addi %get3A_771, %add3A_772 : vector<16xi32>
    %mul3A_774 = arith.constant 16 : i32
    %mul3A_775 = arith.muli %scan3A_765, %mul3A_774 : i32
    %swap3A_776 = arith.constant 0 : i32
    %swap3A_777 = arith.index_cast %swap3A_776 : i32 to index
    %swap3A_778 = arith.index_cast %mul3A_775 : i32 to index
    %swap3A_779 = tpu.vector_load %arg11[%swap3A_777, %swap3A_778] {strides = array<i32>} : memref<2x400xi32, #tpu.memory_space<vmem>>, vector<16xi32>,
    tpu.vector_store %arg11[%swap3A_777, %swap3A_778], %add3A_773 {strides = array<i32>} : memref<2x400xi32, #tpu.memory_space<vmem>>, vector<16xi32>,
    %scan3A_780 = arith.constant 23 : i32
    %mul3A_781 = arith.constant 16 : i32
    %mul3A_782 = arith.muli %scan3A_780, %mul3A_781 : i32
    %get3A_783 = arith.constant 0 : i32
    %get3A_784 = arith.index_cast %get3A_783 : i32 to index
    %get3A_785 = arith.index_cast %mul3A_782 : i32 to index
    %get3A_786 = tpu.vector_load %arg11[%get3A_784, %get3A_785] {strides = array<i32>} : memref<2x400xi32, #tpu.memory_space<vmem>>, vector<16xi32>,
    %add3A_787 = vector.broadcast %mul3A_430 : i32 to vector<16xi32>
    %add3A_788 = arith.addi %get3A_786, %add3A_787 : vector<16xi32>
    %mul3A_789 = arith.constant 16 : i32
    %mul3A_790 = arith.muli %scan3A_780, %mul3A_789 : i32
    %swap3A_791 = arith.constant 0 : i32
    %swap3A_792 = arith.index_cast %swap3A_791 : i32 to index
    %swap3A_793 = arith.index_cast %mul3A_790 : i32 to index
    %swap3A_794 = tpu.vector_load %arg11[%swap3A_792, %swap3A_793] {strides = array<i32>} : memref<2x400xi32, #tpu.memory_space<vmem>>, vector<16xi32>,
    tpu.vector_store %arg11[%swap3A_792, %swap3A_793], %add3A_788 {strides = array<i32>} : memref<2x400xi32, #tpu.memory_space<vmem>>, vector<16xi32>,
    %scan3A_795 = arith.constant 24 : i32
    %mul3A_796 = arith.constant 16 : i32
    %mul3A_797 = arith.muli %scan3A_795, %mul3A_796 : i32
    %get3A_798 = arith.constant 0 : i32
    %get3A_799 = arith.index_cast %get3A_798 : i32 to index
    %get3A_800 = arith.index_cast %mul3A_797 : i32 to index
    %get3A_801 = tpu.vector_load %arg11[%get3A_799, %get3A_800] {strides = array<i32>} : memref<2x400xi32, #tpu.memory_space<vmem>>, vector<16xi32>,
    %add3A_802 = vector.broadcast %mul3A_430 : i32 to vector<16xi32>
    %add3A_803 = arith.addi %get3A_801, %add3A_802 : vector<16xi32>
    %mul3A_804 = arith.constant 16 : i32
    %mul3A_805 = arith.muli %scan3A_795, %mul3A_804 : i32
    %swap3A_806 = arith.constant 0 : i32
    %swap3A_807 = arith.index_cast %swap3A_806 : i32 to index
    %swap3A_808 = arith.index_cast %mul3A_805 : i32 to index
    %swap3A_809 = tpu.vector_load %arg11[%swap3A_807, %swap3A_808] {strides = array<i32>} : memref<2x400xi32, #tpu.memory_space<vmem>>, vector<16xi32>,
    tpu.vector_store %arg11[%swap3A_807, %swap3A_808], %add3A_803 {strides = array<i32>} : memref<2x400xi32, #tpu.memory_space<vmem>>, vector<16xi32>,
    %scan3A_810 = arith.constant 25 : i32
    %dma_start3A_811 = arith.constant 0 : i32
    %dma_start3A_812 = arith.constant 0 : i32
    %dma_start3A_813 = arith.constant 0 : i32
    %dma_start3A_814 = arith.constant 0 : i32
    %dma_start3A_815 = tpu.memref_slice %arg8[%dma_start3A_812, %dma_start3A_813, %dma_start3A_814] : memref<2x400x64xf32, #tpu.memory_space<vmem>> -> memref<1x400x64xf32, #tpu.memory_space<vmem>>
    %dma_start3A_816 = tpu.memref_squeeze %dma_start3A_815 : memref<1x400x64xf32, #tpu.memory_space<vmem>> -> memref<400x64xf32, #tpu.memory_space<vmem>>
    %dma_start3A_817 = arith.constant 0 : i32
    %dma_start3A_818 = tpu.memref_slice %arg11[%dma_start3A_811, %dma_start3A_817] : memref<2x400xi32, #tpu.memory_space<vmem>> -> memref<1x400xi32, #tpu.memory_space<vmem>>
    %dma_start3A_819 = tpu.memref_squeeze %dma_start3A_818 : memref<1x400xi32, #tpu.memory_space<vmem>> -> memref<400xi32, #tpu.memory_space<vmem>>
    %dma_start3A_820 = arith.constant 0 : i32
    %dma_start3A_821 = arith.constant 0 : i32
    %dma_start3A_822 = tpu.memref_slice %arg2[%dma_start3A_820, %dma_start3A_821] : memref<40000x64xf32, #tpu.memory_space<hbm>> -> memref<40000x64xf32, #tpu.memory_space<hbm>>
    tpu.enqueue_indirect_dma source(%dma_start3A_822 : memref<40000x64xf32, #tpu.memory_space<hbm>>) target(%dma_start3A_816 : memref<400x64xf32, #tpu.memory_space<vmem>>) offsets(%dma_start3A_819 : memref<400xi32, #tpu.memory_space<vmem>>) semaphore(%arg14 : memref<!tpu.dma_semaphore, #tpu.memory_space<semaphore_mem>>)
    %add3A_823 = arith.constant 0 : i32
    %add3A_824 = arith.addi %mul3A_0, %add3A_823 : i32
    %run_scoped3A_825 = arith.constant 0 : i32
    "tpu.region"() ({
      %run_scoped3A_851 = tpu.sem_alloc : memref<!tpu.dma_semaphore, #tpu.memory_space<semaphore_mem>>
      %dma_start3A_852 = arith.constant 0 : i32
      %dma_start3A_853 = tpu.memref_slice %arg12[%run_scoped3A_825, %dma_start3A_852] : memref<2x400xi32, #tpu.memory_space<vmem>> -> memref<1x400xi32, #tpu.memory_space<vmem>>
      %dma_start3A_854 = tpu.memref_squeeze %dma_start3A_853 : memref<1x400xi32, #tpu.memory_space<vmem>> -> memref<400xi32, #tpu.memory_space<vmem>>
      %dma_start3A_855 = tpu.memref_slice %arg5[%add3A_824] : memref<320000xi32, #tpu.memory_space<hbm>> -> memref<400xi32, #tpu.memory_space<hbm>>
      %dma_start3A_856 = arith.constant 0 : i32
      %dma_start3A_857 = tpu.memref_slice %arg12[%run_scoped3A_825, %dma_start3A_856] : memref<2x400xi32, #tpu.memory_space<vmem>> -> memref<1x400xi32, #tpu.memory_space<vmem>>
      %dma_start3A_858 = tpu.memref_squeeze %dma_start3A_857 : memref<1x400xi32, #tpu.memory_space<vmem>> -> memref<400xi32, #tpu.memory_space<vmem>>
      %dma_start3A_859 = tpu.memref_slice %arg5[%add3A_824] : memref<320000xi32, #tpu.memory_space<hbm>> -> memref<400xi32, #tpu.memory_space<hbm>>
      tpu.enqueue_dma source(%dma_start3A_859 : memref<400xi32, #tpu.memory_space<hbm>>) target(%dma_start3A_858 : memref<400xi32, #tpu.memory_space<vmem>>) target_semaphore(%run_scoped3A_851 : memref<!tpu.dma_semaphore, #tpu.memory_space<semaphore_mem>>)
      %dma_wait3A_860 = arith.constant 0 : i32
      %dma_wait3A_861 = tpu.memref_slice %arg12[%run_scoped3A_825, %dma_wait3A_860] : memref<2x400xi32, #tpu.memory_space<vmem>> -> memref<1x400xi32, #tpu.memory_space<vmem>>
      %dma_wait3A_862 = tpu.memref_squeeze %dma_wait3A_861 : memref<1x400xi32, #tpu.memory_space<vmem>> -> memref<400xi32, #tpu.memory_space<vmem>>
      %dma_wait3A_863 = tpu.memref_slice %arg5[%add3A_824] : memref<320000xi32, #tpu.memory_space<hbm>> -> memref<400xi32, #tpu.memory_space<hbm>>
      %dma_wait3A_864 = arith.constant 0 : i32
      %dma_wait3A_865 = tpu.memref_slice %arg12[%run_scoped3A_825, %dma_wait3A_864] : memref<2x400xi32, #tpu.memory_space<vmem>> -> memref<1x400xi32, #tpu.memory_space<vmem>>
      %dma_wait3A_866 = tpu.memref_squeeze %dma_wait3A_865 : memref<1x400xi32, #tpu.memory_space<vmem>> -> memref<400xi32, #tpu.memory_space<vmem>>
      %dma_wait3A_867 = tpu.memref_slice %arg5[%add3A_824] : memref<320000xi32, #tpu.memory_space<hbm>> -> memref<400xi32, #tpu.memory_space<hbm>>
      tpu.wait_dma2 semaphore(%run_scoped3A_851 : memref<!tpu.dma_semaphore, #tpu.memory_space<semaphore_mem>>) src(%dma_wait3A_867 : memref<400xi32, #tpu.memory_space<hbm>>) dst(%dma_wait3A_866 : memref<400xi32, #tpu.memory_space<vmem>>)
      tpu.yield
    }) : () -> ()
    %scan3A_826 = arith.constant 0 : i32
    %scan3A_827 = arith.constant 0 : i32
    %scan3A_828 = arith.constant 25 : i32
    %scan3A_829 = arith.addi %scan3A_827, %scan3A_828 : i32
    %scan3A_830 = arith.constant 1 : i32
    scf.for %scan3A_851 = %scan3A_827 to %scan3A_829 step %scan3A_830  : i32 {
      %mul3A_852 = arith.constant 2 : i32
      %mul3A_853 = arith.muli %mul3A_852, %scan3A_851 : i32
      %mul3A_854 = arith.constant 2 : i32
      %mul3A_855 = arith.muli %mul3A_854, %scan3A_851 : i32
      %add3A_856 = arith.constant 1 : i32
      %add3A_857 = arith.addi %mul3A_855, %add3A_856 : i32
      %gt3A = arith.constant 0 : i32
      %gt3A_858 = arith.cmpi sgt, %scan3A_851, %gt3A : i32
      %convert_element_type3A = arith.extui %gt3A_858 : i1 to i32
      %cond3A = arith.constant 0 : i32
      %cond3A_859 = arith.cmpi ne, %convert_element_type3A, %cond3A : i32
      scf.if %cond3A_859 {
        %dma_wait3A_1326 = arith.constant 1 : i32
        %dma_wait3A_1327 = arith.constant 1 : i32
        %dma_wait3A_1328 = arith.constant 0 : i32
        %dma_wait3A_1329 = arith.constant 0 : i32
        %dma_wait3A_1330 = tpu.memref_slice %arg8[%dma_wait3A_1326, %dma_wait3A_1328, %dma_wait3A_1329] : memref<2x400x64xf32, #tpu.memory_space<vmem>> -> memref<1x400x64xf32, #tpu.memory_space<vmem>>
        %dma_wait3A_1331 = tpu.memref_squeeze %dma_wait3A_1330 : memref<1x400x64xf32, #tpu.memory_space<vmem>> -> memref<400x64xf32, #tpu.memory_space<vmem>>
        %dma_wait3A_1332 = arith.constant 0 : i32
        %dma_wait3A_1333 = tpu.memref_slice %arg12[%dma_wait3A_1327, %dma_wait3A_1332] : memref<2x400xi32, #tpu.memory_space<vmem>> -> memref<1x400xi32, #tpu.memory_space<vmem>>
        %dma_wait3A_1334 = tpu.memref_squeeze %dma_wait3A_1333 : memref<1x400xi32, #tpu.memory_space<vmem>> -> memref<400xi32, #tpu.memory_space<vmem>>
        %dma_wait3A_1335 = arith.constant 0 : i32
        %dma_wait3A_1336 = arith.constant 0 : i32
        %dma_wait3A_1337 = tpu.memref_slice %arg13[%dma_wait3A_1335, %dma_wait3A_1336] : memref<10000x64xf32, #tpu.memory_space<vmem_shared>> -> memref<10000x64xf32, #tpu.memory_space<vmem_shared>>
        tpu.wait_indirect_dma semaphore(%arg17 : memref<!tpu.dma_semaphore, #tpu.memory_space<semaphore_mem>>) src(%dma_wait3A_1331 : memref<400x64xf32, #tpu.memory_space<vmem>>) dst(%dma_wait3A_1337 : memref<10000x64xf32, #tpu.memory_space<vmem_shared>>)
      } else {
      }
      %mul3A_860 = arith.constant 400 : i32
      %mul3A_861 = arith.muli %add3A_857, %mul3A_860 : i32
      %add3A_862 = arith.addi %mul3A_0, %mul3A_861 : i32
      %run_scoped3A_863 = arith.constant 1 : i32
      "tpu.region"() ({
        %run_scoped3A_1326 = tpu.sem_alloc : memref<!tpu.dma_semaphore, #tpu.memory_space<semaphore_mem>>
        %dma_start3A_1327 = arith.constant 0 : i32
        %dma_start3A_1328 = tpu.memref_slice %arg11[%run_scoped3A_863, %dma_start3A_1327] : memref<2x400xi32, #tpu.memory_space<vmem>> -> memref<1x400xi32, #tpu.memory_space<vmem>>
        %dma_start3A_1329 = tpu.memref_squeeze %dma_start3A_1328 : memref<1x400xi32, #tpu.memory_space<vmem>> -> memref<400xi32, #tpu.memory_space<vmem>>
        %dma_start3A_1330 = tpu.memref_slice %arg4[%add3A_862] : memref<320000xi32, #tpu.memory_space<hbm>> -> memref<400xi32, #tpu.memory_space<hbm>>
        %dma_start3A_1331 = arith.constant 0 : i32
        %dma_start3A_1332 = tpu.memref_slice %arg11[%run_scoped3A_863, %dma_start3A_1331] : memref<2x400xi32, #tpu.memory_space<vmem>> -> memref<1x400xi32, #tpu.memory_space<vmem>>
        %dma_start3A_1333 = tpu.memref_squeeze %dma_start3A_1332 : memref<1x400xi32, #tpu.memory_space<vmem>> -> memref<400xi32, #tpu.memory_space<vmem>>
        %dma_start3A_1334 = tpu.memref_slice %arg4[%add3A_862] : memref<320000xi32, #tpu.memory_space<hbm>> -> memref<400xi32, #tpu.memory_space<hbm>>
        tpu.enqueue_dma source(%dma_start3A_1334 : memref<400xi32, #tpu.memory_space<hbm>>) target(%dma_start3A_1333 : memref<400xi32, #tpu.memory_space<vmem>>) target_semaphore(%run_scoped3A_1326 : memref<!tpu.dma_semaphore, #tpu.memory_space<semaphore_mem>>)
        %dma_wait3A_1335 = arith.constant 0 : i32
        %dma_wait3A_1336 = tpu.memref_slice %arg11[%run_scoped3A_863, %dma_wait3A_1335] : memref<2x400xi32, #tpu.memory_space<vmem>> -> memref<1x400xi32, #tpu.memory_space<vmem>>
        %dma_wait3A_1337 = tpu.memref_squeeze %dma_wait3A_1336 : memref<1x400xi32, #tpu.memory_space<vmem>> -> memref<400xi32, #tpu.memory_space<vmem>>
        %dma_wait3A_1338 = tpu.memref_slice %arg4[%add3A_862] : memref<320000xi32, #tpu.memory_space<hbm>> -> memref<400xi32, #tpu.memory_space<hbm>>
        %dma_wait3A_1339 = arith.constant 0 : i32
        %dma_wait3A_1340 = tpu.memref_slice %arg11[%run_scoped3A_863, %dma_wait3A_1339] : memref<2x400xi32, #tpu.memory_space<vmem>> -> memref<1x400xi32, #tpu.memory_space<vmem>>
        %dma_wait3A_1341 = tpu.memref_squeeze %dma_wait3A_1340 : memref<1x400xi32, #tpu.memory_space<vmem>> -> memref<400xi32, #tpu.memory_space<vmem>>
        %dma_wait3A_1342 = tpu.memref_slice %arg4[%add3A_862] : memref<320000xi32, #tpu.memory_space<hbm>> -> memref<400xi32, #tpu.memory_space<hbm>>
        tpu.wait_dma2 semaphore(%run_scoped3A_1326 : memref<!tpu.dma_semaphore, #tpu.memory_space<semaphore_mem>>) src(%dma_wait3A_1342 : memref<400xi32, #tpu.memory_space<hbm>>) dst(%dma_wait3A_1341 : memref<400xi32, #tpu.memory_space<vmem>>)
        tpu.yield
      }) : () -> ()
      %scan3A_864 = arith.constant 0 : i32
      %scan3A_865 = arith.constant 0 : i32
      %mul3A_866 = arith.constant 16 : i32
      %mul3A_867 = arith.muli %scan3A_865, %mul3A_866 : i32
      %get3A_868 = arith.constant 1 : i32
      %get3A_869 = arith.index_cast %get3A_868 : i32 to index
      %get3A_870 = arith.index_cast %mul3A_867 : i32 to index
      %get3A_871 = tpu.vector_load %arg11[%get3A_869, %get3A_870] {strides = array<i32>} : memref<2x400xi32, #tpu.memory_space<vmem>>, vector<16xi32>,
      %add3A_872 = vector.broadcast %mul3A_430 : i32 to vector<16xi32>
      %add3A_873 = arith.addi %get3A_871, %add3A_872 : vector<16xi32>
      %mul3A_874 = arith.constant 16 : i32
      %mul3A_875 = arith.muli %scan3A_865, %mul3A_874 : i32
      %swap3A_876 = arith.constant 1 : i32
      %swap3A_877 = arith.index_cast %swap3A_876 : i32 to index
      %swap3A_878 = arith.index_cast %mul3A_875 : i32 to index
      %swap3A_879 = tpu.vector_load %arg11[%swap3A_877, %swap3A_878] {strides = array<i32>} : memref<2x400xi32, #tpu.memory_space<vmem>>, vector<16xi32>,
      tpu.vector_store %arg11[%swap3A_877, %swap3A_878], %add3A_873 {strides = array<i32>} : memref<2x400xi32, #tpu.memory_space<vmem>>, vector<16xi32>,
      %scan3A_880 = arith.constant 1 : i32
      %mul3A_881 = arith.constant 16 : i32
      %mul3A_882 = arith.muli %scan3A_880, %mul3A_881 : i32
      %get3A_883 = arith.constant 1 : i32
      %get3A_884 = arith.index_cast %get3A_883 : i32 to index
      %get3A_885 = arith.index_cast %mul3A_882 : i32 to index
      %get3A_886 = tpu.vector_load %arg11[%get3A_884, %get3A_885] {strides = array<i32>} : memref<2x400xi32, #tpu.memory_space<vmem>>, vector<16xi32>,
      %add3A_887 = vector.broadcast %mul3A_430 : i32 to vector<16xi32>
      %add3A_888 = arith.addi %get3A_886, %add3A_887 : vector<16xi32>
      %mul3A_889 = arith.constant 16 : i32
      %mul3A_890 = arith.muli %scan3A_880, %mul3A_889 : i32
      %swap3A_891 = arith.constant 1 : i32
      %swap3A_892 = arith.index_cast %swap3A_891 : i32 to index
      %swap3A_893 = arith.index_cast %mul3A_890 : i32 to index
      %swap3A_894 = tpu.vector_load %arg11[%swap3A_892, %swap3A_893] {strides = array<i32>} : memref<2x400xi32, #tpu.memory_space<vmem>>, vector<16xi32>,
      tpu.vector_store %arg11[%swap3A_892, %swap3A_893], %add3A_888 {strides = array<i32>} : memref<2x400xi32, #tpu.memory_space<vmem>>, vector<16xi32>,
      %scan3A_895 = arith.constant 2 : i32
      %mul3A_896 = arith.constant 16 : i32
      %mul3A_897 = arith.muli %scan3A_895, %mul3A_896 : i32
      %get3A_898 = arith.constant 1 : i32
      %get3A_899 = arith.index_cast %get3A_898 : i32 to index
      %get3A_900 = arith.index_cast %mul3A_897 : i32 to index
      %get3A_901 = tpu.vector_load %arg11[%get3A_899, %get3A_900] {strides = array<i32>} : memref<2x400xi32, #tpu.memory_space<vmem>>, vector<16xi32>,
      %add3A_902 = vector.broadcast %mul3A_430 : i32 to vector<16xi32>
      %add3A_903 = arith.addi %get3A_901, %add3A_902 : vector<16xi32>
      %mul3A_904 = arith.constant 16 : i32
      %mul3A_905 = arith.muli %scan3A_895, %mul3A_904 : i32
      %swap3A_906 = arith.constant 1 : i32
      %swap3A_907 = arith.index_cast %swap3A_906 : i32 to index
      %swap3A_908 = arith.index_cast %mul3A_905 : i32 to index
      %swap3A_909 = tpu.vector_load %arg11[%swap3A_907, %swap3A_908] {strides = array<i32>} : memref<2x400xi32, #tpu.memory_space<vmem>>, vector<16xi32>,
      tpu.vector_store %arg11[%swap3A_907, %swap3A_908], %add3A_903 {strides = array<i32>} : memref<2x400xi32, #tpu.memory_space<vmem>>, vector<16xi32>,
      %scan3A_910 = arith.constant 3 : i32
      %mul3A_911 = arith.constant 16 : i32
      %mul3A_912 = arith.muli %scan3A_910, %mul3A_911 : i32
      %get3A_913 = arith.constant 1 : i32
      %get3A_914 = arith.index_cast %get3A_913 : i32 to index
      %get3A_915 = arith.index_cast %mul3A_912 : i32 to index
      %get3A_916 = tpu.vector_load %arg11[%get3A_914, %get3A_915] {strides = array<i32>} : memref<2x400xi32, #tpu.memory_space<vmem>>, vector<16xi32>,
      %add3A_917 = vector.broadcast %mul3A_430 : i32 to vector<16xi32>
      %add3A_918 = arith.addi %get3A_916, %add3A_917 : vector<16xi32>
      %mul3A_919 = arith.constant 16 : i32
      %mul3A_920 = arith.muli %scan3A_910, %mul3A_919 : i32
      %swap3A_921 = arith.constant 1 : i32
      %swap3A_922 = arith.index_cast %swap3A_921 : i32 to index
      %swap3A_923 = arith.index_cast %mul3A_920 : i32 to index
      %swap3A_924 = tpu.vector_load %arg11[%swap3A_922, %swap3A_923] {strides = array<i32>} : memref<2x400xi32, #tpu.memory_space<vmem>>, vector<16xi32>,
      tpu.vector_store %arg11[%swap3A_922, %swap3A_923], %add3A_918 {strides = array<i32>} : memref<2x400xi32, #tpu.memory_space<vmem>>, vector<16xi32>,
      %scan3A_925 = arith.constant 4 : i32
      %mul3A_926 = arith.constant 16 : i32
      %mul3A_927 = arith.muli %scan3A_925, %mul3A_926 : i32
      %get3A_928 = arith.constant 1 : i32
      %get3A_929 = arith.index_cast %get3A_928 : i32 to index
      %get3A_930 = arith.index_cast %mul3A_927 : i32 to index
      %get3A_931 = tpu.vector_load %arg11[%get3A_929, %get3A_930] {strides = array<i32>} : memref<2x400xi32, #tpu.memory_space<vmem>>, vector<16xi32>,
      %add3A_932 = vector.broadcast %mul3A_430 : i32 to vector<16xi32>
      %add3A_933 = arith.addi %get3A_931, %add3A_932 : vector<16xi32>
      %mul3A_934 = arith.constant 16 : i32
      %mul3A_935 = arith.muli %scan3A_925, %mul3A_934 : i32
      %swap3A_936 = arith.constant 1 : i32
      %swap3A_937 = arith.index_cast %swap3A_936 : i32 to index
      %swap3A_938 = arith.index_cast %mul3A_935 : i32 to index
      %swap3A_939 = tpu.vector_load %arg11[%swap3A_937, %swap3A_938] {strides = array<i32>} : memref<2x400xi32, #tpu.memory_space<vmem>>, vector<16xi32>,
      tpu.vector_store %arg11[%swap3A_937, %swap3A_938], %add3A_933 {strides = array<i32>} : memref<2x400xi32, #tpu.memory_space<vmem>>, vector<16xi32>,
      %scan3A_940 = arith.constant 5 : i32
      %mul3A_941 = arith.constant 16 : i32
      %mul3A_942 = arith.muli %scan3A_940, %mul3A_941 : i32
      %get3A_943 = arith.constant 1 : i32
      %get3A_944 = arith.index_cast %get3A_943 : i32 to index
      %get3A_945 = arith.index_cast %mul3A_942 : i32 to index
      %get3A_946 = tpu.vector_load %arg11[%get3A_944, %get3A_945] {strides = array<i32>} : memref<2x400xi32, #tpu.memory_space<vmem>>, vector<16xi32>,
      %add3A_947 = vector.broadcast %mul3A_430 : i32 to vector<16xi32>
      %add3A_948 = arith.addi %get3A_946, %add3A_947 : vector<16xi32>
      %mul3A_949 = arith.constant 16 : i32
      %mul3A_950 = arith.muli %scan3A_940, %mul3A_949 : i32
      %swap3A_951 = arith.constant 1 : i32
      %swap3A_952 = arith.index_cast %swap3A_951 : i32 to index
      %swap3A_953 = arith.index_cast %mul3A_950 : i32 to index
      %swap3A_954 = tpu.vector_load %arg11[%swap3A_952, %swap3A_953] {strides = array<i32>} : memref<2x400xi32, #tpu.memory_space<vmem>>, vector<16xi32>,
      tpu.vector_store %arg11[%swap3A_952, %swap3A_953], %add3A_948 {strides = array<i32>} : memref<2x400xi32, #tpu.memory_space<vmem>>, vector<16xi32>,
      %scan3A_955 = arith.constant 6 : i32
      %mul3A_956 = arith.constant 16 : i32
      %mul3A_957 = arith.muli %scan3A_955, %mul3A_956 : i32
      %get3A_958 = arith.constant 1 : i32
      %get3A_959 = arith.index_cast %get3A_958 : i32 to index
      %get3A_960 = arith.index_cast %mul3A_957 : i32 to index
      %get3A_961 = tpu.vector_load %arg11[%get3A_959, %get3A_960] {strides = array<i32>} : memref<2x400xi32, #tpu.memory_space<vmem>>, vector<16xi32>,
      %add3A_962 = vector.broadcast %mul3A_430 : i32 to vector<16xi32>
      %add3A_963 = arith.addi %get3A_961, %add3A_962 : vector<16xi32>
      %mul3A_964 = arith.constant 16 : i32
      %mul3A_965 = arith.muli %scan3A_955, %mul3A_964 : i32
      %swap3A_966 = arith.constant 1 : i32
      %swap3A_967 = arith.index_cast %swap3A_966 : i32 to index
      %swap3A_968 = arith.index_cast %mul3A_965 : i32 to index
      %swap3A_969 = tpu.vector_load %arg11[%swap3A_967, %swap3A_968] {strides = array<i32>} : memref<2x400xi32, #tpu.memory_space<vmem>>, vector<16xi32>,
      tpu.vector_store %arg11[%swap3A_967, %swap3A_968], %add3A_963 {strides = array<i32>} : memref<2x400xi32, #tpu.memory_space<vmem>>, vector<16xi32>,
      %scan3A_970 = arith.constant 7 : i32
      %mul3A_971 = arith.constant 16 : i32
      %mul3A_972 = arith.muli %scan3A_970, %mul3A_971 : i32
      %get3A_973 = arith.constant 1 : i32
      %get3A_974 = arith.index_cast %get3A_973 : i32 to index
      %get3A_975 = arith.index_cast %mul3A_972 : i32 to index
      %get3A_976 = tpu.vector_load %arg11[%get3A_974, %get3A_975] {strides = array<i32>} : memref<2x400xi32, #tpu.memory_space<vmem>>, vector<16xi32>,
      %add3A_977 = vector.broadcast %mul3A_430 : i32 to vector<16xi32>
      %add3A_978 = arith.addi %get3A_976, %add3A_977 : vector<16xi32>
      %mul3A_979 = arith.constant 16 : i32
      %mul3A_980 = arith.muli %scan3A_970, %mul3A_979 : i32
      %swap3A_981 = arith.constant 1 : i32
      %swap3A_982 = arith.index_cast %swap3A_981 : i32 to index
      %swap3A_983 = arith.index_cast %mul3A_980 : i32 to index
      %swap3A_984 = tpu.vector_load %arg11[%swap3A_982, %swap3A_983] {strides = array<i32>} : memref<2x400xi32, #tpu.memory_space<vmem>>, vector<16xi32>,
      tpu.vector_store %arg11[%swap3A_982, %swap3A_983], %add3A_978 {strides = array<i32>} : memref<2x400xi32, #tpu.memory_space<vmem>>, vector<16xi32>,
      %scan3A_985 = arith.constant 8 : i32
      %mul3A_986 = arith.constant 16 : i32
      %mul3A_987 = arith.muli %scan3A_985, %mul3A_986 : i32
      %get3A_988 = arith.constant 1 : i32
      %get3A_989 = arith.index_cast %get3A_988 : i32 to index
      %get3A_990 = arith.index_cast %mul3A_987 : i32 to index
      %get3A_991 = tpu.vector_load %arg11[%get3A_989, %get3A_990] {strides = array<i32>} : memref<2x400xi32, #tpu.memory_space<vmem>>, vector<16xi32>,
      %add3A_992 = vector.broadcast %mul3A_430 : i32 to vector<16xi32>
      %add3A_993 = arith.addi %get3A_991, %add3A_992 : vector<16xi32>
      %mul3A_994 = arith.constant 16 : i32
      %mul3A_995 = arith.muli %scan3A_985, %mul3A_994 : i32
      %swap3A_996 = arith.constant 1 : i32
      %swap3A_997 = arith.index_cast %swap3A_996 : i32 to index
      %swap3A_998 = arith.index_cast %mul3A_995 : i32 to index
      %swap3A_999 = tpu.vector_load %arg11[%swap3A_997, %swap3A_998] {strides = array<i32>} : memref<2x400xi32, #tpu.memory_space<vmem>>, vector<16xi32>,
      tpu.vector_store %arg11[%swap3A_997, %swap3A_998], %add3A_993 {strides = array<i32>} : memref<2x400xi32, #tpu.memory_space<vmem>>, vector<16xi32>,
      %scan3A_1000 = arith.constant 9 : i32
      %mul3A_1001 = arith.constant 16 : i32
      %mul3A_1002 = arith.muli %scan3A_1000, %mul3A_1001 : i32
      %get3A_1003 = arith.constant 1 : i32
      %get3A_1004 = arith.index_cast %get3A_1003 : i32 to index
      %get3A_1005 = arith.index_cast %mul3A_1002 : i32 to index
      %get3A_1006 = tpu.vector_load %arg11[%get3A_1004, %get3A_1005] {strides = array<i32>} : memref<2x400xi32, #tpu.memory_space<vmem>>, vector<16xi32>,
      %add3A_1007 = vector.broadcast %mul3A_430 : i32 to vector<16xi32>
      %add3A_1008 = arith.addi %get3A_1006, %add3A_1007 : vector<16xi32>
      %mul3A_1009 = arith.constant 16 : i32
      %mul3A_1010 = arith.muli %scan3A_1000, %mul3A_1009 : i32
      %swap3A_1011 = arith.constant 1 : i32
      %swap3A_1012 = arith.index_cast %swap3A_1011 : i32 to index
      %swap3A_1013 = arith.index_cast %mul3A_1010 : i32 to index
      %swap3A_1014 = tpu.vector_load %arg11[%swap3A_1012, %swap3A_1013] {strides = array<i32>} : memref<2x400xi32, #tpu.memory_space<vmem>>, vector<16xi32>,
      tpu.vector_store %arg11[%swap3A_1012, %swap3A_1013], %add3A_1008 {strides = array<i32>} : memref<2x400xi32, #tpu.memory_space<vmem>>, vector<16xi32>,
      %scan3A_1015 = arith.constant 10 : i32
      %mul3A_1016 = arith.constant 16 : i32
      %mul3A_1017 = arith.muli %scan3A_1015, %mul3A_1016 : i32
      %get3A_1018 = arith.constant 1 : i32
      %get3A_1019 = arith.index_cast %get3A_1018 : i32 to index
      %get3A_1020 = arith.index_cast %mul3A_1017 : i32 to index
      %get3A_1021 = tpu.vector_load %arg11[%get3A_1019, %get3A_1020] {strides = array<i32>} : memref<2x400xi32, #tpu.memory_space<vmem>>, vector<16xi32>,
      %add3A_1022 = vector.broadcast %mul3A_430 : i32 to vector<16xi32>
      %add3A_1023 = arith.addi %get3A_1021, %add3A_1022 : vector<16xi32>
      %mul3A_1024 = arith.constant 16 : i32
      %mul3A_1025 = arith.muli %scan3A_1015, %mul3A_1024 : i32
      %swap3A_1026 = arith.constant 1 : i32
      %swap3A_1027 = arith.index_cast %swap3A_1026 : i32 to index
      %swap3A_1028 = arith.index_cast %mul3A_1025 : i32 to index
      %swap3A_1029 = tpu.vector_load %arg11[%swap3A_1027, %swap3A_1028] {strides = array<i32>} : memref<2x400xi32, #tpu.memory_space<vmem>>, vector<16xi32>,
      tpu.vector_store %arg11[%swap3A_1027, %swap3A_1028], %add3A_1023 {strides = array<i32>} : memref<2x400xi32, #tpu.memory_space<vmem>>, vector<16xi32>,
      %scan3A_1030 = arith.constant 11 : i32
      %mul3A_1031 = arith.constant 16 : i32
      %mul3A_1032 = arith.muli %scan3A_1030, %mul3A_1031 : i32
      %get3A_1033 = arith.constant 1 : i32
      %get3A_1034 = arith.index_cast %get3A_1033 : i32 to index
      %get3A_1035 = arith.index_cast %mul3A_1032 : i32 to index
      %get3A_1036 = tpu.vector_load %arg11[%get3A_1034, %get3A_1035] {strides = array<i32>} : memref<2x400xi32, #tpu.memory_space<vmem>>, vector<16xi32>,
      %add3A_1037 = vector.broadcast %mul3A_430 : i32 to vector<16xi32>
      %add3A_1038 = arith.addi %get3A_1036, %add3A_1037 : vector<16xi32>
      %mul3A_1039 = arith.constant 16 : i32
      %mul3A_1040 = arith.muli %scan3A_1030, %mul3A_1039 : i32
      %swap3A_1041 = arith.constant 1 : i32
      %swap3A_1042 = arith.index_cast %swap3A_1041 : i32 to index
      %swap3A_1043 = arith.index_cast %mul3A_1040 : i32 to index
      %swap3A_1044 = tpu.vector_load %arg11[%swap3A_1042, %swap3A_1043] {strides = array<i32>} : memref<2x400xi32, #tpu.memory_space<vmem>>, vector<16xi32>,
      tpu.vector_store %arg11[%swap3A_1042, %swap3A_1043], %add3A_1038 {strides = array<i32>} : memref<2x400xi32, #tpu.memory_space<vmem>>, vector<16xi32>,
      %scan3A_1045 = arith.constant 12 : i32
      %mul3A_1046 = arith.constant 16 : i32
      %mul3A_1047 = arith.muli %scan3A_1045, %mul3A_1046 : i32
      %get3A_1048 = arith.constant 1 : i32
      %get3A_1049 = arith.index_cast %get3A_1048 : i32 to index
      %get3A_1050 = arith.index_cast %mul3A_1047 : i32 to index
      %get3A_1051 = tpu.vector_load %arg11[%get3A_1049, %get3A_1050] {strides = array<i32>} : memref<2x400xi32, #tpu.memory_space<vmem>>, vector<16xi32>,
      %add3A_1052 = vector.broadcast %mul3A_430 : i32 to vector<16xi32>
      %add3A_1053 = arith.addi %get3A_1051, %add3A_1052 : vector<16xi32>
      %mul3A_1054 = arith.constant 16 : i32
      %mul3A_1055 = arith.muli %scan3A_1045, %mul3A_1054 : i32
      %swap3A_1056 = arith.constant 1 : i32
      %swap3A_1057 = arith.index_cast %swap3A_1056 : i32 to index
      %swap3A_1058 = arith.index_cast %mul3A_1055 : i32 to index
      %swap3A_1059 = tpu.vector_load %arg11[%swap3A_1057, %swap3A_1058] {strides = array<i32>} : memref<2x400xi32, #tpu.memory_space<vmem>>, vector<16xi32>,
      tpu.vector_store %arg11[%swap3A_1057, %swap3A_1058], %add3A_1053 {strides = array<i32>} : memref<2x400xi32, #tpu.memory_space<vmem>>, vector<16xi32>,
      %scan3A_1060 = arith.constant 13 : i32
      %mul3A_1061 = arith.constant 16 : i32
      %mul3A_1062 = arith.muli %scan3A_1060, %mul3A_1061 : i32
      %get3A_1063 = arith.constant 1 : i32
      %get3A_1064 = arith.index_cast %get3A_1063 : i32 to index
      %get3A_1065 = arith.index_cast %mul3A_1062 : i32 to index
      %get3A_1066 = tpu.vector_load %arg11[%get3A_1064, %get3A_1065] {strides = array<i32>} : memref<2x400xi32, #tpu.memory_space<vmem>>, vector<16xi32>,
      %add3A_1067 = vector.broadcast %mul3A_430 : i32 to vector<16xi32>
      %add3A_1068 = arith.addi %get3A_1066, %add3A_1067 : vector<16xi32>
      %mul3A_1069 = arith.constant 16 : i32
      %mul3A_1070 = arith.muli %scan3A_1060, %mul3A_1069 : i32
      %swap3A_1071 = arith.constant 1 : i32
      %swap3A_1072 = arith.index_cast %swap3A_1071 : i32 to index
      %swap3A_1073 = arith.index_cast %mul3A_1070 : i32 to index
      %swap3A_1074 = tpu.vector_load %arg11[%swap3A_1072, %swap3A_1073] {strides = array<i32>} : memref<2x400xi32, #tpu.memory_space<vmem>>, vector<16xi32>,
      tpu.vector_store %arg11[%swap3A_1072, %swap3A_1073], %add3A_1068 {strides = array<i32>} : memref<2x400xi32, #tpu.memory_space<vmem>>, vector<16xi32>,
      %scan3A_1075 = arith.constant 14 : i32
      %mul3A_1076 = arith.constant 16 : i32
      %mul3A_1077 = arith.muli %scan3A_1075, %mul3A_1076 : i32
      %get3A_1078 = arith.constant 1 : i32
      %get3A_1079 = arith.index_cast %get3A_1078 : i32 to index
      %get3A_1080 = arith.index_cast %mul3A_1077 : i32 to index
      %get3A_1081 = tpu.vector_load %arg11[%get3A_1079, %get3A_1080] {strides = array<i32>} : memref<2x400xi32, #tpu.memory_space<vmem>>, vector<16xi32>,
      %add3A_1082 = vector.broadcast %mul3A_430 : i32 to vector<16xi32>
      %add3A_1083 = arith.addi %get3A_1081, %add3A_1082 : vector<16xi32>
      %mul3A_1084 = arith.constant 16 : i32
      %mul3A_1085 = arith.muli %scan3A_1075, %mul3A_1084 : i32
      %swap3A_1086 = arith.constant 1 : i32
      %swap3A_1087 = arith.index_cast %swap3A_1086 : i32 to index
      %swap3A_1088 = arith.index_cast %mul3A_1085 : i32 to index
      %swap3A_1089 = tpu.vector_load %arg11[%swap3A_1087, %swap3A_1088] {strides = array<i32>} : memref<2x400xi32, #tpu.memory_space<vmem>>, vector<16xi32>,
      tpu.vector_store %arg11[%swap3A_1087, %swap3A_1088], %add3A_1083 {strides = array<i32>} : memref<2x400xi32, #tpu.memory_space<vmem>>, vector<16xi32>,
      %scan3A_1090 = arith.constant 15 : i32
      %mul3A_1091 = arith.constant 16 : i32
      %mul3A_1092 = arith.muli %scan3A_1090, %mul3A_1091 : i32
      %get3A_1093 = arith.constant 1 : i32
      %get3A_1094 = arith.index_cast %get3A_1093 : i32 to index
      %get3A_1095 = arith.index_cast %mul3A_1092 : i32 to index
      %get3A_1096 = tpu.vector_load %arg11[%get3A_1094, %get3A_1095] {strides = array<i32>} : memref<2x400xi32, #tpu.memory_space<vmem>>, vector<16xi32>,
      %add3A_1097 = vector.broadcast %mul3A_430 : i32 to vector<16xi32>
      %add3A_1098 = arith.addi %get3A_1096, %add3A_1097 : vector<16xi32>
      %mul3A_1099 = arith.constant 16 : i32
      %mul3A_1100 = arith.muli %scan3A_1090, %mul3A_1099 : i32
      %swap3A_1101 = arith.constant 1 : i32
      %swap3A_1102 = arith.index_cast %swap3A_1101 : i32 to index
      %swap3A_1103 = arith.index_cast %mul3A_1100 : i32 to index
      %swap3A_1104 = tpu.vector_load %arg11[%swap3A_1102, %swap3A_1103] {strides = array<i32>} : memref<2x400xi32, #tpu.memory_space<vmem>>, vector<16xi32>,
      tpu.vector_store %arg11[%swap3A_1102, %swap3A_1103], %add3A_1098 {strides = array<i32>} : memref<2x400xi32, #tpu.memory_space<vmem>>, vector<16xi32>,
      %scan3A_1105 = arith.constant 16 : i32
      %mul3A_1106 = arith.constant 16 : i32
      %mul3A_1107 = arith.muli %scan3A_1105, %mul3A_1106 : i32
      %get3A_1108 = arith.constant 1 : i32
      %get3A_1109 = arith.index_cast %get3A_1108 : i32 to index
      %get3A_1110 = arith.index_cast %mul3A_1107 : i32 to index
      %get3A_1111 = tpu.vector_load %arg11[%get3A_1109, %get3A_1110] {strides = array<i32>} : memref<2x400xi32, #tpu.memory_space<vmem>>, vector<16xi32>,
      %add3A_1112 = vector.broadcast %mul3A_430 : i32 to vector<16xi32>
      %add3A_1113 = arith.addi %get3A_1111, %add3A_1112 : vector<16xi32>
      %mul3A_1114 = arith.constant 16 : i32
      %mul3A_1115 = arith.muli %scan3A_1105, %mul3A_1114 : i32
      %swap3A_1116 = arith.constant 1 : i32
      %swap3A_1117 = arith.index_cast %swap3A_1116 : i32 to index
      %swap3A_1118 = arith.index_cast %mul3A_1115 : i32 to index
      %swap3A_1119 = tpu.vector_load %arg11[%swap3A_1117, %swap3A_1118] {strides = array<i32>} : memref<2x400xi32, #tpu.memory_space<vmem>>, vector<16xi32>,
      tpu.vector_store %arg11[%swap3A_1117, %swap3A_1118], %add3A_1113 {strides = array<i32>} : memref<2x400xi32, #tpu.memory_space<vmem>>, vector<16xi32>,
      %scan3A_1120 = arith.constant 17 : i32
      %mul3A_1121 = arith.constant 16 : i32
      %mul3A_1122 = arith.muli %scan3A_1120, %mul3A_1121 : i32
      %get3A_1123 = arith.constant 1 : i32
      %get3A_1124 = arith.index_cast %get3A_1123 : i32 to index
      %get3A_1125 = arith.index_cast %mul3A_1122 : i32 to index
      %get3A_1126 = tpu.vector_load %arg11[%get3A_1124, %get3A_1125] {strides = array<i32>} : memref<2x400xi32, #tpu.memory_space<vmem>>, vector<16xi32>,
      %add3A_1127 = vector.broadcast %mul3A_430 : i32 to vector<16xi32>
      %add3A_1128 = arith.addi %get3A_1126, %add3A_1127 : vector<16xi32>
      %mul3A_1129 = arith.constant 16 : i32
      %mul3A_1130 = arith.muli %scan3A_1120, %mul3A_1129 : i32
      %swap3A_1131 = arith.constant 1 : i32
      %swap3A_1132 = arith.index_cast %swap3A_1131 : i32 to index
      %swap3A_1133 = arith.index_cast %mul3A_1130 : i32 to index
      %swap3A_1134 = tpu.vector_load %arg11[%swap3A_1132, %swap3A_1133] {strides = array<i32>} : memref<2x400xi32, #tpu.memory_space<vmem>>, vector<16xi32>,
      tpu.vector_store %arg11[%swap3A_1132, %swap3A_1133], %add3A_1128 {strides = array<i32>} : memref<2x400xi32, #tpu.memory_space<vmem>>, vector<16xi32>,
      %scan3A_1135 = arith.constant 18 : i32
      %mul3A_1136 = arith.constant 16 : i32
      %mul3A_1137 = arith.muli %scan3A_1135, %mul3A_1136 : i32
      %get3A_1138 = arith.constant 1 : i32
      %get3A_1139 = arith.index_cast %get3A_1138 : i32 to index
      %get3A_1140 = arith.index_cast %mul3A_1137 : i32 to index
      %get3A_1141 = tpu.vector_load %arg11[%get3A_1139, %get3A_1140] {strides = array<i32>} : memref<2x400xi32, #tpu.memory_space<vmem>>, vector<16xi32>,
      %add3A_1142 = vector.broadcast %mul3A_430 : i32 to vector<16xi32>
      %add3A_1143 = arith.addi %get3A_1141, %add3A_1142 : vector<16xi32>
      %mul3A_1144 = arith.constant 16 : i32
      %mul3A_1145 = arith.muli %scan3A_1135, %mul3A_1144 : i32
      %swap3A_1146 = arith.constant 1 : i32
      %swap3A_1147 = arith.index_cast %swap3A_1146 : i32 to index
      %swap3A_1148 = arith.index_cast %mul3A_1145 : i32 to index
      %swap3A_1149 = tpu.vector_load %arg11[%swap3A_1147, %swap3A_1148] {strides = array<i32>} : memref<2x400xi32, #tpu.memory_space<vmem>>, vector<16xi32>,
      tpu.vector_store %arg11[%swap3A_1147, %swap3A_1148], %add3A_1143 {strides = array<i32>} : memref<2x400xi32, #tpu.memory_space<vmem>>, vector<16xi32>,
      %scan3A_1150 = arith.constant 19 : i32
      %mul3A_1151 = arith.constant 16 : i32
      %mul3A_1152 = arith.muli %scan3A_1150, %mul3A_1151 : i32
      %get3A_1153 = arith.constant 1 : i32
      %get3A_1154 = arith.index_cast %get3A_1153 : i32 to index
      %get3A_1155 = arith.index_cast %mul3A_1152 : i32 to index
      %get3A_1156 = tpu.vector_load %arg11[%get3A_1154, %get3A_1155] {strides = array<i32>} : memref<2x400xi32, #tpu.memory_space<vmem>>, vector<16xi32>,
      %add3A_1157 = vector.broadcast %mul3A_430 : i32 to vector<16xi32>
      %add3A_1158 = arith.addi %get3A_1156, %add3A_1157 : vector<16xi32>
      %mul3A_1159 = arith.constant 16 : i32
      %mul3A_1160 = arith.muli %scan3A_1150, %mul3A_1159 : i32
      %swap3A_1161 = arith.constant 1 : i32
      %swap3A_1162 = arith.index_cast %swap3A_1161 : i32 to index
      %swap3A_1163 = arith.index_cast %mul3A_1160 : i32 to index
      %swap3A_1164 = tpu.vector_load %arg11[%swap3A_1162, %swap3A_1163] {strides = array<i32>} : memref<2x400xi32, #tpu.memory_space<vmem>>, vector<16xi32>,
      tpu.vector_store %arg11[%swap3A_1162, %swap3A_1163], %add3A_1158 {strides = array<i32>} : memref<2x400xi32, #tpu.memory_space<vmem>>, vector<16xi32>,
      %scan3A_1165 = arith.constant 20 : i32
      %mul3A_1166 = arith.constant 16 : i32
      %mul3A_1167 = arith.muli %scan3A_1165, %mul3A_1166 : i32
      %get3A_1168 = arith.constant 1 : i32
      %get3A_1169 = arith.index_cast %get3A_1168 : i32 to index
      %get3A_1170 = arith.index_cast %mul3A_1167 : i32 to index
      %get3A_1171 = tpu.vector_load %arg11[%get3A_1169, %get3A_1170] {strides = array<i32>} : memref<2x400xi32, #tpu.memory_space<vmem>>, vector<16xi32>,
      %add3A_1172 = vector.broadcast %mul3A_430 : i32 to vector<16xi32>
      %add3A_1173 = arith.addi %get3A_1171, %add3A_1172 : vector<16xi32>
      %mul3A_1174 = arith.constant 16 : i32
      %mul3A_1175 = arith.muli %scan3A_1165, %mul3A_1174 : i32
      %swap3A_1176 = arith.constant 1 : i32
      %swap3A_1177 = arith.index_cast %swap3A_1176 : i32 to index
      %swap3A_1178 = arith.index_cast %mul3A_1175 : i32 to index
      %swap3A_1179 = tpu.vector_load %arg11[%swap3A_1177, %swap3A_1178] {strides = array<i32>} : memref<2x400xi32, #tpu.memory_space<vmem>>, vector<16xi32>,
      tpu.vector_store %arg11[%swap3A_1177, %swap3A_1178], %add3A_1173 {strides = array<i32>} : memref<2x400xi32, #tpu.memory_space<vmem>>, vector<16xi32>,
      %scan3A_1180 = arith.constant 21 : i32
      %mul3A_1181 = arith.constant 16 : i32
      %mul3A_1182 = arith.muli %scan3A_1180, %mul3A_1181 : i32
      %get3A_1183 = arith.constant 1 : i32
      %get3A_1184 = arith.index_cast %get3A_1183 : i32 to index
      %get3A_1185 = arith.index_cast %mul3A_1182 : i32 to index
      %get3A_1186 = tpu.vector_load %arg11[%get3A_1184, %get3A_1185] {strides = array<i32>} : memref<2x400xi32, #tpu.memory_space<vmem>>, vector<16xi32>,
      %add3A_1187 = vector.broadcast %mul3A_430 : i32 to vector<16xi32>
      %add3A_1188 = arith.addi %get3A_1186, %add3A_1187 : vector<16xi32>
      %mul3A_1189 = arith.constant 16 : i32
      %mul3A_1190 = arith.muli %scan3A_1180, %mul3A_1189 : i32
      %swap3A_1191 = arith.constant 1 : i32
      %swap3A_1192 = arith.index_cast %swap3A_1191 : i32 to index
      %swap3A_1193 = arith.index_cast %mul3A_1190 : i32 to index
      %swap3A_1194 = tpu.vector_load %arg11[%swap3A_1192, %swap3A_1193] {strides = array<i32>} : memref<2x400xi32, #tpu.memory_space<vmem>>, vector<16xi32>,
      tpu.vector_store %arg11[%swap3A_1192, %swap3A_1193], %add3A_1188 {strides = array<i32>} : memref<2x400xi32, #tpu.memory_space<vmem>>, vector<16xi32>,
      %scan3A_1195 = arith.constant 22 : i32
      %mul3A_1196 = arith.constant 16 : i32
      %mul3A_1197 = arith.muli %scan3A_1195, %mul3A_1196 : i32
      %get3A_1198 = arith.constant 1 : i32
      %get3A_1199 = arith.index_cast %get3A_1198 : i32 to index
      %get3A_1200 = arith.index_cast %mul3A_1197 : i32 to index
      %get3A_1201 = tpu.vector_load %arg11[%get3A_1199, %get3A_1200] {strides = array<i32>} : memref<2x400xi32, #tpu.memory_space<vmem>>, vector<16xi32>,
      %add3A_1202 = vector.broadcast %mul3A_430 : i32 to vector<16xi32>
      %add3A_1203 = arith.addi %get3A_1201, %add3A_1202 : vector<16xi32>
      %mul3A_1204 = arith.constant 16 : i32
      %mul3A_1205 = arith.muli %scan3A_1195, %mul3A_1204 : i32
      %swap3A_1206 = arith.constant 1 : i32
      %swap3A_1207 = arith.index_cast %swap3A_1206 : i32 to index
      %swap3A_1208 = arith.index_cast %mul3A_1205 : i32 to index
      %swap3A_1209 = tpu.vector_load %arg11[%swap3A_1207, %swap3A_1208] {strides = array<i32>} : memref<2x400xi32, #tpu.memory_space<vmem>>, vector<16xi32>,
      tpu.vector_store %arg11[%swap3A_1207, %swap3A_1208], %add3A_1203 {strides = array<i32>} : memref<2x400xi32, #tpu.memory_space<vmem>>, vector<16xi32>,
      %scan3A_1210 = arith.constant 23 : i32
      %mul3A_1211 = arith.constant 16 : i32
      %mul3A_1212 = arith.muli %scan3A_1210, %mul3A_1211 : i32
      %get3A_1213 = arith.constant 1 : i32
      %get3A_1214 = arith.index_cast %get3A_1213 : i32 to index
      %get3A_1215 = arith.index_cast %mul3A_1212 : i32 to index
      %get3A_1216 = tpu.vector_load %arg11[%get3A_1214, %get3A_1215] {strides = array<i32>} : memref<2x400xi32, #tpu.memory_space<vmem>>, vector<16xi32>,
      %add3A_1217 = vector.broadcast %mul3A_430 : i32 to vector<16xi32>
      %add3A_1218 = arith.addi %get3A_1216, %add3A_1217 : vector<16xi32>
      %mul3A_1219 = arith.constant 16 : i32
      %mul3A_1220 = arith.muli %scan3A_1210, %mul3A_1219 : i32
      %swap3A_1221 = arith.constant 1 : i32
      %swap3A_1222 = arith.index_cast %swap3A_1221 : i32 to index
      %swap3A_1223 = arith.index_cast %mul3A_1220 : i32 to index
      %swap3A_1224 = tpu.vector_load %arg11[%swap3A_1222, %swap3A_1223] {strides = array<i32>} : memref<2x400xi32, #tpu.memory_space<vmem>>, vector<16xi32>,
      tpu.vector_store %arg11[%swap3A_1222, %swap3A_1223], %add3A_1218 {strides = array<i32>} : memref<2x400xi32, #tpu.memory_space<vmem>>, vector<16xi32>,
      %scan3A_1225 = arith.constant 24 : i32
      %mul3A_1226 = arith.constant 16 : i32
      %mul3A_1227 = arith.muli %scan3A_1225, %mul3A_1226 : i32
      %get3A_1228 = arith.constant 1 : i32
      %get3A_1229 = arith.index_cast %get3A_1228 : i32 to index
      %get3A_1230 = arith.index_cast %mul3A_1227 : i32 to index
      %get3A_1231 = tpu.vector_load %arg11[%get3A_1229, %get3A_1230] {strides = array<i32>} : memref<2x400xi32, #tpu.memory_space<vmem>>, vector<16xi32>,
      %add3A_1232 = vector.broadcast %mul3A_430 : i32 to vector<16xi32>
      %add3A_1233 = arith.addi %get3A_1231, %add3A_1232 : vector<16xi32>
      %mul3A_1234 = arith.constant 16 : i32
      %mul3A_1235 = arith.muli %scan3A_1225, %mul3A_1234 : i32
      %swap3A_1236 = arith.constant 1 : i32
      %swap3A_1237 = arith.index_cast %swap3A_1236 : i32 to index
      %swap3A_1238 = arith.index_cast %mul3A_1235 : i32 to index
      %swap3A_1239 = tpu.vector_load %arg11[%swap3A_1237, %swap3A_1238] {strides = array<i32>} : memref<2x400xi32, #tpu.memory_space<vmem>>, vector<16xi32>,
      tpu.vector_store %arg11[%swap3A_1237, %swap3A_1238], %add3A_1233 {strides = array<i32>} : memref<2x400xi32, #tpu.memory_space<vmem>>, vector<16xi32>,
      %scan3A_1240 = arith.constant 25 : i32
      %dma_start3A_1241 = arith.constant 1 : i32
      %dma_start3A_1242 = arith.constant 1 : i32
      %dma_start3A_1243 = arith.constant 0 : i32
      %dma_start3A_1244 = arith.constant 0 : i32
      %dma_start3A_1245 = tpu.memref_slice %arg8[%dma_start3A_1242, %dma_start3A_1243, %dma_start3A_1244] : memref<2x400x64xf32, #tpu.memory_space<vmem>> -> memref<1x400x64xf32, #tpu.memory_space<vmem>>
      %dma_start3A_1246 = tpu.memref_squeeze %dma_start3A_1245 : memref<1x400x64xf32, #tpu.memory_space<vmem>> -> memref<400x64xf32, #tpu.memory_space<vmem>>
      %dma_start3A_1247 = arith.constant 0 : i32
      %dma_start3A_1248 = tpu.memref_slice %arg11[%dma_start3A_1241, %dma_start3A_1247] : memref<2x400xi32, #tpu.memory_space<vmem>> -> memref<1x400xi32, #tpu.memory_space<vmem>>
      %dma_start3A_1249 = tpu.memref_squeeze %dma_start3A_1248 : memref<1x400xi32, #tpu.memory_space<vmem>> -> memref<400xi32, #tpu.memory_space<vmem>>
      %dma_start3A_1250 = arith.constant 0 : i32
      %dma_start3A_1251 = arith.constant 0 : i32
      %dma_start3A_1252 = tpu.memref_slice %arg2[%dma_start3A_1250, %dma_start3A_1251] : memref<40000x64xf32, #tpu.memory_space<hbm>> -> memref<40000x64xf32, #tpu.memory_space<hbm>>
      tpu.enqueue_indirect_dma source(%dma_start3A_1252 : memref<40000x64xf32, #tpu.memory_space<hbm>>) target(%dma_start3A_1246 : memref<400x64xf32, #tpu.memory_space<vmem>>) offsets(%dma_start3A_1249 : memref<400xi32, #tpu.memory_space<vmem>>) semaphore(%arg15 : memref<!tpu.dma_semaphore, #tpu.memory_space<semaphore_mem>>)
      %mul3A_1253 = arith.constant 400 : i32
      %mul3A_1254 = arith.muli %add3A_857, %mul3A_1253 : i32
      %add3A_1255 = arith.addi %mul3A_0, %mul3A_1254 : i32
      %run_scoped3A_1256 = arith.constant 1 : i32
      "tpu.region"() ({
        %run_scoped3A_1326 = tpu.sem_alloc : memref<!tpu.dma_semaphore, #tpu.memory_space<semaphore_mem>>
        %dma_start3A_1327 = arith.constant 0 : i32
        %dma_start3A_1328 = tpu.memref_slice %arg12[%run_scoped3A_1256, %dma_start3A_1327] : memref<2x400xi32, #tpu.memory_space<vmem>> -> memref<1x400xi32, #tpu.memory_space<vmem>>
        %dma_start3A_1329 = tpu.memref_squeeze %dma_start3A_1328 : memref<1x400xi32, #tpu.memory_space<vmem>> -> memref<400xi32, #tpu.memory_space<vmem>>
        %dma_start3A_1330 = tpu.memref_slice %arg5[%add3A_1255] : memref<320000xi32, #tpu.memory_space<hbm>> -> memref<400xi32, #tpu.memory_space<hbm>>
        %dma_start3A_1331 = arith.constant 0 : i32
        %dma_start3A_1332 = tpu.memref_slice %arg12[%run_scoped3A_1256, %dma_start3A_1331] : memref<2x400xi32, #tpu.memory_space<vmem>> -> memref<1x400xi32, #tpu.memory_space<vmem>>
        %dma_start3A_1333 = tpu.memref_squeeze %dma_start3A_1332 : memref<1x400xi32, #tpu.memory_space<vmem>> -> memref<400xi32, #tpu.memory_space<vmem>>
        %dma_start3A_1334 = tpu.memref_slice %arg5[%add3A_1255] : memref<320000xi32, #tpu.memory_space<hbm>> -> memref<400xi32, #tpu.memory_space<hbm>>
        tpu.enqueue_dma source(%dma_start3A_1334 : memref<400xi32, #tpu.memory_space<hbm>>) target(%dma_start3A_1333 : memref<400xi32, #tpu.memory_space<vmem>>) target_semaphore(%run_scoped3A_1326 : memref<!tpu.dma_semaphore, #tpu.memory_space<semaphore_mem>>)
        %dma_wait3A_1335 = arith.constant 0 : i32
        %dma_wait3A_1336 = tpu.memref_slice %arg12[%run_scoped3A_1256, %dma_wait3A_1335] : memref<2x400xi32, #tpu.memory_space<vmem>> -> memref<1x400xi32, #tpu.memory_space<vmem>>
        %dma_wait3A_1337 = tpu.memref_squeeze %dma_wait3A_1336 : memref<1x400xi32, #tpu.memory_space<vmem>> -> memref<400xi32, #tpu.memory_space<vmem>>
        %dma_wait3A_1338 = tpu.memref_slice %arg5[%add3A_1255] : memref<320000xi32, #tpu.memory_space<hbm>> -> memref<400xi32, #tpu.memory_space<hbm>>
        %dma_wait3A_1339 = arith.constant 0 : i32
        %dma_wait3A_1340 = tpu.memref_slice %arg12[%run_scoped3A_1256, %dma_wait3A_1339] : memref<2x400xi32, #tpu.memory_space<vmem>> -> memref<1x400xi32, #tpu.memory_space<vmem>>
        %dma_wait3A_1341 = tpu.memref_squeeze %dma_wait3A_1340 : memref<1x400xi32, #tpu.memory_space<vmem>> -> memref<400xi32, #tpu.memory_space<vmem>>
        %dma_wait3A_1342 = tpu.memref_slice %arg5[%add3A_1255] : memref<320000xi32, #tpu.memory_space<hbm>> -> memref<400xi32, #tpu.memory_space<hbm>>
        tpu.wait_dma2 semaphore(%run_scoped3A_1326 : memref<!tpu.dma_semaphore, #tpu.memory_space<semaphore_mem>>) src(%dma_wait3A_1342 : memref<400xi32, #tpu.memory_space<hbm>>) dst(%dma_wait3A_1341 : memref<400xi32, #tpu.memory_space<vmem>>)
        tpu.yield
      }) : () -> ()
      %dma_wait3A_1257 = arith.constant 0 : i32
      %dma_wait3A_1258 = arith.constant 0 : i32
      %dma_wait3A_1259 = arith.constant 0 : i32
      %dma_wait3A_1260 = arith.constant 0 : i32
      %dma_wait3A_1261 = tpu.memref_slice %arg8[%dma_wait3A_1258, %dma_wait3A_1259, %dma_wait3A_1260] : memref<2x400x64xf32, #tpu.memory_space<vmem>> -> memref<1x400x64xf32, #tpu.memory_space<vmem>>
      %dma_wait3A_1262 = tpu.memref_squeeze %dma_wait3A_1261 : memref<1x400x64xf32, #tpu.memory_space<vmem>> -> memref<400x64xf32, #tpu.memory_space<vmem>>
      %dma_wait3A_1263 = arith.constant 0 : i32
      %dma_wait3A_1264 = tpu.memref_slice %arg11[%dma_wait3A_1257, %dma_wait3A_1263] : memref<2x400xi32, #tpu.memory_space<vmem>> -> memref<1x400xi32, #tpu.memory_space<vmem>>
      %dma_wait3A_1265 = tpu.memref_squeeze %dma_wait3A_1264 : memref<1x400xi32, #tpu.memory_space<vmem>> -> memref<400xi32, #tpu.memory_space<vmem>>
      %dma_wait3A_1266 = arith.constant 0 : i32
      %dma_wait3A_1267 = arith.constant 0 : i32
      %dma_wait3A_1268 = tpu.memref_slice %arg2[%dma_wait3A_1266, %dma_wait3A_1267] : memref<40000x64xf32, #tpu.memory_space<hbm>> -> memref<40000x64xf32, #tpu.memory_space<hbm>>
      tpu.wait_indirect_dma semaphore(%arg14 : memref<!tpu.dma_semaphore, #tpu.memory_space<semaphore_mem>>) src(%dma_wait3A_1268 : memref<40000x64xf32, #tpu.memory_space<hbm>>) dst(%dma_wait3A_1262 : memref<400x64xf32, #tpu.memory_space<vmem>>)
      %gt3A_1269 = arith.constant 0 : i32
      %gt3A_1270 = arith.cmpi sgt, %scan3A_851, %gt3A_1269 : i32
      %convert_element_type3A_1271 = arith.extui %gt3A_1270 : i1 to i32
      %cond3A_1272 = arith.constant 0 : i32
      %cond3A_1273 = arith.cmpi ne, %convert_element_type3A_1271, %cond3A_1272 : i32
      scf.if %cond3A_1273 {
        %mul3A_1326 = arith.constant 400 : i32
        %mul3A_1327 = arith.muli %mul3A_853, %mul3A_1326 : i32
        %add3A_1328 = arith.addi %mul3A_0, %mul3A_1327 : i32
        %run_scoped3A_1329 = arith.constant 0 : i32
        "tpu.region"() ({
          %run_scoped3A_1330 = tpu.sem_alloc : memref<!tpu.dma_semaphore, #tpu.memory_space<semaphore_mem>>
          %dma_start3A_1331 = arith.constant 0 : i32
          %dma_start3A_1332 = tpu.memref_slice %arg12[%run_scoped3A_1329, %dma_start3A_1331] : memref<2x400xi32, #tpu.memory_space<vmem>> -> memref<1x400xi32, #tpu.memory_space<vmem>>
          %dma_start3A_1333 = tpu.memref_squeeze %dma_start3A_1332 : memref<1x400xi32, #tpu.memory_space<vmem>> -> memref<400xi32, #tpu.memory_space<vmem>>
          %dma_start3A_1334 = tpu.memref_slice %arg5[%add3A_1328] : memref<320000xi32, #tpu.memory_space<hbm>> -> memref<400xi32, #tpu.memory_space<hbm>>
          %dma_start3A_1335 = arith.constant 0 : i32
          %dma_start3A_1336 = tpu.memref_slice %arg12[%run_scoped3A_1329, %dma_start3A_1335] : memref<2x400xi32, #tpu.memory_space<vmem>> -> memref<1x400xi32, #tpu.memory_space<vmem>>
          %dma_start3A_1337 = tpu.memref_squeeze %dma_start3A_1336 : memref<1x400xi32, #tpu.memory_space<vmem>> -> memref<400xi32, #tpu.memory_space<vmem>>
          %dma_start3A_1338 = tpu.memref_slice %arg5[%add3A_1328] : memref<320000xi32, #tpu.memory_space<hbm>> -> memref<400xi32, #tpu.memory_space<hbm>>
          tpu.enqueue_dma source(%dma_start3A_1338 : memref<400xi32, #tpu.memory_space<hbm>>) target(%dma_start3A_1337 : memref<400xi32, #tpu.memory_space<vmem>>) target_semaphore(%run_scoped3A_1330 : memref<!tpu.dma_semaphore, #tpu.memory_space<semaphore_mem>>)
          %dma_wait3A_1339 = arith.constant 0 : i32
          %dma_wait3A_1340 = tpu.memref_slice %arg12[%run_scoped3A_1329, %dma_wait3A_1339] : memref<2x400xi32, #tpu.memory_space<vmem>> -> memref<1x400xi32, #tpu.memory_space<vmem>>
          %dma_wait3A_1341 = tpu.memref_squeeze %dma_wait3A_1340 : memref<1x400xi32, #tpu.memory_space<vmem>> -> memref<400xi32, #tpu.memory_space<vmem>>
          %dma_wait3A_1342 = tpu.memref_slice %arg5[%add3A_1328] : memref<320000xi32, #tpu.memory_space<hbm>> -> memref<400xi32, #tpu.memory_space<hbm>>
          %dma_wait3A_1343 = arith.constant 0 : i32
          %dma_wait3A_1344 = tpu.memref_slice %arg12[%run_scoped3A_1329, %dma_wait3A_1343] : memref<2x400xi32, #tpu.memory_space<vmem>> -> memref<1x400xi32, #tpu.memory_space<vmem>>
          %dma_wait3A_1345 = tpu.memref_squeeze %dma_wait3A_1344 : memref<1x400xi32, #tpu.memory_space<vmem>> -> memref<400xi32, #tpu.memory_space<vmem>>
          %dma_wait3A_1346 = tpu.memref_slice %arg5[%add3A_1328] : memref<320000xi32, #tpu.memory_space<hbm>> -> memref<400xi32, #tpu.memory_space<hbm>>
          tpu.wait_dma2 semaphore(%run_scoped3A_1330 : memref<!tpu.dma_semaphore, #tpu.memory_space<semaphore_mem>>) src(%dma_wait3A_1346 : memref<400xi32, #tpu.memory_space<hbm>>) dst(%dma_wait3A_1345 : memref<400xi32, #tpu.memory_space<vmem>>)
          tpu.yield
        }) : () -> ()
      } else {
      }
      %dma_start3A_1274 = arith.constant 0 : i32
      %dma_start3A_1275 = arith.constant 0 : i32
      %dma_start3A_1276 = arith.constant 0 : i32
      %dma_start3A_1277 = arith.constant 0 : i32
      %dma_start3A_1278 = tpu.memref_slice %arg8[%dma_start3A_1274, %dma_start3A_1276, %dma_start3A_1277] : memref<2x400x64xf32, #tpu.memory_space<vmem>> -> memref<1x400x64xf32, #tpu.memory_space<vmem>>
      %dma_start3A_1279 = tpu.memref_squeeze %dma_start3A_1278 : memref<1x400x64xf32, #tpu.memory_space<vmem>> -> memref<400x64xf32, #tpu.memory_space<vmem>>
      %dma_start3A_1280 = arith.constant 0 : i32
      %dma_start3A_1281 = tpu.memref_slice %arg12[%dma_start3A_1275, %dma_start3A_1280] : memref<2x400xi32, #tpu.memory_space<vmem>> -> memref<1x400xi32, #tpu.memory_space<vmem>>
      %dma_start3A_1282 = tpu.memref_squeeze %dma_start3A_1281 : memref<1x400xi32, #tpu.memory_space<vmem>> -> memref<400xi32, #tpu.memory_space<vmem>>
      %dma_start3A_1283 = arith.constant 0 : i32
      %dma_start3A_1284 = arith.constant 0 : i32
      %dma_start3A_1285 = tpu.memref_slice %arg13[%dma_start3A_1283, %dma_start3A_1284] : memref<10000x64xf32, #tpu.memory_space<vmem_shared>> -> memref<10000x64xf32, #tpu.memory_space<vmem_shared>>
      tpu.enqueue_indirect_dma source(%dma_start3A_1279 : memref<400x64xf32, #tpu.memory_space<vmem>>) target(%dma_start3A_1285 : memref<10000x64xf32, #tpu.memory_space<vmem_shared>>) offsets(%dma_start3A_1282 : memref<400xi32, #tpu.memory_space<vmem>>) semaphore(%arg16 : memref<!tpu.dma_semaphore, #tpu.memory_space<semaphore_mem>>) {add = true}
      %dma_wait3A_1286 = arith.constant 0 : i32
      %dma_wait3A_1287 = arith.constant 0 : i32
      %dma_wait3A_1288 = arith.constant 0 : i32
      %dma_wait3A_1289 = arith.constant 0 : i32
      %dma_wait3A_1290 = tpu.memref_slice %arg8[%dma_wait3A_1286, %dma_wait3A_1288, %dma_wait3A_1289] : memref<2x400x64xf32, #tpu.memory_space<vmem>> -> memref<1x400x64xf32, #tpu.memory_space<vmem>>
      %dma_wait3A_1291 = tpu.memref_squeeze %dma_wait3A_1290 : memref<1x400x64xf32, #tpu.memory_space<vmem>> -> memref<400x64xf32, #tpu.memory_space<vmem>>
      %dma_wait3A_1292 = arith.constant 0 : i32
      %dma_wait3A_1293 = tpu.memref_slice %arg12[%dma_wait3A_1287, %dma_wait3A_1292] : memref<2x400xi32, #tpu.memory_space<vmem>> -> memref<1x400xi32, #tpu.memory_space<vmem>>
      %dma_wait3A_1294 = tpu.memref_squeeze %dma_wait3A_1293 : memref<1x400xi32, #tpu.memory_space<vmem>> -> memref<400xi32, #tpu.memory_space<vmem>>
      %dma_wait3A_1295 = arith.constant 0 : i32
      %dma_wait3A_1296 = arith.constant 0 : i32
      %dma_wait3A_1297 = tpu.memref_slice %arg13[%dma_wait3A_1295, %dma_wait3A_1296] : memref<10000x64xf32, #tpu.memory_space<vmem_shared>> -> memref<10000x64xf32, #tpu.memory_space<vmem_shared>>
      tpu.wait_indirect_dma semaphore(%arg16 : memref<!tpu.dma_semaphore, #tpu.memory_space<semaphore_mem>>) src(%dma_wait3A_1291 : memref<400x64xf32, #tpu.memory_space<vmem>>) dst(%dma_wait3A_1297 : memref<10000x64xf32, #tpu.memory_space<vmem_shared>>)
      %lt3A = arith.constant 24 : i32
      %lt3A_1298 = arith.cmpi slt, %scan3A_851, %lt3A : i32
      %convert_element_type3A_1299 = arith.extui %lt3A_1298 : i1 to i32
      %cond3A_1300 = arith.constant 0 : i32
      %cond3A_1301 = arith.cmpi ne, %convert_element_type3A_1299, %cond3A_1300 : i32
      scf.if %cond3A_1301 {
        %add3A_1326 = arith.constant 2 : i32
        %add3A_1327 = arith.addi %mul3A_853, %add3A_1326 : i32
        %mul3A_1328 = arith.constant 400 : i32
        %mul3A_1329 = arith.muli %add3A_1327, %mul3A_1328 : i32
        %add3A_1330 = arith.addi %mul3A_0, %mul3A_1329 : i32
        %run_scoped3A_1331 = arith.constant 0 : i32
        "tpu.region"() ({
          %run_scoped3A_1721 = tpu.sem_alloc : memref<!tpu.dma_semaphore, #tpu.memory_space<semaphore_mem>>
          %dma_start3A_1722 = arith.constant 0 : i32
          %dma_start3A_1723 = tpu.memref_slice %arg11[%run_scoped3A_1331, %dma_start3A_1722] : memref<2x400xi32, #tpu.memory_space<vmem>> -> memref<1x400xi32, #tpu.memory_space<vmem>>
          %dma_start3A_1724 = tpu.memref_squeeze %dma_start3A_1723 : memref<1x400xi32, #tpu.memory_space<vmem>> -> memref<400xi32, #tpu.memory_space<vmem>>
          %dma_start3A_1725 = tpu.memref_slice %arg4[%add3A_1330] : memref<320000xi32, #tpu.memory_space<hbm>> -> memref<400xi32, #tpu.memory_space<hbm>>
          %dma_start3A_1726 = arith.constant 0 : i32
          %dma_start3A_1727 = tpu.memref_slice %arg11[%run_scoped3A_1331, %dma_start3A_1726] : memref<2x400xi32, #tpu.memory_space<vmem>> -> memref<1x400xi32, #tpu.memory_space<vmem>>
          %dma_start3A_1728 = tpu.memref_squeeze %dma_start3A_1727 : memref<1x400xi32, #tpu.memory_space<vmem>> -> memref<400xi32, #tpu.memory_space<vmem>>
          %dma_start3A_1729 = tpu.memref_slice %arg4[%add3A_1330] : memref<320000xi32, #tpu.memory_space<hbm>> -> memref<400xi32, #tpu.memory_space<hbm>>
          tpu.enqueue_dma source(%dma_start3A_1729 : memref<400xi32, #tpu.memory_space<hbm>>) target(%dma_start3A_1728 : memref<400xi32, #tpu.memory_space<vmem>>) target_semaphore(%run_scoped3A_1721 : memref<!tpu.dma_semaphore, #tpu.memory_space<semaphore_mem>>)
          %dma_wait3A_1730 = arith.constant 0 : i32
          %dma_wait3A_1731 = tpu.memref_slice %arg11[%run_scoped3A_1331, %dma_wait3A_1730] : memref<2x400xi32, #tpu.memory_space<vmem>> -> memref<1x400xi32, #tpu.memory_space<vmem>>
          %dma_wait3A_1732 = tpu.memref_squeeze %dma_wait3A_1731 : memref<1x400xi32, #tpu.memory_space<vmem>> -> memref<400xi32, #tpu.memory_space<vmem>>
          %dma_wait3A_1733 = tpu.memref_slice %arg4[%add3A_1330] : memref<320000xi32, #tpu.memory_space<hbm>> -> memref<400xi32, #tpu.memory_space<hbm>>
          %dma_wait3A_1734 = arith.constant 0 : i32
          %dma_wait3A_1735 = tpu.memref_slice %arg11[%run_scoped3A_1331, %dma_wait3A_1734] : memref<2x400xi32, #tpu.memory_space<vmem>> -> memref<1x400xi32, #tpu.memory_space<vmem>>
          %dma_wait3A_1736 = tpu.memref_squeeze %dma_wait3A_1735 : memref<1x400xi32, #tpu.memory_space<vmem>> -> memref<400xi32, #tpu.memory_space<vmem>>
          %dma_wait3A_1737 = tpu.memref_slice %arg4[%add3A_1330] : memref<320000xi32, #tpu.memory_space<hbm>> -> memref<400xi32, #tpu.memory_space<hbm>>
          tpu.wait_dma2 semaphore(%run_scoped3A_1721 : memref<!tpu.dma_semaphore, #tpu.memory_space<semaphore_mem>>) src(%dma_wait3A_1737 : memref<400xi32, #tpu.memory_space<hbm>>) dst(%dma_wait3A_1736 : memref<400xi32, #tpu.memory_space<vmem>>)
          tpu.yield
        }) : () -> ()
        %scan3A_1332 = arith.constant 0 : i32
        %scan3A_1333 = arith.constant 0 : i32
        %mul3A_1334 = arith.constant 16 : i32
        %mul3A_1335 = arith.muli %scan3A_1333, %mul3A_1334 : i32
        %get3A_1336 = arith.constant 0 : i32
        %get3A_1337 = arith.index_cast %get3A_1336 : i32 to index
        %get3A_1338 = arith.index_cast %mul3A_1335 : i32 to index
        %get3A_1339 = tpu.vector_load %arg11[%get3A_1337, %get3A_1338] {strides = array<i32>} : memref<2x400xi32, #tpu.memory_space<vmem>>, vector<16xi32>,
        %add3A_1340 = vector.broadcast %mul3A_430 : i32 to vector<16xi32>
        %add3A_1341 = arith.addi %get3A_1339, %add3A_1340 : vector<16xi32>
        %mul3A_1342 = arith.constant 16 : i32
        %mul3A_1343 = arith.muli %scan3A_1333, %mul3A_1342 : i32
        %swap3A_1344 = arith.constant 0 : i32
        %swap3A_1345 = arith.index_cast %swap3A_1344 : i32 to index
        %swap3A_1346 = arith.index_cast %mul3A_1343 : i32 to index
        %swap3A_1347 = tpu.vector_load %arg11[%swap3A_1345, %swap3A_1346] {strides = array<i32>} : memref<2x400xi32, #tpu.memory_space<vmem>>, vector<16xi32>,
        tpu.vector_store %arg11[%swap3A_1345, %swap3A_1346], %add3A_1341 {strides = array<i32>} : memref<2x400xi32, #tpu.memory_space<vmem>>, vector<16xi32>,
        %scan3A_1348 = arith.constant 1 : i32
        %mul3A_1349 = arith.constant 16 : i32
        %mul3A_1350 = arith.muli %scan3A_1348, %mul3A_1349 : i32
        %get3A_1351 = arith.constant 0 : i32
        %get3A_1352 = arith.index_cast %get3A_1351 : i32 to index
        %get3A_1353 = arith.index_cast %mul3A_1350 : i32 to index
        %get3A_1354 = tpu.vector_load %arg11[%get3A_1352, %get3A_1353] {strides = array<i32>} : memref<2x400xi32, #tpu.memory_space<vmem>>, vector<16xi32>,
        %add3A_1355 = vector.broadcast %mul3A_430 : i32 to vector<16xi32>
        %add3A_1356 = arith.addi %get3A_1354, %add3A_1355 : vector<16xi32>
        %mul3A_1357 = arith.constant 16 : i32
        %mul3A_1358 = arith.muli %scan3A_1348, %mul3A_1357 : i32
        %swap3A_1359 = arith.constant 0 : i32
        %swap3A_1360 = arith.index_cast %swap3A_1359 : i32 to index
        %swap3A_1361 = arith.index_cast %mul3A_1358 : i32 to index
        %swap3A_1362 = tpu.vector_load %arg11[%swap3A_1360, %swap3A_1361] {strides = array<i32>} : memref<2x400xi32, #tpu.memory_space<vmem>>, vector<16xi32>,
        tpu.vector_store %arg11[%swap3A_1360, %swap3A_1361], %add3A_1356 {strides = array<i32>} : memref<2x400xi32, #tpu.memory_space<vmem>>, vector<16xi32>,
        %scan3A_1363 = arith.constant 2 : i32
        %mul3A_1364 = arith.constant 16 : i32
        %mul3A_1365 = arith.muli %scan3A_1363, %mul3A_1364 : i32
        %get3A_1366 = arith.constant 0 : i32
        %get3A_1367 = arith.index_cast %get3A_1366 : i32 to index
        %get3A_1368 = arith.index_cast %mul3A_1365 : i32 to index
        %get3A_1369 = tpu.vector_load %arg11[%get3A_1367, %get3A_1368] {strides = array<i32>} : memref<2x400xi32, #tpu.memory_space<vmem>>, vector<16xi32>,
        %add3A_1370 = vector.broadcast %mul3A_430 : i32 to vector<16xi32>
        %add3A_1371 = arith.addi %get3A_1369, %add3A_1370 : vector<16xi32>
        %mul3A_1372 = arith.constant 16 : i32
        %mul3A_1373 = arith.muli %scan3A_1363, %mul3A_1372 : i32
        %swap3A_1374 = arith.constant 0 : i32
        %swap3A_1375 = arith.index_cast %swap3A_1374 : i32 to index
        %swap3A_1376 = arith.index_cast %mul3A_1373 : i32 to index
        %swap3A_1377 = tpu.vector_load %arg11[%swap3A_1375, %swap3A_1376] {strides = array<i32>} : memref<2x400xi32, #tpu.memory_space<vmem>>, vector<16xi32>,
        tpu.vector_store %arg11[%swap3A_1375, %swap3A_1376], %add3A_1371 {strides = array<i32>} : memref<2x400xi32, #tpu.memory_space<vmem>>, vector<16xi32>,
        %scan3A_1378 = arith.constant 3 : i32
        %mul3A_1379 = arith.constant 16 : i32
        %mul3A_1380 = arith.muli %scan3A_1378, %mul3A_1379 : i32
        %get3A_1381 = arith.constant 0 : i32
        %get3A_1382 = arith.index_cast %get3A_1381 : i32 to index
        %get3A_1383 = arith.index_cast %mul3A_1380 : i32 to index
        %get3A_1384 = tpu.vector_load %arg11[%get3A_1382, %get3A_1383] {strides = array<i32>} : memref<2x400xi32, #tpu.memory_space<vmem>>, vector<16xi32>,
        %add3A_1385 = vector.broadcast %mul3A_430 : i32 to vector<16xi32>
        %add3A_1386 = arith.addi %get3A_1384, %add3A_1385 : vector<16xi32>
        %mul3A_1387 = arith.constant 16 : i32
        %mul3A_1388 = arith.muli %scan3A_1378, %mul3A_1387 : i32
        %swap3A_1389 = arith.constant 0 : i32
        %swap3A_1390 = arith.index_cast %swap3A_1389 : i32 to index
        %swap3A_1391 = arith.index_cast %mul3A_1388 : i32 to index
        %swap3A_1392 = tpu.vector_load %arg11[%swap3A_1390, %swap3A_1391] {strides = array<i32>} : memref<2x400xi32, #tpu.memory_space<vmem>>, vector<16xi32>,
        tpu.vector_store %arg11[%swap3A_1390, %swap3A_1391], %add3A_1386 {strides = array<i32>} : memref<2x400xi32, #tpu.memory_space<vmem>>, vector<16xi32>,
        %scan3A_1393 = arith.constant 4 : i32
        %mul3A_1394 = arith.constant 16 : i32
        %mul3A_1395 = arith.muli %scan3A_1393, %mul3A_1394 : i32
        %get3A_1396 = arith.constant 0 : i32
        %get3A_1397 = arith.index_cast %get3A_1396 : i32 to index
        %get3A_1398 = arith.index_cast %mul3A_1395 : i32 to index
        %get3A_1399 = tpu.vector_load %arg11[%get3A_1397, %get3A_1398] {strides = array<i32>} : memref<2x400xi32, #tpu.memory_space<vmem>>, vector<16xi32>,
        %add3A_1400 = vector.broadcast %mul3A_430 : i32 to vector<16xi32>
        %add3A_1401 = arith.addi %get3A_1399, %add3A_1400 : vector<16xi32>
        %mul3A_1402 = arith.constant 16 : i32
        %mul3A_1403 = arith.muli %scan3A_1393, %mul3A_1402 : i32
        %swap3A_1404 = arith.constant 0 : i32
        %swap3A_1405 = arith.index_cast %swap3A_1404 : i32 to index
        %swap3A_1406 = arith.index_cast %mul3A_1403 : i32 to index
        %swap3A_1407 = tpu.vector_load %arg11[%swap3A_1405, %swap3A_1406] {strides = array<i32>} : memref<2x400xi32, #tpu.memory_space<vmem>>, vector<16xi32>,
        tpu.vector_store %arg11[%swap3A_1405, %swap3A_1406], %add3A_1401 {strides = array<i32>} : memref<2x400xi32, #tpu.memory_space<vmem>>, vector<16xi32>,
        %scan3A_1408 = arith.constant 5 : i32
        %mul3A_1409 = arith.constant 16 : i32
        %mul3A_1410 = arith.muli %scan3A_1408, %mul3A_1409 : i32
        %get3A_1411 = arith.constant 0 : i32
        %get3A_1412 = arith.index_cast %get3A_1411 : i32 to index
        %get3A_1413 = arith.index_cast %mul3A_1410 : i32 to index
        %get3A_1414 = tpu.vector_load %arg11[%get3A_1412, %get3A_1413] {strides = array<i32>} : memref<2x400xi32, #tpu.memory_space<vmem>>, vector<16xi32>,
        %add3A_1415 = vector.broadcast %mul3A_430 : i32 to vector<16xi32>
        %add3A_1416 = arith.addi %get3A_1414, %add3A_1415 : vector<16xi32>
        %mul3A_1417 = arith.constant 16 : i32
        %mul3A_1418 = arith.muli %scan3A_1408, %mul3A_1417 : i32
        %swap3A_1419 = arith.constant 0 : i32
        %swap3A_1420 = arith.index_cast %swap3A_1419 : i32 to index
        %swap3A_1421 = arith.index_cast %mul3A_1418 : i32 to index
        %swap3A_1422 = tpu.vector_load %arg11[%swap3A_1420, %swap3A_1421] {strides = array<i32>} : memref<2x400xi32, #tpu.memory_space<vmem>>, vector<16xi32>,
        tpu.vector_store %arg11[%swap3A_1420, %swap3A_1421], %add3A_1416 {strides = array<i32>} : memref<2x400xi32, #tpu.memory_space<vmem>>, vector<16xi32>,
        %scan3A_1423 = arith.constant 6 : i32
        %mul3A_1424 = arith.constant 16 : i32
        %mul3A_1425 = arith.muli %scan3A_1423, %mul3A_1424 : i32
        %get3A_1426 = arith.constant 0 : i32
        %get3A_1427 = arith.index_cast %get3A_1426 : i32 to index
        %get3A_1428 = arith.index_cast %mul3A_1425 : i32 to index
        %get3A_1429 = tpu.vector_load %arg11[%get3A_1427, %get3A_1428] {strides = array<i32>} : memref<2x400xi32, #tpu.memory_space<vmem>>, vector<16xi32>,
        %add3A_1430 = vector.broadcast %mul3A_430 : i32 to vector<16xi32>
        %add3A_1431 = arith.addi %get3A_1429, %add3A_1430 : vector<16xi32>
        %mul3A_1432 = arith.constant 16 : i32
        %mul3A_1433 = arith.muli %scan3A_1423, %mul3A_1432 : i32
        %swap3A_1434 = arith.constant 0 : i32
        %swap3A_1435 = arith.index_cast %swap3A_1434 : i32 to index
        %swap3A_1436 = arith.index_cast %mul3A_1433 : i32 to index
        %swap3A_1437 = tpu.vector_load %arg11[%swap3A_1435, %swap3A_1436] {strides = array<i32>} : memref<2x400xi32, #tpu.memory_space<vmem>>, vector<16xi32>,
        tpu.vector_store %arg11[%swap3A_1435, %swap3A_1436], %add3A_1431 {strides = array<i32>} : memref<2x400xi32, #tpu.memory_space<vmem>>, vector<16xi32>,
        %scan3A_1438 = arith.constant 7 : i32
        %mul3A_1439 = arith.constant 16 : i32
        %mul3A_1440 = arith.muli %scan3A_1438, %mul3A_1439 : i32
        %get3A_1441 = arith.constant 0 : i32
        %get3A_1442 = arith.index_cast %get3A_1441 : i32 to index
        %get3A_1443 = arith.index_cast %mul3A_1440 : i32 to index
        %get3A_1444 = tpu.vector_load %arg11[%get3A_1442, %get3A_1443] {strides = array<i32>} : memref<2x400xi32, #tpu.memory_space<vmem>>, vector<16xi32>,
        %add3A_1445 = vector.broadcast %mul3A_430 : i32 to vector<16xi32>
        %add3A_1446 = arith.addi %get3A_1444, %add3A_1445 : vector<16xi32>
        %mul3A_1447 = arith.constant 16 : i32
        %mul3A_1448 = arith.muli %scan3A_1438, %mul3A_1447 : i32
        %swap3A_1449 = arith.constant 0 : i32
        %swap3A_1450 = arith.index_cast %swap3A_1449 : i32 to index
        %swap3A_1451 = arith.index_cast %mul3A_1448 : i32 to index
        %swap3A_1452 = tpu.vector_load %arg11[%swap3A_1450, %swap3A_1451] {strides = array<i32>} : memref<2x400xi32, #tpu.memory_space<vmem>>, vector<16xi32>,
        tpu.vector_store %arg11[%swap3A_1450, %swap3A_1451], %add3A_1446 {strides = array<i32>} : memref<2x400xi32, #tpu.memory_space<vmem>>, vector<16xi32>,
        %scan3A_1453 = arith.constant 8 : i32
        %mul3A_1454 = arith.constant 16 : i32
        %mul3A_1455 = arith.muli %scan3A_1453, %mul3A_1454 : i32
        %get3A_1456 = arith.constant 0 : i32
        %get3A_1457 = arith.index_cast %get3A_1456 : i32 to index
        %get3A_1458 = arith.index_cast %mul3A_1455 : i32 to index
        %get3A_1459 = tpu.vector_load %arg11[%get3A_1457, %get3A_1458] {strides = array<i32>} : memref<2x400xi32, #tpu.memory_space<vmem>>, vector<16xi32>,
        %add3A_1460 = vector.broadcast %mul3A_430 : i32 to vector<16xi32>
        %add3A_1461 = arith.addi %get3A_1459, %add3A_1460 : vector<16xi32>
        %mul3A_1462 = arith.constant 16 : i32
        %mul3A_1463 = arith.muli %scan3A_1453, %mul3A_1462 : i32
        %swap3A_1464 = arith.constant 0 : i32
        %swap3A_1465 = arith.index_cast %swap3A_1464 : i32 to index
        %swap3A_1466 = arith.index_cast %mul3A_1463 : i32 to index
        %swap3A_1467 = tpu.vector_load %arg11[%swap3A_1465, %swap3A_1466] {strides = array<i32>} : memref<2x400xi32, #tpu.memory_space<vmem>>, vector<16xi32>,
        tpu.vector_store %arg11[%swap3A_1465, %swap3A_1466], %add3A_1461 {strides = array<i32>} : memref<2x400xi32, #tpu.memory_space<vmem>>, vector<16xi32>,
        %scan3A_1468 = arith.constant 9 : i32
        %mul3A_1469 = arith.constant 16 : i32
        %mul3A_1470 = arith.muli %scan3A_1468, %mul3A_1469 : i32
        %get3A_1471 = arith.constant 0 : i32
        %get3A_1472 = arith.index_cast %get3A_1471 : i32 to index
        %get3A_1473 = arith.index_cast %mul3A_1470 : i32 to index
        %get3A_1474 = tpu.vector_load %arg11[%get3A_1472, %get3A_1473] {strides = array<i32>} : memref<2x400xi32, #tpu.memory_space<vmem>>, vector<16xi32>,
        %add3A_1475 = vector.broadcast %mul3A_430 : i32 to vector<16xi32>
        %add3A_1476 = arith.addi %get3A_1474, %add3A_1475 : vector<16xi32>
        %mul3A_1477 = arith.constant 16 : i32
        %mul3A_1478 = arith.muli %scan3A_1468, %mul3A_1477 : i32
        %swap3A_1479 = arith.constant 0 : i32
        %swap3A_1480 = arith.index_cast %swap3A_1479 : i32 to index
        %swap3A_1481 = arith.index_cast %mul3A_1478 : i32 to index
        %swap3A_1482 = tpu.vector_load %arg11[%swap3A_1480, %swap3A_1481] {strides = array<i32>} : memref<2x400xi32, #tpu.memory_space<vmem>>, vector<16xi32>,
        tpu.vector_store %arg11[%swap3A_1480, %swap3A_1481], %add3A_1476 {strides = array<i32>} : memref<2x400xi32, #tpu.memory_space<vmem>>, vector<16xi32>,
        %scan3A_1483 = arith.constant 10 : i32
        %mul3A_1484 = arith.constant 16 : i32
        %mul3A_1485 = arith.muli %scan3A_1483, %mul3A_1484 : i32
        %get3A_1486 = arith.constant 0 : i32
        %get3A_1487 = arith.index_cast %get3A_1486 : i32 to index
        %get3A_1488 = arith.index_cast %mul3A_1485 : i32 to index
        %get3A_1489 = tpu.vector_load %arg11[%get3A_1487, %get3A_1488] {strides = array<i32>} : memref<2x400xi32, #tpu.memory_space<vmem>>, vector<16xi32>,
        %add3A_1490 = vector.broadcast %mul3A_430 : i32 to vector<16xi32>
        %add3A_1491 = arith.addi %get3A_1489, %add3A_1490 : vector<16xi32>
        %mul3A_1492 = arith.constant 16 : i32
        %mul3A_1493 = arith.muli %scan3A_1483, %mul3A_1492 : i32
        %swap3A_1494 = arith.constant 0 : i32
        %swap3A_1495 = arith.index_cast %swap3A_1494 : i32 to index
        %swap3A_1496 = arith.index_cast %mul3A_1493 : i32 to index
        %swap3A_1497 = tpu.vector_load %arg11[%swap3A_1495, %swap3A_1496] {strides = array<i32>} : memref<2x400xi32, #tpu.memory_space<vmem>>, vector<16xi32>,
        tpu.vector_store %arg11[%swap3A_1495, %swap3A_1496], %add3A_1491 {strides = array<i32>} : memref<2x400xi32, #tpu.memory_space<vmem>>, vector<16xi32>,
        %scan3A_1498 = arith.constant 11 : i32
        %mul3A_1499 = arith.constant 16 : i32
        %mul3A_1500 = arith.muli %scan3A_1498, %mul3A_1499 : i32
        %get3A_1501 = arith.constant 0 : i32
        %get3A_1502 = arith.index_cast %get3A_1501 : i32 to index
        %get3A_1503 = arith.index_cast %mul3A_1500 : i32 to index
        %get3A_1504 = tpu.vector_load %arg11[%get3A_1502, %get3A_1503] {strides = array<i32>} : memref<2x400xi32, #tpu.memory_space<vmem>>, vector<16xi32>,
        %add3A_1505 = vector.broadcast %mul3A_430 : i32 to vector<16xi32>
        %add3A_1506 = arith.addi %get3A_1504, %add3A_1505 : vector<16xi32>
        %mul3A_1507 = arith.constant 16 : i32
        %mul3A_1508 = arith.muli %scan3A_1498, %mul3A_1507 : i32
        %swap3A_1509 = arith.constant 0 : i32
        %swap3A_1510 = arith.index_cast %swap3A_1509 : i32 to index
        %swap3A_1511 = arith.index_cast %mul3A_1508 : i32 to index
        %swap3A_1512 = tpu.vector_load %arg11[%swap3A_1510, %swap3A_1511] {strides = array<i32>} : memref<2x400xi32, #tpu.memory_space<vmem>>, vector<16xi32>,
        tpu.vector_store %arg11[%swap3A_1510, %swap3A_1511], %add3A_1506 {strides = array<i32>} : memref<2x400xi32, #tpu.memory_space<vmem>>, vector<16xi32>,
        %scan3A_1513 = arith.constant 12 : i32
        %mul3A_1514 = arith.constant 16 : i32
        %mul3A_1515 = arith.muli %scan3A_1513, %mul3A_1514 : i32
        %get3A_1516 = arith.constant 0 : i32
        %get3A_1517 = arith.index_cast %get3A_1516 : i32 to index
        %get3A_1518 = arith.index_cast %mul3A_1515 : i32 to index
        %get3A_1519 = tpu.vector_load %arg11[%get3A_1517, %get3A_1518] {strides = array<i32>} : memref<2x400xi32, #tpu.memory_space<vmem>>, vector<16xi32>,
        %add3A_1520 = vector.broadcast %mul3A_430 : i32 to vector<16xi32>
        %add3A_1521 = arith.addi %get3A_1519, %add3A_1520 : vector<16xi32>
        %mul3A_1522 = arith.constant 16 : i32
        %mul3A_1523 = arith.muli %scan3A_1513, %mul3A_1522 : i32
        %swap3A_1524 = arith.constant 0 : i32
        %swap3A_1525 = arith.index_cast %swap3A_1524 : i32 to index
        %swap3A_1526 = arith.index_cast %mul3A_1523 : i32 to index
        %swap3A_1527 = tpu.vector_load %arg11[%swap3A_1525, %swap3A_1526] {strides = array<i32>} : memref<2x400xi32, #tpu.memory_space<vmem>>, vector<16xi32>,
        tpu.vector_store %arg11[%swap3A_1525, %swap3A_1526], %add3A_1521 {strides = array<i32>} : memref<2x400xi32, #tpu.memory_space<vmem>>, vector<16xi32>,
        %scan3A_1528 = arith.constant 13 : i32
        %mul3A_1529 = arith.constant 16 : i32
        %mul3A_1530 = arith.muli %scan3A_1528, %mul3A_1529 : i32
        %get3A_1531 = arith.constant 0 : i32
        %get3A_1532 = arith.index_cast %get3A_1531 : i32 to index
        %get3A_1533 = arith.index_cast %mul3A_1530 : i32 to index
        %get3A_1534 = tpu.vector_load %arg11[%get3A_1532, %get3A_1533] {strides = array<i32>} : memref<2x400xi32, #tpu.memory_space<vmem>>, vector<16xi32>,
        %add3A_1535 = vector.broadcast %mul3A_430 : i32 to vector<16xi32>
        %add3A_1536 = arith.addi %get3A_1534, %add3A_1535 : vector<16xi32>
        %mul3A_1537 = arith.constant 16 : i32
        %mul3A_1538 = arith.muli %scan3A_1528, %mul3A_1537 : i32
        %swap3A_1539 = arith.constant 0 : i32
        %swap3A_1540 = arith.index_cast %swap3A_1539 : i32 to index
        %swap3A_1541 = arith.index_cast %mul3A_1538 : i32 to index
        %swap3A_1542 = tpu.vector_load %arg11[%swap3A_1540, %swap3A_1541] {strides = array<i32>} : memref<2x400xi32, #tpu.memory_space<vmem>>, vector<16xi32>,
        tpu.vector_store %arg11[%swap3A_1540, %swap3A_1541], %add3A_1536 {strides = array<i32>} : memref<2x400xi32, #tpu.memory_space<vmem>>, vector<16xi32>,
        %scan3A_1543 = arith.constant 14 : i32
        %mul3A_1544 = arith.constant 16 : i32
        %mul3A_1545 = arith.muli %scan3A_1543, %mul3A_1544 : i32
        %get3A_1546 = arith.constant 0 : i32
        %get3A_1547 = arith.index_cast %get3A_1546 : i32 to index
        %get3A_1548 = arith.index_cast %mul3A_1545 : i32 to index
        %get3A_1549 = tpu.vector_load %arg11[%get3A_1547, %get3A_1548] {strides = array<i32>} : memref<2x400xi32, #tpu.memory_space<vmem>>, vector<16xi32>,
        %add3A_1550 = vector.broadcast %mul3A_430 : i32 to vector<16xi32>
        %add3A_1551 = arith.addi %get3A_1549, %add3A_1550 : vector<16xi32>
        %mul3A_1552 = arith.constant 16 : i32
        %mul3A_1553 = arith.muli %scan3A_1543, %mul3A_1552 : i32
        %swap3A_1554 = arith.constant 0 : i32
        %swap3A_1555 = arith.index_cast %swap3A_1554 : i32 to index
        %swap3A_1556 = arith.index_cast %mul3A_1553 : i32 to index
        %swap3A_1557 = tpu.vector_load %arg11[%swap3A_1555, %swap3A_1556] {strides = array<i32>} : memref<2x400xi32, #tpu.memory_space<vmem>>, vector<16xi32>,
        tpu.vector_store %arg11[%swap3A_1555, %swap3A_1556], %add3A_1551 {strides = array<i32>} : memref<2x400xi32, #tpu.memory_space<vmem>>, vector<16xi32>,
        %scan3A_1558 = arith.constant 15 : i32
        %mul3A_1559 = arith.constant 16 : i32
        %mul3A_1560 = arith.muli %scan3A_1558, %mul3A_1559 : i32
        %get3A_1561 = arith.constant 0 : i32
        %get3A_1562 = arith.index_cast %get3A_1561 : i32 to index
        %get3A_1563 = arith.index_cast %mul3A_1560 : i32 to index
        %get3A_1564 = tpu.vector_load %arg11[%get3A_1562, %get3A_1563] {strides = array<i32>} : memref<2x400xi32, #tpu.memory_space<vmem>>, vector<16xi32>,
        %add3A_1565 = vector.broadcast %mul3A_430 : i32 to vector<16xi32>
        %add3A_1566 = arith.addi %get3A_1564, %add3A_1565 : vector<16xi32>
        %mul3A_1567 = arith.constant 16 : i32
        %mul3A_1568 = arith.muli %scan3A_1558, %mul3A_1567 : i32
        %swap3A_1569 = arith.constant 0 : i32
        %swap3A_1570 = arith.index_cast %swap3A_1569 : i32 to index
        %swap3A_1571 = arith.index_cast %mul3A_1568 : i32 to index
        %swap3A_1572 = tpu.vector_load %arg11[%swap3A_1570, %swap3A_1571] {strides = array<i32>} : memref<2x400xi32, #tpu.memory_space<vmem>>, vector<16xi32>,
        tpu.vector_store %arg11[%swap3A_1570, %swap3A_1571], %add3A_1566 {strides = array<i32>} : memref<2x400xi32, #tpu.memory_space<vmem>>, vector<16xi32>,
        %scan3A_1573 = arith.constant 16 : i32
        %mul3A_1574 = arith.constant 16 : i32
        %mul3A_1575 = arith.muli %scan3A_1573, %mul3A_1574 : i32
        %get3A_1576 = arith.constant 0 : i32
        %get3A_1577 = arith.index_cast %get3A_1576 : i32 to index
        %get3A_1578 = arith.index_cast %mul3A_1575 : i32 to index
        %get3A_1579 = tpu.vector_load %arg11[%get3A_1577, %get3A_1578] {strides = array<i32>} : memref<2x400xi32, #tpu.memory_space<vmem>>, vector<16xi32>,
        %add3A_1580 = vector.broadcast %mul3A_430 : i32 to vector<16xi32>
        %add3A_1581 = arith.addi %get3A_1579, %add3A_1580 : vector<16xi32>
        %mul3A_1582 = arith.constant 16 : i32
        %mul3A_1583 = arith.muli %scan3A_1573, %mul3A_1582 : i32
        %swap3A_1584 = arith.constant 0 : i32
        %swap3A_1585 = arith.index_cast %swap3A_1584 : i32 to index
        %swap3A_1586 = arith.index_cast %mul3A_1583 : i32 to index
        %swap3A_1587 = tpu.vector_load %arg11[%swap3A_1585, %swap3A_1586] {strides = array<i32>} : memref<2x400xi32, #tpu.memory_space<vmem>>, vector<16xi32>,
        tpu.vector_store %arg11[%swap3A_1585, %swap3A_1586], %add3A_1581 {strides = array<i32>} : memref<2x400xi32, #tpu.memory_space<vmem>>, vector<16xi32>,
        %scan3A_1588 = arith.constant 17 : i32
        %mul3A_1589 = arith.constant 16 : i32
        %mul3A_1590 = arith.muli %scan3A_1588, %mul3A_1589 : i32
        %get3A_1591 = arith.constant 0 : i32
        %get3A_1592 = arith.index_cast %get3A_1591 : i32 to index
        %get3A_1593 = arith.index_cast %mul3A_1590 : i32 to index
        %get3A_1594 = tpu.vector_load %arg11[%get3A_1592, %get3A_1593] {strides = array<i32>} : memref<2x400xi32, #tpu.memory_space<vmem>>, vector<16xi32>,
        %add3A_1595 = vector.broadcast %mul3A_430 : i32 to vector<16xi32>
        %add3A_1596 = arith.addi %get3A_1594, %add3A_1595 : vector<16xi32>
        %mul3A_1597 = arith.constant 16 : i32
        %mul3A_1598 = arith.muli %scan3A_1588, %mul3A_1597 : i32
        %swap3A_1599 = arith.constant 0 : i32
        %swap3A_1600 = arith.index_cast %swap3A_1599 : i32 to index
        %swap3A_1601 = arith.index_cast %mul3A_1598 : i32 to index
        %swap3A_1602 = tpu.vector_load %arg11[%swap3A_1600, %swap3A_1601] {strides = array<i32>} : memref<2x400xi32, #tpu.memory_space<vmem>>, vector<16xi32>,
        tpu.vector_store %arg11[%swap3A_1600, %swap3A_1601], %add3A_1596 {strides = array<i32>} : memref<2x400xi32, #tpu.memory_space<vmem>>, vector<16xi32>,
        %scan3A_1603 = arith.constant 18 : i32
        %mul3A_1604 = arith.constant 16 : i32
        %mul3A_1605 = arith.muli %scan3A_1603, %mul3A_1604 : i32
        %get3A_1606 = arith.constant 0 : i32
        %get3A_1607 = arith.index_cast %get3A_1606 : i32 to index
        %get3A_1608 = arith.index_cast %mul3A_1605 : i32 to index
        %get3A_1609 = tpu.vector_load %arg11[%get3A_1607, %get3A_1608] {strides = array<i32>} : memref<2x400xi32, #tpu.memory_space<vmem>>, vector<16xi32>,
        %add3A_1610 = vector.broadcast %mul3A_430 : i32 to vector<16xi32>
        %add3A_1611 = arith.addi %get3A_1609, %add3A_1610 : vector<16xi32>
        %mul3A_1612 = arith.constant 16 : i32
        %mul3A_1613 = arith.muli %scan3A_1603, %mul3A_1612 : i32
        %swap3A_1614 = arith.constant 0 : i32
        %swap3A_1615 = arith.index_cast %swap3A_1614 : i32 to index
        %swap3A_1616 = arith.index_cast %mul3A_1613 : i32 to index
        %swap3A_1617 = tpu.vector_load %arg11[%swap3A_1615, %swap3A_1616] {strides = array<i32>} : memref<2x400xi32, #tpu.memory_space<vmem>>, vector<16xi32>,
        tpu.vector_store %arg11[%swap3A_1615, %swap3A_1616], %add3A_1611 {strides = array<i32>} : memref<2x400xi32, #tpu.memory_space<vmem>>, vector<16xi32>,
        %scan3A_1618 = arith.constant 19 : i32
        %mul3A_1619 = arith.constant 16 : i32
        %mul3A_1620 = arith.muli %scan3A_1618, %mul3A_1619 : i32
        %get3A_1621 = arith.constant 0 : i32
        %get3A_1622 = arith.index_cast %get3A_1621 : i32 to index
        %get3A_1623 = arith.index_cast %mul3A_1620 : i32 to index
        %get3A_1624 = tpu.vector_load %arg11[%get3A_1622, %get3A_1623] {strides = array<i32>} : memref<2x400xi32, #tpu.memory_space<vmem>>, vector<16xi32>,
        %add3A_1625 = vector.broadcast %mul3A_430 : i32 to vector<16xi32>
        %add3A_1626 = arith.addi %get3A_1624, %add3A_1625 : vector<16xi32>
        %mul3A_1627 = arith.constant 16 : i32
        %mul3A_1628 = arith.muli %scan3A_1618, %mul3A_1627 : i32
        %swap3A_1629 = arith.constant 0 : i32
        %swap3A_1630 = arith.index_cast %swap3A_1629 : i32 to index
        %swap3A_1631 = arith.index_cast %mul3A_1628 : i32 to index
        %swap3A_1632 = tpu.vector_load %arg11[%swap3A_1630, %swap3A_1631] {strides = array<i32>} : memref<2x400xi32, #tpu.memory_space<vmem>>, vector<16xi32>,
        tpu.vector_store %arg11[%swap3A_1630, %swap3A_1631], %add3A_1626 {strides = array<i32>} : memref<2x400xi32, #tpu.memory_space<vmem>>, vector<16xi32>,
        %scan3A_1633 = arith.constant 20 : i32
        %mul3A_1634 = arith.constant 16 : i32
        %mul3A_1635 = arith.muli %scan3A_1633, %mul3A_1634 : i32
        %get3A_1636 = arith.constant 0 : i32
        %get3A_1637 = arith.index_cast %get3A_1636 : i32 to index
        %get3A_1638 = arith.index_cast %mul3A_1635 : i32 to index
        %get3A_1639 = tpu.vector_load %arg11[%get3A_1637, %get3A_1638] {strides = array<i32>} : memref<2x400xi32, #tpu.memory_space<vmem>>, vector<16xi32>,
        %add3A_1640 = vector.broadcast %mul3A_430 : i32 to vector<16xi32>
        %add3A_1641 = arith.addi %get3A_1639, %add3A_1640 : vector<16xi32>
        %mul3A_1642 = arith.constant 16 : i32
        %mul3A_1643 = arith.muli %scan3A_1633, %mul3A_1642 : i32
        %swap3A_1644 = arith.constant 0 : i32
        %swap3A_1645 = arith.index_cast %swap3A_1644 : i32 to index
        %swap3A_1646 = arith.index_cast %mul3A_1643 : i32 to index
        %swap3A_1647 = tpu.vector_load %arg11[%swap3A_1645, %swap3A_1646] {strides = array<i32>} : memref<2x400xi32, #tpu.memory_space<vmem>>, vector<16xi32>,
        tpu.vector_store %arg11[%swap3A_1645, %swap3A_1646], %add3A_1641 {strides = array<i32>} : memref<2x400xi32, #tpu.memory_space<vmem>>, vector<16xi32>,
        %scan3A_1648 = arith.constant 21 : i32
        %mul3A_1649 = arith.constant 16 : i32
        %mul3A_1650 = arith.muli %scan3A_1648, %mul3A_1649 : i32
        %get3A_1651 = arith.constant 0 : i32
        %get3A_1652 = arith.index_cast %get3A_1651 : i32 to index
        %get3A_1653 = arith.index_cast %mul3A_1650 : i32 to index
        %get3A_1654 = tpu.vector_load %arg11[%get3A_1652, %get3A_1653] {strides = array<i32>} : memref<2x400xi32, #tpu.memory_space<vmem>>, vector<16xi32>,
        %add3A_1655 = vector.broadcast %mul3A_430 : i32 to vector<16xi32>
        %add3A_1656 = arith.addi %get3A_1654, %add3A_1655 : vector<16xi32>
        %mul3A_1657 = arith.constant 16 : i32
        %mul3A_1658 = arith.muli %scan3A_1648, %mul3A_1657 : i32
        %swap3A_1659 = arith.constant 0 : i32
        %swap3A_1660 = arith.index_cast %swap3A_1659 : i32 to index
        %swap3A_1661 = arith.index_cast %mul3A_1658 : i32 to index
        %swap3A_1662 = tpu.vector_load %arg11[%swap3A_1660, %swap3A_1661] {strides = array<i32>} : memref<2x400xi32, #tpu.memory_space<vmem>>, vector<16xi32>,
        tpu.vector_store %arg11[%swap3A_1660, %swap3A_1661], %add3A_1656 {strides = array<i32>} : memref<2x400xi32, #tpu.memory_space<vmem>>, vector<16xi32>,
        %scan3A_1663 = arith.constant 22 : i32
        %mul3A_1664 = arith.constant 16 : i32
        %mul3A_1665 = arith.muli %scan3A_1663, %mul3A_1664 : i32
        %get3A_1666 = arith.constant 0 : i32
        %get3A_1667 = arith.index_cast %get3A_1666 : i32 to index
        %get3A_1668 = arith.index_cast %mul3A_1665 : i32 to index
        %get3A_1669 = tpu.vector_load %arg11[%get3A_1667, %get3A_1668] {strides = array<i32>} : memref<2x400xi32, #tpu.memory_space<vmem>>, vector<16xi32>,
        %add3A_1670 = vector.broadcast %mul3A_430 : i32 to vector<16xi32>
        %add3A_1671 = arith.addi %get3A_1669, %add3A_1670 : vector<16xi32>
        %mul3A_1672 = arith.constant 16 : i32
        %mul3A_1673 = arith.muli %scan3A_1663, %mul3A_1672 : i32
        %swap3A_1674 = arith.constant 0 : i32
        %swap3A_1675 = arith.index_cast %swap3A_1674 : i32 to index
        %swap3A_1676 = arith.index_cast %mul3A_1673 : i32 to index
        %swap3A_1677 = tpu.vector_load %arg11[%swap3A_1675, %swap3A_1676] {strides = array<i32>} : memref<2x400xi32, #tpu.memory_space<vmem>>, vector<16xi32>,
        tpu.vector_store %arg11[%swap3A_1675, %swap3A_1676], %add3A_1671 {strides = array<i32>} : memref<2x400xi32, #tpu.memory_space<vmem>>, vector<16xi32>,
        %scan3A_1678 = arith.constant 23 : i32
        %mul3A_1679 = arith.constant 16 : i32
        %mul3A_1680 = arith.muli %scan3A_1678, %mul3A_1679 : i32
        %get3A_1681 = arith.constant 0 : i32
        %get3A_1682 = arith.index_cast %get3A_1681 : i32 to index
        %get3A_1683 = arith.index_cast %mul3A_1680 : i32 to index
        %get3A_1684 = tpu.vector_load %arg11[%get3A_1682, %get3A_1683] {strides = array<i32>} : memref<2x400xi32, #tpu.memory_space<vmem>>, vector<16xi32>,
        %add3A_1685 = vector.broadcast %mul3A_430 : i32 to vector<16xi32>
        %add3A_1686 = arith.addi %get3A_1684, %add3A_1685 : vector<16xi32>
        %mul3A_1687 = arith.constant 16 : i32
        %mul3A_1688 = arith.muli %scan3A_1678, %mul3A_1687 : i32
        %swap3A_1689 = arith.constant 0 : i32
        %swap3A_1690 = arith.index_cast %swap3A_1689 : i32 to index
        %swap3A_1691 = arith.index_cast %mul3A_1688 : i32 to index
        %swap3A_1692 = tpu.vector_load %arg11[%swap3A_1690, %swap3A_1691] {strides = array<i32>} : memref<2x400xi32, #tpu.memory_space<vmem>>, vector<16xi32>,
        tpu.vector_store %arg11[%swap3A_1690, %swap3A_1691], %add3A_1686 {strides = array<i32>} : memref<2x400xi32, #tpu.memory_space<vmem>>, vector<16xi32>,
        %scan3A_1693 = arith.constant 24 : i32
        %mul3A_1694 = arith.constant 16 : i32
        %mul3A_1695 = arith.muli %scan3A_1693, %mul3A_1694 : i32
        %get3A_1696 = arith.constant 0 : i32
        %get3A_1697 = arith.index_cast %get3A_1696 : i32 to index
        %get3A_1698 = arith.index_cast %mul3A_1695 : i32 to index
        %get3A_1699 = tpu.vector_load %arg11[%get3A_1697, %get3A_1698] {strides = array<i32>} : memref<2x400xi32, #tpu.memory_space<vmem>>, vector<16xi32>,
        %add3A_1700 = vector.broadcast %mul3A_430 : i32 to vector<16xi32>
        %add3A_1701 = arith.addi %get3A_1699, %add3A_1700 : vector<16xi32>
        %mul3A_1702 = arith.constant 16 : i32
        %mul3A_1703 = arith.muli %scan3A_1693, %mul3A_1702 : i32
        %swap3A_1704 = arith.constant 0 : i32
        %swap3A_1705 = arith.index_cast %swap3A_1704 : i32 to index
        %swap3A_1706 = arith.index_cast %mul3A_1703 : i32 to index
        %swap3A_1707 = tpu.vector_load %arg11[%swap3A_1705, %swap3A_1706] {strides = array<i32>} : memref<2x400xi32, #tpu.memory_space<vmem>>, vector<16xi32>,
        tpu.vector_store %arg11[%swap3A_1705, %swap3A_1706], %add3A_1701 {strides = array<i32>} : memref<2x400xi32, #tpu.memory_space<vmem>>, vector<16xi32>,
        %scan3A_1708 = arith.constant 25 : i32
        %dma_start3A_1709 = arith.constant 0 : i32
        %dma_start3A_1710 = arith.constant 0 : i32
        %dma_start3A_1711 = arith.constant 0 : i32
        %dma_start3A_1712 = arith.constant 0 : i32
        %dma_start3A_1713 = tpu.memref_slice %arg8[%dma_start3A_1710, %dma_start3A_1711, %dma_start3A_1712] : memref<2x400x64xf32, #tpu.memory_space<vmem>> -> memref<1x400x64xf32, #tpu.memory_space<vmem>>
        %dma_start3A_1714 = tpu.memref_squeeze %dma_start3A_1713 : memref<1x400x64xf32, #tpu.memory_space<vmem>> -> memref<400x64xf32, #tpu.memory_space<vmem>>
        %dma_start3A_1715 = arith.constant 0 : i32
        %dma_start3A_1716 = tpu.memref_slice %arg11[%dma_start3A_1709, %dma_start3A_1715] : memref<2x400xi32, #tpu.memory_space<vmem>> -> memref<1x400xi32, #tpu.memory_space<vmem>>
        %dma_start3A_1717 = tpu.memref_squeeze %dma_start3A_1716 : memref<1x400xi32, #tpu.memory_space<vmem>> -> memref<400xi32, #tpu.memory_space<vmem>>
        %dma_start3A_1718 = arith.constant 0 : i32
        %dma_start3A_1719 = arith.constant 0 : i32
        %dma_start3A_1720 = tpu.memref_slice %arg2[%dma_start3A_1718, %dma_start3A_1719] : memref<40000x64xf32, #tpu.memory_space<hbm>> -> memref<40000x64xf32, #tpu.memory_space<hbm>>
        tpu.enqueue_indirect_dma source(%dma_start3A_1720 : memref<40000x64xf32, #tpu.memory_space<hbm>>) target(%dma_start3A_1714 : memref<400x64xf32, #tpu.memory_space<vmem>>) offsets(%dma_start3A_1717 : memref<400xi32, #tpu.memory_space<vmem>>) semaphore(%arg14 : memref<!tpu.dma_semaphore, #tpu.memory_space<semaphore_mem>>)
      } else {
      }
      %dma_wait3A_1302 = arith.constant 1 : i32
      %dma_wait3A_1303 = arith.constant 1 : i32
      %dma_wait3A_1304 = arith.constant 0 : i32
      %dma_wait3A_1305 = arith.constant 0 : i32
      %dma_wait3A_1306 = tpu.memref_slice %arg8[%dma_wait3A_1303, %dma_wait3A_1304, %dma_wait3A_1305] : memref<2x400x64xf32, #tpu.memory_space<vmem>> -> memref<1x400x64xf32, #tpu.memory_space<vmem>>
      %dma_wait3A_1307 = tpu.memref_squeeze %dma_wait3A_1306 : memref<1x400x64xf32, #tpu.memory_space<vmem>> -> memref<400x64xf32, #tpu.memory_space<vmem>>
      %dma_wait3A_1308 = arith.constant 0 : i32
      %dma_wait3A_1309 = tpu.memref_slice %arg11[%dma_wait3A_1302, %dma_wait3A_1308] : memref<2x400xi32, #tpu.memory_space<vmem>> -> memref<1x400xi32, #tpu.memory_space<vmem>>
      %dma_wait3A_1310 = tpu.memref_squeeze %dma_wait3A_1309 : memref<1x400xi32, #tpu.memory_space<vmem>> -> memref<400xi32, #tpu.memory_space<vmem>>
      %dma_wait3A_1311 = arith.constant 0 : i32
      %dma_wait3A_1312 = arith.constant 0 : i32
      %dma_wait3A_1313 = tpu.memref_slice %arg2[%dma_wait3A_1311, %dma_wait3A_1312] : memref<40000x64xf32, #tpu.memory_space<hbm>> -> memref<40000x64xf32, #tpu.memory_space<hbm>>
      tpu.wait_indirect_dma semaphore(%arg15 : memref<!tpu.dma_semaphore, #tpu.memory_space<semaphore_mem>>) src(%dma_wait3A_1313 : memref<40000x64xf32, #tpu.memory_space<hbm>>) dst(%dma_wait3A_1307 : memref<400x64xf32, #tpu.memory_space<vmem>>)
      %dma_start3A_1314 = arith.constant 1 : i32
      %dma_start3A_1315 = arith.constant 1 : i32
      %dma_start3A_1316 = arith.constant 0 : i32
      %dma_start3A_1317 = arith.constant 0 : i32
      %dma_start3A_1318 = tpu.memref_slice %arg8[%dma_start3A_1314, %dma_start3A_1316, %dma_start3A_1317] : memref<2x400x64xf32, #tpu.memory_space<vmem>> -> memref<1x400x64xf32, #tpu.memory_space<vmem>>
      %dma_start3A_1319 = tpu.memref_squeeze %dma_start3A_1318 : memref<1x400x64xf32, #tpu.memory_space<vmem>> -> memref<400x64xf32, #tpu.memory_space<vmem>>
      %dma_start3A_1320 = arith.constant 0 : i32
      %dma_start3A_1321 = tpu.memref_slice %arg12[%dma_start3A_1315, %dma_start3A_1320] : memref<2x400xi32, #tpu.memory_space<vmem>> -> memref<1x400xi32, #tpu.memory_space<vmem>>
      %dma_start3A_1322 = tpu.memref_squeeze %dma_start3A_1321 : memref<1x400xi32, #tpu.memory_space<vmem>> -> memref<400xi32, #tpu.memory_space<vmem>>
      %dma_start3A_1323 = arith.constant 0 : i32
      %dma_start3A_1324 = arith.constant 0 : i32
      %dma_start3A_1325 = tpu.memref_slice %arg13[%dma_start3A_1323, %dma_start3A_1324] : memref<10000x64xf32, #tpu.memory_space<vmem_shared>> -> memref<10000x64xf32, #tpu.memory_space<vmem_shared>>
      tpu.enqueue_indirect_dma source(%dma_start3A_1319 : memref<400x64xf32, #tpu.memory_space<vmem>>) target(%dma_start3A_1325 : memref<10000x64xf32, #tpu.memory_space<vmem_shared>>) offsets(%dma_start3A_1322 : memref<400xi32, #tpu.memory_space<vmem>>) semaphore(%arg17 : memref<!tpu.dma_semaphore, #tpu.memory_space<semaphore_mem>>) {add = true}
    }
    %scan3A_831 = arith.constant 25 : i32
    %dma_wait3A_832 = arith.constant 1 : i32
    %dma_wait3A_833 = arith.constant 1 : i32
    %dma_wait3A_834 = arith.constant 0 : i32
    %dma_wait3A_835 = arith.constant 0 : i32
    %dma_wait3A_836 = tpu.memref_slice %arg8[%dma_wait3A_832, %dma_wait3A_834, %dma_wait3A_835] : memref<2x400x64xf32, #tpu.memory_space<vmem>> -> memref<1x400x64xf32, #tpu.memory_space<vmem>>
    %dma_wait3A_837 = tpu.memref_squeeze %dma_wait3A_836 : memref<1x400x64xf32, #tpu.memory_space<vmem>> -> memref<400x64xf32, #tpu.memory_space<vmem>>
    %dma_wait3A_838 = arith.constant 0 : i32
    %dma_wait3A_839 = tpu.memref_slice %arg12[%dma_wait3A_833, %dma_wait3A_838] : memref<2x400xi32, #tpu.memory_space<vmem>> -> memref<1x400xi32, #tpu.memory_space<vmem>>
    %dma_wait3A_840 = tpu.memref_squeeze %dma_wait3A_839 : memref<1x400xi32, #tpu.memory_space<vmem>> -> memref<400xi32, #tpu.memory_space<vmem>>
    %dma_wait3A_841 = arith.constant 0 : i32
    %dma_wait3A_842 = arith.constant 0 : i32
    %dma_wait3A_843 = tpu.memref_slice %arg13[%dma_wait3A_841, %dma_wait3A_842] : memref<10000x64xf32, #tpu.memory_space<vmem_shared>> -> memref<10000x64xf32, #tpu.memory_space<vmem_shared>>
    tpu.wait_indirect_dma semaphore(%arg17 : memref<!tpu.dma_semaphore, #tpu.memory_space<semaphore_mem>>) src(%dma_wait3A_837 : memref<400x64xf32, #tpu.memory_space<vmem>>) dst(%dma_wait3A_843 : memref<10000x64xf32, #tpu.memory_space<vmem_shared>>)
    %barrier3A_844 = arith.constant 0 : index
    tpu.barrier barrier_id(%barrier3A_844)
    %scan3A_845 = arith.constant 0 : i32
    %scan3A_846 = arith.constant 0 : i32
    %scan3A_847 = arith.constant 5 : i32
    %scan3A_848 = arith.addi %scan3A_846, %scan3A_847 : i32
    %scan3A_849 = arith.constant 1 : i32
    scf.for %scan3A_851 = %scan3A_846 to %scan3A_848 step %scan3A_849  : i32 {
      %mul3A_852 = arith.constant 625 : i32
      %mul3A_853 = arith.muli %arg1, %mul3A_852 : i32
      %mul3A_854 = arith.constant 125 : i32
      %mul3A_855 = arith.muli %scan3A_851, %mul3A_854 : i32
      %add3A_856 = arith.addi %mul3A_853, %mul3A_855 : i32
      %run_scoped3A_857 = arith.constant 0 : i32
      "tpu.region"() ({
        %run_scoped3A_874 = tpu.sem_alloc : memref<!tpu.dma_semaphore, #tpu.memory_space<semaphore_mem>>
        %dma_start3A_875 = arith.constant 0 : i32
        %dma_start3A_876 = arith.constant 0 : i32
        %dma_start3A_877 = tpu.memref_slice %arg8[%run_scoped3A_857, %dma_start3A_875, %dma_start3A_876] : memref<2x400x64xf32, #tpu.memory_space<vmem>> -> memref<1x125x64xf32, #tpu.memory_space<vmem>>
        %dma_start3A_878 = tpu.memref_squeeze %dma_start3A_877 : memref<1x125x64xf32, #tpu.memory_space<vmem>> -> memref<125x64xf32, #tpu.memory_space<vmem>>
        %dma_start3A_879 = arith.constant 0 : i32
        %dma_start3A_880 = tpu.memref_slice %arg13[%add3A_856, %dma_start3A_879] : memref<10000x64xf32, #tpu.memory_space<vmem_shared>> -> memref<125x64xf32, #tpu.memory_space<vmem_shared>>
        %dma_start3A_881 = arith.constant 0 : i32
        %dma_start3A_882 = arith.constant 0 : i32
        %dma_start3A_883 = tpu.memref_slice %arg8[%run_scoped3A_857, %dma_start3A_881, %dma_start3A_882] : memref<2x400x64xf32, #tpu.memory_space<vmem>> -> memref<1x125x64xf32, #tpu.memory_space<vmem>>
        %dma_start3A_884 = tpu.memref_squeeze %dma_start3A_883 : memref<1x125x64xf32, #tpu.memory_space<vmem>> -> memref<125x64xf32, #tpu.memory_space<vmem>>
        %dma_start3A_885 = arith.constant 0 : i32
        %dma_start3A_886 = tpu.memref_slice %arg13[%add3A_856, %dma_start3A_885] : memref<10000x64xf32, #tpu.memory_space<vmem_shared>> -> memref<125x64xf32, #tpu.memory_space<vmem_shared>>
        tpu.enqueue_dma source(%dma_start3A_886 : memref<125x64xf32, #tpu.memory_space<vmem_shared>>) target(%dma_start3A_884 : memref<125x64xf32, #tpu.memory_space<vmem>>) target_semaphore(%run_scoped3A_874 : memref<!tpu.dma_semaphore, #tpu.memory_space<semaphore_mem>>)
        %dma_wait3A_887 = arith.constant 0 : i32
        %dma_wait3A_888 = arith.constant 0 : i32
        %dma_wait3A_889 = tpu.memref_slice %arg8[%run_scoped3A_857, %dma_wait3A_887, %dma_wait3A_888] : memref<2x400x64xf32, #tpu.memory_space<vmem>> -> memref<1x125x64xf32, #tpu.memory_space<vmem>>
        %dma_wait3A_890 = tpu.memref_squeeze %dma_wait3A_889 : memref<1x125x64xf32, #tpu.memory_space<vmem>> -> memref<125x64xf32, #tpu.memory_space<vmem>>
        %dma_wait3A_891 = arith.constant 0 : i32
        %dma_wait3A_892 = tpu.memref_slice %arg13[%add3A_856, %dma_wait3A_891] : memref<10000x64xf32, #tpu.memory_space<vmem_shared>> -> memref<125x64xf32, #tpu.memory_space<vmem_shared>>
        %dma_wait3A_893 = arith.constant 0 : i32
        %dma_wait3A_894 = arith.constant 0 : i32
        %dma_wait3A_895 = tpu.memref_slice %arg8[%run_scoped3A_857, %dma_wait3A_893, %dma_wait3A_894] : memref<2x400x64xf32, #tpu.memory_space<vmem>> -> memref<1x125x64xf32, #tpu.memory_space<vmem>>
        %dma_wait3A_896 = tpu.memref_squeeze %dma_wait3A_895 : memref<1x125x64xf32, #tpu.memory_space<vmem>> -> memref<125x64xf32, #tpu.memory_space<vmem>>
        %dma_wait3A_897 = arith.constant 0 : i32
        %dma_wait3A_898 = tpu.memref_slice %arg13[%add3A_856, %dma_wait3A_897] : memref<10000x64xf32, #tpu.memory_space<vmem_shared>> -> memref<125x64xf32, #tpu.memory_space<vmem_shared>>
        tpu.wait_dma2 semaphore(%run_scoped3A_874 : memref<!tpu.dma_semaphore, #tpu.memory_space<semaphore_mem>>) src(%dma_wait3A_898 : memref<125x64xf32, #tpu.memory_space<vmem_shared>>) dst(%dma_wait3A_896 : memref<125x64xf32, #tpu.memory_space<vmem>>)
        tpu.yield
      }) : () -> ()
      %mul3A_858 = arith.constant 10000 : i32
      %mul3A_859 = arith.muli %add3A_425, %mul3A_858 : i32
      %add3A_860 = arith.addi %mul3A_859, %add3A_856 : i32
      %mul3A_861 = arith.constant 32 : i32
      %mul3A_862 = arith.muli %add3A_860, %mul3A_861 : i32
      "tpu.region"() ({
        %run_scoped3A_874 = tpu.sem_alloc : memref<!tpu.dma_semaphore, #tpu.memory_space<semaphore_mem>>
        %dma_start3A_875 = tpu.memref_slice %arg3[%mul3A_862] : memref<1280000xf32, #tpu.memory_space<hbm>> -> memref<4000xf32, #tpu.memory_space<hbm>>
        %dma_start3A_876 = tpu.memref_slice %arg3[%mul3A_862] : memref<1280000xf32, #tpu.memory_space<hbm>> -> memref<4000xf32, #tpu.memory_space<hbm>>
        tpu.enqueue_dma source(%dma_start3A_876 : memref<4000xf32, #tpu.memory_space<hbm>>) target(%arg10 : memref<4000xf32, #tpu.memory_space<vmem>>) target_semaphore(%run_scoped3A_874 : memref<!tpu.dma_semaphore, #tpu.memory_space<semaphore_mem>>)
        %dma_wait3A_877 = tpu.memref_slice %arg3[%mul3A_862] : memref<1280000xf32, #tpu.memory_space<hbm>> -> memref<4000xf32, #tpu.memory_space<hbm>>
        %dma_wait3A_878 = tpu.memref_slice %arg3[%mul3A_862] : memref<1280000xf32, #tpu.memory_space<hbm>> -> memref<4000xf32, #tpu.memory_space<hbm>>
        tpu.wait_dma2 semaphore(%run_scoped3A_874 : memref<!tpu.dma_semaphore, #tpu.memory_space<semaphore_mem>>) src(%dma_wait3A_878 : memref<4000xf32, #tpu.memory_space<hbm>>) dst(%arg10 : memref<4000xf32, #tpu.memory_space<vmem>>)
        tpu.yield
      }) : () -> ()
      %scan3A_863 = arith.constant 0 : i32
      %scan3A_864 = arith.constant 0 : i32
      %scan3A_865 = arith.constant 125 : i32
      %scan3A_866 = arith.addi %scan3A_864, %scan3A_865 : i32
      %scan3A_867 = arith.constant 1 : i32
      scf.for %scan3A_874 = %scan3A_864 to %scan3A_866 step %scan3A_867  : i32 {
        %get3A_875 = arith.constant 0 : i32
        %get3A_876 = arith.index_cast %get3A_875 : i32 to index
        %get3A_877 = arith.index_cast %scan3A_874 : i32 to index
        %get3A_878 = arith.constant 0 : index
        %get3A_879 = tpu.vector_load %arg8[%get3A_876, %get3A_877, %get3A_878] {strides = array<i32>} : memref<2x400x64xf32, #tpu.memory_space<vmem>>, vector<16xf32>,
        %get3A_880 = arith.constant 0 : i32
        %get3A_881 = arith.index_cast %get3A_880 : i32 to index
        %get3A_882 = arith.index_cast %scan3A_874 : i32 to index
        %get3A_883 = arith.constant 32 : index
        %get3A_884 = tpu.vector_load %arg8[%get3A_881, %get3A_882, %get3A_883] {strides = array<i32>} : memref<2x400x64xf32, #tpu.memory_space<vmem>>, vector<16xf32>,
        %mul3A_885 = arith.constant 32 : i32
        %mul3A_886 = arith.muli %scan3A_874, %mul3A_885 : i32
        %add3A_887 = arith.constant 0 : i32
        %add3A_888 = arith.addi %mul3A_886, %add3A_887 : i32
        %get3A_889 = arith.index_cast %add3A_888 : i32 to index
        %get3A_890 = tpu.vector_load %arg10[%get3A_889] {strides = array<i32>} : memref<4000xf32, #tpu.memory_space<vmem>>, vector<16xf32>,
        %mul3A_891 = arith.mulf %get3A_890, %get3A_879 : vector<16xf32>
        %add3A_892 = arith.addf %get3A_884, %mul3A_891 : vector<16xf32>
        %add3A_893 = arith.constant 1.000000e-16 : f32
        %add3A_894 = vector.broadcast %add3A_893 : f32 to vector<16xf32>
        %add3A_895 = arith.addf %get3A_879, %add3A_894 : vector<16xf32>
        %div3A = arith.divf %add3A_892, %add3A_895 : vector<16xf32>
        %mul3A_896 = arith.constant 32 : i32
        %mul3A_897 = arith.muli %scan3A_874, %mul3A_896 : i32
        %add3A_898 = arith.constant 0 : i32
        %add3A_899 = arith.addi %mul3A_897, %add3A_898 : i32
        %swap3A_900 = arith.index_cast %add3A_899 : i32 to index
        %swap3A_901 = tpu.vector_load %arg9[%swap3A_900] {strides = array<i32>} : memref<4000xf32, #tpu.memory_space<vmem>>, vector<16xf32>,
        tpu.vector_store %arg9[%swap3A_900], %div3A {strides = array<i32>} : memref<4000xf32, #tpu.memory_space<vmem>>, vector<16xf32>,
        %get3A_902 = arith.constant 0 : i32
        %get3A_903 = arith.index_cast %get3A_902 : i32 to index
        %get3A_904 = arith.index_cast %scan3A_874 : i32 to index
        %get3A_905 = arith.constant 16 : index
        %get3A_906 = tpu.vector_load %arg8[%get3A_903, %get3A_904, %get3A_905] {strides = array<i32>} : memref<2x400x64xf32, #tpu.memory_space<vmem>>, vector<16xf32>,
        %get3A_907 = arith.constant 0 : i32
        %get3A_908 = arith.index_cast %get3A_907 : i32 to index
        %get3A_909 = arith.index_cast %scan3A_874 : i32 to index
        %get3A_910 = arith.constant 48 : index
        %get3A_911 = tpu.vector_load %arg8[%get3A_908, %get3A_909, %get3A_910] {strides = array<i32>} : memref<2x400x64xf32, #tpu.memory_space<vmem>>, vector<16xf32>,
        %mul3A_912 = arith.constant 32 : i32
        %mul3A_913 = arith.muli %scan3A_874, %mul3A_912 : i32
        %add3A_914 = arith.constant 16 : i32
        %add3A_915 = arith.addi %mul3A_913, %add3A_914 : i32
        %get3A_916 = arith.index_cast %add3A_915 : i32 to index
        %get3A_917 = tpu.vector_load %arg10[%get3A_916] {strides = array<i32>} : memref<4000xf32, #tpu.memory_space<vmem>>, vector<16xf32>,
        %mul3A_918 = arith.mulf %get3A_917, %get3A_906 : vector<16xf32>
        %add3A_919 = arith.addf %get3A_911, %mul3A_918 : vector<16xf32>
        %add3A_920 = arith.constant 1.000000e-16 : f32
        %add3A_921 = vector.broadcast %add3A_920 : f32 to vector<16xf32>
        %add3A_922 = arith.addf %get3A_906, %add3A_921 : vector<16xf32>
        %div3A_923 = arith.divf %add3A_919, %add3A_922 : vector<16xf32>
        %mul3A_924 = arith.constant 32 : i32
        %mul3A_925 = arith.muli %scan3A_874, %mul3A_924 : i32
        %add3A_926 = arith.constant 16 : i32
        %add3A_927 = arith.addi %mul3A_925, %add3A_926 : i32
        %swap3A_928 = arith.index_cast %add3A_927 : i32 to index
        %swap3A_929 = tpu.vector_load %arg9[%swap3A_928] {strides = array<i32>} : memref<4000xf32, #tpu.memory_space<vmem>>, vector<16xf32>,
        tpu.vector_store %arg9[%swap3A_928], %div3A_923 {strides = array<i32>} : memref<4000xf32, #tpu.memory_space<vmem>>, vector<16xf32>,
      }
      %scan3A_868 = arith.constant 125 : i32
      %mul3A_869 = arith.constant 10000 : i32
      %mul3A_870 = arith.muli %add3A_425, %mul3A_869 : i32
      %add3A_871 = arith.addi %mul3A_870, %add3A_856 : i32
      %mul3A_872 = arith.constant 32 : i32
      %mul3A_873 = arith.muli %add3A_871, %mul3A_872 : i32
      "tpu.region"() ({
        %run_scoped3A_874 = tpu.sem_alloc : memref<!tpu.dma_semaphore, #tpu.memory_space<semaphore_mem>>
        %dma_start3A_875 = tpu.memref_slice %arg7[%mul3A_873] : memref<1280000xf32, #tpu.memory_space<hbm>> -> memref<4000xf32, #tpu.memory_space<hbm>>
        %dma_start3A_876 = tpu.memref_slice %arg7[%mul3A_873] : memref<1280000xf32, #tpu.memory_space<hbm>> -> memref<4000xf32, #tpu.memory_space<hbm>>
        tpu.enqueue_dma source(%arg9 : memref<4000xf32, #tpu.memory_space<vmem>>) target(%dma_start3A_876 : memref<4000xf32, #tpu.memory_space<hbm>>) target_semaphore(%run_scoped3A_874 : memref<!tpu.dma_semaphore, #tpu.memory_space<semaphore_mem>>)
        %dma_wait3A_877 = tpu.memref_slice %arg7[%mul3A_873] : memref<1280000xf32, #tpu.memory_space<hbm>> -> memref<4000xf32, #tpu.memory_space<hbm>>
        %dma_wait3A_878 = tpu.memref_slice %arg7[%mul3A_873] : memref<1280000xf32, #tpu.memory_space<hbm>> -> memref<4000xf32, #tpu.memory_space<hbm>>
        tpu.wait_dma2 semaphore(%run_scoped3A_874 : memref<!tpu.dma_semaphore, #tpu.memory_space<semaphore_mem>>) src(%arg9 : memref<4000xf32, #tpu.memory_space<vmem>>) dst(%dma_wait3A_878 : memref<4000xf32, #tpu.memory_space<hbm>>)
        tpu.yield
      }) : () -> ()
    }
    %scan3A_850 = arith.constant 5 : i32
    return
  }
}

module attributes {stable_mosaic.version = 14 : i64} {
  func.func @_proj_kernel(%arg0: i32, %arg1: memref<400x128xf32, #tpu.memory_space<vmem>>, %arg2: memref<400x3xf32, #tpu.memory_space<vmem>>, %arg3: memref<128x256xf32, #tpu.memory_space<vmem>>, %arg4: memref<1x256xf32, #tpu.memory_space<vmem>>, %arg5: memref<3x128xf32, #tpu.memory_space<vmem>>, %arg6: memref<1x128xf32, #tpu.memory_space<vmem>>, %arg7: memref<4x400x64xf32, #tpu.memory_space<vmem>>, %arg8: memref<4x400x32xf32, #tpu.memory_space<vmem>>) attributes {dimension_semantics = [#tpu.dimension_semantics<arbitrary>], iteration_bounds = array<i64: 25>, scalar_prefetch = 0 : i64, scratch_operands = 0 : i64, tpu.core_type = #tpu.core_type<tc>, window_params = [{transform_indices = @transform_0, window_bounds = array<i64: 400, 128>}, {transform_indices = @transform_1, window_bounds = array<i64: 400, 3>}, {pipeline_mode = #tpu.pipeline_mode<synchronous>, transform_indices = @transform_2, window_bounds = array<i64: 128, 256>}, {pipeline_mode = #tpu.pipeline_mode<synchronous>, transform_indices = @transform_3, window_bounds = array<i64: 1, 256>}, {pipeline_mode = #tpu.pipeline_mode<synchronous>, transform_indices = @transform_4, window_bounds = array<i64: 3, 128>}, {pipeline_mode = #tpu.pipeline_mode<synchronous>, transform_indices = @transform_5, window_bounds = array<i64: 1, 128>}, {transform_indices = @transform_6, window_bounds = array<i64: 4, 400, 64>}, {transform_indices = @transform_7, window_bounds = array<i64: 4, 400, 32>}]} {
    %get3A = arith.constant 0 : index
    %get3A_0 = arith.constant 0 : index
    %get3A_1 = vector.load %arg1[%get3A, %get3A_0] : memref<400x128xf32, #tpu.memory_space<vmem>>, vector<400x128xf32>
    %get3A_2 = arith.constant 0 : index
    %get3A_3 = arith.constant 0 : index
    %get3A_4 = vector.load %arg3[%get3A_2, %get3A_3] : memref<128x256xf32, #tpu.memory_space<vmem>>, vector<128x256xf32>
    %dot_general3A = arith.constant dense<0.000000e+00> : vector<400x256xf32>
    %dot_general3A_5 = tpu.matmul %get3A_1, %get3A_4, %dot_general3A {dimension_numbers = #tpu.dot_dimension_numbers<[1], [0], [0], [1], [0, 0, 1, 1], [], []>, transpose_lhs_hint = false} : vector<400x128xf32>, vector<128x256xf32>, vector<400x256xf32> -> vector<400x256xf32>
    %get3A_6 = arith.constant 0 : index
    %get3A_7 = arith.constant 0 : index
    %get3A_8 = vector.load %arg4[%get3A_6, %get3A_7] : memref<1x256xf32, #tpu.memory_space<vmem>>, vector<1x256xf32>
    %add3A = vector.broadcast %get3A_8 : vector<1x256xf32> to vector<400x256xf32>
    %add3A_9 = arith.addf %dot_general3A_5, %add3A : vector<400x256xf32>
    %get3A_10 = arith.constant 0 : index
    %get3A_11 = arith.constant 0 : index
    %get3A_12 = vector.load %arg2[%get3A_10, %get3A_11] : memref<400x3xf32, #tpu.memory_space<vmem>>, vector<400x3xf32>
    %get3A_13 = arith.constant 0 : index
    %get3A_14 = arith.constant 0 : index
    %get3A_15 = vector.load %arg5[%get3A_13, %get3A_14] : memref<3x128xf32, #tpu.memory_space<vmem>>, vector<3x128xf32>
    %slice3A = vector.extract_strided_slice %get3A_12 {offsets = [0, 0], sizes = [400, 1], strides = [1, 1]} : vector<400x3xf32> to vector<400x1xf32>
    %slice3A_16 = vector.extract_strided_slice %get3A_15 {offsets = [0, 0], sizes = [1, 128], strides = [1, 1]} : vector<3x128xf32> to vector<1x128xf32>
    %mul3A = vector.broadcast %slice3A : vector<400x1xf32> to vector<400x128xf32>
    %mul3A_17 = vector.broadcast %slice3A_16 : vector<1x128xf32> to vector<400x128xf32>
    %mul3A_18 = arith.mulf %mul3A, %mul3A_17 : vector<400x128xf32>
    %slice3A_19 = vector.extract_strided_slice %get3A_12 {offsets = [0, 1], sizes = [400, 1], strides = [1, 1]} : vector<400x3xf32> to vector<400x1xf32>
    %slice3A_20 = vector.extract_strided_slice %get3A_15 {offsets = [1, 0], sizes = [1, 128], strides = [1, 1]} : vector<3x128xf32> to vector<1x128xf32>
    %mul3A_21 = vector.broadcast %slice3A_19 : vector<400x1xf32> to vector<400x128xf32>
    %mul3A_22 = vector.broadcast %slice3A_20 : vector<1x128xf32> to vector<400x128xf32>
    %mul3A_23 = arith.mulf %mul3A_21, %mul3A_22 : vector<400x128xf32>
    %add3A_24 = arith.addf %mul3A_18, %mul3A_23 : vector<400x128xf32>
    %slice3A_25 = vector.extract_strided_slice %get3A_12 {offsets = [0, 2], sizes = [400, 1], strides = [1, 1]} : vector<400x3xf32> to vector<400x1xf32>
    %slice3A_26 = vector.extract_strided_slice %get3A_15 {offsets = [2, 0], sizes = [1, 128], strides = [1, 1]} : vector<3x128xf32> to vector<1x128xf32>
    %mul3A_27 = vector.broadcast %slice3A_25 : vector<400x1xf32> to vector<400x128xf32>
    %mul3A_28 = vector.broadcast %slice3A_26 : vector<1x128xf32> to vector<400x128xf32>
    %mul3A_29 = arith.mulf %mul3A_27, %mul3A_28 : vector<400x128xf32>
    %add3A_30 = arith.addf %add3A_24, %mul3A_29 : vector<400x128xf32>
    %slice3A_31 = vector.extract_strided_slice %add3A_9 {offsets = [0, 0], sizes = [400, 32], strides = [1, 1]} : vector<400x256xf32> to vector<400x32xf32>
    %slice3A_32 = vector.extract_strided_slice %add3A_9 {offsets = [0, 32], sizes = [400, 32], strides = [1, 1]} : vector<400x256xf32> to vector<400x32xf32>
    %slice3A_33 = vector.extract_strided_slice %add3A_30 {offsets = [0, 0], sizes = [400, 32], strides = [1, 1]} : vector<400x128xf32> to vector<400x32xf32>
    %get3A_34 = arith.constant 0 : index
    %get3A_35 = arith.constant 0 : index
    %get3A_36 = vector.load %arg6[%get3A_34, %get3A_35] : memref<1x128xf32, #tpu.memory_space<vmem>>, vector<1x32xf32>
    %sub3A = vector.broadcast %get3A_36 : vector<1x32xf32> to vector<400x32xf32>
    %sub3A_37 = arith.subf %sub3A, %slice3A_31 : vector<400x32xf32>
    %sub3A_38 = arith.subf %sub3A_37, %slice3A_33 : vector<400x32xf32>
    %exp3A = math.exp %sub3A_38 : vector<400x32xf32>
    %add3A_39 = vector.broadcast %get3A_36 : vector<1x32xf32> to vector<400x32xf32>
    %add3A_40 = arith.addf %slice3A_32, %add3A_39 : vector<400x32xf32>
    %sub3A_41 = arith.subf %add3A_40, %slice3A_33 : vector<400x32xf32>
    %mul3A_42 = arith.mulf %exp3A, %sub3A_41 : vector<400x32xf32>
    %concatenate3A = tpu.concatenate %exp3A, %mul3A_42 in 1 : vector<400x32xf32>, vector<400x32xf32> -> vector<400x64xf32>
    %swap3A = arith.constant 0 : index
    %swap3A_43 = arith.constant 0 : index
    %swap3A_44 = arith.constant 0 : index
    %swap3A_45 = vector.load %arg7[%swap3A, %swap3A_43, %swap3A_44] : memref<4x400x64xf32, #tpu.memory_space<vmem>>, vector<1x400x64xf32>
    %swap3A_46 = vector.shape_cast %swap3A_45 : vector<1x400x64xf32> to vector<400x64xf32>
    %swap3A_47 = vector.shape_cast %concatenate3A : vector<400x64xf32> to vector<1x400x64xf32>
    tpu.vector_store %arg7[%swap3A, %swap3A_43, %swap3A_44], %swap3A_47 {strides = array<i32>} : memref<4x400x64xf32, #tpu.memory_space<vmem>>, vector<1x400x64xf32>,
    %swap3A_48 = arith.constant 0 : index
    %swap3A_49 = arith.constant 0 : index
    %swap3A_50 = arith.constant 0 : index
    %swap3A_51 = vector.load %arg8[%swap3A_48, %swap3A_49, %swap3A_50] : memref<4x400x32xf32, #tpu.memory_space<vmem>>, vector<1x400x32xf32>
    %swap3A_52 = vector.shape_cast %swap3A_51 : vector<1x400x32xf32> to vector<400x32xf32>
    %swap3A_53 = vector.shape_cast %slice3A_33 : vector<400x32xf32> to vector<1x400x32xf32>
    tpu.vector_store %arg8[%swap3A_48, %swap3A_49, %swap3A_50], %swap3A_53 {strides = array<i32>} : memref<4x400x32xf32, #tpu.memory_space<vmem>>, vector<1x400x32xf32>,
    %slice3A_54 = vector.extract_strided_slice %add3A_9 {offsets = [0, 64], sizes = [400, 32], strides = [1, 1]} : vector<400x256xf32> to vector<400x32xf32>
    %slice3A_55 = vector.extract_strided_slice %add3A_9 {offsets = [0, 96], sizes = [400, 32], strides = [1, 1]} : vector<400x256xf32> to vector<400x32xf32>
    %slice3A_56 = vector.extract_strided_slice %add3A_30 {offsets = [0, 32], sizes = [400, 32], strides = [1, 1]} : vector<400x128xf32> to vector<400x32xf32>
    %get3A_57 = arith.constant 0 : index
    %get3A_58 = arith.constant 32 : index
    %get3A_59 = vector.load %arg6[%get3A_57, %get3A_58] : memref<1x128xf32, #tpu.memory_space<vmem>>, vector<1x32xf32>
    %sub3A_60 = vector.broadcast %get3A_59 : vector<1x32xf32> to vector<400x32xf32>
    %sub3A_61 = arith.subf %sub3A_60, %slice3A_54 : vector<400x32xf32>
    %sub3A_62 = arith.subf %sub3A_61, %slice3A_56 : vector<400x32xf32>
    %exp3A_63 = math.exp %sub3A_62 : vector<400x32xf32>
    %add3A_64 = vector.broadcast %get3A_59 : vector<1x32xf32> to vector<400x32xf32>
    %add3A_65 = arith.addf %slice3A_55, %add3A_64 : vector<400x32xf32>
    %sub3A_66 = arith.subf %add3A_65, %slice3A_56 : vector<400x32xf32>
    %mul3A_67 = arith.mulf %exp3A_63, %sub3A_66 : vector<400x32xf32>
    %concatenate3A_68 = tpu.concatenate %exp3A_63, %mul3A_67 in 1 : vector<400x32xf32>, vector<400x32xf32> -> vector<400x64xf32>
    %swap3A_69 = arith.constant 1 : index
    %swap3A_70 = arith.constant 0 : index
    %swap3A_71 = arith.constant 0 : index
    %swap3A_72 = vector.load %arg7[%swap3A_69, %swap3A_70, %swap3A_71] : memref<4x400x64xf32, #tpu.memory_space<vmem>>, vector<1x400x64xf32>
    %swap3A_73 = vector.shape_cast %swap3A_72 : vector<1x400x64xf32> to vector<400x64xf32>
    %swap3A_74 = vector.shape_cast %concatenate3A_68 : vector<400x64xf32> to vector<1x400x64xf32>
    tpu.vector_store %arg7[%swap3A_69, %swap3A_70, %swap3A_71], %swap3A_74 {strides = array<i32>} : memref<4x400x64xf32, #tpu.memory_space<vmem>>, vector<1x400x64xf32>,
    %swap3A_75 = arith.constant 1 : index
    %swap3A_76 = arith.constant 0 : index
    %swap3A_77 = arith.constant 0 : index
    %swap3A_78 = vector.load %arg8[%swap3A_75, %swap3A_76, %swap3A_77] : memref<4x400x32xf32, #tpu.memory_space<vmem>>, vector<1x400x32xf32>
    %swap3A_79 = vector.shape_cast %swap3A_78 : vector<1x400x32xf32> to vector<400x32xf32>
    %swap3A_80 = vector.shape_cast %slice3A_56 : vector<400x32xf32> to vector<1x400x32xf32>
    tpu.vector_store %arg8[%swap3A_75, %swap3A_76, %swap3A_77], %swap3A_80 {strides = array<i32>} : memref<4x400x32xf32, #tpu.memory_space<vmem>>, vector<1x400x32xf32>,
    %slice3A_81 = vector.extract_strided_slice %add3A_9 {offsets = [0, 128], sizes = [400, 32], strides = [1, 1]} : vector<400x256xf32> to vector<400x32xf32>
    %slice3A_82 = vector.extract_strided_slice %add3A_9 {offsets = [0, 160], sizes = [400, 32], strides = [1, 1]} : vector<400x256xf32> to vector<400x32xf32>
    %slice3A_83 = vector.extract_strided_slice %add3A_30 {offsets = [0, 64], sizes = [400, 32], strides = [1, 1]} : vector<400x128xf32> to vector<400x32xf32>
    %get3A_84 = arith.constant 0 : index
    %get3A_85 = arith.constant 64 : index
    %get3A_86 = vector.load %arg6[%get3A_84, %get3A_85] : memref<1x128xf32, #tpu.memory_space<vmem>>, vector<1x32xf32>
    %sub3A_87 = vector.broadcast %get3A_86 : vector<1x32xf32> to vector<400x32xf32>
    %sub3A_88 = arith.subf %sub3A_87, %slice3A_81 : vector<400x32xf32>
    %sub3A_89 = arith.subf %sub3A_88, %slice3A_83 : vector<400x32xf32>
    %exp3A_90 = math.exp %sub3A_89 : vector<400x32xf32>
    %add3A_91 = vector.broadcast %get3A_86 : vector<1x32xf32> to vector<400x32xf32>
    %add3A_92 = arith.addf %slice3A_82, %add3A_91 : vector<400x32xf32>
    %sub3A_93 = arith.subf %add3A_92, %slice3A_83 : vector<400x32xf32>
    %mul3A_94 = arith.mulf %exp3A_90, %sub3A_93 : vector<400x32xf32>
    %concatenate3A_95 = tpu.concatenate %exp3A_90, %mul3A_94 in 1 : vector<400x32xf32>, vector<400x32xf32> -> vector<400x64xf32>
    %swap3A_96 = arith.constant 2 : index
    %swap3A_97 = arith.constant 0 : index
    %swap3A_98 = arith.constant 0 : index
    %swap3A_99 = vector.load %arg7[%swap3A_96, %swap3A_97, %swap3A_98] : memref<4x400x64xf32, #tpu.memory_space<vmem>>, vector<1x400x64xf32>
    %swap3A_100 = vector.shape_cast %swap3A_99 : vector<1x400x64xf32> to vector<400x64xf32>
    %swap3A_101 = vector.shape_cast %concatenate3A_95 : vector<400x64xf32> to vector<1x400x64xf32>
    tpu.vector_store %arg7[%swap3A_96, %swap3A_97, %swap3A_98], %swap3A_101 {strides = array<i32>} : memref<4x400x64xf32, #tpu.memory_space<vmem>>, vector<1x400x64xf32>,
    %swap3A_102 = arith.constant 2 : index
    %swap3A_103 = arith.constant 0 : index
    %swap3A_104 = arith.constant 0 : index
    %swap3A_105 = vector.load %arg8[%swap3A_102, %swap3A_103, %swap3A_104] : memref<4x400x32xf32, #tpu.memory_space<vmem>>, vector<1x400x32xf32>
    %swap3A_106 = vector.shape_cast %swap3A_105 : vector<1x400x32xf32> to vector<400x32xf32>
    %swap3A_107 = vector.shape_cast %slice3A_83 : vector<400x32xf32> to vector<1x400x32xf32>
    tpu.vector_store %arg8[%swap3A_102, %swap3A_103, %swap3A_104], %swap3A_107 {strides = array<i32>} : memref<4x400x32xf32, #tpu.memory_space<vmem>>, vector<1x400x32xf32>,
    %slice3A_108 = vector.extract_strided_slice %add3A_9 {offsets = [0, 192], sizes = [400, 32], strides = [1, 1]} : vector<400x256xf32> to vector<400x32xf32>
    %slice3A_109 = vector.extract_strided_slice %add3A_9 {offsets = [0, 224], sizes = [400, 32], strides = [1, 1]} : vector<400x256xf32> to vector<400x32xf32>
    %slice3A_110 = vector.extract_strided_slice %add3A_30 {offsets = [0, 96], sizes = [400, 32], strides = [1, 1]} : vector<400x128xf32> to vector<400x32xf32>
    %get3A_111 = arith.constant 0 : index
    %get3A_112 = arith.constant 96 : index
    %get3A_113 = vector.load %arg6[%get3A_111, %get3A_112] : memref<1x128xf32, #tpu.memory_space<vmem>>, vector<1x32xf32>
    %sub3A_114 = vector.broadcast %get3A_113 : vector<1x32xf32> to vector<400x32xf32>
    %sub3A_115 = arith.subf %sub3A_114, %slice3A_108 : vector<400x32xf32>
    %sub3A_116 = arith.subf %sub3A_115, %slice3A_110 : vector<400x32xf32>
    %exp3A_117 = math.exp %sub3A_116 : vector<400x32xf32>
    %add3A_118 = vector.broadcast %get3A_113 : vector<1x32xf32> to vector<400x32xf32>
    %add3A_119 = arith.addf %slice3A_109, %add3A_118 : vector<400x32xf32>
    %sub3A_120 = arith.subf %add3A_119, %slice3A_110 : vector<400x32xf32>
    %mul3A_121 = arith.mulf %exp3A_117, %sub3A_120 : vector<400x32xf32>
    %concatenate3A_122 = tpu.concatenate %exp3A_117, %mul3A_121 in 1 : vector<400x32xf32>, vector<400x32xf32> -> vector<400x64xf32>
    %swap3A_123 = arith.constant 3 : index
    %swap3A_124 = arith.constant 0 : index
    %swap3A_125 = arith.constant 0 : index
    %swap3A_126 = vector.load %arg7[%swap3A_123, %swap3A_124, %swap3A_125] : memref<4x400x64xf32, #tpu.memory_space<vmem>>, vector<1x400x64xf32>
    %swap3A_127 = vector.shape_cast %swap3A_126 : vector<1x400x64xf32> to vector<400x64xf32>
    %swap3A_128 = vector.shape_cast %concatenate3A_122 : vector<400x64xf32> to vector<1x400x64xf32>
    tpu.vector_store %arg7[%swap3A_123, %swap3A_124, %swap3A_125], %swap3A_128 {strides = array<i32>} : memref<4x400x64xf32, #tpu.memory_space<vmem>>, vector<1x400x64xf32>,
    %swap3A_129 = arith.constant 3 : index
    %swap3A_130 = arith.constant 0 : index
    %swap3A_131 = arith.constant 0 : index
    %swap3A_132 = vector.load %arg8[%swap3A_129, %swap3A_130, %swap3A_131] : memref<4x400x32xf32, #tpu.memory_space<vmem>>, vector<1x400x32xf32>
    %swap3A_133 = vector.shape_cast %swap3A_132 : vector<1x400x32xf32> to vector<400x32xf32>
    %swap3A_134 = vector.shape_cast %slice3A_110 : vector<400x32xf32> to vector<1x400x32xf32>
    tpu.vector_store %arg8[%swap3A_129, %swap3A_130, %swap3A_131], %swap3A_134 {strides = array<i32>} : memref<4x400x32xf32, #tpu.memory_space<vmem>>, vector<1x400x32xf32>,
    return
  }
  func.func @transform_0(%arg0: i32) -> (i32, i32) {
    %c0_i32 = arith.constant 0 : i32
    %c0_i32_0 = arith.constant 0 : i32
    return %arg0, %c0_i32 : i32, i32
  }
  func.func @transform_1(%arg0: i32) -> (i32, i32) {
    %c0_i32 = arith.constant 0 : i32
    %c0_i32_0 = arith.constant 0 : i32
    return %arg0, %c0_i32 : i32, i32
  }
  func.func @transform_2(%arg0: i32) -> (i32, i32) {
    %c0_i32 = arith.constant 0 : i32
    %c0_i32_0 = arith.constant 0 : i32
    %c0_i32_1 = arith.constant 0 : i32
    return %c0_i32, %c0_i32_0 : i32, i32
  }
  func.func @transform_3(%arg0: i32) -> (i32, i32) {
    %c0_i32 = arith.constant 0 : i32
    %c0_i32_0 = arith.constant 0 : i32
    %c0_i32_1 = arith.constant 0 : i32
    return %c0_i32, %c0_i32_0 : i32, i32
  }
  func.func @transform_4(%arg0: i32) -> (i32, i32) {
    %c0_i32 = arith.constant 0 : i32
    %c0_i32_0 = arith.constant 0 : i32
    %c0_i32_1 = arith.constant 0 : i32
    return %c0_i32, %c0_i32_0 : i32, i32
  }
  func.func @transform_5(%arg0: i32) -> (i32, i32) {
    %c0_i32 = arith.constant 0 : i32
    %c0_i32_0 = arith.constant 0 : i32
    %c0_i32_1 = arith.constant 0 : i32
    return %c0_i32, %c0_i32_0 : i32, i32
  }
  func.func @transform_6(%arg0: i32) -> (i32, i32, i32) {
    %c0_i32 = arith.constant 0 : i32
    %c0_i32_0 = arith.constant 0 : i32
    %c0_i32_1 = arith.constant 0 : i32
    return %c0_i32, %arg0, %c0_i32_0 : i32, i32, i32
  }
  func.func @transform_7(%arg0: i32) -> (i32, i32, i32) {
    %c0_i32 = arith.constant 0 : i32
    %c0_i32_0 = arith.constant 0 : i32
    %c0_i32_1 = arith.constant 0 : i32
    return %c0_i32, %arg0, %c0_i32_0 : i32, i32, i32
  }
}

module attributes {stable_mosaic.version = 14 : i64} {
  func.func @_mlp_kernel(%arg0: i32, %arg1: memref<4x400x32xf32, #tpu.memory_space<vmem>>, %arg2: memref<4x32x128xf32, #tpu.memory_space<vmem>>, %arg3: memref<1x128xf32, #tpu.memory_space<vmem>>, %arg4: memref<128x128xf32, #tpu.memory_space<vmem>>, %arg5: memref<1x128xf32, #tpu.memory_space<vmem>>, %arg6: memref<400x128xf32, #tpu.memory_space<vmem>>) attributes {dimension_semantics = [#tpu.dimension_semantics<arbitrary>], iteration_bounds = array<i64: 25>, scalar_prefetch = 0 : i64, scratch_operands = 0 : i64, tpu.core_type = #tpu.core_type<tc>, window_params = [{transform_indices = @transform_0, window_bounds = array<i64: 4, 400, 32>}, {pipeline_mode = #tpu.pipeline_mode<synchronous>, transform_indices = @transform_1, window_bounds = array<i64: 4, 32, 128>}, {pipeline_mode = #tpu.pipeline_mode<synchronous>, transform_indices = @transform_2, window_bounds = array<i64: 1, 128>}, {pipeline_mode = #tpu.pipeline_mode<synchronous>, transform_indices = @transform_3, window_bounds = array<i64: 128, 128>}, {pipeline_mode = #tpu.pipeline_mode<synchronous>, transform_indices = @transform_4, window_bounds = array<i64: 1, 128>}, {transform_indices = @transform_5, window_bounds = array<i64: 400, 128>}]} {
    %get3A = arith.constant 0 : index
    %get3A_0 = arith.constant 0 : index
    %get3A_1 = vector.load %arg3[%get3A, %get3A_0] : memref<1x128xf32, #tpu.memory_space<vmem>>, vector<1x128xf32>
    %get3A_2 = arith.constant 0 : index
    %get3A_3 = arith.constant 0 : index
    %get3A_4 = arith.constant 0 : index
    %get3A_5 = vector.load %arg1[%get3A_2, %get3A_3, %get3A_4] : memref<4x400x32xf32, #tpu.memory_space<vmem>>, vector<1x400x32xf32>
    %get3A_6 = vector.shape_cast %get3A_5 : vector<1x400x32xf32> to vector<400x32xf32>
    %get3A_7 = arith.constant 0 : index
    %get3A_8 = arith.constant 0 : index
    %get3A_9 = arith.constant 0 : index
    %get3A_10 = vector.load %arg2[%get3A_7, %get3A_8, %get3A_9] : memref<4x32x128xf32, #tpu.memory_space<vmem>>, vector<1x32x128xf32>
    %get3A_11 = vector.shape_cast %get3A_10 : vector<1x32x128xf32> to vector<32x128xf32>
    %dot_general3A = arith.constant dense<0.000000e+00> : vector<400x128xf32>
    %dot_general3A_12 = tpu.matmul %get3A_6, %get3A_11, %dot_general3A {dimension_numbers = #tpu.dot_dimension_numbers<[1], [0], [0], [1], [0, 0, 1, 1], [], []>, transpose_lhs_hint = false} : vector<400x32xf32>, vector<32x128xf32>, vector<400x128xf32> -> vector<400x128xf32>
    %add3A = vector.broadcast %get3A_1 : vector<1x128xf32> to vector<400x128xf32>
    %add3A_13 = arith.addf %add3A, %dot_general3A_12 : vector<400x128xf32>
    %get3A_14 = arith.constant 1 : index
    %get3A_15 = arith.constant 0 : index
    %get3A_16 = arith.constant 0 : index
    %get3A_17 = vector.load %arg1[%get3A_14, %get3A_15, %get3A_16] : memref<4x400x32xf32, #tpu.memory_space<vmem>>, vector<1x400x32xf32>
    %get3A_18 = vector.shape_cast %get3A_17 : vector<1x400x32xf32> to vector<400x32xf32>
    %get3A_19 = arith.constant 1 : index
    %get3A_20 = arith.constant 0 : index
    %get3A_21 = arith.constant 0 : index
    %get3A_22 = vector.load %arg2[%get3A_19, %get3A_20, %get3A_21] : memref<4x32x128xf32, #tpu.memory_space<vmem>>, vector<1x32x128xf32>
    %get3A_23 = vector.shape_cast %get3A_22 : vector<1x32x128xf32> to vector<32x128xf32>
    %dot_general3A_24 = arith.constant dense<0.000000e+00> : vector<400x128xf32>
    %dot_general3A_25 = tpu.matmul %get3A_18, %get3A_23, %dot_general3A_24 {dimension_numbers = #tpu.dot_dimension_numbers<[1], [0], [0], [1], [0, 0, 1, 1], [], []>, transpose_lhs_hint = false} : vector<400x32xf32>, vector<32x128xf32>, vector<400x128xf32> -> vector<400x128xf32>
    %add3A_26 = arith.addf %add3A_13, %dot_general3A_25 : vector<400x128xf32>
    %get3A_27 = arith.constant 2 : index
    %get3A_28 = arith.constant 0 : index
    %get3A_29 = arith.constant 0 : index
    %get3A_30 = vector.load %arg1[%get3A_27, %get3A_28, %get3A_29] : memref<4x400x32xf32, #tpu.memory_space<vmem>>, vector<1x400x32xf32>
    %get3A_31 = vector.shape_cast %get3A_30 : vector<1x400x32xf32> to vector<400x32xf32>
    %get3A_32 = arith.constant 2 : index
    %get3A_33 = arith.constant 0 : index
    %get3A_34 = arith.constant 0 : index
    %get3A_35 = vector.load %arg2[%get3A_32, %get3A_33, %get3A_34] : memref<4x32x128xf32, #tpu.memory_space<vmem>>, vector<1x32x128xf32>
    %get3A_36 = vector.shape_cast %get3A_35 : vector<1x32x128xf32> to vector<32x128xf32>
    %dot_general3A_37 = arith.constant dense<0.000000e+00> : vector<400x128xf32>
    %dot_general3A_38 = tpu.matmul %get3A_31, %get3A_36, %dot_general3A_37 {dimension_numbers = #tpu.dot_dimension_numbers<[1], [0], [0], [1], [0, 0, 1, 1], [], []>, transpose_lhs_hint = false} : vector<400x32xf32>, vector<32x128xf32>, vector<400x128xf32> -> vector<400x128xf32>
    %add3A_39 = arith.addf %add3A_26, %dot_general3A_38 : vector<400x128xf32>
    %get3A_40 = arith.constant 3 : index
    %get3A_41 = arith.constant 0 : index
    %get3A_42 = arith.constant 0 : index
    %get3A_43 = vector.load %arg1[%get3A_40, %get3A_41, %get3A_42] : memref<4x400x32xf32, #tpu.memory_space<vmem>>, vector<1x400x32xf32>
    %get3A_44 = vector.shape_cast %get3A_43 : vector<1x400x32xf32> to vector<400x32xf32>
    %get3A_45 = arith.constant 3 : index
    %get3A_46 = arith.constant 0 : index
    %get3A_47 = arith.constant 0 : index
    %get3A_48 = vector.load %arg2[%get3A_45, %get3A_46, %get3A_47] : memref<4x32x128xf32, #tpu.memory_space<vmem>>, vector<1x32x128xf32>
    %get3A_49 = vector.shape_cast %get3A_48 : vector<1x32x128xf32> to vector<32x128xf32>
    %dot_general3A_50 = arith.constant dense<0.000000e+00> : vector<400x128xf32>
    %dot_general3A_51 = tpu.matmul %get3A_44, %get3A_49, %dot_general3A_50 {dimension_numbers = #tpu.dot_dimension_numbers<[1], [0], [0], [1], [0, 0, 1, 1], [], []>, transpose_lhs_hint = false} : vector<400x32xf32>, vector<32x128xf32>, vector<400x128xf32> -> vector<400x128xf32>
    %add3A_52 = arith.addf %add3A_39, %dot_general3A_51 : vector<400x128xf32>
    %max3A = arith.constant 0.000000e+00 : f32
    %max3A_53 = vector.broadcast %max3A : f32 to vector<400x128xf32>
    %max3A_54 = arith.maximumf %add3A_52, %max3A_53 : vector<400x128xf32>
    %get3A_55 = arith.constant 0 : index
    %get3A_56 = arith.constant 0 : index
    %get3A_57 = vector.load %arg4[%get3A_55, %get3A_56] : memref<128x128xf32, #tpu.memory_space<vmem>>, vector<128x128xf32>
    %dot_general3A_58 = arith.constant dense<0.000000e+00> : vector<400x128xf32>
    %dot_general3A_59 = tpu.matmul %max3A_54, %get3A_57, %dot_general3A_58 {dimension_numbers = #tpu.dot_dimension_numbers<[1], [0], [0], [1], [0, 0, 1, 1], [], []>, transpose_lhs_hint = false} : vector<400x128xf32>, vector<128x128xf32>, vector<400x128xf32> -> vector<400x128xf32>
    %get3A_60 = arith.constant 0 : index
    %get3A_61 = arith.constant 0 : index
    %get3A_62 = vector.load %arg5[%get3A_60, %get3A_61] : memref<1x128xf32, #tpu.memory_space<vmem>>, vector<1x128xf32>
    %add3A_63 = vector.broadcast %get3A_62 : vector<1x128xf32> to vector<400x128xf32>
    %add3A_64 = arith.addf %dot_general3A_59, %add3A_63 : vector<400x128xf32>
    %swap3A = arith.constant 0 : index
    %swap3A_65 = arith.constant 0 : index
    %swap3A_66 = vector.load %arg6[%swap3A, %swap3A_65] : memref<400x128xf32, #tpu.memory_space<vmem>>, vector<400x128xf32>
    tpu.vector_store %arg6[%swap3A, %swap3A_65], %add3A_64 {strides = array<i32>} : memref<400x128xf32, #tpu.memory_space<vmem>>, vector<400x128xf32>,
    return
  }
  func.func @transform_0(%arg0: i32) -> (i32, i32, i32) {
    %c0_i32 = arith.constant 0 : i32
    %c0_i32_0 = arith.constant 0 : i32
    %c0_i32_1 = arith.constant 0 : i32
    return %c0_i32, %arg0, %c0_i32_0 : i32, i32, i32
  }
  func.func @transform_1(%arg0: i32) -> (i32, i32, i32) {
    %c0_i32 = arith.constant 0 : i32
    %c0_i32_0 = arith.constant 0 : i32
    %c0_i32_1 = arith.constant 0 : i32
    %c0_i32_2 = arith.constant 0 : i32
    return %c0_i32, %c0_i32_0, %c0_i32_1 : i32, i32, i32
  }
  func.func @transform_2(%arg0: i32) -> (i32, i32) {
    %c0_i32 = arith.constant 0 : i32
    %c0_i32_0 = arith.constant 0 : i32
    %c0_i32_1 = arith.constant 0 : i32
    return %c0_i32, %c0_i32_0 : i32, i32
  }
  func.func @transform_3(%arg0: i32) -> (i32, i32) {
    %c0_i32 = arith.constant 0 : i32
    %c0_i32_0 = arith.constant 0 : i32
    %c0_i32_1 = arith.constant 0 : i32
    return %c0_i32, %c0_i32_0 : i32, i32
  }
  func.func @transform_4(%arg0: i32) -> (i32, i32) {
    %c0_i32 = arith.constant 0 : i32
    %c0_i32_0 = arith.constant 0 : i32
    %c0_i32_1 = arith.constant 0 : i32
    return %c0_i32, %c0_i32_0 : i32, i32
  }
  func.func @transform_5(%arg0: i32) -> (i32, i32) {
    %c0_i32 = arith.constant 0 : i32
    %c0_i32_0 = arith.constant 0 : i32
    return %arg0, %c0_i32 : i32, i32
  }
}

</mosaic_0001>

<sc_bundles>
// kernel: kernel.5.cloned.1.call-start
scs
__scs_entry_jumppad:
0x0: {  	(pc) =	sbr.rel $0x88, $3  }
0x1: {  	(tag) =	ssettag $0x0;
	lr =	simm.s32 $0x1  }
0x2: {  	[smem:$0x3F94] =	sst lr;
	_ =	strace $0xD0000000  }
0x3: {  	_ = 	snop  }
0x4: {  	_ = 	snop  }
0x5: {  	_ = 	snop  }
0x6: {  	_ = 	snop  }
0x7: {  	_ = 	snop  }
__scs_overlays_trampoline_lowered:
0x8: {  	[smem:$0x3FA3] =	sst s0  }
0x9: {  	[smem:$0x3FA4] =	sst s1  }
0xa: {  	[smem:$0x3FA5] =	sst s2  }
0xb: {  	[smem:$0x3FA6] =	sst s3  }
0xc: {  	[smem:$0x3FA7] =	sst s4  }
0xd: {  	[smem:$0x3FA8] =	sst s5  }
0xe: {  	[smem:$0x3FA9] =	sst s6  }
0xf: {  	[smem:$0x3FAA] =	sst s7  }
0x10: {  	[smem:$0x3FAB] =	sst s8  }
0x11: {  	[smem:$0x3FAC] =	sst s9;
	s0 =	simm.s32 @!p0 $0x0  }
0x12: {  	s1 =	sld [smem:$0x3F92];
	s0 =	simm.s32 @p0 $0x1  }
0x13: {  	[smem:$0x3FAD] =	sst s0;
	s0 =	simm.s32 @!p1 $0x0  }
0x14: {  	s2 =	sld [smem:$0x3F91];
	s0 =	simm.s32 @p1 $0x1  }
0x15: {  	[smem:$0x3FAE] =	sst s0;
	s0 =	simm.s32 @!p2 $0x0  }
0x16: {  	s3 =	sld [smem:$0x3FDB];
	s0 =	simm.s32 @p2 $0x1  }
0x17: {  	s4 =	simm.s32 $0x1BF5;
	[smem:$0x3FB0] =	sst s0  }
0x18: {  	s0 =	sld [smem:$0x3F93];
	_ =	swait.ge [sflag:s4], $0x0  }
0x19: {  	s7 =	sld [smem:$0x3F94]  }
0x1a: {  	s8 =	sadd.s32 $0xFFFFE003, lr  }
0x1b: {  	s9 =	sadd.s32 $0xFFFFFEF7, lr;
	s5 =	simm.s32 $0xFFFFFFFF;
	p2 =	slt.u32 s8, $0xFFFFF086  }
0x1c: {  	p1 =	slt.u32 s9, $0xF7A;
	s5 =	simm.s32 @!p2 $0x0  }
0x1d: {  	s5 =	simm.s32 @p1 $0x1;
	p0 =	seq.s32 s7, s2  }
0x1e: {  	s7 =	smul.u32 @!p0 $0xF7A, s2;
	p2 =	seq.s32 @!p0 s5, $0x0  }
0x1f: {  	s9 =	smul.u32 $0xF7A, s1;
	s8 =	simm.s32 @!p0 $0x1BF5;
	p2 =	por !p2, p0  }
0x20: {  	[sflag:s8] =	ssyncset.s32 @!p0 $0xFFFFF086;
	s6 =	sadd.s32 @!p0 s3, s7;
	s7 =	simm.s32 @!p0 $0x108  }
0x21: {  	s3 =	sadd.s32 s3, s9;
	s6 =	sadd.s32 @!p0 $0x88, s6;
	s7 =	simm.s32 @p2 $0x1082  }
0x22: {  	[simem:s7], [sflag:s8] =	dma.local @!p0 [hbm:s6], $0xF7A  }
0x23: {  	s9 =	sor.u32 $0xD0000000, s2;
	s6 =	simm.s32 $0x108;
	_ =	swait.ge @!p0 [sflag:s8], $0x0  }
0x24: {  	s3 =	sadd.s32 $0x88, s3;
	s6 =	simm.s32 @!p1 $0x1082;
	[sflag:s4] =	ssyncset.s32 $0xFFFFF086  }
0x25: {  	[simem:s6], [sflag:s4] =	dma.local [hbm:s3], $0xF7A  }
0x26: {  	[smem:$0x3F94] =	sst s1;
	(tag) =	ssettag s2;
	_ =	strace s9  }
0x27: {  	s1 =	sld [smem:$0x3FA4]  }
0x28: {  	s2 =	sld [smem:$0x3FA5]  }
0x29: {  	s4 =	sld [smem:$0x3FA7]  }
0x2a: {  	p0 =	seq.s32 s5, $0x0;
	s5 =	sld [smem:$0x3FA8]  }
0x2b: {  	s6 =	sld [smem:$0x3FA9]  }
0x2c: {  	s7 =	sld [smem:$0x3FAA]  }
0x2d: {  	s3 =	simm.s32 $0x108;
	s8 =	sld [smem:$0x3FAB]  }
0x2e: {  	s3 =	simm.s32 @!p0 $0x1082;
	s9 =	sld [smem:$0x3FAC]  }
0x2f: {  	lr =	sadd.s32 s0, s3;
	s0 =	sld [smem:$0x3FA3]  }
0x30: {  	s3 =	sld [smem:$0x3FA6]  }
0x31: {  	[smem:$0x3FAF] =	sst s10  }
0x32: {  	s10 =	sld [smem:$0x3FAD];
	_ =	sdelay $0x3  }
0x33: {  	p0 =	seq.s32 s10, $0x1;
	s10 =	sld [smem:$0x3FAF];
	_ =	sdelay $0x3  }
0x34: {  	[smem:$0x3FAF] =	sst s10  }
0x35: {  	s10 =	sld [smem:$0x3FAE];
	_ =	sdelay $0x3  }
0x36: {  	p1 =	seq.s32 s10, $0x1;
	s10 =	sld [smem:$0x3FAF];
	_ =	sdelay $0x3  }
0x37: {  	[smem:$0x3FAF] =	sst s10  }
0x38: {  	s10 =	sld [smem:$0x3FB0]  }
0x39: {  	_ = 	snop;
	(pc) =	sbr.ind lr, $3  }
0x3a: {  	_ = 	snop  }
0x3b: {  	_ = 	snop  }
0x3c: {  	p2 =	seq.s32 s10, $0x1;
	s10 =	sld [smem:$0x3FAF]  }
0x3d: {  	_ =	shalt  }
0x3e: {  	_ =	shalt  }
0x3f: {  	_ =	shalt  }
0x40: {  	_ =	shalt  }
0x41: {  	_ =	shalt  }
0x42: {  	_ =	shalt  }
0x43: {  	_ =	shalt  }
0x44: {  	_ =	shalt  }
0x45: {  	_ =	shalt  }
0x46: {  	_ =	shalt  }
0x47: {  	_ =	shalt  }
0x48: {  	_ =	shalt  }
0x49: {  	_ =	shalt  }
0x4a: {  	_ =	shalt  }
0x4b: {  	_ =	shalt  }
0x4c: {  	_ =	shalt  }
0x4d: {  	_ =	shalt  }
0x4e: {  	_ =	shalt  }
0x4f: {  	_ =	shalt  }
0x50: {  	_ =	shalt  }
0x51: {  	_ =	shalt  }
0x52: {  	_ =	shalt  }
0x53: {  	_ =	shalt  }
0x54: {  	_ =	shalt  }
0x55: {  	_ =	shalt  }
0x56: {  	_ =	shalt  }
0x57: {  	_ =	shalt  }
0x58: {  	_ =	shalt  }
0x59: {  	_ =	shalt  }
0x5a: {  	_ =	shalt  }
0x5b: {  	_ =	shalt  }
0x5c: {  	_ =	shalt  }
0x5d: {  	_ =	shalt  }
0x5e: {  	_ =	shalt  }
0x5f: {  	_ =	shalt  }
0x60: {  	_ =	shalt  }
0x61: {  	_ =	shalt  }
0x62: {  	_ =	shalt  }
0x63: {  	_ =	shalt  }
0x64: {  	_ =	shalt  }
0x65: {  	_ =	shalt  }
0x66: {  	_ =	shalt  }
0x67: {  	_ =	shalt  }
0x68: {  	_ =	shalt  }
0x69: {  	_ =	shalt  }
0x6a: {  	_ =	shalt  }
0x6b: {  	_ =	shalt  }
0x6c: {  	_ =	shalt  }
0x6d: {  	_ =	shalt  }
0x6e: {  	_ =	shalt  }
0x6f: {  	_ =	shalt  }
0x70: {  	_ =	shalt  }
0x71: {  	_ =	shalt  }
0x72: {  	_ =	shalt  }
0x73: {  	_ =	shalt  }
0x74: {  	_ =	shalt  }
0x75: {  	_ =	shalt  }
0x76: {  	_ =	shalt  }
0x77: {  	_ =	shalt  }
0x78: {  	_ =	shalt  }
0x79: {  	_ =	shalt  }
0x7a: {  	_ =	shalt  }
0x7b: {  	_ =	shalt  }
0x7c: {  	_ =	shalt  }
0x7d: {  	_ =	shalt  }
0x7e: {  	_ =	shalt  }
0x7f: {  	_ =	shalt  }
0x80: {  	_ =	shalt  }
0x81: {  	_ =	shalt  }
0x82: {  	_ =	shalt  }
0x83: {  	_ =	shalt  }
0x84: {  	_ =	shalt  }
0x85: {  	_ =	shalt  }
0x86: {  	_ =	shalt  }
0x87: {  	_ =	shalt  }
.Lfunc_end0:
.L_simem_size_0:
called_computation_lowered:
.L_overlay_start_0:
0x88: {  	s2 =	sld [smem:$0x3FD9]  }
0x89: {  	s3 =	sld [smem:$0x3FFE];
	_ =	sdelay $0x1  }
0x8a: {  	s1 =	srdreg.scid  }
0x8b: {  	s0 =	sand.u32 $0x1, s1  }
0x8c: {  	s17 =	sshll.u32 s0, $0xA;
	s2 =	sadd.s32 s3, s2  }
0x8d: {  	s2 =	sadd.s32 s2, s17  }
0x8e: {  	[smem:$0x3FBB] =	sst s2  }
0x8f: {  	_ = 	snop  }
0x90: {  	s2 =	sld [smem:$0x3FD0];
	(tm) =	ssettm $0x1  }
0x91: {  	s18 =	sld [smem:$0x3FFB];
	_ =	sdelay $0x3  }
0x92: {  	_ =	strace s18  }
0x93: {  	s3 =	sld [smem:$0x3FFC];
	_ =	sdelay $0x3  }
0x94: {  	_ =	strace s3  }
0x95: {  	s3 =	sld [smem:$0x3FFD];
	_ =	sdelay $0x3  }
0x96: {  	_ =	strace s3  }
0x97: {  	_ =	strace $0x8FFFFFFF  }
0x98: {  	s19 =	sld [smem:$0x3FDB];
	_ =	sdelay $0x1  }
0x99: {  	s4 =	simm.s32 $_scs_section_size  }
0x9a: {  	s5 =	simm.s32 $_size__tile_overlayer_lowered;
	s6 =	simm.s32 $_tile_overlayer_lowered  }
0x9b: {  	s22 =	simm.s32 $0x1BFF;
	s21 =	sshll.u32 s6, $0x1;
	s3 =	sadd.s32 s4, s19  }
0x9c: {  	s7 =	simm.s32 $0x0;
	s20 =	sshll.u32 s5, $0x1;
	s5 =	sadd.s32 s21, s3  }
0x9d: {  	[timem:s7], [sflag:s22] =	dma.local [hbm:s5], s20  }
0x9e: {  	_ =	swait.ge [sflag:s22], s20  }
0x9f: {  	s4 =	ssub.s32 $0x0, s20;
	[sflag:s22] =	ssyncset.done $0x0  }
0xa0: {  	[sflag:s22] =	ssyncadd.s32 s4;
	_ =	sdelay $0x1  }
0xa1: {  	s23 =	simm.s32 $0x1B8B  }
0xa2: {  	_ =	swait.ge [sflag:s23], $0x1  }
0xa3: {  	[sflag:s23] =	ssyncset.done $0x0  }
0xa4: {  	s25 =	simm.s32 $0x1B8E;
	s24 =	sld [smem:$0x3FFE];
	[sflag:s23] =	ssyncadd.s32 $0xFFFFFFFF  }
0xa5: {  	s26 =	simm.s32 $execute0_lowered;
	[smem:$0x3FD2] =	sst s25  }
0xa6: {  	s5 =	sshll.u32 s26, $0x1;
	_ =	strace $0x80000046;
	[dreg:$0x1] =	wrdreg $0xFFFFFFFF  }
0xa7: {  	s28 =	simm.s32 $_size_execute0_lowered;
	s3 =	sadd.s32 s3, s5;
	[dreg:$0x0] =	wrdreg $0x0  }
0xa8: {  	s5 =	sshll.u32 s28, $0x1;
	[dreg:$0x2] =	wrdreg s3  }
0xa9: {  	[dreg:$0x3] =	wrdreg s5  }
0xaa: {  	[dreg:$0x4] =	wrdreg $0xC0  }
0xab: {  	_ =	task [dreg:s7], $0x5FFFF  }
0xac: {  	[dreg:$0x1] =	wrdreg $0xFFFFFFFF  }
0xad: {  	[dreg:$0x0] =	wrdreg $0x60  }
0xae: {  	[dreg:$0x2] =	wrdreg s24  }
0xaf: {  	[dreg:$0x3] =	wrdreg s2  }
0xb0: {  	[dreg:$0x4] =	wrdreg $0xED800  }
0xb1: {  	[dreg:$0x5] =	wrdreg $0x9  }
0xb2: {  	_ =	task.clear_ibuf [dreg:s7], $0x6FFFF;
	_ =	strace $0x90000046  }
0xb3: {  	s29 =	simm.s32 $0x9;
	_ =	strace $0x80000048  }
0xb4: {  	_ =	swait.ge [sflag:s29], $0x1  }
0xb5: {  	[sflag:s29] =	ssyncadd.s32 $0xFFFFFFFF  }
0xb6: {  	_ =	strace $0x90000048  }
0xb7: {  	_ =	sfence  }
0xb8: {  	s30 =	sld [smem:$0x0];
	_ =	sdelay $0x2  }
0xb9: {  	s31 =	sshll.u32 s1, $0xD;
	s1 =	sshrl.u32 s1, $0x2  }
0xba: {  	s3 =	sand.u32 $0x4000, s31;
	s1 =	sadd.s32 s1, s30  }
0xbb: {  	s0 =	sor.u32 s3, s0;
	s1 =	sshll.u32 s1, $0x11  }
0xbc: {  	s0 =	sor.u32 s1, s0  }
0xbd: {  	s0 =	sadd.s32 $0x8F2B, s0  }
0xbe: {  	[sflag:s0] =	ssyncadd.remote.s32 $0x1  }
0xbf: {  	_ =	sfence.sel $0xFFFF  }
0xc0: {  	[dreg:$0x0] =	wrdreg $0xFFFFFFFF;
	(pc) =	sbr.abs _section_cstart, $3  }
0xc1: {  	[dreg:$0x1] =	wrdreg $0xFFFFFFFF  }
0xc2: {  	_ =	task.clear_ibuf [dreg:s7], $0x2FFFF;
	_ =	strace $0x9FFFFFFF  }
0xc3: {  	(tm) =	ssettm $0x7FFFFFFF  }
tec
execute0_lowered:
.L_overlay_start_1:
0x0: {  	(tag) =	ssettag $0x1  }
0x1: {  	s0 =	rddreg [dreg:$0x0]  }
0x2: {  	s1 =	rddreg [dreg:$0x1]  }
0x3: {  	s2 =	rddreg [dreg:$0x2]  }
0x4: {  	s3 =	simm.s32 $0x0;
	s6 =	srdreg.scid;
	s14 =	stileid.u32  }
0x5: {  	s18 =	simm.s32 $0x5;
	s19 =	simm.s32 $0xE740;
	s20 =	simm.s32 $0x190  }
0x6: {  	s28 =	simm.s32 $0x2;
	s29 =	simm.s32 $0x4;
	s30 =	simm.s32 $0xD7A0  }
0x7: {  	s31 =	simm.s32 $0xC800;
	[smem:$0x7FF] =	sst s3;
	s5 =	sadd.s32 $0x13A000, s0  }
0x8: {  	s4 =	sadd.s32 $0xB600, s0;
	s10 =	sadd.s32 $0x1800, s0;
	s9 =	smul.u32 $0x27100, s14  }
0x9: {  	s6 =	sand.u32 $0x1, s6;
	s7 =	sadd.s32 $0x15400, s0;
	s11 =	smul.u32 $0x4E20, s14  }
0xa: {  	s13 =	sshll.u32 s14, $0x6;
	s24 =	smul.u32 $0x9C4, s14;
	_ =	strace $0x80000047  }
0xb: {  	[dreg:$0x4] =	wrdreg s7;
	s8 =	ssub.s32 $0x2, s6;
	s7 =	sadd.s32 $0x16800, s0  }
0xc: {  	s22 =	sor.u32 $0x1C05, s13;
	s21 =	sshrl.u32 s8, $0x1;
	s9 =	sshrl.u32 s9, $0x2  }
0xd: {  	[dreg:$0x5] =	wrdreg s22;
	s23 =	sshrl.u32 s11, $0x3;
	s15 =	sadd.s32 s24, s4  }
0xe: {  	s16 =	sadd.s32 s24, s10;
	s22 =	simm.s32 $0xE8D0;
	s24 =	simm.s32 $0xEBF0  }
0xf: {  	s0 =	ssub.s32 s8, s21;
	s8 =	smul.u32 $0x271, s14;
	s12 =	sadd.s32 s9, s2  }
0x10: {  	s9 =	smul.u32 $0x4E20, s6;
	s25 =	sadd.s32 s4, s23;
	s6 =	sadd.s32 s10, s23  }
0x11: {  	s21 =	simm.s32 $0xEA60;
	s23 =	simm.s32 $0x6400;
	[dreg:$0x6] =	wrdreg s25  }
0x12: {  	[dreg:$0x7] =	wrdreg s6;
	s0 =	smax.u32 s0, $0x1;
	s26 =	sshrl.u32 s12, $0x3  }
0x13: {  	s25 =	simm.s32 $0x1;
	s13 =	sadd.s32 $0x2710, s9;
	[dreg:$0x8] =	wrdreg s0  }
0x14: {  	[dreg:$0x9] =	wrdreg s26;
	s26 =	simm.s32 $0x3;
	v0 =	vmov s9;
	s0 =	simm.s32 $0x0;
	v1 =	vmov s13  }
.LBB2_1:
0x15: {  	s4 =	rddreg [dreg:$0x4]  }
0x16: {  	s6 =	rddreg [dreg:$0x5]  }
0x17: {  	s10 =	rddreg [dreg:$0x9]  }
0x18: {  	[spmem:s10], [sflag:s6] =	dma.local [hbm:s4], $0x1388  }
0x19: {  	_ =	swait.ge [sflag:s18], $0x1388  }
0x1a: {  	[sflag:s18] =	ssyncset.done $0x0  }
0x1b: {  	[sflag:s18] =	ssyncadd.s32 $0xFFFFEC78  }
0x1c: {  	[bflag:$0x0] =	sbarrier.arrive $0xFFFF  }
0x1d: {  	s14 =	rddreg [dreg:$0x6]  }
0x1e: {  	[tilespmem:s19], [sflag:$0x5] =	stream.linear.gather [hbm4b:s14+s3], $0x190, $0x38;
	[tilespmem:$0x189C0] =	vst v63  }
0x1f: {  	_ =	swait.ge [sflag:s18], $0x190  }
0x20: {  	[sflag:s18] =	ssyncset.done $0x0  }
0x21: {  	[sflag:s18] =	ssyncadd.s32 $0xFFFFFE70  }
0x22: {  	v2 =	vld [tilespmem:$0xE740]  }
0x23: {  	v3 =	vld [tilespmem:$0xE750]  }
0x24: {  	v4 =	vld [tilespmem:$0xE760]  }
0x25: {  	v5 =	vld [tilespmem:$0xE770]  }
0x26: {  	v6 =	vld [tilespmem:$0xE780]  }
0x27: {  	v7 =	vld [tilespmem:$0xE790];
	v2 =	vadd.s32 v0, v2  }
0x28: {  	[tilespmem:$0xE740] =	vst v2;
	v2 =	vadd.s32 v0, v3;
	v3 =	vld [tilespmem:$0xE7A0]  }
0x29: {  	v49 =	vld [tilespmem:$0xE7B0];
	[tilespmem:$0xE750] =	vst v2;
	v2 =	vadd.s32 v0, v4  }
0x2a: {  	v50 =	vld [tilespmem:$0xE7C0];
	[tilespmem:$0xE760] =	vst v2;
	v2 =	vadd.s32 v0, v5  }
0x2b: {  	v51 =	vld [tilespmem:$0xE7D0];
	[tilespmem:$0xE770] =	vst v2;
	v2 =	vadd.s32 v0, v6  }
0x2c: {  	v52 =	vld [tilespmem:$0xE7E0];
	[tilespmem:$0xE780] =	vst v2;
	v2 =	vadd.s32 v0, v7  }
0x2d: {  	[tilespmem:$0xE790] =	vst v2;
	v2 =	vadd.s32 v0, v3;
	v3 =	vld [tilespmem:$0xE7F0]  }
0x2e: {  	v53 =	vld [tilespmem:$0xE800];
	[tilespmem:$0xE7A0] =	vst v2;
	v2 =	vadd.s32 v0, v49  }
0x2f: {  	v54 =	vld [tilespmem:$0xE810];
	[tilespmem:$0xE7B0] =	vst v2;
	v2 =	vadd.s32 v0, v50  }
0x30: {  	v55 =	vld [tilespmem:$0xE820];
	[tilespmem:$0xE7C0] =	vst v2;
	v2 =	vadd.s32 v0, v51  }
0x31: {  	v56 =	vld [tilespmem:$0xE830];
	[tilespmem:$0xE7D0] =	vst v2;
	v2 =	vadd.s32 v0, v52  }
0x32: {  	[tilespmem:$0xE7E0] =	vst v2;
	v2 =	vadd.s32 v0, v3;
	v3 =	vld [tilespmem:$0xE840]  }
0x33: {  	v57 =	vld [tilespmem:$0xE850];
	[tilespmem:$0xE7F0] =	vst v2;
	v2 =	vadd.s32 v0, v53  }
0x34: {  	v58 =	vld [tilespmem:$0xE860];
	[tilespmem:$0xE800] =	vst v2;
	v2 =	vadd.s32 v0, v54  }
0x35: {  	v59 =	vld [tilespmem:$0xE870];
	[tilespmem:$0xE810] =	vst v2;
	v2 =	vadd.s32 v0, v55  }
0x36: {  	v60 =	vld [tilespmem:$0xE880];
	[tilespmem:$0xE820] =	vst v2;
	v2 =	vadd.s32 v0, v56  }
0x37: {  	[tilespmem:$0xE830] =	vst v2;
	v2 =	vadd.s32 v0, v3;
	v3 =	vld [tilespmem:$0xE890]  }
0x38: {  	v61 =	vld [tilespmem:$0xE8A0];
	[tilespmem:$0xE840] =	vst v2;
	v2 =	vadd.s32 v0, v57  }
0x39: {  	v62 =	vld [tilespmem:$0xE8B0];
	[tilespmem:$0xE850] =	vst v2;
	v2 =	vadd.s32 v0, v58  }
0x3a: {  	v63 =	vld [tilespmem:$0xE8C0];
	[tilespmem:$0xE860] =	vst v2;
	v2 =	vadd.s32 v0, v59  }
0x3b: {  	[tilespmem:$0xE870] =	vst v2;
	v2 =	vadd.s32 v0, v60  }
0x3c: {  	[tilespmem:$0xE880] =	vst v2;
	v2 =	vadd.s32 v0, v3  }
0x3d: {  	[tilespmem:$0xE890] =	vst v2;
	v2 =	vadd.s32 v0, v61  }
0x3e: {  	[tilespmem:$0xE8A0] =	vst v2;
	v2 =	vadd.s32 v0, v62  }
0x3f: {  	[tilespmem:$0xE8B0] =	vst v2;
	v2 =	vadd.s32 v0, v63  }
0x40: {  	[tilespmem:$0xE8C0] =	vst v2  }
0x41: {  	[tilespmem:s3], [sflag:$0x1] =	stream.indirect.gather [hbm4b:s5+s20], $0x40, s19, s20, $0xb8;
	[tilespmem:$0x189C0] =	vst v63  }
.Ltmp0:
0x42: {  	s17 =	rddreg [dreg:$0x7];
	(pc) =	sbr.rel .LBB2_2-.Ltmp0, $4  }
0x43: {  	[tilespmem:s21], [sflag:$0x5] =	stream.linear.gather [hbm4b:s17+s3], $0x190, $0x38;
	[tilespmem:$0x189C0] =	vst v63  }
0x44: {  	_ =	swait.ge [sflag:s18], $0x190  }
0x45: {  	[sflag:s18] =	ssyncset.done $0x0  }
0x46: {  	s4 =	simm.s32 $0x0;
	[sflag:s18] =	ssyncadd.s32 $0xFFFFFE70  }
.LBB2_4:
0x47: {  	s4 =	sadd.s32 $0x64, s4  }
0x48: {  	p0 =	sne.s32 s4, $0x9C4  }
.Ltmp1:
0x49: {  	_ = 	snop;
	(pc) =	sbr.rel @!p0 .LBB2_5-.Ltmp1, $4  }
0x4a: {  	_ =	swait.ge [sflag:s28], $0x6400  }
0x4b: {  	[sflag:s28] =	ssyncset.done $0x0  }
0x4c: {  	[sflag:s28] =	ssyncadd.s32 $0xFFFF9C00  }
0x4d: {  	[spmem:s2] =	stream.indirect.scatter.add.f32 [tilespmem:s23], [sflag:$0x4], $0x40, s24, s20, $0xb8;
	[tilespmem:$0x189C0] =	vst v63  }
.LBB2_2:
0x4e: {  	p0 =	seq.s32 s4, $0x0  }
0x4f: {  	s6 =	simm.s32 @!p0 $0x4  }
0x50: {  	_ =	swait.ge @!p0 [sflag:s6], $0x6400  }
0x51: {  	s14 =	sadd.s32 s4, s15;
	[sflag:s6] =	ssyncset.done @!p0 $0x0  }
0x52: {  	s12 =	sadd.s32 $0x32, s14;
	[sflag:s6] =	ssyncadd.s32 @!p0 $0xFFFF9C00  }
0x53: {  	[tilespmem:s22], [sflag:$0x5] =	stream.linear.gather [hbm4b:s12+s3], $0x190, $0x38;
	[tilespmem:$0x189C0] =	vst v63  }
0x54: {  	_ =	swait.ge [sflag:s18], $0x190  }
0x55: {  	[sflag:s18] =	ssyncset.done $0x0  }
0x56: {  	[sflag:s18] =	ssyncadd.s32 $0xFFFFFE70  }
0x57: {  	v2 =	vld [tilespmem:$0xE8D0]  }
0x58: {  	v3 =	vld [tilespmem:$0xE8E0]  }
0x59: {  	v4 =	vld [tilespmem:$0xE8F0]  }
0x5a: {  	v5 =	vld [tilespmem:$0xE900]  }
0x5b: {  	v6 =	vld [tilespmem:$0xE910]  }
0x5c: {  	v7 =	vld [tilespmem:$0xE920];
	v2 =	vadd.s32 v0, v2  }
0x5d: {  	[tilespmem:$0xE8D0] =	vst v2;
	v2 =	vadd.s32 v0, v3;
	v3 =	vld [tilespmem:$0xE930]  }
0x5e: {  	v49 =	vld [tilespmem:$0xE940];
	[tilespmem:$0xE8E0] =	vst v2;
	v2 =	vadd.s32 v0, v4  }
0x5f: {  	v50 =	vld [tilespmem:$0xE950];
	[tilespmem:$0xE8F0] =	vst v2;
	v2 =	vadd.s32 v0, v5  }
0x60: {  	v51 =	vld [tilespmem:$0xE960];
	[tilespmem:$0xE900] =	vst v2;
	v2 =	vadd.s32 v0, v6  }
0x61: {  	v52 =	vld [tilespmem:$0xE970];
	[tilespmem:$0xE910] =	vst v2;
	v2 =	vadd.s32 v0, v7  }
0x62: {  	[tilespmem:$0xE920] =	vst v2;
	v2 =	vadd.s32 v0, v3;
	v3 =	vld [tilespmem:$0xE980]  }
0x63: {  	v53 =	vld [tilespmem:$0xE990];
	[tilespmem:$0xE930] =	vst v2;
	v2 =	vadd.s32 v0, v49  }
0x64: {  	v54 =	vld [tilespmem:$0xE9A0];
	[tilespmem:$0xE940] =	vst v2;
	v2 =	vadd.s32 v0, v50  }
0x65: {  	v55 =	vld [tilespmem:$0xE9B0];
	[tilespmem:$0xE950] =	vst v2;
	v2 =	vadd.s32 v0, v51  }
0x66: {  	v56 =	vld [tilespmem:$0xE9C0];
	[tilespmem:$0xE960] =	vst v2;
	v2 =	vadd.s32 v0, v52  }
0x67: {  	[tilespmem:$0xE970] =	vst v2;
	v2 =	vadd.s32 v0, v3;
	v3 =	vld [tilespmem:$0xE9D0]  }
0x68: {  	v57 =	vld [tilespmem:$0xE9E0];
	[tilespmem:$0xE980] =	vst v2;
	v2 =	vadd.s32 v0, v53  }
0x69: {  	v58 =	vld [tilespmem:$0xE9F0];
	[tilespmem:$0xE990] =	vst v2;
	v2 =	vadd.s32 v0, v54  }
0x6a: {  	v59 =	vld [tilespmem:$0xEA00];
	[tilespmem:$0xE9A0] =	vst v2;
	v2 =	vadd.s32 v0, v55  }
0x6b: {  	v60 =	vld [tilespmem:$0xEA10];
	[tilespmem:$0xE9B0] =	vst v2;
	v2 =	vadd.s32 v0, v56  }
0x6c: {  	[tilespmem:$0xE9C0] =	vst v2;
	v2 =	vadd.s32 v0, v3;
	v3 =	vld [tilespmem:$0xEA20]  }
0x6d: {  	v61 =	vld [tilespmem:$0xEA30];
	[tilespmem:$0xE9D0] =	vst v2;
	v2 =	vadd.s32 v0, v57  }
0x6e: {  	v62 =	vld [tilespmem:$0xEA40];
	[tilespmem:$0xE9E0] =	vst v2;
	v2 =	vadd.s32 v0, v58  }
0x6f: {  	v63 =	vld [tilespmem:$0xEA50];
	[tilespmem:$0xE9F0] =	vst v2;
	v2 =	vadd.s32 v0, v59  }
0x70: {  	[tilespmem:$0xEA00] =	vst v2;
	v2 =	vadd.s32 v0, v60  }
0x71: {  	[tilespmem:$0xEA10] =	vst v2;
	v2 =	vadd.s32 v0, v3  }
0x72: {  	[tilespmem:$0xEA20] =	vst v2;
	v2 =	vadd.s32 v0, v61  }
0x73: {  	[tilespmem:$0xEA30] =	vst v2;
	v2 =	vadd.s32 v0, v62  }
0x74: {  	[tilespmem:$0xEA40] =	vst v2;
	v2 =	vadd.s32 v0, v63  }
0x75: {  	s17 =	sadd.s32 s4, s16;
	[tilespmem:$0xEA50] =	vst v2  }
0x76: {  	[tilespmem:s23], [sflag:$0x2] =	stream.indirect.gather [hbm4b:s5+s20], $0x40, s22, s20, $0xb8;
	[tilespmem:$0x189C0] =	vst v63  }
0x77: {  	s6 =	sadd.s32 $0x32, s17  }
0x78: {  	[tilespmem:s24], [sflag:$0x5] =	stream.linear.gather [hbm4b:s6+s3], $0x190, $0x38;
	[tilespmem:$0x189C0] =	vst v63  }
0x79: {  	_ =	swait.ge [sflag:s18], $0x190  }
0x7a: {  	[sflag:s18] =	ssyncset.done $0x0  }
0x7b: {  	[sflag:s18] =	ssyncadd.s32 $0xFFFFFE70  }
0x7c: {  	_ =	swait.ge [sflag:s25], $0x6400  }
0x7d: {  	s10 =	simm.s32 @!p0 $0x0;
	[sflag:s25] =	ssyncset.done $0x0  }
0x7e: {  	s11 =	simm.s32 @!p0 $0xEA60;
	s6 =	sadd.s32 @!p0 s4, s16;
	[sflag:s25] =	ssyncadd.s32 $0xFFFF9C00  }
0x7f: {  	[tilespmem:s11], [sflag:$0x5] =	stream.linear.gather @!p0 [hbm4b:s6+s10], $0x190, $0x38;
	[tilespmem:$0x189C0] =	vst v63  }
0x80: {  	s6 =	simm.s32 @!p0 $0x5  }
0x81: {  	_ =	swait.ge @!p0 [sflag:s6], $0x190  }
0x82: {  	[sflag:s6] =	ssyncset.done @!p0 $0x0  }
0x83: {  	[sflag:s6] =	ssyncadd.s32 @!p0 $0xFFFFFE70;
	p0 =	seq.s32 s4, $0x960  }
.Ltmp2:
0x84: {  	_ = 	snop;
	(pc) =	sbr.rel @p0 .LBB2_4-.Ltmp2, $4  }
0x85: {  	[spmem:s2] =	stream.indirect.scatter.add.f32 [tilespmem:s3], [sflag:$0x3], $0x40, s21, s20, $0xb8;
	[tilespmem:$0x189C0] =	vst v63  }
0x86: {  	_ =	swait.ge [sflag:s26], $0x6400  }
0x87: {  	[sflag:s26] =	ssyncset.done $0x0  }
0x88: {  	[sflag:s26] =	ssyncadd.s32 $0xFFFF9C00  }
0x89: {  	s6 =	sadd.s32 $0x64, s14  }
0x8a: {  	[tilespmem:s19], [sflag:$0x5] =	stream.linear.gather [hbm4b:s6+s3], $0x190, $0x38;
	[tilespmem:$0x189C0] =	vst v63  }
0x8b: {  	_ =	swait.ge [sflag:s18], $0x190  }
0x8c: {  	[sflag:s18] =	ssyncset.done $0x0  }
0x8d: {  	[sflag:s18] =	ssyncadd.s32 $0xFFFFFE70  }
0x8e: {  	v2 =	vld [tilespmem:$0xE740]  }
0x8f: {  	v3 =	vld [tilespmem:$0xE750]  }
0x90: {  	v4 =	vld [tilespmem:$0xE760]  }
0x91: {  	v5 =	vld [tilespmem:$0xE770]  }
0x92: {  	v6 =	vld [tilespmem:$0xE780]  }
0x93: {  	v7 =	vld [tilespmem:$0xE790];
	v2 =	vadd.s32 v0, v2  }
0x94: {  	[tilespmem:$0xE740] =	vst v2;
	v2 =	vadd.s32 v0, v3;
	v3 =	vld [tilespmem:$0xE7A0]  }
0x95: {  	v49 =	vld [tilespmem:$0xE7B0];
	[tilespmem:$0xE750] =	vst v2;
	v2 =	vadd.s32 v0, v4  }
0x96: {  	v50 =	vld [tilespmem:$0xE7C0];
	[tilespmem:$0xE760] =	vst v2;
	v2 =	vadd.s32 v0, v5  }
0x97: {  	v51 =	vld [tilespmem:$0xE7D0];
	[tilespmem:$0xE770] =	vst v2;
	v2 =	vadd.s32 v0, v6  }
0x98: {  	v52 =	vld [tilespmem:$0xE7E0];
	[tilespmem:$0xE780] =	vst v2;
	v2 =	vadd.s32 v0, v7  }
0x99: {  	[tilespmem:$0xE790] =	vst v2;
	v2 =	vadd.s32 v0, v3;
	v3 =	vld [tilespmem:$0xE7F0]  }
0x9a: {  	v53 =	vld [tilespmem:$0xE800];
	[tilespmem:$0xE7A0] =	vst v2;
	v2 =	vadd.s32 v0, v49  }
0x9b: {  	v54 =	vld [tilespmem:$0xE810];
	[tilespmem:$0xE7B0] =	vst v2;
	v2 =	vadd.s32 v0, v50  }
0x9c: {  	v55 =	vld [tilespmem:$0xE820];
	[tilespmem:$0xE7C0] =	vst v2;
	v2 =	vadd.s32 v0, v51  }
0x9d: {  	v56 =	vld [tilespmem:$0xE830];
	[tilespmem:$0xE7D0] =	vst v2;
	v2 =	vadd.s32 v0, v52  }
0x9e: {  	[tilespmem:$0xE7E0] =	vst v2;
	v2 =	vadd.s32 v0, v3;
	v3 =	vld [tilespmem:$0xE840]  }
0x9f: {  	v57 =	vld [tilespmem:$0xE850];
	[tilespmem:$0xE7F0] =	vst v2;
	v2 =	vadd.s32 v0, v53  }
0xa0: {  	v58 =	vld [tilespmem:$0xE860];
	[tilespmem:$0xE800] =	vst v2;
	v2 =	vadd.s32 v0, v54  }
0xa1: {  	v59 =	vld [tilespmem:$0xE870];
	[tilespmem:$0xE810] =	vst v2;
	v2 =	vadd.s32 v0, v55  }
0xa2: {  	v60 =	vld [tilespmem:$0xE880];
	[tilespmem:$0xE820] =	vst v2;
	v2 =	vadd.s32 v0, v56  }
0xa3: {  	[tilespmem:$0xE830] =	vst v2;
	v2 =	vadd.s32 v0, v3;
	v3 =	vld [tilespmem:$0xE890]  }
0xa4: {  	v61 =	vld [tilespmem:$0xE8A0];
	[tilespmem:$0xE840] =	vst v2;
	v2 =	vadd.s32 v0, v57  }
0xa5: {  	v62 =	vld [tilespmem:$0xE8B0];
	[tilespmem:$0xE850] =	vst v2;
	v2 =	vadd.s32 v0, v58  }
0xa6: {  	v63 =	vld [tilespmem:$0xE8C0];
	[tilespmem:$0xE860] =	vst v2;
	v2 =	vadd.s32 v0, v59  }
0xa7: {  	[tilespmem:$0xE870] =	vst v2;
	v2 =	vadd.s32 v0, v60  }
0xa8: {  	[tilespmem:$0xE880] =	vst v2;
	v2 =	vadd.s32 v0, v3  }
.Ltmp3:
0xa9: {  	[tilespmem:$0xE890] =	vst v2;
	v2 =	vadd.s32 v0, v61;
	(pc) =	sbr.rel .LBB2_4-.Ltmp3, $4  }
0xaa: {  	[tilespmem:$0xE8A0] =	vst v2;
	v2 =	vadd.s32 v0, v62  }
0xab: {  	[tilespmem:$0xE8B0] =	vst v2;
	v2 =	vadd.s32 v0, v63  }
0xac: {  	[tilespmem:$0xE8C0] =	vst v2  }
0xad: {  	[tilespmem:s3], [sflag:$0x1] =	stream.indirect.gather [hbm4b:s5+s20], $0x40, s19, s20, $0xb8;
	[tilespmem:$0x189C0] =	vst v63  }
.LBB2_5:
0xae: {  	_ =	swait.ge [sflag:s29], $0x6400  }
0xaf: {  	[sflag:s29] =	ssyncset.done $0x0  }
0xb0: {  	[sflag:s29] =	ssyncadd.s32 $0xFFFF9C00  }
0xb1: {  	s4 =	simm.s32 $0x0;
	s14 =	simm.s32 $0x0;
	[bflag:$0x0] =	sbarrier.arrive $0xFFFF  }
.LBB2_6:
0xb2: {  	s6 =	smul.u32 $0x7D, s14;
	_ =	sdelay $0x1  }
0xb3: {  	s6 =	sadd.s32 s8, s6  }
0xb4: {  	s10 =	sshll.u32 s6, $0x6  }
0xb5: {  	s10 =	sand.u32 $0x3FFFFFC0, s10  }
0xb6: {  	s10 =	sadd.s32 s10, s2  }
0xb7: {  	[tilespmem:s4], [sflag:$0x5] =	stream.linear.gather [spmem:s10], $0x1F40, $0x38;
	[tilespmem:$0x189C0] =	vst v63  }
0xb8: {  	s6 =	sadd.s32 s9, s6;
	_ =	swait.ge [sflag:s18], $0x1F40  }
0xb9: {  	s6 =	sshll.u32 s6, $0x2;
	[sflag:s18] =	ssyncset.done $0x0  }
0xba: {  	s17 =	sadd.s32 s1, s6;
	[sflag:s18] =	ssyncadd.s32 $0xFFFFE0C0  }
0xbb: {  	[tilespmem:s30], [sflag:$0x5] =	stream.linear.gather [hbm4b:s17+s4], $0xFA0, $0x38;
	[tilespmem:$0x189C0] =	vst v63  }
0xbc: {  	_ =	swait.ge [sflag:s18], $0xFA0  }
0xbd: {  	[sflag:s18] =	ssyncset.done $0x0  }
0xbe: {  	s10 =	simm.s32 $0x20;
	[sflag:s18] =	ssyncadd.s32 $0xFFFFF060  }
0xbf: {  	s11 =	simm.s32 $0x80;
	s12 =	simm.s32 $0x0;
	v2 =	vld [tilespmem:s10+$0xFFFFFFE0]  }
.LBB2_7:
0xc0: {  	p0 =	sne.s32 s11, $0x3E00;
	v3 =	vld [tilespmem:s10+$0x0];
	_ =	sdelay $0x3  }
0xc1: {  	v4 =	vadd.f32 $1.000000020e-16, v2;
	_ =	sdelay $0x1  }
0xc2: {  	s17 =	sshra.s32 s12, $0x2;
	s12 =	smov.u32 s11;
	(erf) = vrcp.f32 v4  }
0xc3: {  	v4 =	vld [tilespmem:s17+$0xD7A0];
	_ =	sdelay $0x4  }
0xc4: {  	v2 =	vmul.f32 v4, v2;
	_ =	sdelay $0x1  }
0xc5: {  	v2 =	vadd.f32 v2, v3  }
0xc6: {  	v3 =	vpop (erf)  }
0xc7: {  	v2 =	vmul.f32 v2, v3;
	_ =	sdelay $0x1  }
0xc8: {  	[tilespmem:s17+$0xC800] =	vst v2  }
0xc9: {  	v2 =	vld [tilespmem:s10+$0xFFFFFFF0]  }
0xca: {  	v3 =	vld [tilespmem:s10+$0x10];
	_ =	sdelay $0x3  }
0xcb: {  	v4 =	vadd.f32 $1.000000020e-16, v2;
	_ =	sdelay $0x1  }
0xcc: {  	(erf) = vrcp.f32 v4  }
0xcd: {  	v4 =	vld [tilespmem:s17+$0xD7B0];
	_ =	sdelay $0x4  }
0xce: {  	v2 =	vmul.f32 v4, v2;
	_ =	sdelay $0x1  }
0xcf: {  	v2 =	vadd.f32 v2, v3  }
.Ltmp4:
0xd0: {  	v3 =	vpop (erf);
	(pc) =	sbr.rel @p0 .LBB2_7-.Ltmp4, $3  }
0xd1: {  	v2 =	vmul.f32 v2, v3;
	_ =	sdelay $0x1  }
0xd2: {  	s10 =	sadd.s32 $0x40, s10;
	[tilespmem:s17+$0xC810] =	vst v2  }
0xd3: {  	s11 =	sadd.s32 $0x80, s11;
	v2 =	vld [tilespmem:s10+$0xFFFFFFE0]  }
0xd4: {  	_ =	sdelay $0x3  }
0xd5: {  	v3 =	vadd.f32 $1.000000020e-16, v2;
	_ =	sdelay $0x1  }
0xd6: {  	s11 =	sshra.s32 s12, $0x2;
	(erf) = vrcp.f32 v3  }
0xd7: {  	v3 =	vld [tilespmem:s11+$0xD7A0];
	_ =	sdelay $0x1  }
0xd8: {  	v4 =	vld [tilespmem:s10+$0x0];
	_ =	sdelay $0x2  }
0xd9: {  	v2 =	vmul.f32 v3, v2;
	_ =	sdelay $0x1  }
0xda: {  	v2 =	vadd.f32 v2, v4  }
0xdb: {  	v3 =	vpop (erf)  }
0xdc: {  	v2 =	vmul.f32 v2, v3;
	_ =	sdelay $0x1  }
0xdd: {  	[tilespmem:s11+$0xC800] =	vst v2  }
0xde: {  	v2 =	vld [tilespmem:s10+$0xFFFFFFF0];
	_ =	sdelay $0x4  }
0xdf: {  	v3 =	vadd.f32 $1.000000020e-16, v2;
	_ =	sdelay $0x1  }
0xe0: {  	(erf) = vrcp.f32 v3  }
0xe1: {  	v3 =	vld [tilespmem:s11+$0xD7B0];
	_ =	sdelay $0x1  }
0xe2: {  	v63 =	vld [tilespmem:s10+$0x10];
	_ =	sdelay $0x2  }
0xe3: {  	v2 =	vmul.f32 v3, v2;
	_ =	sdelay $0x1  }
0xe4: {  	v2 =	vadd.f32 v2, v63  }
0xe5: {  	v3 =	vpop (erf)  }
0xe6: {  	s14 =	sadd.s32 $0x1, s14;
	v2 =	vmul.f32 v2, v3  }
0xe7: {  	p0 =	sne.s32 s14, $0x5  }
.Ltmp5:
0xe8: {  	s6 =	sadd.s32 s7, s6;
	[tilespmem:s11+$0xC810] =	vst v2;
	(pc) =	sbr.rel @p0 .LBB2_6-.Ltmp5, $4  }
0xe9: {  	[hbm4b:s6+s3] =	stream.linear.scatter [tilespmem:s31], [sflag:$0x5], $0xFA0, $0x38;
	[tilespmem:$0x189C0] =	vst v63  }
0xea: {  	_ =	swait.ge [sflag:s18], $0xFA0  }
0xeb: {  	[sflag:s18] =	ssyncset.done $0x0  }
0xec: {  	[sflag:s18] =	ssyncadd.s32 $0xFFFFF060  }
0xed: {  	s4 =	rddreg [dreg:$0x4]  }
0xee: {  	s6 =	rddreg [dreg:$0x5]  }
0xef: {  	s10 =	rddreg [dreg:$0x9]  }
0xf0: {  	[spmem:s10], [sflag:s6] =	dma.local [hbm:s4], $0x1388  }
0xf1: {  	_ =	swait.ge [sflag:s18], $0x1388  }
0xf2: {  	[sflag:s18] =	ssyncset.done $0x0  }
0xf3: {  	[sflag:s18] =	ssyncadd.s32 $0xFFFFEC78  }
0xf4: {  	[bflag:$0x0] =	sbarrier.arrive $0xFFFF  }
0xf5: {  	s4 =	simm.s32 $0x0;
	s14 =	rddreg [dreg:$0x6]  }
0xf6: {  	[tilespmem:s19], [sflag:$0x5] =	stream.linear.gather [hbm4b:s14+s4], $0x190, $0x38;
	[tilespmem:$0x189C0] =	vst v63  }
0xf7: {  	_ =	swait.ge [sflag:s18], $0x190  }
0xf8: {  	[sflag:s18] =	ssyncset.done $0x0  }
0xf9: {  	[sflag:s18] =	ssyncadd.s32 $0xFFFFFE70  }
0xfa: {  	v2 =	vld [tilespmem:$0xE740]  }
0xfb: {  	v3 =	vld [tilespmem:$0xE750]  }
0xfc: {  	v4 =	vld [tilespmem:$0xE760]  }
0xfd: {  	v5 =	vld [tilespmem:$0xE770]  }
0xfe: {  	v6 =	vld [tilespmem:$0xE780]  }
0xff: {  	v7 =	vld [tilespmem:$0xE790];
	v2 =	vadd.s32 v1, v2  }
0x100: {  	[tilespmem:$0xE740] =	vst v2;
	v2 =	vadd.s32 v1, v3;
	v3 =	vld [tilespmem:$0xE7A0]  }
0x101: {  	v49 =	vld [tilespmem:$0xE7B0];
	[tilespmem:$0xE750] =	vst v2;
	v2 =	vadd.s32 v1, v4  }
0x102: {  	v50 =	vld [tilespmem:$0xE7C0];
	[tilespmem:$0xE760] =	vst v2;
	v2 =	vadd.s32 v1, v5  }
0x103: {  	v51 =	vld [tilespmem:$0xE7D0];
	[tilespmem:$0xE770] =	vst v2;
	v2 =	vadd.s32 v1, v6  }
0x104: {  	v52 =	vld [tilespmem:$0xE7E0];
	[tilespmem:$0xE780] =	vst v2;
	v2 =	vadd.s32 v1, v7  }
0x105: {  	[tilespmem:$0xE790] =	vst v2;
	v2 =	vadd.s32 v1, v3;
	v3 =	vld [tilespmem:$0xE7F0]  }
0x106: {  	v53 =	vld [tilespmem:$0xE800];
	[tilespmem:$0xE7A0] =	vst v2;
	v2 =	vadd.s32 v1, v49  }
0x107: {  	v54 =	vld [tilespmem:$0xE810];
	[tilespmem:$0xE7B0] =	vst v2;
	v2 =	vadd.s32 v1, v50  }
0x108: {  	v55 =	vld [tilespmem:$0xE820];
	[tilespmem:$0xE7C0] =	vst v2;
	v2 =	vadd.s32 v1, v51  }
0x109: {  	v56 =	vld [tilespmem:$0xE830];
	[tilespmem:$0xE7D0] =	vst v2;
	v2 =	vadd.s32 v1, v52  }
0x10a: {  	[tilespmem:$0xE7E0] =	vst v2;
	v2 =	vadd.s32 v1, v3;
	v3 =	vld [tilespmem:$0xE840]  }
0x10b: {  	v57 =	vld [tilespmem:$0xE850];
	[tilespmem:$0xE7F0] =	vst v2;
	v2 =	vadd.s32 v1, v53  }
0x10c: {  	v58 =	vld [tilespmem:$0xE860];
	[tilespmem:$0xE800] =	vst v2;
	v2 =	vadd.s32 v1, v54  }
0x10d: {  	v59 =	vld [tilespmem:$0xE870];
	[tilespmem:$0xE810] =	vst v2;
	v2 =	vadd.s32 v1, v55  }
0x10e: {  	v60 =	vld [tilespmem:$0xE880];
	[tilespmem:$0xE820] =	vst v2;
	v2 =	vadd.s32 v1, v56  }
0x10f: {  	[tilespmem:$0xE830] =	vst v2;
	v2 =	vadd.s32 v1, v3;
	v3 =	vld [tilespmem:$0xE890]  }
0x110: {  	v61 =	vld [tilespmem:$0xE8A0];
	[tilespmem:$0xE840] =	vst v2;
	v2 =	vadd.s32 v1, v57  }
0x111: {  	v62 =	vld [tilespmem:$0xE8B0];
	[tilespmem:$0xE850] =	vst v2;
	v2 =	vadd.s32 v1, v58  }
0x112: {  	v63 =	vld [tilespmem:$0xE8C0];
	[tilespmem:$0xE860] =	vst v2;
	v2 =	vadd.s32 v1, v59  }
0x113: {  	[tilespmem:$0xE870] =	vst v2;
	v2 =	vadd.s32 v1, v60  }
0x114: {  	[tilespmem:$0xE880] =	vst v2;
	v2 =	vadd.s32 v1, v3  }
0x115: {  	[tilespmem:$0xE890] =	vst v2;
	v2 =	vadd.s32 v1, v61  }
0x116: {  	[tilespmem:$0xE8A0] =	vst v2;
	v2 =	vadd.s32 v1, v62  }
0x117: {  	[tilespmem:$0xE8B0] =	vst v2;
	v2 =	vadd.s32 v1, v63  }
0x118: {  	[tilespmem:$0xE8C0] =	vst v2  }
0x119: {  	[tilespmem:s4], [sflag:$0x1] =	stream.indirect.gather [hbm4b:s5+s20], $0x40, s19, s20, $0xb8;
	[tilespmem:$0x189C0] =	vst v63  }
.Ltmp6:
0x11a: {  	s17 =	rddreg [dreg:$0x7];
	(pc) =	sbr.rel .LBB2_10-.Ltmp6, $4  }
0x11b: {  	[tilespmem:s21], [sflag:$0x5] =	stream.linear.gather [hbm4b:s17+s4], $0x190, $0x38;
	[tilespmem:$0x189C0] =	vst v63  }
0x11c: {  	_ =	swait.ge [sflag:s18], $0x190  }
0x11d: {  	[sflag:s18] =	ssyncset.done $0x0  }
0x11e: {  	[sflag:s18] =	ssyncadd.s32 $0xFFFFFE70  }
.LBB2_12:
0x11f: {  	s4 =	sadd.s32 $0x64, s4  }
0x120: {  	p0 =	sne.s32 s4, $0x9C4  }
.Ltmp7:
0x121: {  	_ = 	snop;
	(pc) =	sbr.rel @!p0 .LBB2_13-.Ltmp7, $4  }
0x122: {  	_ =	swait.ge [sflag:s28], $0x6400  }
0x123: {  	[sflag:s28] =	ssyncset.done $0x0  }
0x124: {  	[sflag:s28] =	ssyncadd.s32 $0xFFFF9C00  }
0x125: {  	[spmem:s2] =	stream.indirect.scatter.add.f32 [tilespmem:s23], [sflag:$0x4], $0x40, s24, s20, $0xb8;
	[tilespmem:$0x189C0] =	vst v63  }
.LBB2_10:
0x126: {  	p0 =	seq.s32 s4, $0x0  }
0x127: {  	s6 =	simm.s32 @!p0 $0x4  }
0x128: {  	_ =	swait.ge @!p0 [sflag:s6], $0x6400  }
0x129: {  	s14 =	sadd.s32 s4, s15;
	[sflag:s6] =	ssyncset.done @!p0 $0x0  }
0x12a: {  	s12 =	sadd.s32 $0x32, s14;
	[sflag:s6] =	ssyncadd.s32 @!p0 $0xFFFF9C00  }
0x12b: {  	[tilespmem:s22], [sflag:$0x5] =	stream.linear.gather [hbm4b:s12+s3], $0x190, $0x38;
	[tilespmem:$0x189C0] =	vst v63  }
0x12c: {  	_ =	swait.ge [sflag:s18], $0x190  }
0x12d: {  	[sflag:s18] =	ssyncset.done $0x0  }
0x12e: {  	[sflag:s18] =	ssyncadd.s32 $0xFFFFFE70  }
0x12f: {  	v2 =	vld [tilespmem:$0xE8D0]  }
0x130: {  	v3 =	vld [tilespmem:$0xE8E0]  }
0x131: {  	v4 =	vld [tilespmem:$0xE8F0]  }
0x132: {  	v5 =	vld [tilespmem:$0xE900]  }
0x133: {  	v6 =	vld [tilespmem:$0xE910]  }
0x134: {  	v7 =	vld [tilespmem:$0xE920];
	v2 =	vadd.s32 v1, v2  }
0x135: {  	[tilespmem:$0xE8D0] =	vst v2;
	v2 =	vadd.s32 v1, v3;
	v3 =	vld [tilespmem:$0xE930]  }
0x136: {  	v49 =	vld [tilespmem:$0xE940];
	[tilespmem:$0xE8E0] =	vst v2;
	v2 =	vadd.s32 v1, v4  }
0x137: {  	v50 =	vld [tilespmem:$0xE950];
	[tilespmem:$0xE8F0] =	vst v2;
	v2 =	vadd.s32 v1, v5  }
0x138: {  	v51 =	vld [tilespmem:$0xE960];
	[tilespmem:$0xE900] =	vst v2;
	v2 =	vadd.s32 v1, v6  }
0x139: {  	v52 =	vld [tilespmem:$0xE970];
	[tilespmem:$0xE910] =	vst v2;
	v2 =	vadd.s32 v1, v7  }
0x13a: {  	[tilespmem:$0xE920] =	vst v2;
	v2 =	vadd.s32 v1, v3;
	v3 =	vld [tilespmem:$0xE980]  }
0x13b: {  	v53 =	vld [tilespmem:$0xE990];
	[tilespmem:$0xE930] =	vst v2;
	v2 =	vadd.s32 v1, v49  }
0x13c: {  	v54 =	vld [tilespmem:$0xE9A0];
	[tilespmem:$0xE940] =	vst v2;
	v2 =	vadd.s32 v1, v50  }
0x13d: {  	v55 =	vld [tilespmem:$0xE9B0];
	[tilespmem:$0xE950] =	vst v2;
	v2 =	vadd.s32 v1, v51  }
0x13e: {  	v56 =	vld [tilespmem:$0xE9C0];
	[tilespmem:$0xE960] =	vst v2;
	v2 =	vadd.s32 v1, v52  }
0x13f: {  	[tilespmem:$0xE970] =	vst v2;
	v2 =	vadd.s32 v1, v3;
	v3 =	vld [tilespmem:$0xE9D0]  }
0x140: {  	v57 =	vld [tilespmem:$0xE9E0];
	[tilespmem:$0xE980] =	vst v2;
	v2 =	vadd.s32 v1, v53  }
0x141: {  	v58 =	vld [tilespmem:$0xE9F0];
	[tilespmem:$0xE990] =	vst v2;
	v2 =	vadd.s32 v1, v54  }
0x142: {  	v59 =	vld [tilespmem:$0xEA00];
	[tilespmem:$0xE9A0] =	vst v2;
	v2 =	vadd.s32 v1, v55  }
0x143: {  	v60 =	vld [tilespmem:$0xEA10];
	[tilespmem:$0xE9B0] =	vst v2;
	v2 =	vadd.s32 v1, v56  }
0x144: {  	[tilespmem:$0xE9C0] =	vst v2;
	v2 =	vadd.s32 v1, v3;
	v3 =	vld [tilespmem:$0xEA20]  }
0x145: {  	v61 =	vld [tilespmem:$0xEA30];
	[tilespmem:$0xE9D0] =	vst v2;
	v2 =	vadd.s32 v1, v57  }
0x146: {  	v62 =	vld [tilespmem:$0xEA40];
	[tilespmem:$0xE9E0] =	vst v2;
	v2 =	vadd.s32 v1, v58  }
0x147: {  	v63 =	vld [tilespmem:$0xEA50];
	[tilespmem:$0xE9F0] =	vst v2;
	v2 =	vadd.s32 v1, v59  }
0x148: {  	[tilespmem:$0xEA00] =	vst v2;
	v2 =	vadd.s32 v1, v60  }
0x149: {  	[tilespmem:$0xEA10] =	vst v2;
	v2 =	vadd.s32 v1, v3  }
0x14a: {  	[tilespmem:$0xEA20] =	vst v2;
	v2 =	vadd.s32 v1, v61  }
0x14b: {  	[tilespmem:$0xEA30] =	vst v2;
	v2 =	vadd.s32 v1, v62  }
0x14c: {  	[tilespmem:$0xEA40] =	vst v2;
	v2 =	vadd.s32 v1, v63  }
0x14d: {  	s17 =	sadd.s32 s4, s16;
	[tilespmem:$0xEA50] =	vst v2  }
0x14e: {  	[tilespmem:s23], [sflag:$0x2] =	stream.indirect.gather [hbm4b:s5+s20], $0x40, s22, s20, $0xb8;
	[tilespmem:$0x189C0] =	vst v63  }
0x14f: {  	s6 =	sadd.s32 $0x32, s17  }
0x150: {  	[tilespmem:s24], [sflag:$0x5] =	stream.linear.gather [hbm4b:s6+s3], $0x190, $0x38;
	[tilespmem:$0x189C0] =	vst v63  }
0x151: {  	_ =	swait.ge [sflag:s18], $0x190  }
0x152: {  	[sflag:s18] =	ssyncset.done $0x0  }
0x153: {  	[sflag:s18] =	ssyncadd.s32 $0xFFFFFE70  }
0x154: {  	_ =	swait.ge [sflag:s25], $0x6400  }
0x155: {  	s10 =	simm.s32 @!p0 $0x0;
	[sflag:s25] =	ssyncset.done $0x0  }
0x156: {  	s11 =	simm.s32 @!p0 $0xEA60;
	s6 =	sadd.s32 @!p0 s4, s16;
	[sflag:s25] =	ssyncadd.s32 $0xFFFF9C00  }
0x157: {  	[tilespmem:s11], [sflag:$0x5] =	stream.linear.gather @!p0 [hbm4b:s6+s10], $0x190, $0x38;
	[tilespmem:$0x189C0] =	vst v63  }
0x158: {  	s6 =	simm.s32 @!p0 $0x5  }
0x159: {  	_ =	swait.ge @!p0 [sflag:s6], $0x190  }
0x15a: {  	[sflag:s6] =	ssyncset.done @!p0 $0x0  }
0x15b: {  	[sflag:s6] =	ssyncadd.s32 @!p0 $0xFFFFFE70;
	p0 =	seq.s32 s4, $0x960  }
.Ltmp8:
0x15c: {  	_ = 	snop;
	(pc) =	sbr.rel @p0 .LBB2_12-.Ltmp8, $4  }
0x15d: {  	[spmem:s2] =	stream.indirect.scatter.add.f32 [tilespmem:s3], [sflag:$0x3], $0x40, s21, s20, $0xb8;
	[tilespmem:$0x189C0] =	vst v63  }
0x15e: {  	_ =	swait.ge [sflag:s26], $0x6400  }
0x15f: {  	[sflag:s26] =	ssyncset.done $0x0  }
0x160: {  	[sflag:s26] =	ssyncadd.s32 $0xFFFF9C00  }
0x161: {  	s6 =	sadd.s32 $0x64, s14  }
0x162: {  	[tilespmem:s19], [sflag:$0x5] =	stream.linear.gather [hbm4b:s6+s3], $0x190, $0x38;
	[tilespmem:$0x189C0] =	vst v63  }
0x163: {  	_ =	swait.ge [sflag:s18], $0x190  }
0x164: {  	[sflag:s18] =	ssyncset.done $0x0  }
0x165: {  	[sflag:s18] =	ssyncadd.s32 $0xFFFFFE70  }
0x166: {  	v2 =	vld [tilespmem:$0xE740]  }
0x167: {  	v3 =	vld [tilespmem:$0xE750]  }
0x168: {  	v4 =	vld [tilespmem:$0xE760]  }
0x169: {  	v5 =	vld [tilespmem:$0xE770]  }
0x16a: {  	v6 =	vld [tilespmem:$0xE780]  }
0x16b: {  	v7 =	vld [tilespmem:$0xE790];
	v2 =	vadd.s32 v1, v2  }
0x16c: {  	[tilespmem:$0xE740] =	vst v2;
	v2 =	vadd.s32 v1, v3;
	v3 =	vld [tilespmem:$0xE7A0]  }
0x16d: {  	v49 =	vld [tilespmem:$0xE7B0];
	[tilespmem:$0xE750] =	vst v2;
	v2 =	vadd.s32 v1, v4  }
0x16e: {  	v50 =	vld [tilespmem:$0xE7C0];
	[tilespmem:$0xE760] =	vst v2;
	v2 =	vadd.s32 v1, v5  }
0x16f: {  	v51 =	vld [tilespmem:$0xE7D0];
	[tilespmem:$0xE770] =	vst v2;
	v2 =	vadd.s32 v1, v6  }
0x170: {  	v52 =	vld [tilespmem:$0xE7E0];
	[tilespmem:$0xE780] =	vst v2;
	v2 =	vadd.s32 v1, v7  }
0x171: {  	[tilespmem:$0xE790] =	vst v2;
	v2 =	vadd.s32 v1, v3;
	v3 =	vld [tilespmem:$0xE7F0]  }
0x172: {  	v53 =	vld [tilespmem:$0xE800];
	[tilespmem:$0xE7A0] =	vst v2;
	v2 =	vadd.s32 v1, v49  }
0x173: {  	v54 =	vld [tilespmem:$0xE810];
	[tilespmem:$0xE7B0] =	vst v2;
	v2 =	vadd.s32 v1, v50  }
0x174: {  	v55 =	vld [tilespmem:$0xE820];
	[tilespmem:$0xE7C0] =	vst v2;
	v2 =	vadd.s32 v1, v51  }
0x175: {  	v56 =	vld [tilespmem:$0xE830];
	[tilespmem:$0xE7D0] =	vst v2;
	v2 =	vadd.s32 v1, v52  }
0x176: {  	[tilespmem:$0xE7E0] =	vst v2;
	v2 =	vadd.s32 v1, v3;
	v3 =	vld [tilespmem:$0xE840]  }
0x177: {  	v57 =	vld [tilespmem:$0xE850];
	[tilespmem:$0xE7F0] =	vst v2;
	v2 =	vadd.s32 v1, v53  }
0x178: {  	v58 =	vld [tilespmem:$0xE860];
	[tilespmem:$0xE800] =	vst v2;
	v2 =	vadd.s32 v1, v54  }
0x179: {  	v59 =	vld [tilespmem:$0xE870];
	[tilespmem:$0xE810] =	vst v2;
	v2 =	vadd.s32 v1, v55  }
0x17a: {  	v60 =	vld [tilespmem:$0xE880];
	[tilespmem:$0xE820] =	vst v2;
	v2 =	vadd.s32 v1, v56  }
0x17b: {  	[tilespmem:$0xE830] =	vst v2;
	v2 =	vadd.s32 v1, v3;
	v3 =	vld [tilespmem:$0xE890]  }
0x17c: {  	v61 =	vld [tilespmem:$0xE8A0];
	[tilespmem:$0xE840] =	vst v2;
	v2 =	vadd.s32 v1, v57  }
0x17d: {  	v62 =	vld [tilespmem:$0xE8B0];
	[tilespmem:$0xE850] =	vst v2;
	v2 =	vadd.s32 v1, v58  }
0x17e: {  	v63 =	vld [tilespmem:$0xE8C0];
	[tilespmem:$0xE860] =	vst v2;
	v2 =	vadd.s32 v1, v59  }
0x17f: {  	[tilespmem:$0xE870] =	vst v2;
	v2 =	vadd.s32 v1, v60  }
0x180: {  	[tilespmem:$0xE880] =	vst v2;
	v2 =	vadd.s32 v1, v3  }
.Ltmp9:
0x181: {  	[tilespmem:$0xE890] =	vst v2;
	v2 =	vadd.s32 v1, v61;
	(pc) =	sbr.rel .LBB2_12-.Ltmp9, $4  }
0x182: {  	[tilespmem:$0xE8A0] =	vst v2;
	v2 =	vadd.s32 v1, v62  }
0x183: {  	[tilespmem:$0xE8B0] =	vst v2;
	v2 =	vadd.s32 v1, v63  }
0x184: {  	[tilespmem:$0xE8C0] =	vst v2  }
0x185: {  	[tilespmem:s3], [sflag:$0x1] =	stream.indirect.gather [hbm4b:s5+s20], $0x40, s19, s20, $0xb8;
	[tilespmem:$0x189C0] =	vst v63  }
.LBB2_13:
0x186: {  	_ =	swait.ge [sflag:s29], $0x6400  }
0x187: {  	[sflag:s29] =	ssyncset.done $0x0  }
0x188: {  	[sflag:s29] =	ssyncadd.s32 $0xFFFF9C00  }
0x189: {  	s4 =	simm.s32 $0x0;
	s14 =	simm.s32 $0x0;
	[bflag:$0x0] =	sbarrier.arrive $0xFFFF  }
.LBB2_14:
0x18a: {  	s6 =	smul.u32 $0x7D, s14;
	_ =	sdelay $0x1  }
0x18b: {  	s6 =	sadd.s32 s8, s6  }
0x18c: {  	s10 =	sshll.u32 s6, $0x6  }
0x18d: {  	s10 =	sand.u32 $0x3FFFFFC0, s10  }
0x18e: {  	s10 =	sadd.s32 s10, s2  }
0x18f: {  	[tilespmem:s4], [sflag:$0x5] =	stream.linear.gather [spmem:s10], $0x1F40, $0x38;
	[tilespmem:$0x189C0] =	vst v63  }
0x190: {  	s6 =	sadd.s32 s13, s6;
	_ =	swait.ge [sflag:s18], $0x1F40  }
0x191: {  	s6 =	sshll.u32 s6, $0x2;
	[sflag:s18] =	ssyncset.done $0x0  }
0x192: {  	s17 =	sadd.s32 s1, s6;
	[sflag:s18] =	ssyncadd.s32 $0xFFFFE0C0  }
0x193: {  	[tilespmem:s30], [sflag:$0x5] =	stream.linear.gather [hbm4b:s17+s4], $0xFA0, $0x38;
	[tilespmem:$0x189C0] =	vst v63  }
0x194: {  	_ =	swait.ge [sflag:s18], $0xFA0  }
0x195: {  	[sflag:s18] =	ssyncset.done $0x0  }
0x196: {  	s10 =	simm.s32 $0x20;
	[sflag:s18] =	ssyncadd.s32 $0xFFFFF060  }
0x197: {  	s11 =	simm.s32 $0x80;
	s12 =	simm.s32 $0x0;
	v2 =	vld [tilespmem:s10+$0xFFFFFFE0]  }
.LBB2_15:
0x198: {  	p0 =	sne.s32 s11, $0x3E00;
	v3 =	vld [tilespmem:s10+$0x0];
	_ =	sdelay $0x3  }
0x199: {  	v4 =	vadd.f32 $1.000000020e-16, v2;
	_ =	sdelay $0x1  }
0x19a: {  	s17 =	sshra.s32 s12, $0x2;
	s12 =	smov.u32 s11;
	(erf) = vrcp.f32 v4  }
0x19b: {  	v4 =	vld [tilespmem:s17+$0xD7A0];
	_ =	sdelay $0x4  }
0x19c: {  	v2 =	vmul.f32 v4, v2;
	_ =	sdelay $0x1  }
0x19d: {  	v2 =	vadd.f32 v2, v3  }
0x19e: {  	v3 =	vpop (erf)  }
0x19f: {  	v2 =	vmul.f32 v2, v3;
	_ =	sdelay $0x1  }
0x1a0: {  	[tilespmem:s17+$0xC800] =	vst v2  }
0x1a1: {  	v2 =	vld [tilespmem:s10+$0xFFFFFFF0]  }
0x1a2: {  	v3 =	vld [tilespmem:s10+$0x10];
	_ =	sdelay $0x3  }
0x1a3: {  	v4 =	vadd.f32 $1.000000020e-16, v2;
	_ =	sdelay $0x1  }
0x1a4: {  	(erf) = vrcp.f32 v4  }
0x1a5: {  	v4 =	vld [tilespmem:s17+$0xD7B0];
	_ =	sdelay $0x4  }
0x1a6: {  	v2 =	vmul.f32 v4, v2;
	_ =	sdelay $0x1  }
0x1a7: {  	v2 =	vadd.f32 v2, v3  }
.Ltmp10:
0x1a8: {  	v3 =	vpop (erf);
	(pc) =	sbr.rel @p0 .LBB2_15-.Ltmp10, $3  }
0x1a9: {  	v2 =	vmul.f32 v2, v3;
	_ =	sdelay $0x1  }
0x1aa: {  	s10 =	sadd.s32 $0x40, s10;
	[tilespmem:s17+$0xC810] =	vst v2  }
0x1ab: {  	s11 =	sadd.s32 $0x80, s11;
	v2 =	vld [tilespmem:s10+$0xFFFFFFE0]  }
0x1ac: {  	_ =	sdelay $0x3  }
0x1ad: {  	v3 =	vadd.f32 $1.000000020e-16, v2;
	_ =	sdelay $0x1  }
0x1ae: {  	s11 =	sshra.s32 s12, $0x2;
	(erf) = vrcp.f32 v3  }
0x1af: {  	v3 =	vld [tilespmem:s11+$0xD7A0];
	_ =	sdelay $0x1  }
0x1b0: {  	v4 =	vld [tilespmem:s10+$0x0];
	_ =	sdelay $0x2  }
0x1b1: {  	v2 =	vmul.f32 v3, v2;
	_ =	sdelay $0x1  }
0x1b2: {  	v2 =	vadd.f32 v2, v4  }
0x1b3: {  	v3 =	vpop (erf)  }
0x1b4: {  	v2 =	vmul.f32 v2, v3;
	_ =	sdelay $0x1  }
0x1b5: {  	[tilespmem:s11+$0xC800] =	vst v2  }
0x1b6: {  	v2 =	vld [tilespmem:s10+$0xFFFFFFF0];
	_ =	sdelay $0x4  }
0x1b7: {  	v3 =	vadd.f32 $1.000000020e-16, v2;
	_ =	sdelay $0x1  }
0x1b8: {  	(erf) = vrcp.f32 v3  }
0x1b9: {  	v3 =	vld [tilespmem:s11+$0xD7B0];
	_ =	sdelay $0x1  }
0x1ba: {  	v63 =	vld [tilespmem:s10+$0x10];
	_ =	sdelay $0x2  }
0x1bb: {  	v2 =	vmul.f32 v3, v2;
	_ =	sdelay $0x1  }
0x1bc: {  	v2 =	vadd.f32 v2, v63  }
0x1bd: {  	v3 =	vpop (erf)  }
0x1be: {  	s14 =	sadd.s32 $0x1, s14;
	v2 =	vmul.f32 v2, v3  }
0x1bf: {  	p0 =	sne.s32 s14, $0x5  }
.Ltmp11:
0x1c0: {  	s6 =	sadd.s32 s7, s6;
	[tilespmem:s11+$0xC810] =	vst v2;
	(pc) =	sbr.rel @p0 .LBB2_14-.Ltmp11, $4  }
0x1c1: {  	[hbm4b:s6+s3] =	stream.linear.scatter [tilespmem:s31], [sflag:$0x5], $0xFA0, $0x38;
	[tilespmem:$0x189C0] =	vst v63  }
0x1c2: {  	_ =	swait.ge [sflag:s18], $0xFA0  }
0x1c3: {  	[sflag:s18] =	ssyncset.done $0x0  }
0x1c4: {  	[sflag:s18] =	ssyncadd.s32 $0xFFFFF060  }
0x1c5: {  	s0 =	sadd.s32 $0x1, s0;
	s4 =	rddreg [dreg:$0x8]  }
0x1c6: {  	p0 =	sne.s32 s0, s4  }
.Ltmp12:
0x1c7: {  	_ = 	snop;
	(pc) =	sbr.rel @p0 .LBB2_1-.Ltmp12, $1  }
0x1c8: {  	_ =	sdelay $0x3  }
0x1c9: {  	_ =	sfence.sel $0x180000  }
0x1ca: {  	[bflag:$0x0] =	sbarrier.arrive $0xFFFF  }
0x1cb: {  	_ =	strace $0x90000047  }
0x1cc: {  	s0 =	stileid.u32;
	[bflag:$0x2] =	sbarrier.arrive $0xFFFF  }
0x1cd: {  	p0 =	sne.s32 s0, $0x0;
	s0 =	rddreg [dreg:$0x3]  }
0x1ce: {  	s0 =	sadd.s32 @!p0 $0x100000, s0  }
0x1cf: {  	[sflag:s0] =	ssyncadd.tile.s32 @!p0 $0x1;
	_ =	shalt  }
.Lfunc_end2:
_tile_overlayer_lowered:
.L_overlay_start_2:
0x1d0: {  	(tag) =	ssettag $0x2  }
0x1d1: {  	s0 =	rddreg [dreg:$0x0];
	s2 =	stileid.u32  }
0x1d2: {  	s1 =	rddreg [dreg:$0x1];
	p0 =	sne.s32 s2, $0x0  }
0x1d3: {  	s3 =	rddreg [dreg:$0x2];
	[bflag:$0x3] =	sbarrier.arrive $0xFFFF;
	s2 =	simm.s32 @!p0 $0x1C05  }
0x1d4: {  	[timem:s3], [sflag:s2] =	dma.local @!p0 [hbm:s0], s1  }
0x1d5: {  	s0 =	simm.s32 @!p0 $0x5  }
0x1d6: {  	_ =	swait.ge @!p0 [sflag:s0], s1  }
0x1d7: {  	s1 =	ssub.s32 @!p0 $0x0, s1;
	[sflag:s0] =	ssyncset.done @!p0 $0x0  }
0x1d8: {  	[sflag:s0] =	ssyncadd.s32 @!p0 s1  }
0x1d9: {  	[bflag:$0x3] =	sbarrier.arrive $0xFFFF  }
0x1da: {  	_ =	shalt  }

</sc_bundles>
